<compile_context>
chip_gen: v7x
topology: tpu7x:2x2x1
jax: 0.10.2.dev20260603
libtpu: 0.0.44.dev20260713+nightly
codegen_flags: <defaults>
</compile_context>

<pallas_src>
import functools
import jax
import jax.numpy as jnp
from jax import lax
from jax.experimental import pallas as pl
from jax.experimental.pallas import tpu as pltpu
from jax.experimental.pallas import tpu_sc as plsc

_W = 19
_N2 = _W * _W
_PP = 384
_MG = 32
_BP = _PP + 2 * _MG
_NCH = _PP // 16
_TS = 512
_BLOG = 19
_BMASK = (1 << _BLOG) - 1
_BW = (1 << _BLOG) // 32
_KNUTH = -1640531527
_NC = 2
_NS = 16
_NW = _NC * _NS
_U = 1
_PAD = 2**31 - 1


def _bloom_hashes(v):
    h1 = v & _BMASK
    h2 = lax.shift_right_logical(v * _KNUTH, 13) & _BMASK
    return h1, h2


def _prep_tables(zobrist_table):
    z = zobrist_table.reshape(_N2, 3)
    sorted_rows = []
    rankf_rows = []
    deltas = []
    for c in (1, 2):
        d = z[:, 0] ^ z[:, c]
        deltas.append(d)
        order = jnp.argsort(d)
        sd = d[order]
        s_iota = jnp.arange(_N2, dtype=jnp.int32)
        is_first = jnp.concatenate([jnp.ones((1,), jnp.bool_), sd[1:] != sd[:-1]])
        fo = jax.lax.cummax(jnp.where(is_first, s_iota, -1))
        rank = jnp.argsort(order).astype(jnp.int32)
        rankf = fo[rank]
        sorted_rows.append(jnp.pad(sd, (0, _TS - _N2), constant_values=_PAD))
        rankf_rows.append(jnp.pad(rankf, (0, _PP - _N2)))
    dall = jnp.concatenate(deltas)
    t1, t2 = _bloom_hashes(dall)
    bits = jnp.zeros(((1 << _BLOG),), jnp.bool_).at[t1].set(True).at[t2].set(True)
    bloom = jnp.sum(
        bits.reshape(_BW, 32).astype(jnp.int32) << jnp.arange(32, dtype=jnp.int32),
        axis=1, dtype=jnp.int32)
    return (jnp.concatenate(sorted_rows), jnp.concatenate(rankf_rows), bloom)


def _edge_masks():
    p = jnp.arange(_PP)
    col = p % _W
    lf = ((col != 0) & (p < _N2)).astype(jnp.int32)
    rt = ((col != _W - 1) & (p < _N2)).astype(jnp.int32)
    return jnp.stack([lf, rt])


def _sc_body(scores_h, board_h, player_h, hash_h, hist_h, sorted_h, rankf_h,
             bloom_h, edge_h, out_h, scores_v, board_v, hist_v, out_v, hash_v,
             player_v, sorted_v, rankf_v, bloom_v, edge_v, mark_v, flag_v):
    nb = hash_v.shape[0]
    wid = lax.axis_index("s") * _NC + lax.axis_index("c")
    base = wid * nb
    pltpu.sync_copy(scores_h.at[pl.ds(base, nb)], scores_v)
    pltpu.sync_copy(board_h.at[pl.ds(base, nb)], board_v)
    pltpu.sync_copy(hist_h.at[pl.ds(base, nb)], hist_v)
    pltpu.sync_copy(hash_h.at[pl.ds(base, nb)], hash_v)
    pltpu.sync_copy(player_h.at[pl.ds(base, nb)], player_v)
    pltpu.sync_copy(sorted_h, sorted_v)
    pltpu.sync_copy(rankf_h, rankf_v)
    pltpu.sync_copy(bloom_h, bloom_v)
    pltpu.sync_copy(edge_h, edge_v)

    ones = jnp.ones((16,), jnp.int32)
    zeros = jnp.zeros((16,), jnp.int32)
    zf = jnp.zeros((16,), jnp.float32)
    for k in range(_TS // 16):
        mark_v[pl.ds(k * 16, 16)] = zeros

    iota = lax.broadcasted_iota(jnp.int32, (16,), 0)

    def _bloom_hit(x):
        t1, t2 = _bloom_hashes(x)
        w1 = plsc.load_gather(bloom_v, [lax.shift_right_logical(t1, 5)])
        w2 = plsc.load_gather(bloom_v, [lax.shift_right_logical(t2, 5)])
        b1 = lax.shift_right_logical(w1, t1 & 31)
        b2 = lax.shift_right_logical(w2, t2 & 31)
        return b1 & b2 & 1

    def pass1_board(i):
        hvec = hash_v[i, pl.ds(0, 16)]
        anyhit = zeros
        for j in range(_NCH):
            x = hist_v[i, pl.ds(16 * j, 16)] ^ hvec
            anyhit = anyhit | _bloom_hit(x)
        flag_v[i, pl.ds(0, 16)] = anyhit
        ivec = jnp.full((16,), 0, jnp.int32) + i
        for j in range(_NCH):
            off = _MG + 16 * j
            bc = board_v[i, pl.ds(off, 16)]
            gl = plsc.load_gather(board_v, [ivec, iota + (off - 1)])
            gr = plsc.load_gather(board_v, [ivec, iota + (off + 1)])
            gu = plsc.load_gather(board_v, [ivec, iota + (off - _W)])
            gd = plsc.load_gather(board_v, [ivec, iota + (off + _W)])
            m_lf = edge_v[pl.ds(16 * j, 16)]
            m_rt = edge_v[pl.ds(_PP + 16 * j, 16)]
            e_lf = (gl == 0) & (m_lf != 0)
            e_rt = (gr == 0) & (m_rt != 0)
            legal = (bc == 0) & ((gu == 0) | (gd == 0) | e_lf | e_rt)
            sc = scores_v[i, pl.ds(16 * j, 16)]
            out_v[i, pl.ds(16 * j, 16)] = jnp.where(legal, sc, zf)
        return anyhit

    def pass1_group(o, gany):
        for k in range(_U):
            gany = gany | pass1_board(o * _U + k)
        return gany

    gany = lax.fori_loop(0, nb // _U, pass1_group, zeros)

    @pl.when(jnp.max(gany) != 0)
    def _pass2():
        def per_board(i, _):
            @pl.when(jnp.max(flag_v[i, pl.ds(0, 16)]) != 0)
            def _exact():
                ivec = jnp.full((16,), 0, jnp.int32) + i
                hvec = hash_v[i, pl.ds(0, 16)]
                pvec = player_v[i, pl.ds(0, 16)]
                poff = pvec * _TS

                def mark_chunk(j, _):
                    pidx = iota + 16 * j
                    hq = plsc.load_gather(hist_v, [ivec, pidx])
                    x = hq ^ hvec
                    hbit = _bloom_hit(x)

                    @pl.when(jnp.max(hbit) == 1)
                    def _mark():
                        hitb = hbit == 1
                        pos = jnp.full((16,), -1, jnp.int32)
                        for step in (256, 128, 64, 32, 16, 8, 4, 2, 1):
                            probe_i = pos + step
                            v = plsc.load_gather(sorted_v, [poff + probe_i],
                                                 mask=hitb)
                            pos = jnp.where(hitb & (v < x), probe_i, pos)
                        lb = pos + 1
                        lv = plsc.load_gather(sorted_v, [poff + lb], mask=hitb)
                        m = hitb & (lv == x)
                        plsc.store_scatter(mark_v, [lb], ones, mask=m)

                    return 0

                lax.fori_loop(0, _NCH, mark_chunk, 0)

                def out_chunk(j, _):
                    pidx = iota + 16 * j
                    bc = plsc.load_gather(board_v, [ivec, _MG + pidx])
                    gl = plsc.load_gather(board_v, [ivec, _MG - 1 + pidx])
                    gr = plsc.load_gather(board_v, [ivec, _MG + 1 + pidx])
                    gu = plsc.load_gather(board_v, [ivec, _MG - _W + pidx])
                    gd = plsc.load_gather(board_v, [ivec, _MG + _W + pidx])
                    m_lf = plsc.load_gather(edge_v, [pidx])
                    m_rt = plsc.load_gather(edge_v, [_PP + pidx])
                    e_lf = (gl == 0) & (m_lf != 0)
                    e_rt = (gr == 0) & (m_rt != 0)
                    legal = (bc == 0) & ((gu == 0) | (gd == 0) | e_lf | e_rt)
                    rk = plsc.load_gather(rankf_v, [pvec * _PP + pidx])
                    rep = plsc.load_gather(mark_v, [rk])
                    legal = legal & (rep == 0)
                    sc = plsc.load_gather(scores_v, [ivec, pidx])
                    plsc.store_scatter(out_v, [ivec, pidx],
                                       jnp.where(legal, sc, zf))
                    return 0

                lax.fori_loop(0, _NCH, out_chunk, 0)

                def clear_chunk(k, _):
                    plsc.store_scatter(mark_v, [iota + 16 * k], zeros)
                    return 0

                lax.fori_loop(0, _TS // 16, clear_chunk, 0)

            return 0

        lax.fori_loop(0, nb, per_board, 0)

    pltpu.sync_copy(out_v, out_h.at[pl.ds(base, nb)])


def kernel(scores, board, current_player, zobrist_table, current_hash, hash_history):
    B = board.shape[0]
    nb = B // _NW
    scores_p = jnp.pad(scores, ((0, 0), (0, _PP - _N2)))
    board_p = jnp.pad(board.reshape(B, _N2), ((0, 0), (_MG, _BP - _MG - _N2)),
                      constant_values=1)
    hist_p = jnp.pad(hash_history, ((0, 0), (0, _PP - _N2)), constant_values=-1)
    sorted_tab, rankf_tab, bloom = _prep_tables(zobrist_table)
    edge = _edge_masks().reshape(-1)
    player = jnp.broadcast_to(current_player.astype(jnp.int32)[:, None], (B, 16))
    chash = jnp.broadcast_to(current_hash[:, None], (B, 16))

    mesh = plsc.VectorSubcoreMesh(
        core_axis_name="c", subcore_axis_name="s",
        num_cores=_NC, num_subcores=_NS,
    )
    run = functools.partial(
        pl.kernel,
        out_type=jax.ShapeDtypeStruct((B, _PP), jnp.float32),
        mesh=mesh,
        compiler_params=pltpu.CompilerParams(needs_layout_passes=False),
        scratch_types=[
            pltpu.VMEM((nb, _PP), jnp.float32),
            pltpu.VMEM((nb, _BP), jnp.int32),
            pltpu.VMEM((nb, _PP), jnp.int32),
            pltpu.VMEM((nb, _PP), jnp.float32),
            pltpu.VMEM((nb, 16), jnp.int32),
            pltpu.VMEM((nb, 16), jnp.int32),
            pltpu.VMEM((2 * _TS,), jnp.int32),
            pltpu.VMEM((2 * _PP,), jnp.int32),
            pltpu.VMEM((_BW,), jnp.int32),
            pltpu.VMEM((2 * _PP,), jnp.int32),
            pltpu.VMEM((_TS,), jnp.int32),
            pltpu.VMEM((nb, 16), jnp.int32),
        ],
    )(_sc_body)
    out = run(scores_p, board_p, player, chash, hist_p,
              sorted_tab, rankf_tab, bloom, edge)
    return out[:, :_N2]

# --- scband reference (transcript-rebuilt; emitter-appended) ---
"""Pipeline reference for scband-tensor-board-85890755985905 (READ-ONLY COPY).

The authoritative reference and input builder live on the scoring server;
editing this copy changes nothing except your own understanding.
"""

import jax, jax.numpy as jnp
import numpy as np


def setup_inputs(seed: int = 0) -> dict:
    key = jax.random.key(seed)
    k1, k2, k3, k4, k5, k6 = jax.random.split(key, 6)
    B = 1024
    H = W = 19
    N2 = H * W
    # board encoding: 0 = EMPTY, 1 = BLACK, 2 = WHITE
    board = jax.random.randint(k1, (B, H, W), 0, 3, dtype=jnp.int32)
    current_player = jax.random.randint(k2, (B,), 0, 2, dtype=jnp.int32)
    zobrist_table = jax.random.randint(k3, (H, W, 3), 0, 2**31 - 1, dtype=jnp.int32)
    current_hash = jax.random.randint(k4, (B,), 0, 2**31 - 1, dtype=jnp.int32)
    hash_history = jax.random.randint(k5, (B, N2), 0, 2**31 - 1, dtype=jnp.int32)
    scores = jax.random.normal(k6, (B, N2), dtype=jnp.float32)
    return {
        "scores": scores,
        "board": board,
        "current_player": current_player,
        "zobrist_table": zobrist_table,
        "current_hash": current_hash,
        "hash_history": hash_history,
    }


def reference(scores, board, current_player, zobrist_table, current_hash, hash_history):
    B, H, W = board.shape
    N2 = H * W
    # Zobrist tables (mirrors self.Zpos / self.ZposT in TensorBoard._init_zobrist_tables)
    Zpos = zobrist_table.reshape(N2, 3)
    z_empty = Zpos[:, 0]
    z_black = Zpos[:, 1]
    z_white = Zpos[:, 2]
    # placement_delta: z_empty ^ z_color_of_current_player (per board, per point)
    z_color = jnp.where(current_player[:, None] == 0, z_black[None, :], z_white[None, :])
    placement_delta = jnp.bitwise_xor(jnp.broadcast_to(z_empty[None, :], (B, N2)), z_color)
    # candidate_hashes = current_hash ^ placement_delta
    candidate_hashes = jnp.bitwise_xor(current_hash[:, None], placement_delta)
    # Core legality (simplified pseudo-legal: empty point with at least one empty neighbor,
    # standing in for GoLegalMoveChecker.compute_batch_legal_and_info)
    empty = board == 0
    pad = jnp.pad(empty, ((0, 0), (1, 1), (1, 1)), constant_values=False)
    nbr_empty = pad[:, :-2, 1:-1] | pad[:, 2:, 1:-1] | pad[:, 1:-1, :-2] | pad[:, 1:-1, 2:]
    pseudo_legal = (empty & nbr_empty).reshape(B, N2)
    # Super-ko filter: _repeat_mask_from_history -> candidate hash matches any prior hash
    repeat_mask = (candidate_hashes[:, :, None] == hash_history[:, None, :]).any(axis=-1)
    legal_mask = pseudo_legal & (~repeat_mask)
    # mask move scores by legality (float output for downstream policy use)
    out = scores * legal_mask.astype(scores.dtype)
    return out

if __name__ == "__main__":
    import jax
    _d = setup_inputs()
    print(jax.jit(kernel)(*tuple(_d.values())))

</pallas_src>

<mosaic_0001>
#map = affine_map<(d0, d1) -> (0, 0)>
#map1 = affine_map<(d0, d1) -> (0)>
module attributes {stable_mosaic.version = 14 : i64} {
  func.func @_sc_body(%arg0: i32, %arg1: i32, %arg2: memref<1024x384xf32, #tpu.memory_space<hbm>>, %arg3: memref<1024x448xi32, #tpu.memory_space<hbm>>, %arg4: memref<1024x16xi32, #tpu.memory_space<hbm>>, %arg5: memref<1024x16xi32, #tpu.memory_space<hbm>>, %arg6: memref<1024x384xi32, #tpu.memory_space<hbm>>, %arg7: memref<1024xi32, #tpu.memory_space<hbm>>, %arg8: memref<768xi32, #tpu.memory_space<hbm>>, %arg9: memref<16384xi32, #tpu.memory_space<hbm>>, %arg10: memref<768xi32, #tpu.memory_space<hbm>>, %arg11: memref<1024x384xf32, #tpu.memory_space<hbm>>, %arg12: memref<32x384xf32, #tpu.memory_space<vmem>>, %arg13: memref<32x448xi32, #tpu.memory_space<vmem>>, %arg14: memref<32x384xi32, #tpu.memory_space<vmem>>, %arg15: memref<32x384xf32, #tpu.memory_space<vmem>>, %arg16: memref<32x16xi32, #tpu.memory_space<vmem>>, %arg17: memref<32x16xi32, #tpu.memory_space<vmem>>, %arg18: memref<1024xi32, #tpu.memory_space<vmem>>, %arg19: memref<768xi32, #tpu.memory_space<vmem>>, %arg20: memref<16384xi32, #tpu.memory_space<vmem>>, %arg21: memref<768xi32, #tpu.memory_space<vmem>>, %arg22: memref<512xi32, #tpu.memory_space<vmem>>, %arg23: memref<32x16xi32, #tpu.memory_space<vmem>>) attributes {dimension_semantics = [#tpu.dimension_semantics<core_parallel>, #tpu.dimension_semantics<subcore_parallel>], iteration_bounds = array<i64: 2, 16>, scalar_prefetch = 0 : i64, scratch_operands = 12 : i64, tpu.core_type = #tpu.core_type<sc_vector_subcore>, window_params = [{transform_indices = #map}, {transform_indices = #map}, {transform_indices = #map}, {transform_indices = #map}, {transform_indices = #map}, {transform_indices = #map1}, {transform_indices = #map1}, {transform_indices = #map1}, {transform_indices = #map1}, {transform_indices = #map}]} {
    %mul3A = arith.constant 2 : i32
    %mul3A_0 = arith.muli %arg1, %mul3A : i32
    %add3A = arith.addi %mul3A_0, %arg0 : i32
    %mul3A_1 = arith.constant 32 : i32
    %mul3A_2 = arith.muli %add3A, %mul3A_1 : i32
    "tpu.region"() ({
      %run_scoped3A = tpu.sem_alloc : memref<!tpu.dma_semaphore, #tpu.memory_space<semaphore_mem>>
      %dma_start3A = arith.constant 0 : i32
      %dma_start3A_85 = tpu.memref_slice %arg2[%mul3A_2, %dma_start3A] : memref<1024x384xf32, #tpu.memory_space<hbm>> -> memref<32x384xf32, #tpu.memory_space<hbm>>
      %dma_start3A_86 = arith.constant 0 : i32
      %dma_start3A_87 = tpu.memref_slice %arg2[%mul3A_2, %dma_start3A_86] : memref<1024x384xf32, #tpu.memory_space<hbm>> -> memref<32x384xf32, #tpu.memory_space<hbm>>
      tpu.enqueue_dma source(%dma_start3A_87 : memref<32x384xf32, #tpu.memory_space<hbm>>) target(%arg12 : memref<32x384xf32, #tpu.memory_space<vmem>>) target_semaphore(%run_scoped3A : memref<!tpu.dma_semaphore, #tpu.memory_space<semaphore_mem>>)
      %dma_wait3A = arith.constant 0 : i32
      %dma_wait3A_88 = tpu.memref_slice %arg2[%mul3A_2, %dma_wait3A] : memref<1024x384xf32, #tpu.memory_space<hbm>> -> memref<32x384xf32, #tpu.memory_space<hbm>>
      %dma_wait3A_89 = arith.constant 0 : i32
      %dma_wait3A_90 = tpu.memref_slice %arg2[%mul3A_2, %dma_wait3A_89] : memref<1024x384xf32, #tpu.memory_space<hbm>> -> memref<32x384xf32, #tpu.memory_space<hbm>>
      tpu.wait_dma2 semaphore(%run_scoped3A : memref<!tpu.dma_semaphore, #tpu.memory_space<semaphore_mem>>) src(%dma_wait3A_90 : memref<32x384xf32, #tpu.memory_space<hbm>>) dst(%arg12 : memref<32x384xf32, #tpu.memory_space<vmem>>)
      tpu.yield
    }) : () -> ()
    "tpu.region"() ({
      %run_scoped3A = tpu.sem_alloc : memref<!tpu.dma_semaphore, #tpu.memory_space<semaphore_mem>>
      %dma_start3A = arith.constant 0 : i32
      %dma_start3A_85 = tpu.memref_slice %arg3[%mul3A_2, %dma_start3A] : memref<1024x448xi32, #tpu.memory_space<hbm>> -> memref<32x448xi32, #tpu.memory_space<hbm>>
      %dma_start3A_86 = arith.constant 0 : i32
      %dma_start3A_87 = tpu.memref_slice %arg3[%mul3A_2, %dma_start3A_86] : memref<1024x448xi32, #tpu.memory_space<hbm>> -> memref<32x448xi32, #tpu.memory_space<hbm>>
      tpu.enqueue_dma source(%dma_start3A_87 : memref<32x448xi32, #tpu.memory_space<hbm>>) target(%arg13 : memref<32x448xi32, #tpu.memory_space<vmem>>) target_semaphore(%run_scoped3A : memref<!tpu.dma_semaphore, #tpu.memory_space<semaphore_mem>>)
      %dma_wait3A = arith.constant 0 : i32
      %dma_wait3A_88 = tpu.memref_slice %arg3[%mul3A_2, %dma_wait3A] : memref<1024x448xi32, #tpu.memory_space<hbm>> -> memref<32x448xi32, #tpu.memory_space<hbm>>
      %dma_wait3A_89 = arith.constant 0 : i32
      %dma_wait3A_90 = tpu.memref_slice %arg3[%mul3A_2, %dma_wait3A_89] : memref<1024x448xi32, #tpu.memory_space<hbm>> -> memref<32x448xi32, #tpu.memory_space<hbm>>
      tpu.wait_dma2 semaphore(%run_scoped3A : memref<!tpu.dma_semaphore, #tpu.memory_space<semaphore_mem>>) src(%dma_wait3A_90 : memref<32x448xi32, #tpu.memory_space<hbm>>) dst(%arg13 : memref<32x448xi32, #tpu.memory_space<vmem>>)
      tpu.yield
    }) : () -> ()
    "tpu.region"() ({
      %run_scoped3A = tpu.sem_alloc : memref<!tpu.dma_semaphore, #tpu.memory_space<semaphore_mem>>
      %dma_start3A = arith.constant 0 : i32
      %dma_start3A_85 = tpu.memref_slice %arg6[%mul3A_2, %dma_start3A] : memref<1024x384xi32, #tpu.memory_space<hbm>> -> memref<32x384xi32, #tpu.memory_space<hbm>>
      %dma_start3A_86 = arith.constant 0 : i32
      %dma_start3A_87 = tpu.memref_slice %arg6[%mul3A_2, %dma_start3A_86] : memref<1024x384xi32, #tpu.memory_space<hbm>> -> memref<32x384xi32, #tpu.memory_space<hbm>>
      tpu.enqueue_dma source(%dma_start3A_87 : memref<32x384xi32, #tpu.memory_space<hbm>>) target(%arg14 : memref<32x384xi32, #tpu.memory_space<vmem>>) target_semaphore(%run_scoped3A : memref<!tpu.dma_semaphore, #tpu.memory_space<semaphore_mem>>)
      %dma_wait3A = arith.constant 0 : i32
      %dma_wait3A_88 = tpu.memref_slice %arg6[%mul3A_2, %dma_wait3A] : memref<1024x384xi32, #tpu.memory_space<hbm>> -> memref<32x384xi32, #tpu.memory_space<hbm>>
      %dma_wait3A_89 = arith.constant 0 : i32
      %dma_wait3A_90 = tpu.memref_slice %arg6[%mul3A_2, %dma_wait3A_89] : memref<1024x384xi32, #tpu.memory_space<hbm>> -> memref<32x384xi32, #tpu.memory_space<hbm>>
      tpu.wait_dma2 semaphore(%run_scoped3A : memref<!tpu.dma_semaphore, #tpu.memory_space<semaphore_mem>>) src(%dma_wait3A_90 : memref<32x384xi32, #tpu.memory_space<hbm>>) dst(%arg14 : memref<32x384xi32, #tpu.memory_space<vmem>>)
      tpu.yield
    }) : () -> ()
    "tpu.region"() ({
      %run_scoped3A = tpu.sem_alloc : memref<!tpu.dma_semaphore, #tpu.memory_space<semaphore_mem>>
      %dma_start3A = arith.constant 0 : i32
      %dma_start3A_85 = tpu.memref_slice %arg5[%mul3A_2, %dma_start3A] : memref<1024x16xi32, #tpu.memory_space<hbm>> -> memref<32x16xi32, #tpu.memory_space<hbm>>
      %dma_start3A_86 = arith.constant 0 : i32
      %dma_start3A_87 = tpu.memref_slice %arg5[%mul3A_2, %dma_start3A_86] : memref<1024x16xi32, #tpu.memory_space<hbm>> -> memref<32x16xi32, #tpu.memory_space<hbm>>
      tpu.enqueue_dma source(%dma_start3A_87 : memref<32x16xi32, #tpu.memory_space<hbm>>) target(%arg16 : memref<32x16xi32, #tpu.memory_space<vmem>>) target_semaphore(%run_scoped3A : memref<!tpu.dma_semaphore, #tpu.memory_space<semaphore_mem>>)
      %dma_wait3A = arith.constant 0 : i32
      %dma_wait3A_88 = tpu.memref_slice %arg5[%mul3A_2, %dma_wait3A] : memref<1024x16xi32, #tpu.memory_space<hbm>> -> memref<32x16xi32, #tpu.memory_space<hbm>>
      %dma_wait3A_89 = arith.constant 0 : i32
      %dma_wait3A_90 = tpu.memref_slice %arg5[%mul3A_2, %dma_wait3A_89] : memref<1024x16xi32, #tpu.memory_space<hbm>> -> memref<32x16xi32, #tpu.memory_space<hbm>>
      tpu.wait_dma2 semaphore(%run_scoped3A : memref<!tpu.dma_semaphore, #tpu.memory_space<semaphore_mem>>) src(%dma_wait3A_90 : memref<32x16xi32, #tpu.memory_space<hbm>>) dst(%arg16 : memref<32x16xi32, #tpu.memory_space<vmem>>)
      tpu.yield
    }) : () -> ()
    "tpu.region"() ({
      %run_scoped3A = tpu.sem_alloc : memref<!tpu.dma_semaphore, #tpu.memory_space<semaphore_mem>>
      %dma_start3A = arith.constant 0 : i32
      %dma_start3A_85 = tpu.memref_slice %arg4[%mul3A_2, %dma_start3A] : memref<1024x16xi32, #tpu.memory_space<hbm>> -> memref<32x16xi32, #tpu.memory_space<hbm>>
      %dma_start3A_86 = arith.constant 0 : i32
      %dma_start3A_87 = tpu.memref_slice %arg4[%mul3A_2, %dma_start3A_86] : memref<1024x16xi32, #tpu.memory_space<hbm>> -> memref<32x16xi32, #tpu.memory_space<hbm>>
      tpu.enqueue_dma source(%dma_start3A_87 : memref<32x16xi32, #tpu.memory_space<hbm>>) target(%arg17 : memref<32x16xi32, #tpu.memory_space<vmem>>) target_semaphore(%run_scoped3A : memref<!tpu.dma_semaphore, #tpu.memory_space<semaphore_mem>>)
      %dma_wait3A = arith.constant 0 : i32
      %dma_wait3A_88 = tpu.memref_slice %arg4[%mul3A_2, %dma_wait3A] : memref<1024x16xi32, #tpu.memory_space<hbm>> -> memref<32x16xi32, #tpu.memory_space<hbm>>
      %dma_wait3A_89 = arith.constant 0 : i32
      %dma_wait3A_90 = tpu.memref_slice %arg4[%mul3A_2, %dma_wait3A_89] : memref<1024x16xi32, #tpu.memory_space<hbm>> -> memref<32x16xi32, #tpu.memory_space<hbm>>
      tpu.wait_dma2 semaphore(%run_scoped3A : memref<!tpu.dma_semaphore, #tpu.memory_space<semaphore_mem>>) src(%dma_wait3A_90 : memref<32x16xi32, #tpu.memory_space<hbm>>) dst(%arg17 : memref<32x16xi32, #tpu.memory_space<vmem>>)
      tpu.yield
    }) : () -> ()
    "tpu.region"() ({
      %run_scoped3A = tpu.sem_alloc : memref<!tpu.dma_semaphore, #tpu.memory_space<semaphore_mem>>
      tpu.enqueue_dma source(%arg7 : memref<1024xi32, #tpu.memory_space<hbm>>) target(%arg18 : memref<1024xi32, #tpu.memory_space<vmem>>) target_semaphore(%run_scoped3A : memref<!tpu.dma_semaphore, #tpu.memory_space<semaphore_mem>>)
      tpu.wait_dma2 semaphore(%run_scoped3A : memref<!tpu.dma_semaphore, #tpu.memory_space<semaphore_mem>>) src(%arg7 : memref<1024xi32, #tpu.memory_space<hbm>>) dst(%arg18 : memref<1024xi32, #tpu.memory_space<vmem>>)
      tpu.yield
    }) : () -> ()
    "tpu.region"() ({
      %run_scoped3A = tpu.sem_alloc : memref<!tpu.dma_semaphore, #tpu.memory_space<semaphore_mem>>
      tpu.enqueue_dma source(%arg8 : memref<768xi32, #tpu.memory_space<hbm>>) target(%arg19 : memref<768xi32, #tpu.memory_space<vmem>>) target_semaphore(%run_scoped3A : memref<!tpu.dma_semaphore, #tpu.memory_space<semaphore_mem>>)
      tpu.wait_dma2 semaphore(%run_scoped3A : memref<!tpu.dma_semaphore, #tpu.memory_space<semaphore_mem>>) src(%arg8 : memref<768xi32, #tpu.memory_space<hbm>>) dst(%arg19 : memref<768xi32, #tpu.memory_space<vmem>>)
      tpu.yield
    }) : () -> ()
    "tpu.region"() ({
      %run_scoped3A = tpu.sem_alloc : memref<!tpu.dma_semaphore, #tpu.memory_space<semaphore_mem>>
      tpu.enqueue_dma source(%arg9 : memref<16384xi32, #tpu.memory_space<hbm>>) target(%arg20 : memref<16384xi32, #tpu.memory_space<vmem>>) target_semaphore(%run_scoped3A : memref<!tpu.dma_semaphore, #tpu.memory_space<semaphore_mem>>)
      tpu.wait_dma2 semaphore(%run_scoped3A : memref<!tpu.dma_semaphore, #tpu.memory_space<semaphore_mem>>) src(%arg9 : memref<16384xi32, #tpu.memory_space<hbm>>) dst(%arg20 : memref<16384xi32, #tpu.memory_space<vmem>>)
      tpu.yield
    }) : () -> ()
    "tpu.region"() ({
      %run_scoped3A = tpu.sem_alloc : memref<!tpu.dma_semaphore, #tpu.memory_space<semaphore_mem>>
      tpu.enqueue_dma source(%arg10 : memref<768xi32, #tpu.memory_space<hbm>>) target(%arg21 : memref<768xi32, #tpu.memory_space<vmem>>) target_semaphore(%run_scoped3A : memref<!tpu.dma_semaphore, #tpu.memory_space<semaphore_mem>>)
      tpu.wait_dma2 semaphore(%run_scoped3A : memref<!tpu.dma_semaphore, #tpu.memory_space<semaphore_mem>>) src(%arg10 : memref<768xi32, #tpu.memory_space<hbm>>) dst(%arg21 : memref<768xi32, #tpu.memory_space<vmem>>)
      tpu.yield
    }) : () -> ()
    %broadcast_in_dim3A = arith.constant 1 : i32
    %broadcast_in_dim3A_3 = vector.broadcast %broadcast_in_dim3A : i32 to vector<16xi32>
    %broadcast_in_dim3A_4 = arith.constant 0 : i32
    %broadcast_in_dim3A_5 = vector.broadcast %broadcast_in_dim3A_4 : i32 to vector<16xi32>
    %broadcast_in_dim3A_6 = arith.constant 0.000000e+00 : f32
    %broadcast_in_dim3A_7 = vector.broadcast %broadcast_in_dim3A_6 : f32 to vector<16xf32>
    %swap3A = arith.constant 0 : index
    %swap3A_8 = tpu.vector_load %arg22[%swap3A] {strides = array<i32>} : memref<512xi32, #tpu.memory_space<vmem>>, vector<16xi32>,
    tpu.vector_store %arg22[%swap3A], %broadcast_in_dim3A_5 {strides = array<i32>} : memref<512xi32, #tpu.memory_space<vmem>>, vector<16xi32>,
    %swap3A_9 = arith.constant 16 : index
    %swap3A_10 = tpu.vector_load %arg22[%swap3A_9] {strides = array<i32>} : memref<512xi32, #tpu.memory_space<vmem>>, vector<16xi32>,
    tpu.vector_store %arg22[%swap3A_9], %broadcast_in_dim3A_5 {strides = array<i32>} : memref<512xi32, #tpu.memory_space<vmem>>, vector<16xi32>,
    %swap3A_11 = arith.constant 32 : index
    %swap3A_12 = tpu.vector_load %arg22[%swap3A_11] {strides = array<i32>} : memref<512xi32, #tpu.memory_space<vmem>>, vector<16xi32>,
    tpu.vector_store %arg22[%swap3A_11], %broadcast_in_dim3A_5 {strides = array<i32>} : memref<512xi32, #tpu.memory_space<vmem>>, vector<16xi32>,
    %swap3A_13 = arith.constant 48 : index
    %swap3A_14 = tpu.vector_load %arg22[%swap3A_13] {strides = array<i32>} : memref<512xi32, #tpu.memory_space<vmem>>, vector<16xi32>,
    tpu.vector_store %arg22[%swap3A_13], %broadcast_in_dim3A_5 {strides = array<i32>} : memref<512xi32, #tpu.memory_space<vmem>>, vector<16xi32>,
    %swap3A_15 = arith.constant 64 : index
    %swap3A_16 = tpu.vector_load %arg22[%swap3A_15] {strides = array<i32>} : memref<512xi32, #tpu.memory_space<vmem>>, vector<16xi32>,
    tpu.vector_store %arg22[%swap3A_15], %broadcast_in_dim3A_5 {strides = array<i32>} : memref<512xi32, #tpu.memory_space<vmem>>, vector<16xi32>,
    %swap3A_17 = arith.constant 80 : index
    %swap3A_18 = tpu.vector_load %arg22[%swap3A_17] {strides = array<i32>} : memref<512xi32, #tpu.memory_space<vmem>>, vector<16xi32>,
    tpu.vector_store %arg22[%swap3A_17], %broadcast_in_dim3A_5 {strides = array<i32>} : memref<512xi32, #tpu.memory_space<vmem>>, vector<16xi32>,
    %swap3A_19 = arith.constant 96 : index
    %swap3A_20 = tpu.vector_load %arg22[%swap3A_19] {strides = array<i32>} : memref<512xi32, #tpu.memory_space<vmem>>, vector<16xi32>,
    tpu.vector_store %arg22[%swap3A_19], %broadcast_in_dim3A_5 {strides = array<i32>} : memref<512xi32, #tpu.memory_space<vmem>>, vector<16xi32>,
    %swap3A_21 = arith.constant 112 : index
    %swap3A_22 = tpu.vector_load %arg22[%swap3A_21] {strides = array<i32>} : memref<512xi32, #tpu.memory_space<vmem>>, vector<16xi32>,
    tpu.vector_store %arg22[%swap3A_21], %broadcast_in_dim3A_5 {strides = array<i32>} : memref<512xi32, #tpu.memory_space<vmem>>, vector<16xi32>,
    %swap3A_23 = arith.constant 128 : index
    %swap3A_24 = tpu.vector_load %arg22[%swap3A_23] {strides = array<i32>} : memref<512xi32, #tpu.memory_space<vmem>>, vector<16xi32>,
    tpu.vector_store %arg22[%swap3A_23], %broadcast_in_dim3A_5 {strides = array<i32>} : memref<512xi32, #tpu.memory_space<vmem>>, vector<16xi32>,
    %swap3A_25 = arith.constant 144 : index
    %swap3A_26 = tpu.vector_load %arg22[%swap3A_25] {strides = array<i32>} : memref<512xi32, #tpu.memory_space<vmem>>, vector<16xi32>,
    tpu.vector_store %arg22[%swap3A_25], %broadcast_in_dim3A_5 {strides = array<i32>} : memref<512xi32, #tpu.memory_space<vmem>>, vector<16xi32>,
    %swap3A_27 = arith.constant 160 : index
    %swap3A_28 = tpu.vector_load %arg22[%swap3A_27] {strides = array<i32>} : memref<512xi32, #tpu.memory_space<vmem>>, vector<16xi32>,
    tpu.vector_store %arg22[%swap3A_27], %broadcast_in_dim3A_5 {strides = array<i32>} : memref<512xi32, #tpu.memory_space<vmem>>, vector<16xi32>,
    %swap3A_29 = arith.constant 176 : index
    %swap3A_30 = tpu.vector_load %arg22[%swap3A_29] {strides = array<i32>} : memref<512xi32, #tpu.memory_space<vmem>>, vector<16xi32>,
    tpu.vector_store %arg22[%swap3A_29], %broadcast_in_dim3A_5 {strides = array<i32>} : memref<512xi32, #tpu.memory_space<vmem>>, vector<16xi32>,
    %swap3A_31 = arith.constant 192 : index
    %swap3A_32 = tpu.vector_load %arg22[%swap3A_31] {strides = array<i32>} : memref<512xi32, #tpu.memory_space<vmem>>, vector<16xi32>,
    tpu.vector_store %arg22[%swap3A_31], %broadcast_in_dim3A_5 {strides = array<i32>} : memref<512xi32, #tpu.memory_space<vmem>>, vector<16xi32>,
    %swap3A_33 = arith.constant 208 : index
    %swap3A_34 = tpu.vector_load %arg22[%swap3A_33] {strides = array<i32>} : memref<512xi32, #tpu.memory_space<vmem>>, vector<16xi32>,
    tpu.vector_store %arg22[%swap3A_33], %broadcast_in_dim3A_5 {strides = array<i32>} : memref<512xi32, #tpu.memory_space<vmem>>, vector<16xi32>,
    %swap3A_35 = arith.constant 224 : index
    %swap3A_36 = tpu.vector_load %arg22[%swap3A_35] {strides = array<i32>} : memref<512xi32, #tpu.memory_space<vmem>>, vector<16xi32>,
    tpu.vector_store %arg22[%swap3A_35], %broadcast_in_dim3A_5 {strides = array<i32>} : memref<512xi32, #tpu.memory_space<vmem>>, vector<16xi32>,
    %swap3A_37 = arith.constant 240 : index
    %swap3A_38 = tpu.vector_load %arg22[%swap3A_37] {strides = array<i32>} : memref<512xi32, #tpu.memory_space<vmem>>, vector<16xi32>,
    tpu.vector_store %arg22[%swap3A_37], %broadcast_in_dim3A_5 {strides = array<i32>} : memref<512xi32, #tpu.memory_space<vmem>>, vector<16xi32>,
    %swap3A_39 = arith.constant 256 : index
    %swap3A_40 = tpu.vector_load %arg22[%swap3A_39] {strides = array<i32>} : memref<512xi32, #tpu.memory_space<vmem>>, vector<16xi32>,
    tpu.vector_store %arg22[%swap3A_39], %broadcast_in_dim3A_5 {strides = array<i32>} : memref<512xi32, #tpu.memory_space<vmem>>, vector<16xi32>,
    %swap3A_41 = arith.constant 272 : index
    %swap3A_42 = tpu.vector_load %arg22[%swap3A_41] {strides = array<i32>} : memref<512xi32, #tpu.memory_space<vmem>>, vector<16xi32>,
    tpu.vector_store %arg22[%swap3A_41], %broadcast_in_dim3A_5 {strides = array<i32>} : memref<512xi32, #tpu.memory_space<vmem>>, vector<16xi32>,
    %swap3A_43 = arith.constant 288 : index
    %swap3A_44 = tpu.vector_load %arg22[%swap3A_43] {strides = array<i32>} : memref<512xi32, #tpu.memory_space<vmem>>, vector<16xi32>,
    tpu.vector_store %arg22[%swap3A_43], %broadcast_in_dim3A_5 {strides = array<i32>} : memref<512xi32, #tpu.memory_space<vmem>>, vector<16xi32>,
    %swap3A_45 = arith.constant 304 : index
    %swap3A_46 = tpu.vector_load %arg22[%swap3A_45] {strides = array<i32>} : memref<512xi32, #tpu.memory_space<vmem>>, vector<16xi32>,
    tpu.vector_store %arg22[%swap3A_45], %broadcast_in_dim3A_5 {strides = array<i32>} : memref<512xi32, #tpu.memory_space<vmem>>, vector<16xi32>,
    %swap3A_47 = arith.constant 320 : index
    %swap3A_48 = tpu.vector_load %arg22[%swap3A_47] {strides = array<i32>} : memref<512xi32, #tpu.memory_space<vmem>>, vector<16xi32>,
    tpu.vector_store %arg22[%swap3A_47], %broadcast_in_dim3A_5 {strides = array<i32>} : memref<512xi32, #tpu.memory_space<vmem>>, vector<16xi32>,
    %swap3A_49 = arith.constant 336 : index
    %swap3A_50 = tpu.vector_load %arg22[%swap3A_49] {strides = array<i32>} : memref<512xi32, #tpu.memory_space<vmem>>, vector<16xi32>,
    tpu.vector_store %arg22[%swap3A_49], %broadcast_in_dim3A_5 {strides = array<i32>} : memref<512xi32, #tpu.memory_space<vmem>>, vector<16xi32>,
    %swap3A_51 = arith.constant 352 : index
    %swap3A_52 = tpu.vector_load %arg22[%swap3A_51] {strides = array<i32>} : memref<512xi32, #tpu.memory_space<vmem>>, vector<16xi32>,
    tpu.vector_store %arg22[%swap3A_51], %broadcast_in_dim3A_5 {strides = array<i32>} : memref<512xi32, #tpu.memory_space<vmem>>, vector<16xi32>,
    %swap3A_53 = arith.constant 368 : index
    %swap3A_54 = tpu.vector_load %arg22[%swap3A_53] {strides = array<i32>} : memref<512xi32, #tpu.memory_space<vmem>>, vector<16xi32>,
    tpu.vector_store %arg22[%swap3A_53], %broadcast_in_dim3A_5 {strides = array<i32>} : memref<512xi32, #tpu.memory_space<vmem>>, vector<16xi32>,
    %swap3A_55 = arith.constant 384 : index
    %swap3A_56 = tpu.vector_load %arg22[%swap3A_55] {strides = array<i32>} : memref<512xi32, #tpu.memory_space<vmem>>, vector<16xi32>,
    tpu.vector_store %arg22[%swap3A_55], %broadcast_in_dim3A_5 {strides = array<i32>} : memref<512xi32, #tpu.memory_space<vmem>>, vector<16xi32>,
    %swap3A_57 = arith.constant 400 : index
    %swap3A_58 = tpu.vector_load %arg22[%swap3A_57] {strides = array<i32>} : memref<512xi32, #tpu.memory_space<vmem>>, vector<16xi32>,
    tpu.vector_store %arg22[%swap3A_57], %broadcast_in_dim3A_5 {strides = array<i32>} : memref<512xi32, #tpu.memory_space<vmem>>, vector<16xi32>,
    %swap3A_59 = arith.constant 416 : index
    %swap3A_60 = tpu.vector_load %arg22[%swap3A_59] {strides = array<i32>} : memref<512xi32, #tpu.memory_space<vmem>>, vector<16xi32>,
    tpu.vector_store %arg22[%swap3A_59], %broadcast_in_dim3A_5 {strides = array<i32>} : memref<512xi32, #tpu.memory_space<vmem>>, vector<16xi32>,
    %swap3A_61 = arith.constant 432 : index
    %swap3A_62 = tpu.vector_load %arg22[%swap3A_61] {strides = array<i32>} : memref<512xi32, #tpu.memory_space<vmem>>, vector<16xi32>,
    tpu.vector_store %arg22[%swap3A_61], %broadcast_in_dim3A_5 {strides = array<i32>} : memref<512xi32, #tpu.memory_space<vmem>>, vector<16xi32>,
    %swap3A_63 = arith.constant 448 : index
    %swap3A_64 = tpu.vector_load %arg22[%swap3A_63] {strides = array<i32>} : memref<512xi32, #tpu.memory_space<vmem>>, vector<16xi32>,
    tpu.vector_store %arg22[%swap3A_63], %broadcast_in_dim3A_5 {strides = array<i32>} : memref<512xi32, #tpu.memory_space<vmem>>, vector<16xi32>,
    %swap3A_65 = arith.constant 464 : index
    %swap3A_66 = tpu.vector_load %arg22[%swap3A_65] {strides = array<i32>} : memref<512xi32, #tpu.memory_space<vmem>>, vector<16xi32>,
    tpu.vector_store %arg22[%swap3A_65], %broadcast_in_dim3A_5 {strides = array<i32>} : memref<512xi32, #tpu.memory_space<vmem>>, vector<16xi32>,
    %swap3A_67 = arith.constant 480 : index
    %swap3A_68 = tpu.vector_load %arg22[%swap3A_67] {strides = array<i32>} : memref<512xi32, #tpu.memory_space<vmem>>, vector<16xi32>,
    tpu.vector_store %arg22[%swap3A_67], %broadcast_in_dim3A_5 {strides = array<i32>} : memref<512xi32, #tpu.memory_space<vmem>>, vector<16xi32>,
    %swap3A_69 = arith.constant 496 : index
    %swap3A_70 = tpu.vector_load %arg22[%swap3A_69] {strides = array<i32>} : memref<512xi32, #tpu.memory_space<vmem>>, vector<16xi32>,
    tpu.vector_store %arg22[%swap3A_69], %broadcast_in_dim3A_5 {strides = array<i32>} : memref<512xi32, #tpu.memory_space<vmem>>, vector<16xi32>,
    %iota3A = tpu.iota {dimensions = array<i32: 0>} : vector<16xi32>
    %scan3A = arith.constant 0 : i32
    %scan3A_71 = arith.constant 32 : i32
    %scan3A_72 = arith.addi %scan3A, %scan3A_71 : i32
    %scan3A_73 = arith.constant 1 : i32
    %scan3A_74 = scf.for %scan3A_85 = %scan3A to %scan3A_72 step %scan3A_73 iter_args(%scan3A_86 = %broadcast_in_dim3A_5) -> (vector<16xi32>)  : i32 {
      %mul3A_87 = arith.constant 1 : i32
      %mul3A_88 = arith.muli %scan3A_85, %mul3A_87 : i32
      %add3A_89 = arith.constant 0 : i32
      %add3A_90 = arith.addi %mul3A_88, %add3A_89 : i32
      %get3A = arith.index_cast %add3A_90 : i32 to index
      %get3A_91 = arith.constant 0 : index
      %get3A_92 = tpu.vector_load %arg16[%get3A, %get3A_91] {strides = array<i32>} : memref<32x16xi32, #tpu.memory_space<vmem>>, vector<16xi32>,
      %get3A_93 = arith.index_cast %add3A_90 : i32 to index
      %get3A_94 = arith.constant 0 : index
      %get3A_95 = tpu.vector_load %arg14[%get3A_93, %get3A_94] {strides = array<i32>} : memref<32x384xi32, #tpu.memory_space<vmem>>, vector<16xi32>,
      %xor3A = arith.xori %get3A_95, %get3A_92 : vector<16xi32>
      %and3A = arith.constant 524287 : i32
      %and3A_96 = vector.broadcast %and3A : i32 to vector<16xi32>
      %and3A_97 = arith.andi %xor3A, %and3A_96 : vector<16xi32>
      %mul3A_98 = arith.constant -1640531527 : i32
      %mul3A_99 = vector.broadcast %mul3A_98 : i32 to vector<16xi32>
      %mul3A_100 = arith.muli %xor3A, %mul3A_99 : vector<16xi32>
      %shift_right_logical3A = arith.constant 13 : i32
      %shift_right_logical3A_101 = vector.broadcast %shift_right_logical3A : i32 to vector<16xi32>
      %shift_right_logical3A_102 = arith.shrui %mul3A_100, %shift_right_logical3A_101 : vector<16xi32>
      %and3A_103 = arith.constant 524287 : i32
      %and3A_104 = vector.broadcast %and3A_103 : i32 to vector<16xi32>
      %and3A_105 = arith.andi %shift_right_logical3A_102, %and3A_104 : vector<16xi32>
      %shift_right_logical3A_106 = arith.constant 5 : i32
      %shift_right_logical3A_107 = vector.broadcast %shift_right_logical3A_106 : i32 to vector<16xi32>
      %shift_right_logical3A_108 = arith.shrui %and3A_97, %shift_right_logical3A_107 : vector<16xi32>
      %gather3A = tpu.vector_load_idx %arg20[%shift_right_logical3A_108] : memref<16384xi32, #tpu.memory_space<vmem>>[vector<16xi32>], vector<16xi32>,
      %shift_right_logical3A_109 = arith.constant 5 : i32
      %shift_right_logical3A_110 = vector.broadcast %shift_right_logical3A_109 : i32 to vector<16xi32>
      %shift_right_logical3A_111 = arith.shrui %and3A_105, %shift_right_logical3A_110 : vector<16xi32>
      %gather3A_112 = tpu.vector_load_idx %arg20[%shift_right_logical3A_111] : memref<16384xi32, #tpu.memory_space<vmem>>[vector<16xi32>], vector<16xi32>,
      %and3A_113 = arith.constant 31 : i32
      %and3A_114 = vector.broadcast %and3A_113 : i32 to vector<16xi32>
      %and3A_115 = arith.andi %and3A_97, %and3A_114 : vector<16xi32>
      %shift_right_logical3A_116 = arith.shrui %gather3A, %and3A_115 : vector<16xi32>
      %and3A_117 = arith.constant 31 : i32
      %and3A_118 = vector.broadcast %and3A_117 : i32 to vector<16xi32>
      %and3A_119 = arith.andi %and3A_105, %and3A_118 : vector<16xi32>
      %shift_right_logical3A_120 = arith.shrui %gather3A_112, %and3A_119 : vector<16xi32>
      %and3A_121 = arith.andi %shift_right_logical3A_116, %shift_right_logical3A_120 : vector<16xi32>
      %and3A_122 = arith.constant 1 : i32
      %and3A_123 = vector.broadcast %and3A_122 : i32 to vector<16xi32>
      %and3A_124 = arith.andi %and3A_121, %and3A_123 : vector<16xi32>
      %or3A = arith.ori %broadcast_in_dim3A_5, %and3A_124 : vector<16xi32>
      %get3A_125 = arith.index_cast %add3A_90 : i32 to index
      %get3A_126 = arith.constant 16 : index
      %get3A_127 = tpu.vector_load %arg14[%get3A_125, %get3A_126] {strides = array<i32>} : memref<32x384xi32, #tpu.memory_space<vmem>>, vector<16xi32>,
      %xor3A_128 = arith.xori %get3A_127, %get3A_92 : vector<16xi32>
      %and3A_129 = arith.constant 524287 : i32
      %and3A_130 = vector.broadcast %and3A_129 : i32 to vector<16xi32>
      %and3A_131 = arith.andi %xor3A_128, %and3A_130 : vector<16xi32>
      %mul3A_132 = arith.constant -1640531527 : i32
      %mul3A_133 = vector.broadcast %mul3A_132 : i32 to vector<16xi32>
      %mul3A_134 = arith.muli %xor3A_128, %mul3A_133 : vector<16xi32>
      %shift_right_logical3A_135 = arith.constant 13 : i32
      %shift_right_logical3A_136 = vector.broadcast %shift_right_logical3A_135 : i32 to vector<16xi32>
      %shift_right_logical3A_137 = arith.shrui %mul3A_134, %shift_right_logical3A_136 : vector<16xi32>
      %and3A_138 = arith.constant 524287 : i32
      %and3A_139 = vector.broadcast %and3A_138 : i32 to vector<16xi32>
      %and3A_140 = arith.andi %shift_right_logical3A_137, %and3A_139 : vector<16xi32>
      %shift_right_logical3A_141 = arith.constant 5 : i32
      %shift_right_logical3A_142 = vector.broadcast %shift_right_logical3A_141 : i32 to vector<16xi32>
      %shift_right_logical3A_143 = arith.shrui %and3A_131, %shift_right_logical3A_142 : vector<16xi32>
      %gather3A_144 = tpu.vector_load_idx %arg20[%shift_right_logical3A_143] : memref<16384xi32, #tpu.memory_space<vmem>>[vector<16xi32>], vector<16xi32>,
      %shift_right_logical3A_145 = arith.constant 5 : i32
      %shift_right_logical3A_146 = vector.broadcast %shift_right_logical3A_145 : i32 to vector<16xi32>
      %shift_right_logical3A_147 = arith.shrui %and3A_140, %shift_right_logical3A_146 : vector<16xi32>
      %gather3A_148 = tpu.vector_load_idx %arg20[%shift_right_logical3A_147] : memref<16384xi32, #tpu.memory_space<vmem>>[vector<16xi32>], vector<16xi32>,
      %and3A_149 = arith.constant 31 : i32
      %and3A_150 = vector.broadcast %and3A_149 : i32 to vector<16xi32>
      %and3A_151 = arith.andi %and3A_131, %and3A_150 : vector<16xi32>
      %shift_right_logical3A_152 = arith.shrui %gather3A_144, %and3A_151 : vector<16xi32>
      %and3A_153 = arith.constant 31 : i32
      %and3A_154 = vector.broadcast %and3A_153 : i32 to vector<16xi32>
      %and3A_155 = arith.andi %and3A_140, %and3A_154 : vector<16xi32>
      %shift_right_logical3A_156 = arith.shrui %gather3A_148, %and3A_155 : vector<16xi32>
      %and3A_157 = arith.andi %shift_right_logical3A_152, %shift_right_logical3A_156 : vector<16xi32>
      %and3A_158 = arith.constant 1 : i32
      %and3A_159 = vector.broadcast %and3A_158 : i32 to vector<16xi32>
      %and3A_160 = arith.andi %and3A_157, %and3A_159 : vector<16xi32>
      %or3A_161 = arith.ori %or3A, %and3A_160 : vector<16xi32>
      %get3A_162 = arith.index_cast %add3A_90 : i32 to index
      %get3A_163 = arith.constant 32 : index
      %get3A_164 = tpu.vector_load %arg14[%get3A_162, %get3A_163] {strides = array<i32>} : memref<32x384xi32, #tpu.memory_space<vmem>>, vector<16xi32>,
      %xor3A_165 = arith.xori %get3A_164, %get3A_92 : vector<16xi32>
      %and3A_166 = arith.constant 524287 : i32
      %and3A_167 = vector.broadcast %and3A_166 : i32 to vector<16xi32>
      %and3A_168 = arith.andi %xor3A_165, %and3A_167 : vector<16xi32>
      %mul3A_169 = arith.constant -1640531527 : i32
      %mul3A_170 = vector.broadcast %mul3A_169 : i32 to vector<16xi32>
      %mul3A_171 = arith.muli %xor3A_165, %mul3A_170 : vector<16xi32>
      %shift_right_logical3A_172 = arith.constant 13 : i32
      %shift_right_logical3A_173 = vector.broadcast %shift_right_logical3A_172 : i32 to vector<16xi32>
      %shift_right_logical3A_174 = arith.shrui %mul3A_171, %shift_right_logical3A_173 : vector<16xi32>
      %and3A_175 = arith.constant 524287 : i32
      %and3A_176 = vector.broadcast %and3A_175 : i32 to vector<16xi32>
      %and3A_177 = arith.andi %shift_right_logical3A_174, %and3A_176 : vector<16xi32>
      %shift_right_logical3A_178 = arith.constant 5 : i32
      %shift_right_logical3A_179 = vector.broadcast %shift_right_logical3A_178 : i32 to vector<16xi32>
      %shift_right_logical3A_180 = arith.shrui %and3A_168, %shift_right_logical3A_179 : vector<16xi32>
      %gather3A_181 = tpu.vector_load_idx %arg20[%shift_right_logical3A_180] : memref<16384xi32, #tpu.memory_space<vmem>>[vector<16xi32>], vector<16xi32>,
      %shift_right_logical3A_182 = arith.constant 5 : i32
      %shift_right_logical3A_183 = vector.broadcast %shift_right_logical3A_182 : i32 to vector<16xi32>
      %shift_right_logical3A_184 = arith.shrui %and3A_177, %shift_right_logical3A_183 : vector<16xi32>
      %gather3A_185 = tpu.vector_load_idx %arg20[%shift_right_logical3A_184] : memref<16384xi32, #tpu.memory_space<vmem>>[vector<16xi32>], vector<16xi32>,
      %and3A_186 = arith.constant 31 : i32
      %and3A_187 = vector.broadcast %and3A_186 : i32 to vector<16xi32>
      %and3A_188 = arith.andi %and3A_168, %and3A_187 : vector<16xi32>
      %shift_right_logical3A_189 = arith.shrui %gather3A_181, %and3A_188 : vector<16xi32>
      %and3A_190 = arith.constant 31 : i32
      %and3A_191 = vector.broadcast %and3A_190 : i32 to vector<16xi32>
      %and3A_192 = arith.andi %and3A_177, %and3A_191 : vector<16xi32>
      %shift_right_logical3A_193 = arith.shrui %gather3A_185, %and3A_192 : vector<16xi32>
      %and3A_194 = arith.andi %shift_right_logical3A_189, %shift_right_logical3A_193 : vector<16xi32>
      %and3A_195 = arith.constant 1 : i32
      %and3A_196 = vector.broadcast %and3A_195 : i32 to vector<16xi32>
      %and3A_197 = arith.andi %and3A_194, %and3A_196 : vector<16xi32>
      %or3A_198 = arith.ori %or3A_161, %and3A_197 : vector<16xi32>
      %get3A_199 = arith.index_cast %add3A_90 : i32 to index
      %get3A_200 = arith.constant 48 : index
      %get3A_201 = tpu.vector_load %arg14[%get3A_199, %get3A_200] {strides = array<i32>} : memref<32x384xi32, #tpu.memory_space<vmem>>, vector<16xi32>,
      %xor3A_202 = arith.xori %get3A_201, %get3A_92 : vector<16xi32>
      %and3A_203 = arith.constant 524287 : i32
      %and3A_204 = vector.broadcast %and3A_203 : i32 to vector<16xi32>
      %and3A_205 = arith.andi %xor3A_202, %and3A_204 : vector<16xi32>
      %mul3A_206 = arith.constant -1640531527 : i32
      %mul3A_207 = vector.broadcast %mul3A_206 : i32 to vector<16xi32>
      %mul3A_208 = arith.muli %xor3A_202, %mul3A_207 : vector<16xi32>
      %shift_right_logical3A_209 = arith.constant 13 : i32
      %shift_right_logical3A_210 = vector.broadcast %shift_right_logical3A_209 : i32 to vector<16xi32>
      %shift_right_logical3A_211 = arith.shrui %mul3A_208, %shift_right_logical3A_210 : vector<16xi32>
      %and3A_212 = arith.constant 524287 : i32
      %and3A_213 = vector.broadcast %and3A_212 : i32 to vector<16xi32>
      %and3A_214 = arith.andi %shift_right_logical3A_211, %and3A_213 : vector<16xi32>
      %shift_right_logical3A_215 = arith.constant 5 : i32
      %shift_right_logical3A_216 = vector.broadcast %shift_right_logical3A_215 : i32 to vector<16xi32>
      %shift_right_logical3A_217 = arith.shrui %and3A_205, %shift_right_logical3A_216 : vector<16xi32>
      %gather3A_218 = tpu.vector_load_idx %arg20[%shift_right_logical3A_217] : memref<16384xi32, #tpu.memory_space<vmem>>[vector<16xi32>], vector<16xi32>,
      %shift_right_logical3A_219 = arith.constant 5 : i32
      %shift_right_logical3A_220 = vector.broadcast %shift_right_logical3A_219 : i32 to vector<16xi32>
      %shift_right_logical3A_221 = arith.shrui %and3A_214, %shift_right_logical3A_220 : vector<16xi32>
      %gather3A_222 = tpu.vector_load_idx %arg20[%shift_right_logical3A_221] : memref<16384xi32, #tpu.memory_space<vmem>>[vector<16xi32>], vector<16xi32>,
      %and3A_223 = arith.constant 31 : i32
      %and3A_224 = vector.broadcast %and3A_223 : i32 to vector<16xi32>
      %and3A_225 = arith.andi %and3A_205, %and3A_224 : vector<16xi32>
      %shift_right_logical3A_226 = arith.shrui %gather3A_218, %and3A_225 : vector<16xi32>
      %and3A_227 = arith.constant 31 : i32
      %and3A_228 = vector.broadcast %and3A_227 : i32 to vector<16xi32>
      %and3A_229 = arith.andi %and3A_214, %and3A_228 : vector<16xi32>
      %shift_right_logical3A_230 = arith.shrui %gather3A_222, %and3A_229 : vector<16xi32>
      %and3A_231 = arith.andi %shift_right_logical3A_226, %shift_right_logical3A_230 : vector<16xi32>
      %and3A_232 = arith.constant 1 : i32
      %and3A_233 = vector.broadcast %and3A_232 : i32 to vector<16xi32>
      %and3A_234 = arith.andi %and3A_231, %and3A_233 : vector<16xi32>
      %or3A_235 = arith.ori %or3A_198, %and3A_234 : vector<16xi32>
      %get3A_236 = arith.index_cast %add3A_90 : i32 to index
      %get3A_237 = arith.constant 64 : index
      %get3A_238 = tpu.vector_load %arg14[%get3A_236, %get3A_237] {strides = array<i32>} : memref<32x384xi32, #tpu.memory_space<vmem>>, vector<16xi32>,
      %xor3A_239 = arith.xori %get3A_238, %get3A_92 : vector<16xi32>
      %and3A_240 = arith.constant 524287 : i32
      %and3A_241 = vector.broadcast %and3A_240 : i32 to vector<16xi32>
      %and3A_242 = arith.andi %xor3A_239, %and3A_241 : vector<16xi32>
      %mul3A_243 = arith.constant -1640531527 : i32
      %mul3A_244 = vector.broadcast %mul3A_243 : i32 to vector<16xi32>
      %mul3A_245 = arith.muli %xor3A_239, %mul3A_244 : vector<16xi32>
      %shift_right_logical3A_246 = arith.constant 13 : i32
      %shift_right_logical3A_247 = vector.broadcast %shift_right_logical3A_246 : i32 to vector<16xi32>
      %shift_right_logical3A_248 = arith.shrui %mul3A_245, %shift_right_logical3A_247 : vector<16xi32>
      %and3A_249 = arith.constant 524287 : i32
      %and3A_250 = vector.broadcast %and3A_249 : i32 to vector<16xi32>
      %and3A_251 = arith.andi %shift_right_logical3A_248, %and3A_250 : vector<16xi32>
      %shift_right_logical3A_252 = arith.constant 5 : i32
      %shift_right_logical3A_253 = vector.broadcast %shift_right_logical3A_252 : i32 to vector<16xi32>
      %shift_right_logical3A_254 = arith.shrui %and3A_242, %shift_right_logical3A_253 : vector<16xi32>
      %gather3A_255 = tpu.vector_load_idx %arg20[%shift_right_logical3A_254] : memref<16384xi32, #tpu.memory_space<vmem>>[vector<16xi32>], vector<16xi32>,
      %shift_right_logical3A_256 = arith.constant 5 : i32
      %shift_right_logical3A_257 = vector.broadcast %shift_right_logical3A_256 : i32 to vector<16xi32>
      %shift_right_logical3A_258 = arith.shrui %and3A_251, %shift_right_logical3A_257 : vector<16xi32>
      %gather3A_259 = tpu.vector_load_idx %arg20[%shift_right_logical3A_258] : memref<16384xi32, #tpu.memory_space<vmem>>[vector<16xi32>], vector<16xi32>,
      %and3A_260 = arith.constant 31 : i32
      %and3A_261 = vector.broadcast %and3A_260 : i32 to vector<16xi32>
      %and3A_262 = arith.andi %and3A_242, %and3A_261 : vector<16xi32>
      %shift_right_logical3A_263 = arith.shrui %gather3A_255, %and3A_262 : vector<16xi32>
      %and3A_264 = arith.constant 31 : i32
      %and3A_265 = vector.broadcast %and3A_264 : i32 to vector<16xi32>
      %and3A_266 = arith.andi %and3A_251, %and3A_265 : vector<16xi32>
      %shift_right_logical3A_267 = arith.shrui %gather3A_259, %and3A_266 : vector<16xi32>
      %and3A_268 = arith.andi %shift_right_logical3A_263, %shift_right_logical3A_267 : vector<16xi32>
      %and3A_269 = arith.constant 1 : i32
      %and3A_270 = vector.broadcast %and3A_269 : i32 to vector<16xi32>
      %and3A_271 = arith.andi %and3A_268, %and3A_270 : vector<16xi32>
      %or3A_272 = arith.ori %or3A_235, %and3A_271 : vector<16xi32>
      %get3A_273 = arith.index_cast %add3A_90 : i32 to index
      %get3A_274 = arith.constant 80 : index
      %get3A_275 = tpu.vector_load %arg14[%get3A_273, %get3A_274] {strides = array<i32>} : memref<32x384xi32, #tpu.memory_space<vmem>>, vector<16xi32>,
      %xor3A_276 = arith.xori %get3A_275, %get3A_92 : vector<16xi32>
      %and3A_277 = arith.constant 524287 : i32
      %and3A_278 = vector.broadcast %and3A_277 : i32 to vector<16xi32>
      %and3A_279 = arith.andi %xor3A_276, %and3A_278 : vector<16xi32>
      %mul3A_280 = arith.constant -1640531527 : i32
      %mul3A_281 = vector.broadcast %mul3A_280 : i32 to vector<16xi32>
      %mul3A_282 = arith.muli %xor3A_276, %mul3A_281 : vector<16xi32>
      %shift_right_logical3A_283 = arith.constant 13 : i32
      %shift_right_logical3A_284 = vector.broadcast %shift_right_logical3A_283 : i32 to vector<16xi32>
      %shift_right_logical3A_285 = arith.shrui %mul3A_282, %shift_right_logical3A_284 : vector<16xi32>
      %and3A_286 = arith.constant 524287 : i32
      %and3A_287 = vector.broadcast %and3A_286 : i32 to vector<16xi32>
      %and3A_288 = arith.andi %shift_right_logical3A_285, %and3A_287 : vector<16xi32>
      %shift_right_logical3A_289 = arith.constant 5 : i32
      %shift_right_logical3A_290 = vector.broadcast %shift_right_logical3A_289 : i32 to vector<16xi32>
      %shift_right_logical3A_291 = arith.shrui %and3A_279, %shift_right_logical3A_290 : vector<16xi32>
      %gather3A_292 = tpu.vector_load_idx %arg20[%shift_right_logical3A_291] : memref<16384xi32, #tpu.memory_space<vmem>>[vector<16xi32>], vector<16xi32>,
      %shift_right_logical3A_293 = arith.constant 5 : i32
      %shift_right_logical3A_294 = vector.broadcast %shift_right_logical3A_293 : i32 to vector<16xi32>
      %shift_right_logical3A_295 = arith.shrui %and3A_288, %shift_right_logical3A_294 : vector<16xi32>
      %gather3A_296 = tpu.vector_load_idx %arg20[%shift_right_logical3A_295] : memref<16384xi32, #tpu.memory_space<vmem>>[vector<16xi32>], vector<16xi32>,
      %and3A_297 = arith.constant 31 : i32
      %and3A_298 = vector.broadcast %and3A_297 : i32 to vector<16xi32>
      %and3A_299 = arith.andi %and3A_279, %and3A_298 : vector<16xi32>
      %shift_right_logical3A_300 = arith.shrui %gather3A_292, %and3A_299 : vector<16xi32>
      %and3A_301 = arith.constant 31 : i32
      %and3A_302 = vector.broadcast %and3A_301 : i32 to vector<16xi32>
      %and3A_303 = arith.andi %and3A_288, %and3A_302 : vector<16xi32>
      %shift_right_logical3A_304 = arith.shrui %gather3A_296, %and3A_303 : vector<16xi32>
      %and3A_305 = arith.andi %shift_right_logical3A_300, %shift_right_logical3A_304 : vector<16xi32>
      %and3A_306 = arith.constant 1 : i32
      %and3A_307 = vector.broadcast %and3A_306 : i32 to vector<16xi32>
      %and3A_308 = arith.andi %and3A_305, %and3A_307 : vector<16xi32>
      %or3A_309 = arith.ori %or3A_272, %and3A_308 : vector<16xi32>
      %get3A_310 = arith.index_cast %add3A_90 : i32 to index
      %get3A_311 = arith.constant 96 : index
      %get3A_312 = tpu.vector_load %arg14[%get3A_310, %get3A_311] {strides = array<i32>} : memref<32x384xi32, #tpu.memory_space<vmem>>, vector<16xi32>,
      %xor3A_313 = arith.xori %get3A_312, %get3A_92 : vector<16xi32>
      %and3A_314 = arith.constant 524287 : i32
      %and3A_315 = vector.broadcast %and3A_314 : i32 to vector<16xi32>
      %and3A_316 = arith.andi %xor3A_313, %and3A_315 : vector<16xi32>
      %mul3A_317 = arith.constant -1640531527 : i32
      %mul3A_318 = vector.broadcast %mul3A_317 : i32 to vector<16xi32>
      %mul3A_319 = arith.muli %xor3A_313, %mul3A_318 : vector<16xi32>
      %shift_right_logical3A_320 = arith.constant 13 : i32
      %shift_right_logical3A_321 = vector.broadcast %shift_right_logical3A_320 : i32 to vector<16xi32>
      %shift_right_logical3A_322 = arith.shrui %mul3A_319, %shift_right_logical3A_321 : vector<16xi32>
      %and3A_323 = arith.constant 524287 : i32
      %and3A_324 = vector.broadcast %and3A_323 : i32 to vector<16xi32>
      %and3A_325 = arith.andi %shift_right_logical3A_322, %and3A_324 : vector<16xi32>
      %shift_right_logical3A_326 = arith.constant 5 : i32
      %shift_right_logical3A_327 = vector.broadcast %shift_right_logical3A_326 : i32 to vector<16xi32>
      %shift_right_logical3A_328 = arith.shrui %and3A_316, %shift_right_logical3A_327 : vector<16xi32>
      %gather3A_329 = tpu.vector_load_idx %arg20[%shift_right_logical3A_328] : memref<16384xi32, #tpu.memory_space<vmem>>[vector<16xi32>], vector<16xi32>,
      %shift_right_logical3A_330 = arith.constant 5 : i32
      %shift_right_logical3A_331 = vector.broadcast %shift_right_logical3A_330 : i32 to vector<16xi32>
      %shift_right_logical3A_332 = arith.shrui %and3A_325, %shift_right_logical3A_331 : vector<16xi32>
      %gather3A_333 = tpu.vector_load_idx %arg20[%shift_right_logical3A_332] : memref<16384xi32, #tpu.memory_space<vmem>>[vector<16xi32>], vector<16xi32>,
      %and3A_334 = arith.constant 31 : i32
      %and3A_335 = vector.broadcast %and3A_334 : i32 to vector<16xi32>
      %and3A_336 = arith.andi %and3A_316, %and3A_335 : vector<16xi32>
      %shift_right_logical3A_337 = arith.shrui %gather3A_329, %and3A_336 : vector<16xi32>
      %and3A_338 = arith.constant 31 : i32
      %and3A_339 = vector.broadcast %and3A_338 : i32 to vector<16xi32>
      %and3A_340 = arith.andi %and3A_325, %and3A_339 : vector<16xi32>
      %shift_right_logical3A_341 = arith.shrui %gather3A_333, %and3A_340 : vector<16xi32>
      %and3A_342 = arith.andi %shift_right_logical3A_337, %shift_right_logical3A_341 : vector<16xi32>
      %and3A_343 = arith.constant 1 : i32
      %and3A_344 = vector.broadcast %and3A_343 : i32 to vector<16xi32>
      %and3A_345 = arith.andi %and3A_342, %and3A_344 : vector<16xi32>
      %or3A_346 = arith.ori %or3A_309, %and3A_345 : vector<16xi32>
      %get3A_347 = arith.index_cast %add3A_90 : i32 to index
      %get3A_348 = arith.constant 112 : index
      %get3A_349 = tpu.vector_load %arg14[%get3A_347, %get3A_348] {strides = array<i32>} : memref<32x384xi32, #tpu.memory_space<vmem>>, vector<16xi32>,
      %xor3A_350 = arith.xori %get3A_349, %get3A_92 : vector<16xi32>
      %and3A_351 = arith.constant 524287 : i32
      %and3A_352 = vector.broadcast %and3A_351 : i32 to vector<16xi32>
      %and3A_353 = arith.andi %xor3A_350, %and3A_352 : vector<16xi32>
      %mul3A_354 = arith.constant -1640531527 : i32
      %mul3A_355 = vector.broadcast %mul3A_354 : i32 to vector<16xi32>
      %mul3A_356 = arith.muli %xor3A_350, %mul3A_355 : vector<16xi32>
      %shift_right_logical3A_357 = arith.constant 13 : i32
      %shift_right_logical3A_358 = vector.broadcast %shift_right_logical3A_357 : i32 to vector<16xi32>
      %shift_right_logical3A_359 = arith.shrui %mul3A_356, %shift_right_logical3A_358 : vector<16xi32>
      %and3A_360 = arith.constant 524287 : i32
      %and3A_361 = vector.broadcast %and3A_360 : i32 to vector<16xi32>
      %and3A_362 = arith.andi %shift_right_logical3A_359, %and3A_361 : vector<16xi32>
      %shift_right_logical3A_363 = arith.constant 5 : i32
      %shift_right_logical3A_364 = vector.broadcast %shift_right_logical3A_363 : i32 to vector<16xi32>
      %shift_right_logical3A_365 = arith.shrui %and3A_353, %shift_right_logical3A_364 : vector<16xi32>
      %gather3A_366 = tpu.vector_load_idx %arg20[%shift_right_logical3A_365] : memref<16384xi32, #tpu.memory_space<vmem>>[vector<16xi32>], vector<16xi32>,
      %shift_right_logical3A_367 = arith.constant 5 : i32
      %shift_right_logical3A_368 = vector.broadcast %shift_right_logical3A_367 : i32 to vector<16xi32>
      %shift_right_logical3A_369 = arith.shrui %and3A_362, %shift_right_logical3A_368 : vector<16xi32>
      %gather3A_370 = tpu.vector_load_idx %arg20[%shift_right_logical3A_369] : memref<16384xi32, #tpu.memory_space<vmem>>[vector<16xi32>], vector<16xi32>,
      %and3A_371 = arith.constant 31 : i32
      %and3A_372 = vector.broadcast %and3A_371 : i32 to vector<16xi32>
      %and3A_373 = arith.andi %and3A_353, %and3A_372 : vector<16xi32>
      %shift_right_logical3A_374 = arith.shrui %gather3A_366, %and3A_373 : vector<16xi32>
      %and3A_375 = arith.constant 31 : i32
      %and3A_376 = vector.broadcast %and3A_375 : i32 to vector<16xi32>
      %and3A_377 = arith.andi %and3A_362, %and3A_376 : vector<16xi32>
      %shift_right_logical3A_378 = arith.shrui %gather3A_370, %and3A_377 : vector<16xi32>
      %and3A_379 = arith.andi %shift_right_logical3A_374, %shift_right_logical3A_378 : vector<16xi32>
      %and3A_380 = arith.constant 1 : i32
      %and3A_381 = vector.broadcast %and3A_380 : i32 to vector<16xi32>
      %and3A_382 = arith.andi %and3A_379, %and3A_381 : vector<16xi32>
      %or3A_383 = arith.ori %or3A_346, %and3A_382 : vector<16xi32>
      %get3A_384 = arith.index_cast %add3A_90 : i32 to index
      %get3A_385 = arith.constant 128 : index
      %get3A_386 = tpu.vector_load %arg14[%get3A_384, %get3A_385] {strides = array<i32>} : memref<32x384xi32, #tpu.memory_space<vmem>>, vector<16xi32>,
      %xor3A_387 = arith.xori %get3A_386, %get3A_92 : vector<16xi32>
      %and3A_388 = arith.constant 524287 : i32
      %and3A_389 = vector.broadcast %and3A_388 : i32 to vector<16xi32>
      %and3A_390 = arith.andi %xor3A_387, %and3A_389 : vector<16xi32>
      %mul3A_391 = arith.constant -1640531527 : i32
      %mul3A_392 = vector.broadcast %mul3A_391 : i32 to vector<16xi32>
      %mul3A_393 = arith.muli %xor3A_387, %mul3A_392 : vector<16xi32>
      %shift_right_logical3A_394 = arith.constant 13 : i32
      %shift_right_logical3A_395 = vector.broadcast %shift_right_logical3A_394 : i32 to vector<16xi32>
      %shift_right_logical3A_396 = arith.shrui %mul3A_393, %shift_right_logical3A_395 : vector<16xi32>
      %and3A_397 = arith.constant 524287 : i32
      %and3A_398 = vector.broadcast %and3A_397 : i32 to vector<16xi32>
      %and3A_399 = arith.andi %shift_right_logical3A_396, %and3A_398 : vector<16xi32>
      %shift_right_logical3A_400 = arith.constant 5 : i32
      %shift_right_logical3A_401 = vector.broadcast %shift_right_logical3A_400 : i32 to vector<16xi32>
      %shift_right_logical3A_402 = arith.shrui %and3A_390, %shift_right_logical3A_401 : vector<16xi32>
      %gather3A_403 = tpu.vector_load_idx %arg20[%shift_right_logical3A_402] : memref<16384xi32, #tpu.memory_space<vmem>>[vector<16xi32>], vector<16xi32>,
      %shift_right_logical3A_404 = arith.constant 5 : i32
      %shift_right_logical3A_405 = vector.broadcast %shift_right_logical3A_404 : i32 to vector<16xi32>
      %shift_right_logical3A_406 = arith.shrui %and3A_399, %shift_right_logical3A_405 : vector<16xi32>
      %gather3A_407 = tpu.vector_load_idx %arg20[%shift_right_logical3A_406] : memref<16384xi32, #tpu.memory_space<vmem>>[vector<16xi32>], vector<16xi32>,
      %and3A_408 = arith.constant 31 : i32
      %and3A_409 = vector.broadcast %and3A_408 : i32 to vector<16xi32>
      %and3A_410 = arith.andi %and3A_390, %and3A_409 : vector<16xi32>
      %shift_right_logical3A_411 = arith.shrui %gather3A_403, %and3A_410 : vector<16xi32>
      %and3A_412 = arith.constant 31 : i32
      %and3A_413 = vector.broadcast %and3A_412 : i32 to vector<16xi32>
      %and3A_414 = arith.andi %and3A_399, %and3A_413 : vector<16xi32>
      %shift_right_logical3A_415 = arith.shrui %gather3A_407, %and3A_414 : vector<16xi32>
      %and3A_416 = arith.andi %shift_right_logical3A_411, %shift_right_logical3A_415 : vector<16xi32>
      %and3A_417 = arith.constant 1 : i32
      %and3A_418 = vector.broadcast %and3A_417 : i32 to vector<16xi32>
      %and3A_419 = arith.andi %and3A_416, %and3A_418 : vector<16xi32>
      %or3A_420 = arith.ori %or3A_383, %and3A_419 : vector<16xi32>
      %get3A_421 = arith.index_cast %add3A_90 : i32 to index
      %get3A_422 = arith.constant 144 : index
      %get3A_423 = tpu.vector_load %arg14[%get3A_421, %get3A_422] {strides = array<i32>} : memref<32x384xi32, #tpu.memory_space<vmem>>, vector<16xi32>,
      %xor3A_424 = arith.xori %get3A_423, %get3A_92 : vector<16xi32>
      %and3A_425 = arith.constant 524287 : i32
      %and3A_426 = vector.broadcast %and3A_425 : i32 to vector<16xi32>
      %and3A_427 = arith.andi %xor3A_424, %and3A_426 : vector<16xi32>
      %mul3A_428 = arith.constant -1640531527 : i32
      %mul3A_429 = vector.broadcast %mul3A_428 : i32 to vector<16xi32>
      %mul3A_430 = arith.muli %xor3A_424, %mul3A_429 : vector<16xi32>
      %shift_right_logical3A_431 = arith.constant 13 : i32
      %shift_right_logical3A_432 = vector.broadcast %shift_right_logical3A_431 : i32 to vector<16xi32>
      %shift_right_logical3A_433 = arith.shrui %mul3A_430, %shift_right_logical3A_432 : vector<16xi32>
      %and3A_434 = arith.constant 524287 : i32
      %and3A_435 = vector.broadcast %and3A_434 : i32 to vector<16xi32>
      %and3A_436 = arith.andi %shift_right_logical3A_433, %and3A_435 : vector<16xi32>
      %shift_right_logical3A_437 = arith.constant 5 : i32
      %shift_right_logical3A_438 = vector.broadcast %shift_right_logical3A_437 : i32 to vector<16xi32>
      %shift_right_logical3A_439 = arith.shrui %and3A_427, %shift_right_logical3A_438 : vector<16xi32>
      %gather3A_440 = tpu.vector_load_idx %arg20[%shift_right_logical3A_439] : memref<16384xi32, #tpu.memory_space<vmem>>[vector<16xi32>], vector<16xi32>,
      %shift_right_logical3A_441 = arith.constant 5 : i32
      %shift_right_logical3A_442 = vector.broadcast %shift_right_logical3A_441 : i32 to vector<16xi32>
      %shift_right_logical3A_443 = arith.shrui %and3A_436, %shift_right_logical3A_442 : vector<16xi32>
      %gather3A_444 = tpu.vector_load_idx %arg20[%shift_right_logical3A_443] : memref<16384xi32, #tpu.memory_space<vmem>>[vector<16xi32>], vector<16xi32>,
      %and3A_445 = arith.constant 31 : i32
      %and3A_446 = vector.broadcast %and3A_445 : i32 to vector<16xi32>
      %and3A_447 = arith.andi %and3A_427, %and3A_446 : vector<16xi32>
      %shift_right_logical3A_448 = arith.shrui %gather3A_440, %and3A_447 : vector<16xi32>
      %and3A_449 = arith.constant 31 : i32
      %and3A_450 = vector.broadcast %and3A_449 : i32 to vector<16xi32>
      %and3A_451 = arith.andi %and3A_436, %and3A_450 : vector<16xi32>
      %shift_right_logical3A_452 = arith.shrui %gather3A_444, %and3A_451 : vector<16xi32>
      %and3A_453 = arith.andi %shift_right_logical3A_448, %shift_right_logical3A_452 : vector<16xi32>
      %and3A_454 = arith.constant 1 : i32
      %and3A_455 = vector.broadcast %and3A_454 : i32 to vector<16xi32>
      %and3A_456 = arith.andi %and3A_453, %and3A_455 : vector<16xi32>
      %or3A_457 = arith.ori %or3A_420, %and3A_456 : vector<16xi32>
      %get3A_458 = arith.index_cast %add3A_90 : i32 to index
      %get3A_459 = arith.constant 160 : index
      %get3A_460 = tpu.vector_load %arg14[%get3A_458, %get3A_459] {strides = array<i32>} : memref<32x384xi32, #tpu.memory_space<vmem>>, vector<16xi32>,
      %xor3A_461 = arith.xori %get3A_460, %get3A_92 : vector<16xi32>
      %and3A_462 = arith.constant 524287 : i32
      %and3A_463 = vector.broadcast %and3A_462 : i32 to vector<16xi32>
      %and3A_464 = arith.andi %xor3A_461, %and3A_463 : vector<16xi32>
      %mul3A_465 = arith.constant -1640531527 : i32
      %mul3A_466 = vector.broadcast %mul3A_465 : i32 to vector<16xi32>
      %mul3A_467 = arith.muli %xor3A_461, %mul3A_466 : vector<16xi32>
      %shift_right_logical3A_468 = arith.constant 13 : i32
      %shift_right_logical3A_469 = vector.broadcast %shift_right_logical3A_468 : i32 to vector<16xi32>
      %shift_right_logical3A_470 = arith.shrui %mul3A_467, %shift_right_logical3A_469 : vector<16xi32>
      %and3A_471 = arith.constant 524287 : i32
      %and3A_472 = vector.broadcast %and3A_471 : i32 to vector<16xi32>
      %and3A_473 = arith.andi %shift_right_logical3A_470, %and3A_472 : vector<16xi32>
      %shift_right_logical3A_474 = arith.constant 5 : i32
      %shift_right_logical3A_475 = vector.broadcast %shift_right_logical3A_474 : i32 to vector<16xi32>
      %shift_right_logical3A_476 = arith.shrui %and3A_464, %shift_right_logical3A_475 : vector<16xi32>
      %gather3A_477 = tpu.vector_load_idx %arg20[%shift_right_logical3A_476] : memref<16384xi32, #tpu.memory_space<vmem>>[vector<16xi32>], vector<16xi32>,
      %shift_right_logical3A_478 = arith.constant 5 : i32
      %shift_right_logical3A_479 = vector.broadcast %shift_right_logical3A_478 : i32 to vector<16xi32>
      %shift_right_logical3A_480 = arith.shrui %and3A_473, %shift_right_logical3A_479 : vector<16xi32>
      %gather3A_481 = tpu.vector_load_idx %arg20[%shift_right_logical3A_480] : memref<16384xi32, #tpu.memory_space<vmem>>[vector<16xi32>], vector<16xi32>,
      %and3A_482 = arith.constant 31 : i32
      %and3A_483 = vector.broadcast %and3A_482 : i32 to vector<16xi32>
      %and3A_484 = arith.andi %and3A_464, %and3A_483 : vector<16xi32>
      %shift_right_logical3A_485 = arith.shrui %gather3A_477, %and3A_484 : vector<16xi32>
      %and3A_486 = arith.constant 31 : i32
      %and3A_487 = vector.broadcast %and3A_486 : i32 to vector<16xi32>
      %and3A_488 = arith.andi %and3A_473, %and3A_487 : vector<16xi32>
      %shift_right_logical3A_489 = arith.shrui %gather3A_481, %and3A_488 : vector<16xi32>
      %and3A_490 = arith.andi %shift_right_logical3A_485, %shift_right_logical3A_489 : vector<16xi32>
      %and3A_491 = arith.constant 1 : i32
      %and3A_492 = vector.broadcast %and3A_491 : i32 to vector<16xi32>
      %and3A_493 = arith.andi %and3A_490, %and3A_492 : vector<16xi32>
      %or3A_494 = arith.ori %or3A_457, %and3A_493 : vector<16xi32>
      %get3A_495 = arith.index_cast %add3A_90 : i32 to index
      %get3A_496 = arith.constant 176 : index
      %get3A_497 = tpu.vector_load %arg14[%get3A_495, %get3A_496] {strides = array<i32>} : memref<32x384xi32, #tpu.memory_space<vmem>>, vector<16xi32>,
      %xor3A_498 = arith.xori %get3A_497, %get3A_92 : vector<16xi32>
      %and3A_499 = arith.constant 524287 : i32
      %and3A_500 = vector.broadcast %and3A_499 : i32 to vector<16xi32>
      %and3A_501 = arith.andi %xor3A_498, %and3A_500 : vector<16xi32>
      %mul3A_502 = arith.constant -1640531527 : i32
      %mul3A_503 = vector.broadcast %mul3A_502 : i32 to vector<16xi32>
      %mul3A_504 = arith.muli %xor3A_498, %mul3A_503 : vector<16xi32>
      %shift_right_logical3A_505 = arith.constant 13 : i32
      %shift_right_logical3A_506 = vector.broadcast %shift_right_logical3A_505 : i32 to vector<16xi32>
      %shift_right_logical3A_507 = arith.shrui %mul3A_504, %shift_right_logical3A_506 : vector<16xi32>
      %and3A_508 = arith.constant 524287 : i32
      %and3A_509 = vector.broadcast %and3A_508 : i32 to vector<16xi32>
      %and3A_510 = arith.andi %shift_right_logical3A_507, %and3A_509 : vector<16xi32>
      %shift_right_logical3A_511 = arith.constant 5 : i32
      %shift_right_logical3A_512 = vector.broadcast %shift_right_logical3A_511 : i32 to vector<16xi32>
      %shift_right_logical3A_513 = arith.shrui %and3A_501, %shift_right_logical3A_512 : vector<16xi32>
      %gather3A_514 = tpu.vector_load_idx %arg20[%shift_right_logical3A_513] : memref<16384xi32, #tpu.memory_space<vmem>>[vector<16xi32>], vector<16xi32>,
      %shift_right_logical3A_515 = arith.constant 5 : i32
      %shift_right_logical3A_516 = vector.broadcast %shift_right_logical3A_515 : i32 to vector<16xi32>
      %shift_right_logical3A_517 = arith.shrui %and3A_510, %shift_right_logical3A_516 : vector<16xi32>
      %gather3A_518 = tpu.vector_load_idx %arg20[%shift_right_logical3A_517] : memref<16384xi32, #tpu.memory_space<vmem>>[vector<16xi32>], vector<16xi32>,
      %and3A_519 = arith.constant 31 : i32
      %and3A_520 = vector.broadcast %and3A_519 : i32 to vector<16xi32>
      %and3A_521 = arith.andi %and3A_501, %and3A_520 : vector<16xi32>
      %shift_right_logical3A_522 = arith.shrui %gather3A_514, %and3A_521 : vector<16xi32>
      %and3A_523 = arith.constant 31 : i32
      %and3A_524 = vector.broadcast %and3A_523 : i32 to vector<16xi32>
      %and3A_525 = arith.andi %and3A_510, %and3A_524 : vector<16xi32>
      %shift_right_logical3A_526 = arith.shrui %gather3A_518, %and3A_525 : vector<16xi32>
      %and3A_527 = arith.andi %shift_right_logical3A_522, %shift_right_logical3A_526 : vector<16xi32>
      %and3A_528 = arith.constant 1 : i32
      %and3A_529 = vector.broadcast %and3A_528 : i32 to vector<16xi32>
      %and3A_530 = arith.andi %and3A_527, %and3A_529 : vector<16xi32>
      %or3A_531 = arith.ori %or3A_494, %and3A_530 : vector<16xi32>
      %get3A_532 = arith.index_cast %add3A_90 : i32 to index
      %get3A_533 = arith.constant 192 : index
      %get3A_534 = tpu.vector_load %arg14[%get3A_532, %get3A_533] {strides = array<i32>} : memref<32x384xi32, #tpu.memory_space<vmem>>, vector<16xi32>,
      %xor3A_535 = arith.xori %get3A_534, %get3A_92 : vector<16xi32>
      %and3A_536 = arith.constant 524287 : i32
      %and3A_537 = vector.broadcast %and3A_536 : i32 to vector<16xi32>
      %and3A_538 = arith.andi %xor3A_535, %and3A_537 : vector<16xi32>
      %mul3A_539 = arith.constant -1640531527 : i32
      %mul3A_540 = vector.broadcast %mul3A_539 : i32 to vector<16xi32>
      %mul3A_541 = arith.muli %xor3A_535, %mul3A_540 : vector<16xi32>
      %shift_right_logical3A_542 = arith.constant 13 : i32
      %shift_right_logical3A_543 = vector.broadcast %shift_right_logical3A_542 : i32 to vector<16xi32>
      %shift_right_logical3A_544 = arith.shrui %mul3A_541, %shift_right_logical3A_543 : vector<16xi32>
      %and3A_545 = arith.constant 524287 : i32
      %and3A_546 = vector.broadcast %and3A_545 : i32 to vector<16xi32>
      %and3A_547 = arith.andi %shift_right_logical3A_544, %and3A_546 : vector<16xi32>
      %shift_right_logical3A_548 = arith.constant 5 : i32
      %shift_right_logical3A_549 = vector.broadcast %shift_right_logical3A_548 : i32 to vector<16xi32>
      %shift_right_logical3A_550 = arith.shrui %and3A_538, %shift_right_logical3A_549 : vector<16xi32>
      %gather3A_551 = tpu.vector_load_idx %arg20[%shift_right_logical3A_550] : memref<16384xi32, #tpu.memory_space<vmem>>[vector<16xi32>], vector<16xi32>,
      %shift_right_logical3A_552 = arith.constant 5 : i32
      %shift_right_logical3A_553 = vector.broadcast %shift_right_logical3A_552 : i32 to vector<16xi32>
      %shift_right_logical3A_554 = arith.shrui %and3A_547, %shift_right_logical3A_553 : vector<16xi32>
      %gather3A_555 = tpu.vector_load_idx %arg20[%shift_right_logical3A_554] : memref<16384xi32, #tpu.memory_space<vmem>>[vector<16xi32>], vector<16xi32>,
      %and3A_556 = arith.constant 31 : i32
      %and3A_557 = vector.broadcast %and3A_556 : i32 to vector<16xi32>
      %and3A_558 = arith.andi %and3A_538, %and3A_557 : vector<16xi32>
      %shift_right_logical3A_559 = arith.shrui %gather3A_551, %and3A_558 : vector<16xi32>
      %and3A_560 = arith.constant 31 : i32
      %and3A_561 = vector.broadcast %and3A_560 : i32 to vector<16xi32>
      %and3A_562 = arith.andi %and3A_547, %and3A_561 : vector<16xi32>
      %shift_right_logical3A_563 = arith.shrui %gather3A_555, %and3A_562 : vector<16xi32>
      %and3A_564 = arith.andi %shift_right_logical3A_559, %shift_right_logical3A_563 : vector<16xi32>
      %and3A_565 = arith.constant 1 : i32
      %and3A_566 = vector.broadcast %and3A_565 : i32 to vector<16xi32>
      %and3A_567 = arith.andi %and3A_564, %and3A_566 : vector<16xi32>
      %or3A_568 = arith.ori %or3A_531, %and3A_567 : vector<16xi32>
      %get3A_569 = arith.index_cast %add3A_90 : i32 to index
      %get3A_570 = arith.constant 208 : index
      %get3A_571 = tpu.vector_load %arg14[%get3A_569, %get3A_570] {strides = array<i32>} : memref<32x384xi32, #tpu.memory_space<vmem>>, vector<16xi32>,
      %xor3A_572 = arith.xori %get3A_571, %get3A_92 : vector<16xi32>
      %and3A_573 = arith.constant 524287 : i32
      %and3A_574 = vector.broadcast %and3A_573 : i32 to vector<16xi32>
      %and3A_575 = arith.andi %xor3A_572, %and3A_574 : vector<16xi32>
      %mul3A_576 = arith.constant -1640531527 : i32
      %mul3A_577 = vector.broadcast %mul3A_576 : i32 to vector<16xi32>
      %mul3A_578 = arith.muli %xor3A_572, %mul3A_577 : vector<16xi32>
      %shift_right_logical3A_579 = arith.constant 13 : i32
      %shift_right_logical3A_580 = vector.broadcast %shift_right_logical3A_579 : i32 to vector<16xi32>
      %shift_right_logical3A_581 = arith.shrui %mul3A_578, %shift_right_logical3A_580 : vector<16xi32>
      %and3A_582 = arith.constant 524287 : i32
      %and3A_583 = vector.broadcast %and3A_582 : i32 to vector<16xi32>
      %and3A_584 = arith.andi %shift_right_logical3A_581, %and3A_583 : vector<16xi32>
      %shift_right_logical3A_585 = arith.constant 5 : i32
      %shift_right_logical3A_586 = vector.broadcast %shift_right_logical3A_585 : i32 to vector<16xi32>
      %shift_right_logical3A_587 = arith.shrui %and3A_575, %shift_right_logical3A_586 : vector<16xi32>
      %gather3A_588 = tpu.vector_load_idx %arg20[%shift_right_logical3A_587] : memref<16384xi32, #tpu.memory_space<vmem>>[vector<16xi32>], vector<16xi32>,
      %shift_right_logical3A_589 = arith.constant 5 : i32
      %shift_right_logical3A_590 = vector.broadcast %shift_right_logical3A_589 : i32 to vector<16xi32>
      %shift_right_logical3A_591 = arith.shrui %and3A_584, %shift_right_logical3A_590 : vector<16xi32>
      %gather3A_592 = tpu.vector_load_idx %arg20[%shift_right_logical3A_591] : memref<16384xi32, #tpu.memory_space<vmem>>[vector<16xi32>], vector<16xi32>,
      %and3A_593 = arith.constant 31 : i32
      %and3A_594 = vector.broadcast %and3A_593 : i32 to vector<16xi32>
      %and3A_595 = arith.andi %and3A_575, %and3A_594 : vector<16xi32>
      %shift_right_logical3A_596 = arith.shrui %gather3A_588, %and3A_595 : vector<16xi32>
      %and3A_597 = arith.constant 31 : i32
      %and3A_598 = vector.broadcast %and3A_597 : i32 to vector<16xi32>
      %and3A_599 = arith.andi %and3A_584, %and3A_598 : vector<16xi32>
      %shift_right_logical3A_600 = arith.shrui %gather3A_592, %and3A_599 : vector<16xi32>
      %and3A_601 = arith.andi %shift_right_logical3A_596, %shift_right_logical3A_600 : vector<16xi32>
      %and3A_602 = arith.constant 1 : i32
      %and3A_603 = vector.broadcast %and3A_602 : i32 to vector<16xi32>
      %and3A_604 = arith.andi %and3A_601, %and3A_603 : vector<16xi32>
      %or3A_605 = arith.ori %or3A_568, %and3A_604 : vector<16xi32>
      %get3A_606 = arith.index_cast %add3A_90 : i32 to index
      %get3A_607 = arith.constant 224 : index
      %get3A_608 = tpu.vector_load %arg14[%get3A_606, %get3A_607] {strides = array<i32>} : memref<32x384xi32, #tpu.memory_space<vmem>>, vector<16xi32>,
      %xor3A_609 = arith.xori %get3A_608, %get3A_92 : vector<16xi32>
      %and3A_610 = arith.constant 524287 : i32
      %and3A_611 = vector.broadcast %and3A_610 : i32 to vector<16xi32>
      %and3A_612 = arith.andi %xor3A_609, %and3A_611 : vector<16xi32>
      %mul3A_613 = arith.constant -1640531527 : i32
      %mul3A_614 = vector.broadcast %mul3A_613 : i32 to vector<16xi32>
      %mul3A_615 = arith.muli %xor3A_609, %mul3A_614 : vector<16xi32>
      %shift_right_logical3A_616 = arith.constant 13 : i32
      %shift_right_logical3A_617 = vector.broadcast %shift_right_logical3A_616 : i32 to vector<16xi32>
      %shift_right_logical3A_618 = arith.shrui %mul3A_615, %shift_right_logical3A_617 : vector<16xi32>
      %and3A_619 = arith.constant 524287 : i32
      %and3A_620 = vector.broadcast %and3A_619 : i32 to vector<16xi32>
      %and3A_621 = arith.andi %shift_right_logical3A_618, %and3A_620 : vector<16xi32>
      %shift_right_logical3A_622 = arith.constant 5 : i32
      %shift_right_logical3A_623 = vector.broadcast %shift_right_logical3A_622 : i32 to vector<16xi32>
      %shift_right_logical3A_624 = arith.shrui %and3A_612, %shift_right_logical3A_623 : vector<16xi32>
      %gather3A_625 = tpu.vector_load_idx %arg20[%shift_right_logical3A_624] : memref<16384xi32, #tpu.memory_space<vmem>>[vector<16xi32>], vector<16xi32>,
      %shift_right_logical3A_626 = arith.constant 5 : i32
      %shift_right_logical3A_627 = vector.broadcast %shift_right_logical3A_626 : i32 to vector<16xi32>
      %shift_right_logical3A_628 = arith.shrui %and3A_621, %shift_right_logical3A_627 : vector<16xi32>
      %gather3A_629 = tpu.vector_load_idx %arg20[%shift_right_logical3A_628] : memref<16384xi32, #tpu.memory_space<vmem>>[vector<16xi32>], vector<16xi32>,
      %and3A_630 = arith.constant 31 : i32
      %and3A_631 = vector.broadcast %and3A_630 : i32 to vector<16xi32>
      %and3A_632 = arith.andi %and3A_612, %and3A_631 : vector<16xi32>
      %shift_right_logical3A_633 = arith.shrui %gather3A_625, %and3A_632 : vector<16xi32>
      %and3A_634 = arith.constant 31 : i32
      %and3A_635 = vector.broadcast %and3A_634 : i32 to vector<16xi32>
      %and3A_636 = arith.andi %and3A_621, %and3A_635 : vector<16xi32>
      %shift_right_logical3A_637 = arith.shrui %gather3A_629, %and3A_636 : vector<16xi32>
      %and3A_638 = arith.andi %shift_right_logical3A_633, %shift_right_logical3A_637 : vector<16xi32>
      %and3A_639 = arith.constant 1 : i32
      %and3A_640 = vector.broadcast %and3A_639 : i32 to vector<16xi32>
      %and3A_641 = arith.andi %and3A_638, %and3A_640 : vector<16xi32>
      %or3A_642 = arith.ori %or3A_605, %and3A_641 : vector<16xi32>
      %get3A_643 = arith.index_cast %add3A_90 : i32 to index
      %get3A_644 = arith.constant 240 : index
      %get3A_645 = tpu.vector_load %arg14[%get3A_643, %get3A_644] {strides = array<i32>} : memref<32x384xi32, #tpu.memory_space<vmem>>, vector<16xi32>,
      %xor3A_646 = arith.xori %get3A_645, %get3A_92 : vector<16xi32>
      %and3A_647 = arith.constant 524287 : i32
      %and3A_648 = vector.broadcast %and3A_647 : i32 to vector<16xi32>
      %and3A_649 = arith.andi %xor3A_646, %and3A_648 : vector<16xi32>
      %mul3A_650 = arith.constant -1640531527 : i32
      %mul3A_651 = vector.broadcast %mul3A_650 : i32 to vector<16xi32>
      %mul3A_652 = arith.muli %xor3A_646, %mul3A_651 : vector<16xi32>
      %shift_right_logical3A_653 = arith.constant 13 : i32
      %shift_right_logical3A_654 = vector.broadcast %shift_right_logical3A_653 : i32 to vector<16xi32>
      %shift_right_logical3A_655 = arith.shrui %mul3A_652, %shift_right_logical3A_654 : vector<16xi32>
      %and3A_656 = arith.constant 524287 : i32
      %and3A_657 = vector.broadcast %and3A_656 : i32 to vector<16xi32>
      %and3A_658 = arith.andi %shift_right_logical3A_655, %and3A_657 : vector<16xi32>
      %shift_right_logical3A_659 = arith.constant 5 : i32
      %shift_right_logical3A_660 = vector.broadcast %shift_right_logical3A_659 : i32 to vector<16xi32>
      %shift_right_logical3A_661 = arith.shrui %and3A_649, %shift_right_logical3A_660 : vector<16xi32>
      %gather3A_662 = tpu.vector_load_idx %arg20[%shift_right_logical3A_661] : memref<16384xi32, #tpu.memory_space<vmem>>[vector<16xi32>], vector<16xi32>,
      %shift_right_logical3A_663 = arith.constant 5 : i32
      %shift_right_logical3A_664 = vector.broadcast %shift_right_logical3A_663 : i32 to vector<16xi32>
      %shift_right_logical3A_665 = arith.shrui %and3A_658, %shift_right_logical3A_664 : vector<16xi32>
      %gather3A_666 = tpu.vector_load_idx %arg20[%shift_right_logical3A_665] : memref<16384xi32, #tpu.memory_space<vmem>>[vector<16xi32>], vector<16xi32>,
      %and3A_667 = arith.constant 31 : i32
      %and3A_668 = vector.broadcast %and3A_667 : i32 to vector<16xi32>
      %and3A_669 = arith.andi %and3A_649, %and3A_668 : vector<16xi32>
      %shift_right_logical3A_670 = arith.shrui %gather3A_662, %and3A_669 : vector<16xi32>
      %and3A_671 = arith.constant 31 : i32
      %and3A_672 = vector.broadcast %and3A_671 : i32 to vector<16xi32>
      %and3A_673 = arith.andi %and3A_658, %and3A_672 : vector<16xi32>
      %shift_right_logical3A_674 = arith.shrui %gather3A_666, %and3A_673 : vector<16xi32>
      %and3A_675 = arith.andi %shift_right_logical3A_670, %shift_right_logical3A_674 : vector<16xi32>
      %and3A_676 = arith.constant 1 : i32
      %and3A_677 = vector.broadcast %and3A_676 : i32 to vector<16xi32>
      %and3A_678 = arith.andi %and3A_675, %and3A_677 : vector<16xi32>
      %or3A_679 = arith.ori %or3A_642, %and3A_678 : vector<16xi32>
      %get3A_680 = arith.index_cast %add3A_90 : i32 to index
      %get3A_681 = arith.constant 256 : index
      %get3A_682 = tpu.vector_load %arg14[%get3A_680, %get3A_681] {strides = array<i32>} : memref<32x384xi32, #tpu.memory_space<vmem>>, vector<16xi32>,
      %xor3A_683 = arith.xori %get3A_682, %get3A_92 : vector<16xi32>
      %and3A_684 = arith.constant 524287 : i32
      %and3A_685 = vector.broadcast %and3A_684 : i32 to vector<16xi32>
      %and3A_686 = arith.andi %xor3A_683, %and3A_685 : vector<16xi32>
      %mul3A_687 = arith.constant -1640531527 : i32
      %mul3A_688 = vector.broadcast %mul3A_687 : i32 to vector<16xi32>
      %mul3A_689 = arith.muli %xor3A_683, %mul3A_688 : vector<16xi32>
      %shift_right_logical3A_690 = arith.constant 13 : i32
      %shift_right_logical3A_691 = vector.broadcast %shift_right_logical3A_690 : i32 to vector<16xi32>
      %shift_right_logical3A_692 = arith.shrui %mul3A_689, %shift_right_logical3A_691 : vector<16xi32>
      %and3A_693 = arith.constant 524287 : i32
      %and3A_694 = vector.broadcast %and3A_693 : i32 to vector<16xi32>
      %and3A_695 = arith.andi %shift_right_logical3A_692, %and3A_694 : vector<16xi32>
      %shift_right_logical3A_696 = arith.constant 5 : i32
      %shift_right_logical3A_697 = vector.broadcast %shift_right_logical3A_696 : i32 to vector<16xi32>
      %shift_right_logical3A_698 = arith.shrui %and3A_686, %shift_right_logical3A_697 : vector<16xi32>
      %gather3A_699 = tpu.vector_load_idx %arg20[%shift_right_logical3A_698] : memref<16384xi32, #tpu.memory_space<vmem>>[vector<16xi32>], vector<16xi32>,
      %shift_right_logical3A_700 = arith.constant 5 : i32
      %shift_right_logical3A_701 = vector.broadcast %shift_right_logical3A_700 : i32 to vector<16xi32>
      %shift_right_logical3A_702 = arith.shrui %and3A_695, %shift_right_logical3A_701 : vector<16xi32>
      %gather3A_703 = tpu.vector_load_idx %arg20[%shift_right_logical3A_702] : memref<16384xi32, #tpu.memory_space<vmem>>[vector<16xi32>], vector<16xi32>,
      %and3A_704 = arith.constant 31 : i32
      %and3A_705 = vector.broadcast %and3A_704 : i32 to vector<16xi32>
      %and3A_706 = arith.andi %and3A_686, %and3A_705 : vector<16xi32>
      %shift_right_logical3A_707 = arith.shrui %gather3A_699, %and3A_706 : vector<16xi32>
      %and3A_708 = arith.constant 31 : i32
      %and3A_709 = vector.broadcast %and3A_708 : i32 to vector<16xi32>
      %and3A_710 = arith.andi %and3A_695, %and3A_709 : vector<16xi32>
      %shift_right_logical3A_711 = arith.shrui %gather3A_703, %and3A_710 : vector<16xi32>
      %and3A_712 = arith.andi %shift_right_logical3A_707, %shift_right_logical3A_711 : vector<16xi32>
      %and3A_713 = arith.constant 1 : i32
      %and3A_714 = vector.broadcast %and3A_713 : i32 to vector<16xi32>
      %and3A_715 = arith.andi %and3A_712, %and3A_714 : vector<16xi32>
      %or3A_716 = arith.ori %or3A_679, %and3A_715 : vector<16xi32>
      %get3A_717 = arith.index_cast %add3A_90 : i32 to index
      %get3A_718 = arith.constant 272 : index
      %get3A_719 = tpu.vector_load %arg14[%get3A_717, %get3A_718] {strides = array<i32>} : memref<32x384xi32, #tpu.memory_space<vmem>>, vector<16xi32>,
      %xor3A_720 = arith.xori %get3A_719, %get3A_92 : vector<16xi32>
      %and3A_721 = arith.constant 524287 : i32
      %and3A_722 = vector.broadcast %and3A_721 : i32 to vector<16xi32>
      %and3A_723 = arith.andi %xor3A_720, %and3A_722 : vector<16xi32>
      %mul3A_724 = arith.constant -1640531527 : i32
      %mul3A_725 = vector.broadcast %mul3A_724 : i32 to vector<16xi32>
      %mul3A_726 = arith.muli %xor3A_720, %mul3A_725 : vector<16xi32>
      %shift_right_logical3A_727 = arith.constant 13 : i32
      %shift_right_logical3A_728 = vector.broadcast %shift_right_logical3A_727 : i32 to vector<16xi32>
      %shift_right_logical3A_729 = arith.shrui %mul3A_726, %shift_right_logical3A_728 : vector<16xi32>
      %and3A_730 = arith.constant 524287 : i32
      %and3A_731 = vector.broadcast %and3A_730 : i32 to vector<16xi32>
      %and3A_732 = arith.andi %shift_right_logical3A_729, %and3A_731 : vector<16xi32>
      %shift_right_logical3A_733 = arith.constant 5 : i32
      %shift_right_logical3A_734 = vector.broadcast %shift_right_logical3A_733 : i32 to vector<16xi32>
      %shift_right_logical3A_735 = arith.shrui %and3A_723, %shift_right_logical3A_734 : vector<16xi32>
      %gather3A_736 = tpu.vector_load_idx %arg20[%shift_right_logical3A_735] : memref<16384xi32, #tpu.memory_space<vmem>>[vector<16xi32>], vector<16xi32>,
      %shift_right_logical3A_737 = arith.constant 5 : i32
      %shift_right_logical3A_738 = vector.broadcast %shift_right_logical3A_737 : i32 to vector<16xi32>
      %shift_right_logical3A_739 = arith.shrui %and3A_732, %shift_right_logical3A_738 : vector<16xi32>
      %gather3A_740 = tpu.vector_load_idx %arg20[%shift_right_logical3A_739] : memref<16384xi32, #tpu.memory_space<vmem>>[vector<16xi32>], vector<16xi32>,
      %and3A_741 = arith.constant 31 : i32
      %and3A_742 = vector.broadcast %and3A_741 : i32 to vector<16xi32>
      %and3A_743 = arith.andi %and3A_723, %and3A_742 : vector<16xi32>
      %shift_right_logical3A_744 = arith.shrui %gather3A_736, %and3A_743 : vector<16xi32>
      %and3A_745 = arith.constant 31 : i32
      %and3A_746 = vector.broadcast %and3A_745 : i32 to vector<16xi32>
      %and3A_747 = arith.andi %and3A_732, %and3A_746 : vector<16xi32>
      %shift_right_logical3A_748 = arith.shrui %gather3A_740, %and3A_747 : vector<16xi32>
      %and3A_749 = arith.andi %shift_right_logical3A_744, %shift_right_logical3A_748 : vector<16xi32>
      %and3A_750 = arith.constant 1 : i32
      %and3A_751 = vector.broadcast %and3A_750 : i32 to vector<16xi32>
      %and3A_752 = arith.andi %and3A_749, %and3A_751 : vector<16xi32>
      %or3A_753 = arith.ori %or3A_716, %and3A_752 : vector<16xi32>
      %get3A_754 = arith.index_cast %add3A_90 : i32 to index
      %get3A_755 = arith.constant 288 : index
      %get3A_756 = tpu.vector_load %arg14[%get3A_754, %get3A_755] {strides = array<i32>} : memref<32x384xi32, #tpu.memory_space<vmem>>, vector<16xi32>,
      %xor3A_757 = arith.xori %get3A_756, %get3A_92 : vector<16xi32>
      %and3A_758 = arith.constant 524287 : i32
      %and3A_759 = vector.broadcast %and3A_758 : i32 to vector<16xi32>
      %and3A_760 = arith.andi %xor3A_757, %and3A_759 : vector<16xi32>
      %mul3A_761 = arith.constant -1640531527 : i32
      %mul3A_762 = vector.broadcast %mul3A_761 : i32 to vector<16xi32>
      %mul3A_763 = arith.muli %xor3A_757, %mul3A_762 : vector<16xi32>
      %shift_right_logical3A_764 = arith.constant 13 : i32
      %shift_right_logical3A_765 = vector.broadcast %shift_right_logical3A_764 : i32 to vector<16xi32>
      %shift_right_logical3A_766 = arith.shrui %mul3A_763, %shift_right_logical3A_765 : vector<16xi32>
      %and3A_767 = arith.constant 524287 : i32
      %and3A_768 = vector.broadcast %and3A_767 : i32 to vector<16xi32>
      %and3A_769 = arith.andi %shift_right_logical3A_766, %and3A_768 : vector<16xi32>
      %shift_right_logical3A_770 = arith.constant 5 : i32
      %shift_right_logical3A_771 = vector.broadcast %shift_right_logical3A_770 : i32 to vector<16xi32>
      %shift_right_logical3A_772 = arith.shrui %and3A_760, %shift_right_logical3A_771 : vector<16xi32>
      %gather3A_773 = tpu.vector_load_idx %arg20[%shift_right_logical3A_772] : memref<16384xi32, #tpu.memory_space<vmem>>[vector<16xi32>], vector<16xi32>,
      %shift_right_logical3A_774 = arith.constant 5 : i32
      %shift_right_logical3A_775 = vector.broadcast %shift_right_logical3A_774 : i32 to vector<16xi32>
      %shift_right_logical3A_776 = arith.shrui %and3A_769, %shift_right_logical3A_775 : vector<16xi32>
      %gather3A_777 = tpu.vector_load_idx %arg20[%shift_right_logical3A_776] : memref<16384xi32, #tpu.memory_space<vmem>>[vector<16xi32>], vector<16xi32>,
      %and3A_778 = arith.constant 31 : i32
      %and3A_779 = vector.broadcast %and3A_778 : i32 to vector<16xi32>
      %and3A_780 = arith.andi %and3A_760, %and3A_779 : vector<16xi32>
      %shift_right_logical3A_781 = arith.shrui %gather3A_773, %and3A_780 : vector<16xi32>
      %and3A_782 = arith.constant 31 : i32
      %and3A_783 = vector.broadcast %and3A_782 : i32 to vector<16xi32>
      %and3A_784 = arith.andi %and3A_769, %and3A_783 : vector<16xi32>
      %shift_right_logical3A_785 = arith.shrui %gather3A_777, %and3A_784 : vector<16xi32>
      %and3A_786 = arith.andi %shift_right_logical3A_781, %shift_right_logical3A_785 : vector<16xi32>
      %and3A_787 = arith.constant 1 : i32
      %and3A_788 = vector.broadcast %and3A_787 : i32 to vector<16xi32>
      %and3A_789 = arith.andi %and3A_786, %and3A_788 : vector<16xi32>
      %or3A_790 = arith.ori %or3A_753, %and3A_789 : vector<16xi32>
      %get3A_791 = arith.index_cast %add3A_90 : i32 to index
      %get3A_792 = arith.constant 304 : index
      %get3A_793 = tpu.vector_load %arg14[%get3A_791, %get3A_792] {strides = array<i32>} : memref<32x384xi32, #tpu.memory_space<vmem>>, vector<16xi32>,
      %xor3A_794 = arith.xori %get3A_793, %get3A_92 : vector<16xi32>
      %and3A_795 = arith.constant 524287 : i32
      %and3A_796 = vector.broadcast %and3A_795 : i32 to vector<16xi32>
      %and3A_797 = arith.andi %xor3A_794, %and3A_796 : vector<16xi32>
      %mul3A_798 = arith.constant -1640531527 : i32
      %mul3A_799 = vector.broadcast %mul3A_798 : i32 to vector<16xi32>
      %mul3A_800 = arith.muli %xor3A_794, %mul3A_799 : vector<16xi32>
      %shift_right_logical3A_801 = arith.constant 13 : i32
      %shift_right_logical3A_802 = vector.broadcast %shift_right_logical3A_801 : i32 to vector<16xi32>
      %shift_right_logical3A_803 = arith.shrui %mul3A_800, %shift_right_logical3A_802 : vector<16xi32>
      %and3A_804 = arith.constant 524287 : i32
      %and3A_805 = vector.broadcast %and3A_804 : i32 to vector<16xi32>
      %and3A_806 = arith.andi %shift_right_logical3A_803, %and3A_805 : vector<16xi32>
      %shift_right_logical3A_807 = arith.constant 5 : i32
      %shift_right_logical3A_808 = vector.broadcast %shift_right_logical3A_807 : i32 to vector<16xi32>
      %shift_right_logical3A_809 = arith.shrui %and3A_797, %shift_right_logical3A_808 : vector<16xi32>
      %gather3A_810 = tpu.vector_load_idx %arg20[%shift_right_logical3A_809] : memref<16384xi32, #tpu.memory_space<vmem>>[vector<16xi32>], vector<16xi32>,
      %shift_right_logical3A_811 = arith.constant 5 : i32
      %shift_right_logical3A_812 = vector.broadcast %shift_right_logical3A_811 : i32 to vector<16xi32>
      %shift_right_logical3A_813 = arith.shrui %and3A_806, %shift_right_logical3A_812 : vector<16xi32>
      %gather3A_814 = tpu.vector_load_idx %arg20[%shift_right_logical3A_813] : memref<16384xi32, #tpu.memory_space<vmem>>[vector<16xi32>], vector<16xi32>,
      %and3A_815 = arith.constant 31 : i32
      %and3A_816 = vector.broadcast %and3A_815 : i32 to vector<16xi32>
      %and3A_817 = arith.andi %and3A_797, %and3A_816 : vector<16xi32>
      %shift_right_logical3A_818 = arith.shrui %gather3A_810, %and3A_817 : vector<16xi32>
      %and3A_819 = arith.constant 31 : i32
      %and3A_820 = vector.broadcast %and3A_819 : i32 to vector<16xi32>
      %and3A_821 = arith.andi %and3A_806, %and3A_820 : vector<16xi32>
      %shift_right_logical3A_822 = arith.shrui %gather3A_814, %and3A_821 : vector<16xi32>
      %and3A_823 = arith.andi %shift_right_logical3A_818, %shift_right_logical3A_822 : vector<16xi32>
      %and3A_824 = arith.constant 1 : i32
      %and3A_825 = vector.broadcast %and3A_824 : i32 to vector<16xi32>
      %and3A_826 = arith.andi %and3A_823, %and3A_825 : vector<16xi32>
      %or3A_827 = arith.ori %or3A_790, %and3A_826 : vector<16xi32>
      %get3A_828 = arith.index_cast %add3A_90 : i32 to index
      %get3A_829 = arith.constant 320 : index
      %get3A_830 = tpu.vector_load %arg14[%get3A_828, %get3A_829] {strides = array<i32>} : memref<32x384xi32, #tpu.memory_space<vmem>>, vector<16xi32>,
      %xor3A_831 = arith.xori %get3A_830, %get3A_92 : vector<16xi32>
      %and3A_832 = arith.constant 524287 : i32
      %and3A_833 = vector.broadcast %and3A_832 : i32 to vector<16xi32>
      %and3A_834 = arith.andi %xor3A_831, %and3A_833 : vector<16xi32>
      %mul3A_835 = arith.constant -1640531527 : i32
      %mul3A_836 = vector.broadcast %mul3A_835 : i32 to vector<16xi32>
      %mul3A_837 = arith.muli %xor3A_831, %mul3A_836 : vector<16xi32>
      %shift_right_logical3A_838 = arith.constant 13 : i32
      %shift_right_logical3A_839 = vector.broadcast %shift_right_logical3A_838 : i32 to vector<16xi32>
      %shift_right_logical3A_840 = arith.shrui %mul3A_837, %shift_right_logical3A_839 : vector<16xi32>
      %and3A_841 = arith.constant 524287 : i32
      %and3A_842 = vector.broadcast %and3A_841 : i32 to vector<16xi32>
      %and3A_843 = arith.andi %shift_right_logical3A_840, %and3A_842 : vector<16xi32>
      %shift_right_logical3A_844 = arith.constant 5 : i32
      %shift_right_logical3A_845 = vector.broadcast %shift_right_logical3A_844 : i32 to vector<16xi32>
      %shift_right_logical3A_846 = arith.shrui %and3A_834, %shift_right_logical3A_845 : vector<16xi32>
      %gather3A_847 = tpu.vector_load_idx %arg20[%shift_right_logical3A_846] : memref<16384xi32, #tpu.memory_space<vmem>>[vector<16xi32>], vector<16xi32>,
      %shift_right_logical3A_848 = arith.constant 5 : i32
      %shift_right_logical3A_849 = vector.broadcast %shift_right_logical3A_848 : i32 to vector<16xi32>
      %shift_right_logical3A_850 = arith.shrui %and3A_843, %shift_right_logical3A_849 : vector<16xi32>
      %gather3A_851 = tpu.vector_load_idx %arg20[%shift_right_logical3A_850] : memref<16384xi32, #tpu.memory_space<vmem>>[vector<16xi32>], vector<16xi32>,
      %and3A_852 = arith.constant 31 : i32
      %and3A_853 = vector.broadcast %and3A_852 : i32 to vector<16xi32>
      %and3A_854 = arith.andi %and3A_834, %and3A_853 : vector<16xi32>
      %shift_right_logical3A_855 = arith.shrui %gather3A_847, %and3A_854 : vector<16xi32>
      %and3A_856 = arith.constant 31 : i32
      %and3A_857 = vector.broadcast %and3A_856 : i32 to vector<16xi32>
      %and3A_858 = arith.andi %and3A_843, %and3A_857 : vector<16xi32>
      %shift_right_logical3A_859 = arith.shrui %gather3A_851, %and3A_858 : vector<16xi32>
      %and3A_860 = arith.andi %shift_right_logical3A_855, %shift_right_logical3A_859 : vector<16xi32>
      %and3A_861 = arith.constant 1 : i32
      %and3A_862 = vector.broadcast %and3A_861 : i32 to vector<16xi32>
      %and3A_863 = arith.andi %and3A_860, %and3A_862 : vector<16xi32>
      %or3A_864 = arith.ori %or3A_827, %and3A_863 : vector<16xi32>
      %get3A_865 = arith.index_cast %add3A_90 : i32 to index
      %get3A_866 = arith.constant 336 : index
      %get3A_867 = tpu.vector_load %arg14[%get3A_865, %get3A_866] {strides = array<i32>} : memref<32x384xi32, #tpu.memory_space<vmem>>, vector<16xi32>,
      %xor3A_868 = arith.xori %get3A_867, %get3A_92 : vector<16xi32>
      %and3A_869 = arith.constant 524287 : i32
      %and3A_870 = vector.broadcast %and3A_869 : i32 to vector<16xi32>
      %and3A_871 = arith.andi %xor3A_868, %and3A_870 : vector<16xi32>
      %mul3A_872 = arith.constant -1640531527 : i32
      %mul3A_873 = vector.broadcast %mul3A_872 : i32 to vector<16xi32>
      %mul3A_874 = arith.muli %xor3A_868, %mul3A_873 : vector<16xi32>
      %shift_right_logical3A_875 = arith.constant 13 : i32
      %shift_right_logical3A_876 = vector.broadcast %shift_right_logical3A_875 : i32 to vector<16xi32>
      %shift_right_logical3A_877 = arith.shrui %mul3A_874, %shift_right_logical3A_876 : vector<16xi32>
      %and3A_878 = arith.constant 524287 : i32
      %and3A_879 = vector.broadcast %and3A_878 : i32 to vector<16xi32>
      %and3A_880 = arith.andi %shift_right_logical3A_877, %and3A_879 : vector<16xi32>
      %shift_right_logical3A_881 = arith.constant 5 : i32
      %shift_right_logical3A_882 = vector.broadcast %shift_right_logical3A_881 : i32 to vector<16xi32>
      %shift_right_logical3A_883 = arith.shrui %and3A_871, %shift_right_logical3A_882 : vector<16xi32>
      %gather3A_884 = tpu.vector_load_idx %arg20[%shift_right_logical3A_883] : memref<16384xi32, #tpu.memory_space<vmem>>[vector<16xi32>], vector<16xi32>,
      %shift_right_logical3A_885 = arith.constant 5 : i32
      %shift_right_logical3A_886 = vector.broadcast %shift_right_logical3A_885 : i32 to vector<16xi32>
      %shift_right_logical3A_887 = arith.shrui %and3A_880, %shift_right_logical3A_886 : vector<16xi32>
      %gather3A_888 = tpu.vector_load_idx %arg20[%shift_right_logical3A_887] : memref<16384xi32, #tpu.memory_space<vmem>>[vector<16xi32>], vector<16xi32>,
      %and3A_889 = arith.constant 31 : i32
      %and3A_890 = vector.broadcast %and3A_889 : i32 to vector<16xi32>
      %and3A_891 = arith.andi %and3A_871, %and3A_890 : vector<16xi32>
      %shift_right_logical3A_892 = arith.shrui %gather3A_884, %and3A_891 : vector<16xi32>
      %and3A_893 = arith.constant 31 : i32
      %and3A_894 = vector.broadcast %and3A_893 : i32 to vector<16xi32>
      %and3A_895 = arith.andi %and3A_880, %and3A_894 : vector<16xi32>
      %shift_right_logical3A_896 = arith.shrui %gather3A_888, %and3A_895 : vector<16xi32>
      %and3A_897 = arith.andi %shift_right_logical3A_892, %shift_right_logical3A_896 : vector<16xi32>
      %and3A_898 = arith.constant 1 : i32
      %and3A_899 = vector.broadcast %and3A_898 : i32 to vector<16xi32>
      %and3A_900 = arith.andi %and3A_897, %and3A_899 : vector<16xi32>
      %or3A_901 = arith.ori %or3A_864, %and3A_900 : vector<16xi32>
      %get3A_902 = arith.index_cast %add3A_90 : i32 to index
      %get3A_903 = arith.constant 352 : index
      %get3A_904 = tpu.vector_load %arg14[%get3A_902, %get3A_903] {strides = array<i32>} : memref<32x384xi32, #tpu.memory_space<vmem>>, vector<16xi32>,
      %xor3A_905 = arith.xori %get3A_904, %get3A_92 : vector<16xi32>
      %and3A_906 = arith.constant 524287 : i32
      %and3A_907 = vector.broadcast %and3A_906 : i32 to vector<16xi32>
      %and3A_908 = arith.andi %xor3A_905, %and3A_907 : vector<16xi32>
      %mul3A_909 = arith.constant -1640531527 : i32
      %mul3A_910 = vector.broadcast %mul3A_909 : i32 to vector<16xi32>
      %mul3A_911 = arith.muli %xor3A_905, %mul3A_910 : vector<16xi32>
      %shift_right_logical3A_912 = arith.constant 13 : i32
      %shift_right_logical3A_913 = vector.broadcast %shift_right_logical3A_912 : i32 to vector<16xi32>
      %shift_right_logical3A_914 = arith.shrui %mul3A_911, %shift_right_logical3A_913 : vector<16xi32>
      %and3A_915 = arith.constant 524287 : i32
      %and3A_916 = vector.broadcast %and3A_915 : i32 to vector<16xi32>
      %and3A_917 = arith.andi %shift_right_logical3A_914, %and3A_916 : vector<16xi32>
      %shift_right_logical3A_918 = arith.constant 5 : i32
      %shift_right_logical3A_919 = vector.broadcast %shift_right_logical3A_918 : i32 to vector<16xi32>
      %shift_right_logical3A_920 = arith.shrui %and3A_908, %shift_right_logical3A_919 : vector<16xi32>
      %gather3A_921 = tpu.vector_load_idx %arg20[%shift_right_logical3A_920] : memref<16384xi32, #tpu.memory_space<vmem>>[vector<16xi32>], vector<16xi32>,
      %shift_right_logical3A_922 = arith.constant 5 : i32
      %shift_right_logical3A_923 = vector.broadcast %shift_right_logical3A_922 : i32 to vector<16xi32>
      %shift_right_logical3A_924 = arith.shrui %and3A_917, %shift_right_logical3A_923 : vector<16xi32>
      %gather3A_925 = tpu.vector_load_idx %arg20[%shift_right_logical3A_924] : memref<16384xi32, #tpu.memory_space<vmem>>[vector<16xi32>], vector<16xi32>,
      %and3A_926 = arith.constant 31 : i32
      %and3A_927 = vector.broadcast %and3A_926 : i32 to vector<16xi32>
      %and3A_928 = arith.andi %and3A_908, %and3A_927 : vector<16xi32>
      %shift_right_logical3A_929 = arith.shrui %gather3A_921, %and3A_928 : vector<16xi32>
      %and3A_930 = arith.constant 31 : i32
      %and3A_931 = vector.broadcast %and3A_930 : i32 to vector<16xi32>
      %and3A_932 = arith.andi %and3A_917, %and3A_931 : vector<16xi32>
      %shift_right_logical3A_933 = arith.shrui %gather3A_925, %and3A_932 : vector<16xi32>
      %and3A_934 = arith.andi %shift_right_logical3A_929, %shift_right_logical3A_933 : vector<16xi32>
      %and3A_935 = arith.constant 1 : i32
      %and3A_936 = vector.broadcast %and3A_935 : i32 to vector<16xi32>
      %and3A_937 = arith.andi %and3A_934, %and3A_936 : vector<16xi32>
      %or3A_938 = arith.ori %or3A_901, %and3A_937 : vector<16xi32>
      %get3A_939 = arith.index_cast %add3A_90 : i32 to index
      %get3A_940 = arith.constant 368 : index
      %get3A_941 = tpu.vector_load %arg14[%get3A_939, %get3A_940] {strides = array<i32>} : memref<32x384xi32, #tpu.memory_space<vmem>>, vector<16xi32>,
      %xor3A_942 = arith.xori %get3A_941, %get3A_92 : vector<16xi32>
      %and3A_943 = arith.constant 524287 : i32
      %and3A_944 = vector.broadcast %and3A_943 : i32 to vector<16xi32>
      %and3A_945 = arith.andi %xor3A_942, %and3A_944 : vector<16xi32>
      %mul3A_946 = arith.constant -1640531527 : i32
      %mul3A_947 = vector.broadcast %mul3A_946 : i32 to vector<16xi32>
      %mul3A_948 = arith.muli %xor3A_942, %mul3A_947 : vector<16xi32>
      %shift_right_logical3A_949 = arith.constant 13 : i32
      %shift_right_logical3A_950 = vector.broadcast %shift_right_logical3A_949 : i32 to vector<16xi32>
      %shift_right_logical3A_951 = arith.shrui %mul3A_948, %shift_right_logical3A_950 : vector<16xi32>
      %and3A_952 = arith.constant 524287 : i32
      %and3A_953 = vector.broadcast %and3A_952 : i32 to vector<16xi32>
      %and3A_954 = arith.andi %shift_right_logical3A_951, %and3A_953 : vector<16xi32>
      %shift_right_logical3A_955 = arith.constant 5 : i32
      %shift_right_logical3A_956 = vector.broadcast %shift_right_logical3A_955 : i32 to vector<16xi32>
      %shift_right_logical3A_957 = arith.shrui %and3A_945, %shift_right_logical3A_956 : vector<16xi32>
      %gather3A_958 = tpu.vector_load_idx %arg20[%shift_right_logical3A_957] : memref<16384xi32, #tpu.memory_space<vmem>>[vector<16xi32>], vector<16xi32>,
      %shift_right_logical3A_959 = arith.constant 5 : i32
      %shift_right_logical3A_960 = vector.broadcast %shift_right_logical3A_959 : i32 to vector<16xi32>
      %shift_right_logical3A_961 = arith.shrui %and3A_954, %shift_right_logical3A_960 : vector<16xi32>
      %gather3A_962 = tpu.vector_load_idx %arg20[%shift_right_logical3A_961] : memref<16384xi32, #tpu.memory_space<vmem>>[vector<16xi32>], vector<16xi32>,
      %and3A_963 = arith.constant 31 : i32
      %and3A_964 = vector.broadcast %and3A_963 : i32 to vector<16xi32>
      %and3A_965 = arith.andi %and3A_945, %and3A_964 : vector<16xi32>
      %shift_right_logical3A_966 = arith.shrui %gather3A_958, %and3A_965 : vector<16xi32>
      %and3A_967 = arith.constant 31 : i32
      %and3A_968 = vector.broadcast %and3A_967 : i32 to vector<16xi32>
      %and3A_969 = arith.andi %and3A_954, %and3A_968 : vector<16xi32>
      %shift_right_logical3A_970 = arith.shrui %gather3A_962, %and3A_969 : vector<16xi32>
      %and3A_971 = arith.andi %shift_right_logical3A_966, %shift_right_logical3A_970 : vector<16xi32>
      %and3A_972 = arith.constant 1 : i32
      %and3A_973 = vector.broadcast %and3A_972 : i32 to vector<16xi32>
      %and3A_974 = arith.andi %and3A_971, %and3A_973 : vector<16xi32>
      %or3A_975 = arith.ori %or3A_938, %and3A_974 : vector<16xi32>
      %swap3A_976 = arith.index_cast %add3A_90 : i32 to index
      %swap3A_977 = arith.constant 0 : index
      %swap3A_978 = tpu.vector_load %arg23[%swap3A_976, %swap3A_977] {strides = array<i32>} : memref<32x16xi32, #tpu.memory_space<vmem>>, vector<16xi32>,
      tpu.vector_store %arg23[%swap3A_976, %swap3A_977], %or3A_975 {strides = array<i32>} : memref<32x16xi32, #tpu.memory_space<vmem>>, vector<16xi32>,
      %broadcast_in_dim3A_979 = arith.constant 0 : i32
      %broadcast_in_dim3A_980 = vector.broadcast %broadcast_in_dim3A_979 : i32 to vector<16xi32>
      %add3A_981 = vector.broadcast %add3A_90 : i32 to vector<16xi32>
      %add3A_982 = arith.addi %broadcast_in_dim3A_980, %add3A_981 : vector<16xi32>
      %get3A_983 = arith.index_cast %add3A_90 : i32 to index
      %get3A_984 = arith.constant 32 : index
      %get3A_985 = tpu.vector_load %arg13[%get3A_983, %get3A_984] {strides = array<i32>} : memref<32x448xi32, #tpu.memory_space<vmem>>, vector<16xi32>,
      %add3A_986 = arith.constant 31 : i32
      %add3A_987 = vector.broadcast %add3A_986 : i32 to vector<16xi32>
      %add3A_988 = arith.addi %iota3A, %add3A_987 : vector<16xi32>
      %gather3A_989 = tpu.vector_load_idx %arg13[%add3A_982, %add3A_988] : memref<32x448xi32, #tpu.memory_space<vmem>>[vector<16xi32>, vector<16xi32>], vector<16xi32>,
      %add3A_990 = arith.constant 33 : i32
      %add3A_991 = vector.broadcast %add3A_990 : i32 to vector<16xi32>
      %add3A_992 = arith.addi %iota3A, %add3A_991 : vector<16xi32>
      %gather3A_993 = tpu.vector_load_idx %arg13[%add3A_982, %add3A_992] : memref<32x448xi32, #tpu.memory_space<vmem>>[vector<16xi32>, vector<16xi32>], vector<16xi32>,
      %add3A_994 = arith.constant 13 : i32
      %add3A_995 = vector.broadcast %add3A_994 : i32 to vector<16xi32>
      %add3A_996 = arith.addi %iota3A, %add3A_995 : vector<16xi32>
      %gather3A_997 = tpu.vector_load_idx %arg13[%add3A_982, %add3A_996] : memref<32x448xi32, #tpu.memory_space<vmem>>[vector<16xi32>, vector<16xi32>], vector<16xi32>,
      %add3A_998 = arith.constant 51 : i32
      %add3A_999 = vector.broadcast %add3A_998 : i32 to vector<16xi32>
      %add3A_1000 = arith.addi %iota3A, %add3A_999 : vector<16xi32>
      %gather3A_1001 = tpu.vector_load_idx %arg13[%add3A_982, %add3A_1000] : memref<32x448xi32, #tpu.memory_space<vmem>>[vector<16xi32>, vector<16xi32>], vector<16xi32>,
      %get3A_1002 = arith.constant 0 : index
      %get3A_1003 = tpu.vector_load %arg21[%get3A_1002] {strides = array<i32>} : memref<768xi32, #tpu.memory_space<vmem>>, vector<16xi32>,
      %get3A_1004 = arith.constant 384 : index
      %get3A_1005 = tpu.vector_load %arg21[%get3A_1004] {strides = array<i32>} : memref<768xi32, #tpu.memory_space<vmem>>, vector<16xi32>,
      %eq3A = arith.constant 0 : i32
      %eq3A_1006 = vector.broadcast %eq3A : i32 to vector<16xi32>
      %eq3A_1007 = arith.cmpi eq, %gather3A_989, %eq3A_1006 : vector<16xi32>
      %ne3A_1008 = arith.constant 0 : i32
      %ne3A_1009 = vector.broadcast %ne3A_1008 : i32 to vector<16xi32>
      %ne3A_1010 = arith.cmpi ne, %get3A_1003, %ne3A_1009 : vector<16xi32>
      %and3A_1011 = arith.andi %eq3A_1007, %ne3A_1010 : vector<16xi1>
      %eq3A_1012 = arith.constant 0 : i32
      %eq3A_1013 = vector.broadcast %eq3A_1012 : i32 to vector<16xi32>
      %eq3A_1014 = arith.cmpi eq, %gather3A_993, %eq3A_1013 : vector<16xi32>
      %ne3A_1015 = arith.constant 0 : i32
      %ne3A_1016 = vector.broadcast %ne3A_1015 : i32 to vector<16xi32>
      %ne3A_1017 = arith.cmpi ne, %get3A_1005, %ne3A_1016 : vector<16xi32>
      %and3A_1018 = arith.andi %eq3A_1014, %ne3A_1017 : vector<16xi1>
      %eq3A_1019 = arith.constant 0 : i32
      %eq3A_1020 = vector.broadcast %eq3A_1019 : i32 to vector<16xi32>
      %eq3A_1021 = arith.cmpi eq, %get3A_985, %eq3A_1020 : vector<16xi32>
      %eq3A_1022 = arith.constant 0 : i32
      %eq3A_1023 = vector.broadcast %eq3A_1022 : i32 to vector<16xi32>
      %eq3A_1024 = arith.cmpi eq, %gather3A_997, %eq3A_1023 : vector<16xi32>
      %eq3A_1025 = arith.constant 0 : i32
      %eq3A_1026 = vector.broadcast %eq3A_1025 : i32 to vector<16xi32>
      %eq3A_1027 = arith.cmpi eq, %gather3A_1001, %eq3A_1026 : vector<16xi32>
      %or3A_1028 = arith.ori %eq3A_1024, %eq3A_1027 : vector<16xi1>
      %or3A_1029 = arith.ori %or3A_1028, %and3A_1011 : vector<16xi1>
      %or3A_1030 = arith.ori %or3A_1029, %and3A_1018 : vector<16xi1>
      %and3A_1031 = arith.andi %eq3A_1021, %or3A_1030 : vector<16xi1>
      %get3A_1032 = arith.index_cast %add3A_90 : i32 to index
      %get3A_1033 = arith.constant 0 : index
      %get3A_1034 = tpu.vector_load %arg12[%get3A_1032, %get3A_1033] {strides = array<i32>} : memref<32x384xf32, #tpu.memory_space<vmem>>, vector<16xf32>,
      %select_n3A = arith.select %and3A_1031, %get3A_1034, %broadcast_in_dim3A_7 : vector<16xi1>, vector<16xf32>
      %swap3A_1035 = arith.index_cast %add3A_90 : i32 to index
      %swap3A_1036 = arith.constant 0 : index
      %swap3A_1037 = tpu.vector_load %arg15[%swap3A_1035, %swap3A_1036] {strides = array<i32>} : memref<32x384xf32, #tpu.memory_space<vmem>>, vector<16xf32>,
      tpu.vector_store %arg15[%swap3A_1035, %swap3A_1036], %select_n3A {strides = array<i32>} : memref<32x384xf32, #tpu.memory_space<vmem>>, vector<16xf32>,
      %get3A_1038 = arith.index_cast %add3A_90 : i32 to index
      %get3A_1039 = arith.constant 48 : index
      %get3A_1040 = tpu.vector_load %arg13[%get3A_1038, %get3A_1039] {strides = array<i32>} : memref<32x448xi32, #tpu.memory_space<vmem>>, vector<16xi32>,
      %add3A_1041 = arith.constant 47 : i32
      %add3A_1042 = vector.broadcast %add3A_1041 : i32 to vector<16xi32>
      %add3A_1043 = arith.addi %iota3A, %add3A_1042 : vector<16xi32>
      %gather3A_1044 = tpu.vector_load_idx %arg13[%add3A_982, %add3A_1043] : memref<32x448xi32, #tpu.memory_space<vmem>>[vector<16xi32>, vector<16xi32>], vector<16xi32>,
      %add3A_1045 = arith.constant 49 : i32
      %add3A_1046 = vector.broadcast %add3A_1045 : i32 to vector<16xi32>
      %add3A_1047 = arith.addi %iota3A, %add3A_1046 : vector<16xi32>
      %gather3A_1048 = tpu.vector_load_idx %arg13[%add3A_982, %add3A_1047] : memref<32x448xi32, #tpu.memory_space<vmem>>[vector<16xi32>, vector<16xi32>], vector<16xi32>,
      %add3A_1049 = arith.constant 29 : i32
      %add3A_1050 = vector.broadcast %add3A_1049 : i32 to vector<16xi32>
      %add3A_1051 = arith.addi %iota3A, %add3A_1050 : vector<16xi32>
      %gather3A_1052 = tpu.vector_load_idx %arg13[%add3A_982, %add3A_1051] : memref<32x448xi32, #tpu.memory_space<vmem>>[vector<16xi32>, vector<16xi32>], vector<16xi32>,
      %add3A_1053 = arith.constant 67 : i32
      %add3A_1054 = vector.broadcast %add3A_1053 : i32 to vector<16xi32>
      %add3A_1055 = arith.addi %iota3A, %add3A_1054 : vector<16xi32>
      %gather3A_1056 = tpu.vector_load_idx %arg13[%add3A_982, %add3A_1055] : memref<32x448xi32, #tpu.memory_space<vmem>>[vector<16xi32>, vector<16xi32>], vector<16xi32>,
      %get3A_1057 = arith.constant 16 : index
      %get3A_1058 = tpu.vector_load %arg21[%get3A_1057] {strides = array<i32>} : memref<768xi32, #tpu.memory_space<vmem>>, vector<16xi32>,
      %get3A_1059 = arith.constant 400 : index
      %get3A_1060 = tpu.vector_load %arg21[%get3A_1059] {strides = array<i32>} : memref<768xi32, #tpu.memory_space<vmem>>, vector<16xi32>,
      %eq3A_1061 = arith.constant 0 : i32
      %eq3A_1062 = vector.broadcast %eq3A_1061 : i32 to vector<16xi32>
      %eq3A_1063 = arith.cmpi eq, %gather3A_1044, %eq3A_1062 : vector<16xi32>
      %ne3A_1064 = arith.constant 0 : i32
      %ne3A_1065 = vector.broadcast %ne3A_1064 : i32 to vector<16xi32>
      %ne3A_1066 = arith.cmpi ne, %get3A_1058, %ne3A_1065 : vector<16xi32>
      %and3A_1067 = arith.andi %eq3A_1063, %ne3A_1066 : vector<16xi1>
      %eq3A_1068 = arith.constant 0 : i32
      %eq3A_1069 = vector.broadcast %eq3A_1068 : i32 to vector<16xi32>
      %eq3A_1070 = arith.cmpi eq, %gather3A_1048, %eq3A_1069 : vector<16xi32>
      %ne3A_1071 = arith.constant 0 : i32
      %ne3A_1072 = vector.broadcast %ne3A_1071 : i32 to vector<16xi32>
      %ne3A_1073 = arith.cmpi ne, %get3A_1060, %ne3A_1072 : vector<16xi32>
      %and3A_1074 = arith.andi %eq3A_1070, %ne3A_1073 : vector<16xi1>
      %eq3A_1075 = arith.constant 0 : i32
      %eq3A_1076 = vector.broadcast %eq3A_1075 : i32 to vector<16xi32>
      %eq3A_1077 = arith.cmpi eq, %get3A_1040, %eq3A_1076 : vector<16xi32>
      %eq3A_1078 = arith.constant 0 : i32
      %eq3A_1079 = vector.broadcast %eq3A_1078 : i32 to vector<16xi32>
      %eq3A_1080 = arith.cmpi eq, %gather3A_1052, %eq3A_1079 : vector<16xi32>
      %eq3A_1081 = arith.constant 0 : i32
      %eq3A_1082 = vector.broadcast %eq3A_1081 : i32 to vector<16xi32>
      %eq3A_1083 = arith.cmpi eq, %gather3A_1056, %eq3A_1082 : vector<16xi32>
      %or3A_1084 = arith.ori %eq3A_1080, %eq3A_1083 : vector<16xi1>
      %or3A_1085 = arith.ori %or3A_1084, %and3A_1067 : vector<16xi1>
      %or3A_1086 = arith.ori %or3A_1085, %and3A_1074 : vector<16xi1>
      %and3A_1087 = arith.andi %eq3A_1077, %or3A_1086 : vector<16xi1>
      %get3A_1088 = arith.index_cast %add3A_90 : i32 to index
      %get3A_1089 = arith.constant 16 : index
      %get3A_1090 = tpu.vector_load %arg12[%get3A_1088, %get3A_1089] {strides = array<i32>} : memref<32x384xf32, #tpu.memory_space<vmem>>, vector<16xf32>,
      %select_n3A_1091 = arith.select %and3A_1087, %get3A_1090, %broadcast_in_dim3A_7 : vector<16xi1>, vector<16xf32>
      %swap3A_1092 = arith.index_cast %add3A_90 : i32 to index
      %swap3A_1093 = arith.constant 16 : index
      %swap3A_1094 = tpu.vector_load %arg15[%swap3A_1092, %swap3A_1093] {strides = array<i32>} : memref<32x384xf32, #tpu.memory_space<vmem>>, vector<16xf32>,
      tpu.vector_store %arg15[%swap3A_1092, %swap3A_1093], %select_n3A_1091 {strides = array<i32>} : memref<32x384xf32, #tpu.memory_space<vmem>>, vector<16xf32>,
      %get3A_1095 = arith.index_cast %add3A_90 : i32 to index
      %get3A_1096 = arith.constant 64 : index
      %get3A_1097 = tpu.vector_load %arg13[%get3A_1095, %get3A_1096] {strides = array<i32>} : memref<32x448xi32, #tpu.memory_space<vmem>>, vector<16xi32>,
      %add3A_1098 = arith.constant 63 : i32
      %add3A_1099 = vector.broadcast %add3A_1098 : i32 to vector<16xi32>
      %add3A_1100 = arith.addi %iota3A, %add3A_1099 : vector<16xi32>
      %gather3A_1101 = tpu.vector_load_idx %arg13[%add3A_982, %add3A_1100] : memref<32x448xi32, #tpu.memory_space<vmem>>[vector<16xi32>, vector<16xi32>], vector<16xi32>,
      %add3A_1102 = arith.constant 65 : i32
      %add3A_1103 = vector.broadcast %add3A_1102 : i32 to vector<16xi32>
      %add3A_1104 = arith.addi %iota3A, %add3A_1103 : vector<16xi32>
      %gather3A_1105 = tpu.vector_load_idx %arg13[%add3A_982, %add3A_1104] : memref<32x448xi32, #tpu.memory_space<vmem>>[vector<16xi32>, vector<16xi32>], vector<16xi32>,
      %add3A_1106 = arith.constant 45 : i32
      %add3A_1107 = vector.broadcast %add3A_1106 : i32 to vector<16xi32>
      %add3A_1108 = arith.addi %iota3A, %add3A_1107 : vector<16xi32>
      %gather3A_1109 = tpu.vector_load_idx %arg13[%add3A_982, %add3A_1108] : memref<32x448xi32, #tpu.memory_space<vmem>>[vector<16xi32>, vector<16xi32>], vector<16xi32>,
      %add3A_1110 = arith.constant 83 : i32
      %add3A_1111 = vector.broadcast %add3A_1110 : i32 to vector<16xi32>
      %add3A_1112 = arith.addi %iota3A, %add3A_1111 : vector<16xi32>
      %gather3A_1113 = tpu.vector_load_idx %arg13[%add3A_982, %add3A_1112] : memref<32x448xi32, #tpu.memory_space<vmem>>[vector<16xi32>, vector<16xi32>], vector<16xi32>,
      %get3A_1114 = arith.constant 32 : index
      %get3A_1115 = tpu.vector_load %arg21[%get3A_1114] {strides = array<i32>} : memref<768xi32, #tpu.memory_space<vmem>>, vector<16xi32>,
      %get3A_1116 = arith.constant 416 : index
      %get3A_1117 = tpu.vector_load %arg21[%get3A_1116] {strides = array<i32>} : memref<768xi32, #tpu.memory_space<vmem>>, vector<16xi32>,
      %eq3A_1118 = arith.constant 0 : i32
      %eq3A_1119 = vector.broadcast %eq3A_1118 : i32 to vector<16xi32>
      %eq3A_1120 = arith.cmpi eq, %gather3A_1101, %eq3A_1119 : vector<16xi32>
      %ne3A_1121 = arith.constant 0 : i32
      %ne3A_1122 = vector.broadcast %ne3A_1121 : i32 to vector<16xi32>
      %ne3A_1123 = arith.cmpi ne, %get3A_1115, %ne3A_1122 : vector<16xi32>
      %and3A_1124 = arith.andi %eq3A_1120, %ne3A_1123 : vector<16xi1>
      %eq3A_1125 = arith.constant 0 : i32
      %eq3A_1126 = vector.broadcast %eq3A_1125 : i32 to vector<16xi32>
      %eq3A_1127 = arith.cmpi eq, %gather3A_1105, %eq3A_1126 : vector<16xi32>
      %ne3A_1128 = arith.constant 0 : i32
      %ne3A_1129 = vector.broadcast %ne3A_1128 : i32 to vector<16xi32>
      %ne3A_1130 = arith.cmpi ne, %get3A_1117, %ne3A_1129 : vector<16xi32>
      %and3A_1131 = arith.andi %eq3A_1127, %ne3A_1130 : vector<16xi1>
      %eq3A_1132 = arith.constant 0 : i32
      %eq3A_1133 = vector.broadcast %eq3A_1132 : i32 to vector<16xi32>
      %eq3A_1134 = arith.cmpi eq, %get3A_1097, %eq3A_1133 : vector<16xi32>
      %eq3A_1135 = arith.constant 0 : i32
      %eq3A_1136 = vector.broadcast %eq3A_1135 : i32 to vector<16xi32>
      %eq3A_1137 = arith.cmpi eq, %gather3A_1109, %eq3A_1136 : vector<16xi32>
      %eq3A_1138 = arith.constant 0 : i32
      %eq3A_1139 = vector.broadcast %eq3A_1138 : i32 to vector<16xi32>
      %eq3A_1140 = arith.cmpi eq, %gather3A_1113, %eq3A_1139 : vector<16xi32>
      %or3A_1141 = arith.ori %eq3A_1137, %eq3A_1140 : vector<16xi1>
      %or3A_1142 = arith.ori %or3A_1141, %and3A_1124 : vector<16xi1>
      %or3A_1143 = arith.ori %or3A_1142, %and3A_1131 : vector<16xi1>
      %and3A_1144 = arith.andi %eq3A_1134, %or3A_1143 : vector<16xi1>
      %get3A_1145 = arith.index_cast %add3A_90 : i32 to index
      %get3A_1146 = arith.constant 32 : index
      %get3A_1147 = tpu.vector_load %arg12[%get3A_1145, %get3A_1146] {strides = array<i32>} : memref<32x384xf32, #tpu.memory_space<vmem>>, vector<16xf32>,
      %select_n3A_1148 = arith.select %and3A_1144, %get3A_1147, %broadcast_in_dim3A_7 : vector<16xi1>, vector<16xf32>
      %swap3A_1149 = arith.index_cast %add3A_90 : i32 to index
      %swap3A_1150 = arith.constant 32 : index
      %swap3A_1151 = tpu.vector_load %arg15[%swap3A_1149, %swap3A_1150] {strides = array<i32>} : memref<32x384xf32, #tpu.memory_space<vmem>>, vector<16xf32>,
      tpu.vector_store %arg15[%swap3A_1149, %swap3A_1150], %select_n3A_1148 {strides = array<i32>} : memref<32x384xf32, #tpu.memory_space<vmem>>, vector<16xf32>,
      %get3A_1152 = arith.index_cast %add3A_90 : i32 to index
      %get3A_1153 = arith.constant 80 : index
      %get3A_1154 = tpu.vector_load %arg13[%get3A_1152, %get3A_1153] {strides = array<i32>} : memref<32x448xi32, #tpu.memory_space<vmem>>, vector<16xi32>,
      %add3A_1155 = arith.constant 79 : i32
      %add3A_1156 = vector.broadcast %add3A_1155 : i32 to vector<16xi32>
      %add3A_1157 = arith.addi %iota3A, %add3A_1156 : vector<16xi32>
      %gather3A_1158 = tpu.vector_load_idx %arg13[%add3A_982, %add3A_1157] : memref<32x448xi32, #tpu.memory_space<vmem>>[vector<16xi32>, vector<16xi32>], vector<16xi32>,
      %add3A_1159 = arith.constant 81 : i32
      %add3A_1160 = vector.broadcast %add3A_1159 : i32 to vector<16xi32>
      %add3A_1161 = arith.addi %iota3A, %add3A_1160 : vector<16xi32>
      %gather3A_1162 = tpu.vector_load_idx %arg13[%add3A_982, %add3A_1161] : memref<32x448xi32, #tpu.memory_space<vmem>>[vector<16xi32>, vector<16xi32>], vector<16xi32>,
      %add3A_1163 = arith.constant 61 : i32
      %add3A_1164 = vector.broadcast %add3A_1163 : i32 to vector<16xi32>
      %add3A_1165 = arith.addi %iota3A, %add3A_1164 : vector<16xi32>
      %gather3A_1166 = tpu.vector_load_idx %arg13[%add3A_982, %add3A_1165] : memref<32x448xi32, #tpu.memory_space<vmem>>[vector<16xi32>, vector<16xi32>], vector<16xi32>,
      %add3A_1167 = arith.constant 99 : i32
      %add3A_1168 = vector.broadcast %add3A_1167 : i32 to vector<16xi32>
      %add3A_1169 = arith.addi %iota3A, %add3A_1168 : vector<16xi32>
      %gather3A_1170 = tpu.vector_load_idx %arg13[%add3A_982, %add3A_1169] : memref<32x448xi32, #tpu.memory_space<vmem>>[vector<16xi32>, vector<16xi32>], vector<16xi32>,
      %get3A_1171 = arith.constant 48 : index
      %get3A_1172 = tpu.vector_load %arg21[%get3A_1171] {strides = array<i32>} : memref<768xi32, #tpu.memory_space<vmem>>, vector<16xi32>,
      %get3A_1173 = arith.constant 432 : index
      %get3A_1174 = tpu.vector_load %arg21[%get3A_1173] {strides = array<i32>} : memref<768xi32, #tpu.memory_space<vmem>>, vector<16xi32>,
      %eq3A_1175 = arith.constant 0 : i32
      %eq3A_1176 = vector.broadcast %eq3A_1175 : i32 to vector<16xi32>
      %eq3A_1177 = arith.cmpi eq, %gather3A_1158, %eq3A_1176 : vector<16xi32>
      %ne3A_1178 = arith.constant 0 : i32
      %ne3A_1179 = vector.broadcast %ne3A_1178 : i32 to vector<16xi32>
      %ne3A_1180 = arith.cmpi ne, %get3A_1172, %ne3A_1179 : vector<16xi32>
      %and3A_1181 = arith.andi %eq3A_1177, %ne3A_1180 : vector<16xi1>
      %eq3A_1182 = arith.constant 0 : i32
      %eq3A_1183 = vector.broadcast %eq3A_1182 : i32 to vector<16xi32>
      %eq3A_1184 = arith.cmpi eq, %gather3A_1162, %eq3A_1183 : vector<16xi32>
      %ne3A_1185 = arith.constant 0 : i32
      %ne3A_1186 = vector.broadcast %ne3A_1185 : i32 to vector<16xi32>
      %ne3A_1187 = arith.cmpi ne, %get3A_1174, %ne3A_1186 : vector<16xi32>
      %and3A_1188 = arith.andi %eq3A_1184, %ne3A_1187 : vector<16xi1>
      %eq3A_1189 = arith.constant 0 : i32
      %eq3A_1190 = vector.broadcast %eq3A_1189 : i32 to vector<16xi32>
      %eq3A_1191 = arith.cmpi eq, %get3A_1154, %eq3A_1190 : vector<16xi32>
      %eq3A_1192 = arith.constant 0 : i32
      %eq3A_1193 = vector.broadcast %eq3A_1192 : i32 to vector<16xi32>
      %eq3A_1194 = arith.cmpi eq, %gather3A_1166, %eq3A_1193 : vector<16xi32>
      %eq3A_1195 = arith.constant 0 : i32
      %eq3A_1196 = vector.broadcast %eq3A_1195 : i32 to vector<16xi32>
      %eq3A_1197 = arith.cmpi eq, %gather3A_1170, %eq3A_1196 : vector<16xi32>
      %or3A_1198 = arith.ori %eq3A_1194, %eq3A_1197 : vector<16xi1>
      %or3A_1199 = arith.ori %or3A_1198, %and3A_1181 : vector<16xi1>
      %or3A_1200 = arith.ori %or3A_1199, %and3A_1188 : vector<16xi1>
      %and3A_1201 = arith.andi %eq3A_1191, %or3A_1200 : vector<16xi1>
      %get3A_1202 = arith.index_cast %add3A_90 : i32 to index
      %get3A_1203 = arith.constant 48 : index
      %get3A_1204 = tpu.vector_load %arg12[%get3A_1202, %get3A_1203] {strides = array<i32>} : memref<32x384xf32, #tpu.memory_space<vmem>>, vector<16xf32>,
      %select_n3A_1205 = arith.select %and3A_1201, %get3A_1204, %broadcast_in_dim3A_7 : vector<16xi1>, vector<16xf32>
      %swap3A_1206 = arith.index_cast %add3A_90 : i32 to index
      %swap3A_1207 = arith.constant 48 : index
      %swap3A_1208 = tpu.vector_load %arg15[%swap3A_1206, %swap3A_1207] {strides = array<i32>} : memref<32x384xf32, #tpu.memory_space<vmem>>, vector<16xf32>,
      tpu.vector_store %arg15[%swap3A_1206, %swap3A_1207], %select_n3A_1205 {strides = array<i32>} : memref<32x384xf32, #tpu.memory_space<vmem>>, vector<16xf32>,
      %get3A_1209 = arith.index_cast %add3A_90 : i32 to index
      %get3A_1210 = arith.constant 96 : index
      %get3A_1211 = tpu.vector_load %arg13[%get3A_1209, %get3A_1210] {strides = array<i32>} : memref<32x448xi32, #tpu.memory_space<vmem>>, vector<16xi32>,
      %add3A_1212 = arith.constant 95 : i32
      %add3A_1213 = vector.broadcast %add3A_1212 : i32 to vector<16xi32>
      %add3A_1214 = arith.addi %iota3A, %add3A_1213 : vector<16xi32>
      %gather3A_1215 = tpu.vector_load_idx %arg13[%add3A_982, %add3A_1214] : memref<32x448xi32, #tpu.memory_space<vmem>>[vector<16xi32>, vector<16xi32>], vector<16xi32>,
      %add3A_1216 = arith.constant 97 : i32
      %add3A_1217 = vector.broadcast %add3A_1216 : i32 to vector<16xi32>
      %add3A_1218 = arith.addi %iota3A, %add3A_1217 : vector<16xi32>
      %gather3A_1219 = tpu.vector_load_idx %arg13[%add3A_982, %add3A_1218] : memref<32x448xi32, #tpu.memory_space<vmem>>[vector<16xi32>, vector<16xi32>], vector<16xi32>,
      %add3A_1220 = arith.constant 77 : i32
      %add3A_1221 = vector.broadcast %add3A_1220 : i32 to vector<16xi32>
      %add3A_1222 = arith.addi %iota3A, %add3A_1221 : vector<16xi32>
      %gather3A_1223 = tpu.vector_load_idx %arg13[%add3A_982, %add3A_1222] : memref<32x448xi32, #tpu.memory_space<vmem>>[vector<16xi32>, vector<16xi32>], vector<16xi32>,
      %add3A_1224 = arith.constant 115 : i32
      %add3A_1225 = vector.broadcast %add3A_1224 : i32 to vector<16xi32>
      %add3A_1226 = arith.addi %iota3A, %add3A_1225 : vector<16xi32>
      %gather3A_1227 = tpu.vector_load_idx %arg13[%add3A_982, %add3A_1226] : memref<32x448xi32, #tpu.memory_space<vmem>>[vector<16xi32>, vector<16xi32>], vector<16xi32>,
      %get3A_1228 = arith.constant 64 : index
      %get3A_1229 = tpu.vector_load %arg21[%get3A_1228] {strides = array<i32>} : memref<768xi32, #tpu.memory_space<vmem>>, vector<16xi32>,
      %get3A_1230 = arith.constant 448 : index
      %get3A_1231 = tpu.vector_load %arg21[%get3A_1230] {strides = array<i32>} : memref<768xi32, #tpu.memory_space<vmem>>, vector<16xi32>,
      %eq3A_1232 = arith.constant 0 : i32
      %eq3A_1233 = vector.broadcast %eq3A_1232 : i32 to vector<16xi32>
      %eq3A_1234 = arith.cmpi eq, %gather3A_1215, %eq3A_1233 : vector<16xi32>
      %ne3A_1235 = arith.constant 0 : i32
      %ne3A_1236 = vector.broadcast %ne3A_1235 : i32 to vector<16xi32>
      %ne3A_1237 = arith.cmpi ne, %get3A_1229, %ne3A_1236 : vector<16xi32>
      %and3A_1238 = arith.andi %eq3A_1234, %ne3A_1237 : vector<16xi1>
      %eq3A_1239 = arith.constant 0 : i32
      %eq3A_1240 = vector.broadcast %eq3A_1239 : i32 to vector<16xi32>
      %eq3A_1241 = arith.cmpi eq, %gather3A_1219, %eq3A_1240 : vector<16xi32>
      %ne3A_1242 = arith.constant 0 : i32
      %ne3A_1243 = vector.broadcast %ne3A_1242 : i32 to vector<16xi32>
      %ne3A_1244 = arith.cmpi ne, %get3A_1231, %ne3A_1243 : vector<16xi32>
      %and3A_1245 = arith.andi %eq3A_1241, %ne3A_1244 : vector<16xi1>
      %eq3A_1246 = arith.constant 0 : i32
      %eq3A_1247 = vector.broadcast %eq3A_1246 : i32 to vector<16xi32>
      %eq3A_1248 = arith.cmpi eq, %get3A_1211, %eq3A_1247 : vector<16xi32>
      %eq3A_1249 = arith.constant 0 : i32
      %eq3A_1250 = vector.broadcast %eq3A_1249 : i32 to vector<16xi32>
      %eq3A_1251 = arith.cmpi eq, %gather3A_1223, %eq3A_1250 : vector<16xi32>
      %eq3A_1252 = arith.constant 0 : i32
      %eq3A_1253 = vector.broadcast %eq3A_1252 : i32 to vector<16xi32>
      %eq3A_1254 = arith.cmpi eq, %gather3A_1227, %eq3A_1253 : vector<16xi32>
      %or3A_1255 = arith.ori %eq3A_1251, %eq3A_1254 : vector<16xi1>
      %or3A_1256 = arith.ori %or3A_1255, %and3A_1238 : vector<16xi1>
      %or3A_1257 = arith.ori %or3A_1256, %and3A_1245 : vector<16xi1>
      %and3A_1258 = arith.andi %eq3A_1248, %or3A_1257 : vector<16xi1>
      %get3A_1259 = arith.index_cast %add3A_90 : i32 to index
      %get3A_1260 = arith.constant 64 : index
      %get3A_1261 = tpu.vector_load %arg12[%get3A_1259, %get3A_1260] {strides = array<i32>} : memref<32x384xf32, #tpu.memory_space<vmem>>, vector<16xf32>,
      %select_n3A_1262 = arith.select %and3A_1258, %get3A_1261, %broadcast_in_dim3A_7 : vector<16xi1>, vector<16xf32>
      %swap3A_1263 = arith.index_cast %add3A_90 : i32 to index
      %swap3A_1264 = arith.constant 64 : index
      %swap3A_1265 = tpu.vector_load %arg15[%swap3A_1263, %swap3A_1264] {strides = array<i32>} : memref<32x384xf32, #tpu.memory_space<vmem>>, vector<16xf32>,
      tpu.vector_store %arg15[%swap3A_1263, %swap3A_1264], %select_n3A_1262 {strides = array<i32>} : memref<32x384xf32, #tpu.memory_space<vmem>>, vector<16xf32>,
      %get3A_1266 = arith.index_cast %add3A_90 : i32 to index
      %get3A_1267 = arith.constant 112 : index
      %get3A_1268 = tpu.vector_load %arg13[%get3A_1266, %get3A_1267] {strides = array<i32>} : memref<32x448xi32, #tpu.memory_space<vmem>>, vector<16xi32>,
      %add3A_1269 = arith.constant 111 : i32
      %add3A_1270 = vector.broadcast %add3A_1269 : i32 to vector<16xi32>
      %add3A_1271 = arith.addi %iota3A, %add3A_1270 : vector<16xi32>
      %gather3A_1272 = tpu.vector_load_idx %arg13[%add3A_982, %add3A_1271] : memref<32x448xi32, #tpu.memory_space<vmem>>[vector<16xi32>, vector<16xi32>], vector<16xi32>,
      %add3A_1273 = arith.constant 113 : i32
      %add3A_1274 = vector.broadcast %add3A_1273 : i32 to vector<16xi32>
      %add3A_1275 = arith.addi %iota3A, %add3A_1274 : vector<16xi32>
      %gather3A_1276 = tpu.vector_load_idx %arg13[%add3A_982, %add3A_1275] : memref<32x448xi32, #tpu.memory_space<vmem>>[vector<16xi32>, vector<16xi32>], vector<16xi32>,
      %add3A_1277 = arith.constant 93 : i32
      %add3A_1278 = vector.broadcast %add3A_1277 : i32 to vector<16xi32>
      %add3A_1279 = arith.addi %iota3A, %add3A_1278 : vector<16xi32>
      %gather3A_1280 = tpu.vector_load_idx %arg13[%add3A_982, %add3A_1279] : memref<32x448xi32, #tpu.memory_space<vmem>>[vector<16xi32>, vector<16xi32>], vector<16xi32>,
      %add3A_1281 = arith.constant 131 : i32
      %add3A_1282 = vector.broadcast %add3A_1281 : i32 to vector<16xi32>
      %add3A_1283 = arith.addi %iota3A, %add3A_1282 : vector<16xi32>
      %gather3A_1284 = tpu.vector_load_idx %arg13[%add3A_982, %add3A_1283] : memref<32x448xi32, #tpu.memory_space<vmem>>[vector<16xi32>, vector<16xi32>], vector<16xi32>,
      %get3A_1285 = arith.constant 80 : index
      %get3A_1286 = tpu.vector_load %arg21[%get3A_1285] {strides = array<i32>} : memref<768xi32, #tpu.memory_space<vmem>>, vector<16xi32>,
      %get3A_1287 = arith.constant 464 : index
      %get3A_1288 = tpu.vector_load %arg21[%get3A_1287] {strides = array<i32>} : memref<768xi32, #tpu.memory_space<vmem>>, vector<16xi32>,
      %eq3A_1289 = arith.constant 0 : i32
      %eq3A_1290 = vector.broadcast %eq3A_1289 : i32 to vector<16xi32>
      %eq3A_1291 = arith.cmpi eq, %gather3A_1272, %eq3A_1290 : vector<16xi32>
      %ne3A_1292 = arith.constant 0 : i32
      %ne3A_1293 = vector.broadcast %ne3A_1292 : i32 to vector<16xi32>
      %ne3A_1294 = arith.cmpi ne, %get3A_1286, %ne3A_1293 : vector<16xi32>
      %and3A_1295 = arith.andi %eq3A_1291, %ne3A_1294 : vector<16xi1>
      %eq3A_1296 = arith.constant 0 : i32
      %eq3A_1297 = vector.broadcast %eq3A_1296 : i32 to vector<16xi32>
      %eq3A_1298 = arith.cmpi eq, %gather3A_1276, %eq3A_1297 : vector<16xi32>
      %ne3A_1299 = arith.constant 0 : i32
      %ne3A_1300 = vector.broadcast %ne3A_1299 : i32 to vector<16xi32>
      %ne3A_1301 = arith.cmpi ne, %get3A_1288, %ne3A_1300 : vector<16xi32>
      %and3A_1302 = arith.andi %eq3A_1298, %ne3A_1301 : vector<16xi1>
      %eq3A_1303 = arith.constant 0 : i32
      %eq3A_1304 = vector.broadcast %eq3A_1303 : i32 to vector<16xi32>
      %eq3A_1305 = arith.cmpi eq, %get3A_1268, %eq3A_1304 : vector<16xi32>
      %eq3A_1306 = arith.constant 0 : i32
      %eq3A_1307 = vector.broadcast %eq3A_1306 : i32 to vector<16xi32>
      %eq3A_1308 = arith.cmpi eq, %gather3A_1280, %eq3A_1307 : vector<16xi32>
      %eq3A_1309 = arith.constant 0 : i32
      %eq3A_1310 = vector.broadcast %eq3A_1309 : i32 to vector<16xi32>
      %eq3A_1311 = arith.cmpi eq, %gather3A_1284, %eq3A_1310 : vector<16xi32>
      %or3A_1312 = arith.ori %eq3A_1308, %eq3A_1311 : vector<16xi1>
      %or3A_1313 = arith.ori %or3A_1312, %and3A_1295 : vector<16xi1>
      %or3A_1314 = arith.ori %or3A_1313, %and3A_1302 : vector<16xi1>
      %and3A_1315 = arith.andi %eq3A_1305, %or3A_1314 : vector<16xi1>
      %get3A_1316 = arith.index_cast %add3A_90 : i32 to index
      %get3A_1317 = arith.constant 80 : index
      %get3A_1318 = tpu.vector_load %arg12[%get3A_1316, %get3A_1317] {strides = array<i32>} : memref<32x384xf32, #tpu.memory_space<vmem>>, vector<16xf32>,
      %select_n3A_1319 = arith.select %and3A_1315, %get3A_1318, %broadcast_in_dim3A_7 : vector<16xi1>, vector<16xf32>
      %swap3A_1320 = arith.index_cast %add3A_90 : i32 to index
      %swap3A_1321 = arith.constant 80 : index
      %swap3A_1322 = tpu.vector_load %arg15[%swap3A_1320, %swap3A_1321] {strides = array<i32>} : memref<32x384xf32, #tpu.memory_space<vmem>>, vector<16xf32>,
      tpu.vector_store %arg15[%swap3A_1320, %swap3A_1321], %select_n3A_1319 {strides = array<i32>} : memref<32x384xf32, #tpu.memory_space<vmem>>, vector<16xf32>,
      %get3A_1323 = arith.index_cast %add3A_90 : i32 to index
      %get3A_1324 = arith.constant 128 : index
      %get3A_1325 = tpu.vector_load %arg13[%get3A_1323, %get3A_1324] {strides = array<i32>} : memref<32x448xi32, #tpu.memory_space<vmem>>, vector<16xi32>,
      %add3A_1326 = arith.constant 127 : i32
      %add3A_1327 = vector.broadcast %add3A_1326 : i32 to vector<16xi32>
      %add3A_1328 = arith.addi %iota3A, %add3A_1327 : vector<16xi32>
      %gather3A_1329 = tpu.vector_load_idx %arg13[%add3A_982, %add3A_1328] : memref<32x448xi32, #tpu.memory_space<vmem>>[vector<16xi32>, vector<16xi32>], vector<16xi32>,
      %add3A_1330 = arith.constant 129 : i32
      %add3A_1331 = vector.broadcast %add3A_1330 : i32 to vector<16xi32>
      %add3A_1332 = arith.addi %iota3A, %add3A_1331 : vector<16xi32>
      %gather3A_1333 = tpu.vector_load_idx %arg13[%add3A_982, %add3A_1332] : memref<32x448xi32, #tpu.memory_space<vmem>>[vector<16xi32>, vector<16xi32>], vector<16xi32>,
      %add3A_1334 = arith.constant 109 : i32
      %add3A_1335 = vector.broadcast %add3A_1334 : i32 to vector<16xi32>
      %add3A_1336 = arith.addi %iota3A, %add3A_1335 : vector<16xi32>
      %gather3A_1337 = tpu.vector_load_idx %arg13[%add3A_982, %add3A_1336] : memref<32x448xi32, #tpu.memory_space<vmem>>[vector<16xi32>, vector<16xi32>], vector<16xi32>,
      %add3A_1338 = arith.constant 147 : i32
      %add3A_1339 = vector.broadcast %add3A_1338 : i32 to vector<16xi32>
      %add3A_1340 = arith.addi %iota3A, %add3A_1339 : vector<16xi32>
      %gather3A_1341 = tpu.vector_load_idx %arg13[%add3A_982, %add3A_1340] : memref<32x448xi32, #tpu.memory_space<vmem>>[vector<16xi32>, vector<16xi32>], vector<16xi32>,
      %get3A_1342 = arith.constant 96 : index
      %get3A_1343 = tpu.vector_load %arg21[%get3A_1342] {strides = array<i32>} : memref<768xi32, #tpu.memory_space<vmem>>, vector<16xi32>,
      %get3A_1344 = arith.constant 480 : index
      %get3A_1345 = tpu.vector_load %arg21[%get3A_1344] {strides = array<i32>} : memref<768xi32, #tpu.memory_space<vmem>>, vector<16xi32>,
      %eq3A_1346 = arith.constant 0 : i32
      %eq3A_1347 = vector.broadcast %eq3A_1346 : i32 to vector<16xi32>
      %eq3A_1348 = arith.cmpi eq, %gather3A_1329, %eq3A_1347 : vector<16xi32>
      %ne3A_1349 = arith.constant 0 : i32
      %ne3A_1350 = vector.broadcast %ne3A_1349 : i32 to vector<16xi32>
      %ne3A_1351 = arith.cmpi ne, %get3A_1343, %ne3A_1350 : vector<16xi32>
      %and3A_1352 = arith.andi %eq3A_1348, %ne3A_1351 : vector<16xi1>
      %eq3A_1353 = arith.constant 0 : i32
      %eq3A_1354 = vector.broadcast %eq3A_1353 : i32 to vector<16xi32>
      %eq3A_1355 = arith.cmpi eq, %gather3A_1333, %eq3A_1354 : vector<16xi32>
      %ne3A_1356 = arith.constant 0 : i32
      %ne3A_1357 = vector.broadcast %ne3A_1356 : i32 to vector<16xi32>
      %ne3A_1358 = arith.cmpi ne, %get3A_1345, %ne3A_1357 : vector<16xi32>
      %and3A_1359 = arith.andi %eq3A_1355, %ne3A_1358 : vector<16xi1>
      %eq3A_1360 = arith.constant 0 : i32
      %eq3A_1361 = vector.broadcast %eq3A_1360 : i32 to vector<16xi32>
      %eq3A_1362 = arith.cmpi eq, %get3A_1325, %eq3A_1361 : vector<16xi32>
      %eq3A_1363 = arith.constant 0 : i32
      %eq3A_1364 = vector.broadcast %eq3A_1363 : i32 to vector<16xi32>
      %eq3A_1365 = arith.cmpi eq, %gather3A_1337, %eq3A_1364 : vector<16xi32>
      %eq3A_1366 = arith.constant 0 : i32
      %eq3A_1367 = vector.broadcast %eq3A_1366 : i32 to vector<16xi32>
      %eq3A_1368 = arith.cmpi eq, %gather3A_1341, %eq3A_1367 : vector<16xi32>
      %or3A_1369 = arith.ori %eq3A_1365, %eq3A_1368 : vector<16xi1>
      %or3A_1370 = arith.ori %or3A_1369, %and3A_1352 : vector<16xi1>
      %or3A_1371 = arith.ori %or3A_1370, %and3A_1359 : vector<16xi1>
      %and3A_1372 = arith.andi %eq3A_1362, %or3A_1371 : vector<16xi1>
      %get3A_1373 = arith.index_cast %add3A_90 : i32 to index
      %get3A_1374 = arith.constant 96 : index
      %get3A_1375 = tpu.vector_load %arg12[%get3A_1373, %get3A_1374] {strides = array<i32>} : memref<32x384xf32, #tpu.memory_space<vmem>>, vector<16xf32>,
      %select_n3A_1376 = arith.select %and3A_1372, %get3A_1375, %broadcast_in_dim3A_7 : vector<16xi1>, vector<16xf32>
      %swap3A_1377 = arith.index_cast %add3A_90 : i32 to index
      %swap3A_1378 = arith.constant 96 : index
      %swap3A_1379 = tpu.vector_load %arg15[%swap3A_1377, %swap3A_1378] {strides = array<i32>} : memref<32x384xf32, #tpu.memory_space<vmem>>, vector<16xf32>,
      tpu.vector_store %arg15[%swap3A_1377, %swap3A_1378], %select_n3A_1376 {strides = array<i32>} : memref<32x384xf32, #tpu.memory_space<vmem>>, vector<16xf32>,
      %get3A_1380 = arith.index_cast %add3A_90 : i32 to index
      %get3A_1381 = arith.constant 144 : index
      %get3A_1382 = tpu.vector_load %arg13[%get3A_1380, %get3A_1381] {strides = array<i32>} : memref<32x448xi32, #tpu.memory_space<vmem>>, vector<16xi32>,
      %add3A_1383 = arith.constant 143 : i32
      %add3A_1384 = vector.broadcast %add3A_1383 : i32 to vector<16xi32>
      %add3A_1385 = arith.addi %iota3A, %add3A_1384 : vector<16xi32>
      %gather3A_1386 = tpu.vector_load_idx %arg13[%add3A_982, %add3A_1385] : memref<32x448xi32, #tpu.memory_space<vmem>>[vector<16xi32>, vector<16xi32>], vector<16xi32>,
      %add3A_1387 = arith.constant 145 : i32
      %add3A_1388 = vector.broadcast %add3A_1387 : i32 to vector<16xi32>
      %add3A_1389 = arith.addi %iota3A, %add3A_1388 : vector<16xi32>
      %gather3A_1390 = tpu.vector_load_idx %arg13[%add3A_982, %add3A_1389] : memref<32x448xi32, #tpu.memory_space<vmem>>[vector<16xi32>, vector<16xi32>], vector<16xi32>,
      %add3A_1391 = arith.constant 125 : i32
      %add3A_1392 = vector.broadcast %add3A_1391 : i32 to vector<16xi32>
      %add3A_1393 = arith.addi %iota3A, %add3A_1392 : vector<16xi32>
      %gather3A_1394 = tpu.vector_load_idx %arg13[%add3A_982, %add3A_1393] : memref<32x448xi32, #tpu.memory_space<vmem>>[vector<16xi32>, vector<16xi32>], vector<16xi32>,
      %add3A_1395 = arith.constant 163 : i32
      %add3A_1396 = vector.broadcast %add3A_1395 : i32 to vector<16xi32>
      %add3A_1397 = arith.addi %iota3A, %add3A_1396 : vector<16xi32>
      %gather3A_1398 = tpu.vector_load_idx %arg13[%add3A_982, %add3A_1397] : memref<32x448xi32, #tpu.memory_space<vmem>>[vector<16xi32>, vector<16xi32>], vector<16xi32>,
      %get3A_1399 = arith.constant 112 : index
      %get3A_1400 = tpu.vector_load %arg21[%get3A_1399] {strides = array<i32>} : memref<768xi32, #tpu.memory_space<vmem>>, vector<16xi32>,
      %get3A_1401 = arith.constant 496 : index
      %get3A_1402 = tpu.vector_load %arg21[%get3A_1401] {strides = array<i32>} : memref<768xi32, #tpu.memory_space<vmem>>, vector<16xi32>,
      %eq3A_1403 = arith.constant 0 : i32
      %eq3A_1404 = vector.broadcast %eq3A_1403 : i32 to vector<16xi32>
      %eq3A_1405 = arith.cmpi eq, %gather3A_1386, %eq3A_1404 : vector<16xi32>
      %ne3A_1406 = arith.constant 0 : i32
      %ne3A_1407 = vector.broadcast %ne3A_1406 : i32 to vector<16xi32>
      %ne3A_1408 = arith.cmpi ne, %get3A_1400, %ne3A_1407 : vector<16xi32>
      %and3A_1409 = arith.andi %eq3A_1405, %ne3A_1408 : vector<16xi1>
      %eq3A_1410 = arith.constant 0 : i32
      %eq3A_1411 = vector.broadcast %eq3A_1410 : i32 to vector<16xi32>
      %eq3A_1412 = arith.cmpi eq, %gather3A_1390, %eq3A_1411 : vector<16xi32>
      %ne3A_1413 = arith.constant 0 : i32
      %ne3A_1414 = vector.broadcast %ne3A_1413 : i32 to vector<16xi32>
      %ne3A_1415 = arith.cmpi ne, %get3A_1402, %ne3A_1414 : vector<16xi32>
      %and3A_1416 = arith.andi %eq3A_1412, %ne3A_1415 : vector<16xi1>
      %eq3A_1417 = arith.constant 0 : i32
      %eq3A_1418 = vector.broadcast %eq3A_1417 : i32 to vector<16xi32>
      %eq3A_1419 = arith.cmpi eq, %get3A_1382, %eq3A_1418 : vector<16xi32>
      %eq3A_1420 = arith.constant 0 : i32
      %eq3A_1421 = vector.broadcast %eq3A_1420 : i32 to vector<16xi32>
      %eq3A_1422 = arith.cmpi eq, %gather3A_1394, %eq3A_1421 : vector<16xi32>
      %eq3A_1423 = arith.constant 0 : i32
      %eq3A_1424 = vector.broadcast %eq3A_1423 : i32 to vector<16xi32>
      %eq3A_1425 = arith.cmpi eq, %gather3A_1398, %eq3A_1424 : vector<16xi32>
      %or3A_1426 = arith.ori %eq3A_1422, %eq3A_1425 : vector<16xi1>
      %or3A_1427 = arith.ori %or3A_1426, %and3A_1409 : vector<16xi1>
      %or3A_1428 = arith.ori %or3A_1427, %and3A_1416 : vector<16xi1>
      %and3A_1429 = arith.andi %eq3A_1419, %or3A_1428 : vector<16xi1>
      %get3A_1430 = arith.index_cast %add3A_90 : i32 to index
      %get3A_1431 = arith.constant 112 : index
      %get3A_1432 = tpu.vector_load %arg12[%get3A_1430, %get3A_1431] {strides = array<i32>} : memref<32x384xf32, #tpu.memory_space<vmem>>, vector<16xf32>,
      %select_n3A_1433 = arith.select %and3A_1429, %get3A_1432, %broadcast_in_dim3A_7 : vector<16xi1>, vector<16xf32>
      %swap3A_1434 = arith.index_cast %add3A_90 : i32 to index
      %swap3A_1435 = arith.constant 112 : index
      %swap3A_1436 = tpu.vector_load %arg15[%swap3A_1434, %swap3A_1435] {strides = array<i32>} : memref<32x384xf32, #tpu.memory_space<vmem>>, vector<16xf32>,
      tpu.vector_store %arg15[%swap3A_1434, %swap3A_1435], %select_n3A_1433 {strides = array<i32>} : memref<32x384xf32, #tpu.memory_space<vmem>>, vector<16xf32>,
      %get3A_1437 = arith.index_cast %add3A_90 : i32 to index
      %get3A_1438 = arith.constant 160 : index
      %get3A_1439 = tpu.vector_load %arg13[%get3A_1437, %get3A_1438] {strides = array<i32>} : memref<32x448xi32, #tpu.memory_space<vmem>>, vector<16xi32>,
      %add3A_1440 = arith.constant 159 : i32
      %add3A_1441 = vector.broadcast %add3A_1440 : i32 to vector<16xi32>
      %add3A_1442 = arith.addi %iota3A, %add3A_1441 : vector<16xi32>
      %gather3A_1443 = tpu.vector_load_idx %arg13[%add3A_982, %add3A_1442] : memref<32x448xi32, #tpu.memory_space<vmem>>[vector<16xi32>, vector<16xi32>], vector<16xi32>,
      %add3A_1444 = arith.constant 161 : i32
      %add3A_1445 = vector.broadcast %add3A_1444 : i32 to vector<16xi32>
      %add3A_1446 = arith.addi %iota3A, %add3A_1445 : vector<16xi32>
      %gather3A_1447 = tpu.vector_load_idx %arg13[%add3A_982, %add3A_1446] : memref<32x448xi32, #tpu.memory_space<vmem>>[vector<16xi32>, vector<16xi32>], vector<16xi32>,
      %add3A_1448 = arith.constant 141 : i32
      %add3A_1449 = vector.broadcast %add3A_1448 : i32 to vector<16xi32>
      %add3A_1450 = arith.addi %iota3A, %add3A_1449 : vector<16xi32>
      %gather3A_1451 = tpu.vector_load_idx %arg13[%add3A_982, %add3A_1450] : memref<32x448xi32, #tpu.memory_space<vmem>>[vector<16xi32>, vector<16xi32>], vector<16xi32>,
      %add3A_1452 = arith.constant 179 : i32
      %add3A_1453 = vector.broadcast %add3A_1452 : i32 to vector<16xi32>
      %add3A_1454 = arith.addi %iota3A, %add3A_1453 : vector<16xi32>
      %gather3A_1455 = tpu.vector_load_idx %arg13[%add3A_982, %add3A_1454] : memref<32x448xi32, #tpu.memory_space<vmem>>[vector<16xi32>, vector<16xi32>], vector<16xi32>,
      %get3A_1456 = arith.constant 128 : index
      %get3A_1457 = tpu.vector_load %arg21[%get3A_1456] {strides = array<i32>} : memref<768xi32, #tpu.memory_space<vmem>>, vector<16xi32>,
      %get3A_1458 = arith.constant 512 : index
      %get3A_1459 = tpu.vector_load %arg21[%get3A_1458] {strides = array<i32>} : memref<768xi32, #tpu.memory_space<vmem>>, vector<16xi32>,
      %eq3A_1460 = arith.constant 0 : i32
      %eq3A_1461 = vector.broadcast %eq3A_1460 : i32 to vector<16xi32>
      %eq3A_1462 = arith.cmpi eq, %gather3A_1443, %eq3A_1461 : vector<16xi32>
      %ne3A_1463 = arith.constant 0 : i32
      %ne3A_1464 = vector.broadcast %ne3A_1463 : i32 to vector<16xi32>
      %ne3A_1465 = arith.cmpi ne, %get3A_1457, %ne3A_1464 : vector<16xi32>
      %and3A_1466 = arith.andi %eq3A_1462, %ne3A_1465 : vector<16xi1>
      %eq3A_1467 = arith.constant 0 : i32
      %eq3A_1468 = vector.broadcast %eq3A_1467 : i32 to vector<16xi32>
      %eq3A_1469 = arith.cmpi eq, %gather3A_1447, %eq3A_1468 : vector<16xi32>
      %ne3A_1470 = arith.constant 0 : i32
      %ne3A_1471 = vector.broadcast %ne3A_1470 : i32 to vector<16xi32>
      %ne3A_1472 = arith.cmpi ne, %get3A_1459, %ne3A_1471 : vector<16xi32>
      %and3A_1473 = arith.andi %eq3A_1469, %ne3A_1472 : vector<16xi1>
      %eq3A_1474 = arith.constant 0 : i32
      %eq3A_1475 = vector.broadcast %eq3A_1474 : i32 to vector<16xi32>
      %eq3A_1476 = arith.cmpi eq, %get3A_1439, %eq3A_1475 : vector<16xi32>
      %eq3A_1477 = arith.constant 0 : i32
      %eq3A_1478 = vector.broadcast %eq3A_1477 : i32 to vector<16xi32>
      %eq3A_1479 = arith.cmpi eq, %gather3A_1451, %eq3A_1478 : vector<16xi32>
      %eq3A_1480 = arith.constant 0 : i32
      %eq3A_1481 = vector.broadcast %eq3A_1480 : i32 to vector<16xi32>
      %eq3A_1482 = arith.cmpi eq, %gather3A_1455, %eq3A_1481 : vector<16xi32>
      %or3A_1483 = arith.ori %eq3A_1479, %eq3A_1482 : vector<16xi1>
      %or3A_1484 = arith.ori %or3A_1483, %and3A_1466 : vector<16xi1>
      %or3A_1485 = arith.ori %or3A_1484, %and3A_1473 : vector<16xi1>
      %and3A_1486 = arith.andi %eq3A_1476, %or3A_1485 : vector<16xi1>
      %get3A_1487 = arith.index_cast %add3A_90 : i32 to index
      %get3A_1488 = arith.constant 128 : index
      %get3A_1489 = tpu.vector_load %arg12[%get3A_1487, %get3A_1488] {strides = array<i32>} : memref<32x384xf32, #tpu.memory_space<vmem>>, vector<16xf32>,
      %select_n3A_1490 = arith.select %and3A_1486, %get3A_1489, %broadcast_in_dim3A_7 : vector<16xi1>, vector<16xf32>
      %swap3A_1491 = arith.index_cast %add3A_90 : i32 to index
      %swap3A_1492 = arith.constant 128 : index
      %swap3A_1493 = tpu.vector_load %arg15[%swap3A_1491, %swap3A_1492] {strides = array<i32>} : memref<32x384xf32, #tpu.memory_space<vmem>>, vector<16xf32>,
      tpu.vector_store %arg15[%swap3A_1491, %swap3A_1492], %select_n3A_1490 {strides = array<i32>} : memref<32x384xf32, #tpu.memory_space<vmem>>, vector<16xf32>,
      %get3A_1494 = arith.index_cast %add3A_90 : i32 to index
      %get3A_1495 = arith.constant 176 : index
      %get3A_1496 = tpu.vector_load %arg13[%get3A_1494, %get3A_1495] {strides = array<i32>} : memref<32x448xi32, #tpu.memory_space<vmem>>, vector<16xi32>,
      %add3A_1497 = arith.constant 175 : i32
      %add3A_1498 = vector.broadcast %add3A_1497 : i32 to vector<16xi32>
      %add3A_1499 = arith.addi %iota3A, %add3A_1498 : vector<16xi32>
      %gather3A_1500 = tpu.vector_load_idx %arg13[%add3A_982, %add3A_1499] : memref<32x448xi32, #tpu.memory_space<vmem>>[vector<16xi32>, vector<16xi32>], vector<16xi32>,
      %add3A_1501 = arith.constant 177 : i32
      %add3A_1502 = vector.broadcast %add3A_1501 : i32 to vector<16xi32>
      %add3A_1503 = arith.addi %iota3A, %add3A_1502 : vector<16xi32>
      %gather3A_1504 = tpu.vector_load_idx %arg13[%add3A_982, %add3A_1503] : memref<32x448xi32, #tpu.memory_space<vmem>>[vector<16xi32>, vector<16xi32>], vector<16xi32>,
      %add3A_1505 = arith.constant 157 : i32
      %add3A_1506 = vector.broadcast %add3A_1505 : i32 to vector<16xi32>
      %add3A_1507 = arith.addi %iota3A, %add3A_1506 : vector<16xi32>
      %gather3A_1508 = tpu.vector_load_idx %arg13[%add3A_982, %add3A_1507] : memref<32x448xi32, #tpu.memory_space<vmem>>[vector<16xi32>, vector<16xi32>], vector<16xi32>,
      %add3A_1509 = arith.constant 195 : i32
      %add3A_1510 = vector.broadcast %add3A_1509 : i32 to vector<16xi32>
      %add3A_1511 = arith.addi %iota3A, %add3A_1510 : vector<16xi32>
      %gather3A_1512 = tpu.vector_load_idx %arg13[%add3A_982, %add3A_1511] : memref<32x448xi32, #tpu.memory_space<vmem>>[vector<16xi32>, vector<16xi32>], vector<16xi32>,
      %get3A_1513 = arith.constant 144 : index
      %get3A_1514 = tpu.vector_load %arg21[%get3A_1513] {strides = array<i32>} : memref<768xi32, #tpu.memory_space<vmem>>, vector<16xi32>,
      %get3A_1515 = arith.constant 528 : index
      %get3A_1516 = tpu.vector_load %arg21[%get3A_1515] {strides = array<i32>} : memref<768xi32, #tpu.memory_space<vmem>>, vector<16xi32>,
      %eq3A_1517 = arith.constant 0 : i32
      %eq3A_1518 = vector.broadcast %eq3A_1517 : i32 to vector<16xi32>
      %eq3A_1519 = arith.cmpi eq, %gather3A_1500, %eq3A_1518 : vector<16xi32>
      %ne3A_1520 = arith.constant 0 : i32
      %ne3A_1521 = vector.broadcast %ne3A_1520 : i32 to vector<16xi32>
      %ne3A_1522 = arith.cmpi ne, %get3A_1514, %ne3A_1521 : vector<16xi32>
      %and3A_1523 = arith.andi %eq3A_1519, %ne3A_1522 : vector<16xi1>
      %eq3A_1524 = arith.constant 0 : i32
      %eq3A_1525 = vector.broadcast %eq3A_1524 : i32 to vector<16xi32>
      %eq3A_1526 = arith.cmpi eq, %gather3A_1504, %eq3A_1525 : vector<16xi32>
      %ne3A_1527 = arith.constant 0 : i32
      %ne3A_1528 = vector.broadcast %ne3A_1527 : i32 to vector<16xi32>
      %ne3A_1529 = arith.cmpi ne, %get3A_1516, %ne3A_1528 : vector<16xi32>
      %and3A_1530 = arith.andi %eq3A_1526, %ne3A_1529 : vector<16xi1>
      %eq3A_1531 = arith.constant 0 : i32
      %eq3A_1532 = vector.broadcast %eq3A_1531 : i32 to vector<16xi32>
      %eq3A_1533 = arith.cmpi eq, %get3A_1496, %eq3A_1532 : vector<16xi32>
      %eq3A_1534 = arith.constant 0 : i32
      %eq3A_1535 = vector.broadcast %eq3A_1534 : i32 to vector<16xi32>
      %eq3A_1536 = arith.cmpi eq, %gather3A_1508, %eq3A_1535 : vector<16xi32>
      %eq3A_1537 = arith.constant 0 : i32
      %eq3A_1538 = vector.broadcast %eq3A_1537 : i32 to vector<16xi32>
      %eq3A_1539 = arith.cmpi eq, %gather3A_1512, %eq3A_1538 : vector<16xi32>
      %or3A_1540 = arith.ori %eq3A_1536, %eq3A_1539 : vector<16xi1>
      %or3A_1541 = arith.ori %or3A_1540, %and3A_1523 : vector<16xi1>
      %or3A_1542 = arith.ori %or3A_1541, %and3A_1530 : vector<16xi1>
      %and3A_1543 = arith.andi %eq3A_1533, %or3A_1542 : vector<16xi1>
      %get3A_1544 = arith.index_cast %add3A_90 : i32 to index
      %get3A_1545 = arith.constant 144 : index
      %get3A_1546 = tpu.vector_load %arg12[%get3A_1544, %get3A_1545] {strides = array<i32>} : memref<32x384xf32, #tpu.memory_space<vmem>>, vector<16xf32>,
      %select_n3A_1547 = arith.select %and3A_1543, %get3A_1546, %broadcast_in_dim3A_7 : vector<16xi1>, vector<16xf32>
      %swap3A_1548 = arith.index_cast %add3A_90 : i32 to index
      %swap3A_1549 = arith.constant 144 : index
      %swap3A_1550 = tpu.vector_load %arg15[%swap3A_1548, %swap3A_1549] {strides = array<i32>} : memref<32x384xf32, #tpu.memory_space<vmem>>, vector<16xf32>,
      tpu.vector_store %arg15[%swap3A_1548, %swap3A_1549], %select_n3A_1547 {strides = array<i32>} : memref<32x384xf32, #tpu.memory_space<vmem>>, vector<16xf32>,
      %get3A_1551 = arith.index_cast %add3A_90 : i32 to index
      %get3A_1552 = arith.constant 192 : index
      %get3A_1553 = tpu.vector_load %arg13[%get3A_1551, %get3A_1552] {strides = array<i32>} : memref<32x448xi32, #tpu.memory_space<vmem>>, vector<16xi32>,
      %add3A_1554 = arith.constant 191 : i32
      %add3A_1555 = vector.broadcast %add3A_1554 : i32 to vector<16xi32>
      %add3A_1556 = arith.addi %iota3A, %add3A_1555 : vector<16xi32>
      %gather3A_1557 = tpu.vector_load_idx %arg13[%add3A_982, %add3A_1556] : memref<32x448xi32, #tpu.memory_space<vmem>>[vector<16xi32>, vector<16xi32>], vector<16xi32>,
      %add3A_1558 = arith.constant 193 : i32
      %add3A_1559 = vector.broadcast %add3A_1558 : i32 to vector<16xi32>
      %add3A_1560 = arith.addi %iota3A, %add3A_1559 : vector<16xi32>
      %gather3A_1561 = tpu.vector_load_idx %arg13[%add3A_982, %add3A_1560] : memref<32x448xi32, #tpu.memory_space<vmem>>[vector<16xi32>, vector<16xi32>], vector<16xi32>,
      %add3A_1562 = arith.constant 173 : i32
      %add3A_1563 = vector.broadcast %add3A_1562 : i32 to vector<16xi32>
      %add3A_1564 = arith.addi %iota3A, %add3A_1563 : vector<16xi32>
      %gather3A_1565 = tpu.vector_load_idx %arg13[%add3A_982, %add3A_1564] : memref<32x448xi32, #tpu.memory_space<vmem>>[vector<16xi32>, vector<16xi32>], vector<16xi32>,
      %add3A_1566 = arith.constant 211 : i32
      %add3A_1567 = vector.broadcast %add3A_1566 : i32 to vector<16xi32>
      %add3A_1568 = arith.addi %iota3A, %add3A_1567 : vector<16xi32>
      %gather3A_1569 = tpu.vector_load_idx %arg13[%add3A_982, %add3A_1568] : memref<32x448xi32, #tpu.memory_space<vmem>>[vector<16xi32>, vector<16xi32>], vector<16xi32>,
      %get3A_1570 = arith.constant 160 : index
      %get3A_1571 = tpu.vector_load %arg21[%get3A_1570] {strides = array<i32>} : memref<768xi32, #tpu.memory_space<vmem>>, vector<16xi32>,
      %get3A_1572 = arith.constant 544 : index
      %get3A_1573 = tpu.vector_load %arg21[%get3A_1572] {strides = array<i32>} : memref<768xi32, #tpu.memory_space<vmem>>, vector<16xi32>,
      %eq3A_1574 = arith.constant 0 : i32
      %eq3A_1575 = vector.broadcast %eq3A_1574 : i32 to vector<16xi32>
      %eq3A_1576 = arith.cmpi eq, %gather3A_1557, %eq3A_1575 : vector<16xi32>
      %ne3A_1577 = arith.constant 0 : i32
      %ne3A_1578 = vector.broadcast %ne3A_1577 : i32 to vector<16xi32>
      %ne3A_1579 = arith.cmpi ne, %get3A_1571, %ne3A_1578 : vector<16xi32>
      %and3A_1580 = arith.andi %eq3A_1576, %ne3A_1579 : vector<16xi1>
      %eq3A_1581 = arith.constant 0 : i32
      %eq3A_1582 = vector.broadcast %eq3A_1581 : i32 to vector<16xi32>
      %eq3A_1583 = arith.cmpi eq, %gather3A_1561, %eq3A_1582 : vector<16xi32>
      %ne3A_1584 = arith.constant 0 : i32
      %ne3A_1585 = vector.broadcast %ne3A_1584 : i32 to vector<16xi32>
      %ne3A_1586 = arith.cmpi ne, %get3A_1573, %ne3A_1585 : vector<16xi32>
      %and3A_1587 = arith.andi %eq3A_1583, %ne3A_1586 : vector<16xi1>
      %eq3A_1588 = arith.constant 0 : i32
      %eq3A_1589 = vector.broadcast %eq3A_1588 : i32 to vector<16xi32>
      %eq3A_1590 = arith.cmpi eq, %get3A_1553, %eq3A_1589 : vector<16xi32>
      %eq3A_1591 = arith.constant 0 : i32
      %eq3A_1592 = vector.broadcast %eq3A_1591 : i32 to vector<16xi32>
      %eq3A_1593 = arith.cmpi eq, %gather3A_1565, %eq3A_1592 : vector<16xi32>
      %eq3A_1594 = arith.constant 0 : i32
      %eq3A_1595 = vector.broadcast %eq3A_1594 : i32 to vector<16xi32>
      %eq3A_1596 = arith.cmpi eq, %gather3A_1569, %eq3A_1595 : vector<16xi32>
      %or3A_1597 = arith.ori %eq3A_1593, %eq3A_1596 : vector<16xi1>
      %or3A_1598 = arith.ori %or3A_1597, %and3A_1580 : vector<16xi1>
      %or3A_1599 = arith.ori %or3A_1598, %and3A_1587 : vector<16xi1>
      %and3A_1600 = arith.andi %eq3A_1590, %or3A_1599 : vector<16xi1>
      %get3A_1601 = arith.index_cast %add3A_90 : i32 to index
      %get3A_1602 = arith.constant 160 : index
      %get3A_1603 = tpu.vector_load %arg12[%get3A_1601, %get3A_1602] {strides = array<i32>} : memref<32x384xf32, #tpu.memory_space<vmem>>, vector<16xf32>,
      %select_n3A_1604 = arith.select %and3A_1600, %get3A_1603, %broadcast_in_dim3A_7 : vector<16xi1>, vector<16xf32>
      %swap3A_1605 = arith.index_cast %add3A_90 : i32 to index
      %swap3A_1606 = arith.constant 160 : index
      %swap3A_1607 = tpu.vector_load %arg15[%swap3A_1605, %swap3A_1606] {strides = array<i32>} : memref<32x384xf32, #tpu.memory_space<vmem>>, vector<16xf32>,
      tpu.vector_store %arg15[%swap3A_1605, %swap3A_1606], %select_n3A_1604 {strides = array<i32>} : memref<32x384xf32, #tpu.memory_space<vmem>>, vector<16xf32>,
      %get3A_1608 = arith.index_cast %add3A_90 : i32 to index
      %get3A_1609 = arith.constant 208 : index
      %get3A_1610 = tpu.vector_load %arg13[%get3A_1608, %get3A_1609] {strides = array<i32>} : memref<32x448xi32, #tpu.memory_space<vmem>>, vector<16xi32>,
      %add3A_1611 = arith.constant 207 : i32
      %add3A_1612 = vector.broadcast %add3A_1611 : i32 to vector<16xi32>
      %add3A_1613 = arith.addi %iota3A, %add3A_1612 : vector<16xi32>
      %gather3A_1614 = tpu.vector_load_idx %arg13[%add3A_982, %add3A_1613] : memref<32x448xi32, #tpu.memory_space<vmem>>[vector<16xi32>, vector<16xi32>], vector<16xi32>,
      %add3A_1615 = arith.constant 209 : i32
      %add3A_1616 = vector.broadcast %add3A_1615 : i32 to vector<16xi32>
      %add3A_1617 = arith.addi %iota3A, %add3A_1616 : vector<16xi32>
      %gather3A_1618 = tpu.vector_load_idx %arg13[%add3A_982, %add3A_1617] : memref<32x448xi32, #tpu.memory_space<vmem>>[vector<16xi32>, vector<16xi32>], vector<16xi32>,
      %add3A_1619 = arith.constant 189 : i32
      %add3A_1620 = vector.broadcast %add3A_1619 : i32 to vector<16xi32>
      %add3A_1621 = arith.addi %iota3A, %add3A_1620 : vector<16xi32>
      %gather3A_1622 = tpu.vector_load_idx %arg13[%add3A_982, %add3A_1621] : memref<32x448xi32, #tpu.memory_space<vmem>>[vector<16xi32>, vector<16xi32>], vector<16xi32>,
      %add3A_1623 = arith.constant 227 : i32
      %add3A_1624 = vector.broadcast %add3A_1623 : i32 to vector<16xi32>
      %add3A_1625 = arith.addi %iota3A, %add3A_1624 : vector<16xi32>
      %gather3A_1626 = tpu.vector_load_idx %arg13[%add3A_982, %add3A_1625] : memref<32x448xi32, #tpu.memory_space<vmem>>[vector<16xi32>, vector<16xi32>], vector<16xi32>,
      %get3A_1627 = arith.constant 176 : index
      %get3A_1628 = tpu.vector_load %arg21[%get3A_1627] {strides = array<i32>} : memref<768xi32, #tpu.memory_space<vmem>>, vector<16xi32>,
      %get3A_1629 = arith.constant 560 : index
      %get3A_1630 = tpu.vector_load %arg21[%get3A_1629] {strides = array<i32>} : memref<768xi32, #tpu.memory_space<vmem>>, vector<16xi32>,
      %eq3A_1631 = arith.constant 0 : i32
      %eq3A_1632 = vector.broadcast %eq3A_1631 : i32 to vector<16xi32>
      %eq3A_1633 = arith.cmpi eq, %gather3A_1614, %eq3A_1632 : vector<16xi32>
      %ne3A_1634 = arith.constant 0 : i32
      %ne3A_1635 = vector.broadcast %ne3A_1634 : i32 to vector<16xi32>
      %ne3A_1636 = arith.cmpi ne, %get3A_1628, %ne3A_1635 : vector<16xi32>
      %and3A_1637 = arith.andi %eq3A_1633, %ne3A_1636 : vector<16xi1>
      %eq3A_1638 = arith.constant 0 : i32
      %eq3A_1639 = vector.broadcast %eq3A_1638 : i32 to vector<16xi32>
      %eq3A_1640 = arith.cmpi eq, %gather3A_1618, %eq3A_1639 : vector<16xi32>
      %ne3A_1641 = arith.constant 0 : i32
      %ne3A_1642 = vector.broadcast %ne3A_1641 : i32 to vector<16xi32>
      %ne3A_1643 = arith.cmpi ne, %get3A_1630, %ne3A_1642 : vector<16xi32>
      %and3A_1644 = arith.andi %eq3A_1640, %ne3A_1643 : vector<16xi1>
      %eq3A_1645 = arith.constant 0 : i32
      %eq3A_1646 = vector.broadcast %eq3A_1645 : i32 to vector<16xi32>
      %eq3A_1647 = arith.cmpi eq, %get3A_1610, %eq3A_1646 : vector<16xi32>
      %eq3A_1648 = arith.constant 0 : i32
      %eq3A_1649 = vector.broadcast %eq3A_1648 : i32 to vector<16xi32>
      %eq3A_1650 = arith.cmpi eq, %gather3A_1622, %eq3A_1649 : vector<16xi32>
      %eq3A_1651 = arith.constant 0 : i32
      %eq3A_1652 = vector.broadcast %eq3A_1651 : i32 to vector<16xi32>
      %eq3A_1653 = arith.cmpi eq, %gather3A_1626, %eq3A_1652 : vector<16xi32>
      %or3A_1654 = arith.ori %eq3A_1650, %eq3A_1653 : vector<16xi1>
      %or3A_1655 = arith.ori %or3A_1654, %and3A_1637 : vector<16xi1>
      %or3A_1656 = arith.ori %or3A_1655, %and3A_1644 : vector<16xi1>
      %and3A_1657 = arith.andi %eq3A_1647, %or3A_1656 : vector<16xi1>
      %get3A_1658 = arith.index_cast %add3A_90 : i32 to index
      %get3A_1659 = arith.constant 176 : index
      %get3A_1660 = tpu.vector_load %arg12[%get3A_1658, %get3A_1659] {strides = array<i32>} : memref<32x384xf32, #tpu.memory_space<vmem>>, vector<16xf32>,
      %select_n3A_1661 = arith.select %and3A_1657, %get3A_1660, %broadcast_in_dim3A_7 : vector<16xi1>, vector<16xf32>
      %swap3A_1662 = arith.index_cast %add3A_90 : i32 to index
      %swap3A_1663 = arith.constant 176 : index
      %swap3A_1664 = tpu.vector_load %arg15[%swap3A_1662, %swap3A_1663] {strides = array<i32>} : memref<32x384xf32, #tpu.memory_space<vmem>>, vector<16xf32>,
      tpu.vector_store %arg15[%swap3A_1662, %swap3A_1663], %select_n3A_1661 {strides = array<i32>} : memref<32x384xf32, #tpu.memory_space<vmem>>, vector<16xf32>,
      %get3A_1665 = arith.index_cast %add3A_90 : i32 to index
      %get3A_1666 = arith.constant 224 : index
      %get3A_1667 = tpu.vector_load %arg13[%get3A_1665, %get3A_1666] {strides = array<i32>} : memref<32x448xi32, #tpu.memory_space<vmem>>, vector<16xi32>,
      %add3A_1668 = arith.constant 223 : i32
      %add3A_1669 = vector.broadcast %add3A_1668 : i32 to vector<16xi32>
      %add3A_1670 = arith.addi %iota3A, %add3A_1669 : vector<16xi32>
      %gather3A_1671 = tpu.vector_load_idx %arg13[%add3A_982, %add3A_1670] : memref<32x448xi32, #tpu.memory_space<vmem>>[vector<16xi32>, vector<16xi32>], vector<16xi32>,
      %add3A_1672 = arith.constant 225 : i32
      %add3A_1673 = vector.broadcast %add3A_1672 : i32 to vector<16xi32>
      %add3A_1674 = arith.addi %iota3A, %add3A_1673 : vector<16xi32>
      %gather3A_1675 = tpu.vector_load_idx %arg13[%add3A_982, %add3A_1674] : memref<32x448xi32, #tpu.memory_space<vmem>>[vector<16xi32>, vector<16xi32>], vector<16xi32>,
      %add3A_1676 = arith.constant 205 : i32
      %add3A_1677 = vector.broadcast %add3A_1676 : i32 to vector<16xi32>
      %add3A_1678 = arith.addi %iota3A, %add3A_1677 : vector<16xi32>
      %gather3A_1679 = tpu.vector_load_idx %arg13[%add3A_982, %add3A_1678] : memref<32x448xi32, #tpu.memory_space<vmem>>[vector<16xi32>, vector<16xi32>], vector<16xi32>,
      %add3A_1680 = arith.constant 243 : i32
      %add3A_1681 = vector.broadcast %add3A_1680 : i32 to vector<16xi32>
      %add3A_1682 = arith.addi %iota3A, %add3A_1681 : vector<16xi32>
      %gather3A_1683 = tpu.vector_load_idx %arg13[%add3A_982, %add3A_1682] : memref<32x448xi32, #tpu.memory_space<vmem>>[vector<16xi32>, vector<16xi32>], vector<16xi32>,
      %get3A_1684 = arith.constant 192 : index
      %get3A_1685 = tpu.vector_load %arg21[%get3A_1684] {strides = array<i32>} : memref<768xi32, #tpu.memory_space<vmem>>, vector<16xi32>,
      %get3A_1686 = arith.constant 576 : index
      %get3A_1687 = tpu.vector_load %arg21[%get3A_1686] {strides = array<i32>} : memref<768xi32, #tpu.memory_space<vmem>>, vector<16xi32>,
      %eq3A_1688 = arith.constant 0 : i32
      %eq3A_1689 = vector.broadcast %eq3A_1688 : i32 to vector<16xi32>
      %eq3A_1690 = arith.cmpi eq, %gather3A_1671, %eq3A_1689 : vector<16xi32>
      %ne3A_1691 = arith.constant 0 : i32
      %ne3A_1692 = vector.broadcast %ne3A_1691 : i32 to vector<16xi32>
      %ne3A_1693 = arith.cmpi ne, %get3A_1685, %ne3A_1692 : vector<16xi32>
      %and3A_1694 = arith.andi %eq3A_1690, %ne3A_1693 : vector<16xi1>
      %eq3A_1695 = arith.constant 0 : i32
      %eq3A_1696 = vector.broadcast %eq3A_1695 : i32 to vector<16xi32>
      %eq3A_1697 = arith.cmpi eq, %gather3A_1675, %eq3A_1696 : vector<16xi32>
      %ne3A_1698 = arith.constant 0 : i32
      %ne3A_1699 = vector.broadcast %ne3A_1698 : i32 to vector<16xi32>
      %ne3A_1700 = arith.cmpi ne, %get3A_1687, %ne3A_1699 : vector<16xi32>
      %and3A_1701 = arith.andi %eq3A_1697, %ne3A_1700 : vector<16xi1>
      %eq3A_1702 = arith.constant 0 : i32
      %eq3A_1703 = vector.broadcast %eq3A_1702 : i32 to vector<16xi32>
      %eq3A_1704 = arith.cmpi eq, %get3A_1667, %eq3A_1703 : vector<16xi32>
      %eq3A_1705 = arith.constant 0 : i32
      %eq3A_1706 = vector.broadcast %eq3A_1705 : i32 to vector<16xi32>
      %eq3A_1707 = arith.cmpi eq, %gather3A_1679, %eq3A_1706 : vector<16xi32>
      %eq3A_1708 = arith.constant 0 : i32
      %eq3A_1709 = vector.broadcast %eq3A_1708 : i32 to vector<16xi32>
      %eq3A_1710 = arith.cmpi eq, %gather3A_1683, %eq3A_1709 : vector<16xi32>
      %or3A_1711 = arith.ori %eq3A_1707, %eq3A_1710 : vector<16xi1>
      %or3A_1712 = arith.ori %or3A_1711, %and3A_1694 : vector<16xi1>
      %or3A_1713 = arith.ori %or3A_1712, %and3A_1701 : vector<16xi1>
      %and3A_1714 = arith.andi %eq3A_1704, %or3A_1713 : vector<16xi1>
      %get3A_1715 = arith.index_cast %add3A_90 : i32 to index
      %get3A_1716 = arith.constant 192 : index
      %get3A_1717 = tpu.vector_load %arg12[%get3A_1715, %get3A_1716] {strides = array<i32>} : memref<32x384xf32, #tpu.memory_space<vmem>>, vector<16xf32>,
      %select_n3A_1718 = arith.select %and3A_1714, %get3A_1717, %broadcast_in_dim3A_7 : vector<16xi1>, vector<16xf32>
      %swap3A_1719 = arith.index_cast %add3A_90 : i32 to index
      %swap3A_1720 = arith.constant 192 : index
      %swap3A_1721 = tpu.vector_load %arg15[%swap3A_1719, %swap3A_1720] {strides = array<i32>} : memref<32x384xf32, #tpu.memory_space<vmem>>, vector<16xf32>,
      tpu.vector_store %arg15[%swap3A_1719, %swap3A_1720], %select_n3A_1718 {strides = array<i32>} : memref<32x384xf32, #tpu.memory_space<vmem>>, vector<16xf32>,
      %get3A_1722 = arith.index_cast %add3A_90 : i32 to index
      %get3A_1723 = arith.constant 240 : index
      %get3A_1724 = tpu.vector_load %arg13[%get3A_1722, %get3A_1723] {strides = array<i32>} : memref<32x448xi32, #tpu.memory_space<vmem>>, vector<16xi32>,
      %add3A_1725 = arith.constant 239 : i32
      %add3A_1726 = vector.broadcast %add3A_1725 : i32 to vector<16xi32>
      %add3A_1727 = arith.addi %iota3A, %add3A_1726 : vector<16xi32>
      %gather3A_1728 = tpu.vector_load_idx %arg13[%add3A_982, %add3A_1727] : memref<32x448xi32, #tpu.memory_space<vmem>>[vector<16xi32>, vector<16xi32>], vector<16xi32>,
      %add3A_1729 = arith.constant 241 : i32
      %add3A_1730 = vector.broadcast %add3A_1729 : i32 to vector<16xi32>
      %add3A_1731 = arith.addi %iota3A, %add3A_1730 : vector<16xi32>
      %gather3A_1732 = tpu.vector_load_idx %arg13[%add3A_982, %add3A_1731] : memref<32x448xi32, #tpu.memory_space<vmem>>[vector<16xi32>, vector<16xi32>], vector<16xi32>,
      %add3A_1733 = arith.constant 221 : i32
      %add3A_1734 = vector.broadcast %add3A_1733 : i32 to vector<16xi32>
      %add3A_1735 = arith.addi %iota3A, %add3A_1734 : vector<16xi32>
      %gather3A_1736 = tpu.vector_load_idx %arg13[%add3A_982, %add3A_1735] : memref<32x448xi32, #tpu.memory_space<vmem>>[vector<16xi32>, vector<16xi32>], vector<16xi32>,
      %add3A_1737 = arith.constant 259 : i32
      %add3A_1738 = vector.broadcast %add3A_1737 : i32 to vector<16xi32>
      %add3A_1739 = arith.addi %iota3A, %add3A_1738 : vector<16xi32>
      %gather3A_1740 = tpu.vector_load_idx %arg13[%add3A_982, %add3A_1739] : memref<32x448xi32, #tpu.memory_space<vmem>>[vector<16xi32>, vector<16xi32>], vector<16xi32>,
      %get3A_1741 = arith.constant 208 : index
      %get3A_1742 = tpu.vector_load %arg21[%get3A_1741] {strides = array<i32>} : memref<768xi32, #tpu.memory_space<vmem>>, vector<16xi32>,
      %get3A_1743 = arith.constant 592 : index
      %get3A_1744 = tpu.vector_load %arg21[%get3A_1743] {strides = array<i32>} : memref<768xi32, #tpu.memory_space<vmem>>, vector<16xi32>,
      %eq3A_1745 = arith.constant 0 : i32
      %eq3A_1746 = vector.broadcast %eq3A_1745 : i32 to vector<16xi32>
      %eq3A_1747 = arith.cmpi eq, %gather3A_1728, %eq3A_1746 : vector<16xi32>
      %ne3A_1748 = arith.constant 0 : i32
      %ne3A_1749 = vector.broadcast %ne3A_1748 : i32 to vector<16xi32>
      %ne3A_1750 = arith.cmpi ne, %get3A_1742, %ne3A_1749 : vector<16xi32>
      %and3A_1751 = arith.andi %eq3A_1747, %ne3A_1750 : vector<16xi1>
      %eq3A_1752 = arith.constant 0 : i32
      %eq3A_1753 = vector.broadcast %eq3A_1752 : i32 to vector<16xi32>
      %eq3A_1754 = arith.cmpi eq, %gather3A_1732, %eq3A_1753 : vector<16xi32>
      %ne3A_1755 = arith.constant 0 : i32
      %ne3A_1756 = vector.broadcast %ne3A_1755 : i32 to vector<16xi32>
      %ne3A_1757 = arith.cmpi ne, %get3A_1744, %ne3A_1756 : vector<16xi32>
      %and3A_1758 = arith.andi %eq3A_1754, %ne3A_1757 : vector<16xi1>
      %eq3A_1759 = arith.constant 0 : i32
      %eq3A_1760 = vector.broadcast %eq3A_1759 : i32 to vector<16xi32>
      %eq3A_1761 = arith.cmpi eq, %get3A_1724, %eq3A_1760 : vector<16xi32>
      %eq3A_1762 = arith.constant 0 : i32
      %eq3A_1763 = vector.broadcast %eq3A_1762 : i32 to vector<16xi32>
      %eq3A_1764 = arith.cmpi eq, %gather3A_1736, %eq3A_1763 : vector<16xi32>
      %eq3A_1765 = arith.constant 0 : i32
      %eq3A_1766 = vector.broadcast %eq3A_1765 : i32 to vector<16xi32>
      %eq3A_1767 = arith.cmpi eq, %gather3A_1740, %eq3A_1766 : vector<16xi32>
      %or3A_1768 = arith.ori %eq3A_1764, %eq3A_1767 : vector<16xi1>
      %or3A_1769 = arith.ori %or3A_1768, %and3A_1751 : vector<16xi1>
      %or3A_1770 = arith.ori %or3A_1769, %and3A_1758 : vector<16xi1>
      %and3A_1771 = arith.andi %eq3A_1761, %or3A_1770 : vector<16xi1>
      %get3A_1772 = arith.index_cast %add3A_90 : i32 to index
      %get3A_1773 = arith.constant 208 : index
      %get3A_1774 = tpu.vector_load %arg12[%get3A_1772, %get3A_1773] {strides = array<i32>} : memref<32x384xf32, #tpu.memory_space<vmem>>, vector<16xf32>,
      %select_n3A_1775 = arith.select %and3A_1771, %get3A_1774, %broadcast_in_dim3A_7 : vector<16xi1>, vector<16xf32>
      %swap3A_1776 = arith.index_cast %add3A_90 : i32 to index
      %swap3A_1777 = arith.constant 208 : index
      %swap3A_1778 = tpu.vector_load %arg15[%swap3A_1776, %swap3A_1777] {strides = array<i32>} : memref<32x384xf32, #tpu.memory_space<vmem>>, vector<16xf32>,
      tpu.vector_store %arg15[%swap3A_1776, %swap3A_1777], %select_n3A_1775 {strides = array<i32>} : memref<32x384xf32, #tpu.memory_space<vmem>>, vector<16xf32>,
      %get3A_1779 = arith.index_cast %add3A_90 : i32 to index
      %get3A_1780 = arith.constant 256 : index
      %get3A_1781 = tpu.vector_load %arg13[%get3A_1779, %get3A_1780] {strides = array<i32>} : memref<32x448xi32, #tpu.memory_space<vmem>>, vector<16xi32>,
      %add3A_1782 = arith.constant 255 : i32
      %add3A_1783 = vector.broadcast %add3A_1782 : i32 to vector<16xi32>
      %add3A_1784 = arith.addi %iota3A, %add3A_1783 : vector<16xi32>
      %gather3A_1785 = tpu.vector_load_idx %arg13[%add3A_982, %add3A_1784] : memref<32x448xi32, #tpu.memory_space<vmem>>[vector<16xi32>, vector<16xi32>], vector<16xi32>,
      %add3A_1786 = arith.constant 257 : i32
      %add3A_1787 = vector.broadcast %add3A_1786 : i32 to vector<16xi32>
      %add3A_1788 = arith.addi %iota3A, %add3A_1787 : vector<16xi32>
      %gather3A_1789 = tpu.vector_load_idx %arg13[%add3A_982, %add3A_1788] : memref<32x448xi32, #tpu.memory_space<vmem>>[vector<16xi32>, vector<16xi32>], vector<16xi32>,
      %add3A_1790 = arith.constant 237 : i32
      %add3A_1791 = vector.broadcast %add3A_1790 : i32 to vector<16xi32>
      %add3A_1792 = arith.addi %iota3A, %add3A_1791 : vector<16xi32>
      %gather3A_1793 = tpu.vector_load_idx %arg13[%add3A_982, %add3A_1792] : memref<32x448xi32, #tpu.memory_space<vmem>>[vector<16xi32>, vector<16xi32>], vector<16xi32>,
      %add3A_1794 = arith.constant 275 : i32
      %add3A_1795 = vector.broadcast %add3A_1794 : i32 to vector<16xi32>
      %add3A_1796 = arith.addi %iota3A, %add3A_1795 : vector<16xi32>
      %gather3A_1797 = tpu.vector_load_idx %arg13[%add3A_982, %add3A_1796] : memref<32x448xi32, #tpu.memory_space<vmem>>[vector<16xi32>, vector<16xi32>], vector<16xi32>,
      %get3A_1798 = arith.constant 224 : index
      %get3A_1799 = tpu.vector_load %arg21[%get3A_1798] {strides = array<i32>} : memref<768xi32, #tpu.memory_space<vmem>>, vector<16xi32>,
      %get3A_1800 = arith.constant 608 : index
      %get3A_1801 = tpu.vector_load %arg21[%get3A_1800] {strides = array<i32>} : memref<768xi32, #tpu.memory_space<vmem>>, vector<16xi32>,
      %eq3A_1802 = arith.constant 0 : i32
      %eq3A_1803 = vector.broadcast %eq3A_1802 : i32 to vector<16xi32>
      %eq3A_1804 = arith.cmpi eq, %gather3A_1785, %eq3A_1803 : vector<16xi32>
      %ne3A_1805 = arith.constant 0 : i32
      %ne3A_1806 = vector.broadcast %ne3A_1805 : i32 to vector<16xi32>
      %ne3A_1807 = arith.cmpi ne, %get3A_1799, %ne3A_1806 : vector<16xi32>
      %and3A_1808 = arith.andi %eq3A_1804, %ne3A_1807 : vector<16xi1>
      %eq3A_1809 = arith.constant 0 : i32
      %eq3A_1810 = vector.broadcast %eq3A_1809 : i32 to vector<16xi32>
      %eq3A_1811 = arith.cmpi eq, %gather3A_1789, %eq3A_1810 : vector<16xi32>
      %ne3A_1812 = arith.constant 0 : i32
      %ne3A_1813 = vector.broadcast %ne3A_1812 : i32 to vector<16xi32>
      %ne3A_1814 = arith.cmpi ne, %get3A_1801, %ne3A_1813 : vector<16xi32>
      %and3A_1815 = arith.andi %eq3A_1811, %ne3A_1814 : vector<16xi1>
      %eq3A_1816 = arith.constant 0 : i32
      %eq3A_1817 = vector.broadcast %eq3A_1816 : i32 to vector<16xi32>
      %eq3A_1818 = arith.cmpi eq, %get3A_1781, %eq3A_1817 : vector<16xi32>
      %eq3A_1819 = arith.constant 0 : i32
      %eq3A_1820 = vector.broadcast %eq3A_1819 : i32 to vector<16xi32>
      %eq3A_1821 = arith.cmpi eq, %gather3A_1793, %eq3A_1820 : vector<16xi32>
      %eq3A_1822 = arith.constant 0 : i32
      %eq3A_1823 = vector.broadcast %eq3A_1822 : i32 to vector<16xi32>
      %eq3A_1824 = arith.cmpi eq, %gather3A_1797, %eq3A_1823 : vector<16xi32>
      %or3A_1825 = arith.ori %eq3A_1821, %eq3A_1824 : vector<16xi1>
      %or3A_1826 = arith.ori %or3A_1825, %and3A_1808 : vector<16xi1>
      %or3A_1827 = arith.ori %or3A_1826, %and3A_1815 : vector<16xi1>
      %and3A_1828 = arith.andi %eq3A_1818, %or3A_1827 : vector<16xi1>
      %get3A_1829 = arith.index_cast %add3A_90 : i32 to index
      %get3A_1830 = arith.constant 224 : index
      %get3A_1831 = tpu.vector_load %arg12[%get3A_1829, %get3A_1830] {strides = array<i32>} : memref<32x384xf32, #tpu.memory_space<vmem>>, vector<16xf32>,
      %select_n3A_1832 = arith.select %and3A_1828, %get3A_1831, %broadcast_in_dim3A_7 : vector<16xi1>, vector<16xf32>
      %swap3A_1833 = arith.index_cast %add3A_90 : i32 to index
      %swap3A_1834 = arith.constant 224 : index
      %swap3A_1835 = tpu.vector_load %arg15[%swap3A_1833, %swap3A_1834] {strides = array<i32>} : memref<32x384xf32, #tpu.memory_space<vmem>>, vector<16xf32>,
      tpu.vector_store %arg15[%swap3A_1833, %swap3A_1834], %select_n3A_1832 {strides = array<i32>} : memref<32x384xf32, #tpu.memory_space<vmem>>, vector<16xf32>,
      %get3A_1836 = arith.index_cast %add3A_90 : i32 to index
      %get3A_1837 = arith.constant 272 : index
      %get3A_1838 = tpu.vector_load %arg13[%get3A_1836, %get3A_1837] {strides = array<i32>} : memref<32x448xi32, #tpu.memory_space<vmem>>, vector<16xi32>,
      %add3A_1839 = arith.constant 271 : i32
      %add3A_1840 = vector.broadcast %add3A_1839 : i32 to vector<16xi32>
      %add3A_1841 = arith.addi %iota3A, %add3A_1840 : vector<16xi32>
      %gather3A_1842 = tpu.vector_load_idx %arg13[%add3A_982, %add3A_1841] : memref<32x448xi32, #tpu.memory_space<vmem>>[vector<16xi32>, vector<16xi32>], vector<16xi32>,
      %add3A_1843 = arith.constant 273 : i32
      %add3A_1844 = vector.broadcast %add3A_1843 : i32 to vector<16xi32>
      %add3A_1845 = arith.addi %iota3A, %add3A_1844 : vector<16xi32>
      %gather3A_1846 = tpu.vector_load_idx %arg13[%add3A_982, %add3A_1845] : memref<32x448xi32, #tpu.memory_space<vmem>>[vector<16xi32>, vector<16xi32>], vector<16xi32>,
      %add3A_1847 = arith.constant 253 : i32
      %add3A_1848 = vector.broadcast %add3A_1847 : i32 to vector<16xi32>
      %add3A_1849 = arith.addi %iota3A, %add3A_1848 : vector<16xi32>
      %gather3A_1850 = tpu.vector_load_idx %arg13[%add3A_982, %add3A_1849] : memref<32x448xi32, #tpu.memory_space<vmem>>[vector<16xi32>, vector<16xi32>], vector<16xi32>,
      %add3A_1851 = arith.constant 291 : i32
      %add3A_1852 = vector.broadcast %add3A_1851 : i32 to vector<16xi32>
      %add3A_1853 = arith.addi %iota3A, %add3A_1852 : vector<16xi32>
      %gather3A_1854 = tpu.vector_load_idx %arg13[%add3A_982, %add3A_1853] : memref<32x448xi32, #tpu.memory_space<vmem>>[vector<16xi32>, vector<16xi32>], vector<16xi32>,
      %get3A_1855 = arith.constant 240 : index
      %get3A_1856 = tpu.vector_load %arg21[%get3A_1855] {strides = array<i32>} : memref<768xi32, #tpu.memory_space<vmem>>, vector<16xi32>,
      %get3A_1857 = arith.constant 624 : index
      %get3A_1858 = tpu.vector_load %arg21[%get3A_1857] {strides = array<i32>} : memref<768xi32, #tpu.memory_space<vmem>>, vector<16xi32>,
      %eq3A_1859 = arith.constant 0 : i32
      %eq3A_1860 = vector.broadcast %eq3A_1859 : i32 to vector<16xi32>
      %eq3A_1861 = arith.cmpi eq, %gather3A_1842, %eq3A_1860 : vector<16xi32>
      %ne3A_1862 = arith.constant 0 : i32
      %ne3A_1863 = vector.broadcast %ne3A_1862 : i32 to vector<16xi32>
      %ne3A_1864 = arith.cmpi ne, %get3A_1856, %ne3A_1863 : vector<16xi32>
      %and3A_1865 = arith.andi %eq3A_1861, %ne3A_1864 : vector<16xi1>
      %eq3A_1866 = arith.constant 0 : i32
      %eq3A_1867 = vector.broadcast %eq3A_1866 : i32 to vector<16xi32>
      %eq3A_1868 = arith.cmpi eq, %gather3A_1846, %eq3A_1867 : vector<16xi32>
      %ne3A_1869 = arith.constant 0 : i32
      %ne3A_1870 = vector.broadcast %ne3A_1869 : i32 to vector<16xi32>
      %ne3A_1871 = arith.cmpi ne, %get3A_1858, %ne3A_1870 : vector<16xi32>
      %and3A_1872 = arith.andi %eq3A_1868, %ne3A_1871 : vector<16xi1>
      %eq3A_1873 = arith.constant 0 : i32
      %eq3A_1874 = vector.broadcast %eq3A_1873 : i32 to vector<16xi32>
      %eq3A_1875 = arith.cmpi eq, %get3A_1838, %eq3A_1874 : vector<16xi32>
      %eq3A_1876 = arith.constant 0 : i32
      %eq3A_1877 = vector.broadcast %eq3A_1876 : i32 to vector<16xi32>
      %eq3A_1878 = arith.cmpi eq, %gather3A_1850, %eq3A_1877 : vector<16xi32>
      %eq3A_1879 = arith.constant 0 : i32
      %eq3A_1880 = vector.broadcast %eq3A_1879 : i32 to vector<16xi32>
      %eq3A_1881 = arith.cmpi eq, %gather3A_1854, %eq3A_1880 : vector<16xi32>
      %or3A_1882 = arith.ori %eq3A_1878, %eq3A_1881 : vector<16xi1>
      %or3A_1883 = arith.ori %or3A_1882, %and3A_1865 : vector<16xi1>
      %or3A_1884 = arith.ori %or3A_1883, %and3A_1872 : vector<16xi1>
      %and3A_1885 = arith.andi %eq3A_1875, %or3A_1884 : vector<16xi1>
      %get3A_1886 = arith.index_cast %add3A_90 : i32 to index
      %get3A_1887 = arith.constant 240 : index
      %get3A_1888 = tpu.vector_load %arg12[%get3A_1886, %get3A_1887] {strides = array<i32>} : memref<32x384xf32, #tpu.memory_space<vmem>>, vector<16xf32>,
      %select_n3A_1889 = arith.select %and3A_1885, %get3A_1888, %broadcast_in_dim3A_7 : vector<16xi1>, vector<16xf32>
      %swap3A_1890 = arith.index_cast %add3A_90 : i32 to index
      %swap3A_1891 = arith.constant 240 : index
      %swap3A_1892 = tpu.vector_load %arg15[%swap3A_1890, %swap3A_1891] {strides = array<i32>} : memref<32x384xf32, #tpu.memory_space<vmem>>, vector<16xf32>,
      tpu.vector_store %arg15[%swap3A_1890, %swap3A_1891], %select_n3A_1889 {strides = array<i32>} : memref<32x384xf32, #tpu.memory_space<vmem>>, vector<16xf32>,
      %get3A_1893 = arith.index_cast %add3A_90 : i32 to index
      %get3A_1894 = arith.constant 288 : index
      %get3A_1895 = tpu.vector_load %arg13[%get3A_1893, %get3A_1894] {strides = array<i32>} : memref<32x448xi32, #tpu.memory_space<vmem>>, vector<16xi32>,
      %add3A_1896 = arith.constant 287 : i32
      %add3A_1897 = vector.broadcast %add3A_1896 : i32 to vector<16xi32>
      %add3A_1898 = arith.addi %iota3A, %add3A_1897 : vector<16xi32>
      %gather3A_1899 = tpu.vector_load_idx %arg13[%add3A_982, %add3A_1898] : memref<32x448xi32, #tpu.memory_space<vmem>>[vector<16xi32>, vector<16xi32>], vector<16xi32>,
      %add3A_1900 = arith.constant 289 : i32
      %add3A_1901 = vector.broadcast %add3A_1900 : i32 to vector<16xi32>
      %add3A_1902 = arith.addi %iota3A, %add3A_1901 : vector<16xi32>
      %gather3A_1903 = tpu.vector_load_idx %arg13[%add3A_982, %add3A_1902] : memref<32x448xi32, #tpu.memory_space<vmem>>[vector<16xi32>, vector<16xi32>], vector<16xi32>,
      %add3A_1904 = arith.constant 269 : i32
      %add3A_1905 = vector.broadcast %add3A_1904 : i32 to vector<16xi32>
      %add3A_1906 = arith.addi %iota3A, %add3A_1905 : vector<16xi32>
      %gather3A_1907 = tpu.vector_load_idx %arg13[%add3A_982, %add3A_1906] : memref<32x448xi32, #tpu.memory_space<vmem>>[vector<16xi32>, vector<16xi32>], vector<16xi32>,
      %add3A_1908 = arith.constant 307 : i32
      %add3A_1909 = vector.broadcast %add3A_1908 : i32 to vector<16xi32>
      %add3A_1910 = arith.addi %iota3A, %add3A_1909 : vector<16xi32>
      %gather3A_1911 = tpu.vector_load_idx %arg13[%add3A_982, %add3A_1910] : memref<32x448xi32, #tpu.memory_space<vmem>>[vector<16xi32>, vector<16xi32>], vector<16xi32>,
      %get3A_1912 = arith.constant 256 : index
      %get3A_1913 = tpu.vector_load %arg21[%get3A_1912] {strides = array<i32>} : memref<768xi32, #tpu.memory_space<vmem>>, vector<16xi32>,
      %get3A_1914 = arith.constant 640 : index
      %get3A_1915 = tpu.vector_load %arg21[%get3A_1914] {strides = array<i32>} : memref<768xi32, #tpu.memory_space<vmem>>, vector<16xi32>,
      %eq3A_1916 = arith.constant 0 : i32
      %eq3A_1917 = vector.broadcast %eq3A_1916 : i32 to vector<16xi32>
      %eq3A_1918 = arith.cmpi eq, %gather3A_1899, %eq3A_1917 : vector<16xi32>
      %ne3A_1919 = arith.constant 0 : i32
      %ne3A_1920 = vector.broadcast %ne3A_1919 : i32 to vector<16xi32>
      %ne3A_1921 = arith.cmpi ne, %get3A_1913, %ne3A_1920 : vector<16xi32>
      %and3A_1922 = arith.andi %eq3A_1918, %ne3A_1921 : vector<16xi1>
      %eq3A_1923 = arith.constant 0 : i32
      %eq3A_1924 = vector.broadcast %eq3A_1923 : i32 to vector<16xi32>
      %eq3A_1925 = arith.cmpi eq, %gather3A_1903, %eq3A_1924 : vector<16xi32>
      %ne3A_1926 = arith.constant 0 : i32
      %ne3A_1927 = vector.broadcast %ne3A_1926 : i32 to vector<16xi32>
      %ne3A_1928 = arith.cmpi ne, %get3A_1915, %ne3A_1927 : vector<16xi32>
      %and3A_1929 = arith.andi %eq3A_1925, %ne3A_1928 : vector<16xi1>
      %eq3A_1930 = arith.constant 0 : i32
      %eq3A_1931 = vector.broadcast %eq3A_1930 : i32 to vector<16xi32>
      %eq3A_1932 = arith.cmpi eq, %get3A_1895, %eq3A_1931 : vector<16xi32>
      %eq3A_1933 = arith.constant 0 : i32
      %eq3A_1934 = vector.broadcast %eq3A_1933 : i32 to vector<16xi32>
      %eq3A_1935 = arith.cmpi eq, %gather3A_1907, %eq3A_1934 : vector<16xi32>
      %eq3A_1936 = arith.constant 0 : i32
      %eq3A_1937 = vector.broadcast %eq3A_1936 : i32 to vector<16xi32>
      %eq3A_1938 = arith.cmpi eq, %gather3A_1911, %eq3A_1937 : vector<16xi32>
      %or3A_1939 = arith.ori %eq3A_1935, %eq3A_1938 : vector<16xi1>
      %or3A_1940 = arith.ori %or3A_1939, %and3A_1922 : vector<16xi1>
      %or3A_1941 = arith.ori %or3A_1940, %and3A_1929 : vector<16xi1>
      %and3A_1942 = arith.andi %eq3A_1932, %or3A_1941 : vector<16xi1>
      %get3A_1943 = arith.index_cast %add3A_90 : i32 to index
      %get3A_1944 = arith.constant 256 : index
      %get3A_1945 = tpu.vector_load %arg12[%get3A_1943, %get3A_1944] {strides = array<i32>} : memref<32x384xf32, #tpu.memory_space<vmem>>, vector<16xf32>,
      %select_n3A_1946 = arith.select %and3A_1942, %get3A_1945, %broadcast_in_dim3A_7 : vector<16xi1>, vector<16xf32>
      %swap3A_1947 = arith.index_cast %add3A_90 : i32 to index
      %swap3A_1948 = arith.constant 256 : index
      %swap3A_1949 = tpu.vector_load %arg15[%swap3A_1947, %swap3A_1948] {strides = array<i32>} : memref<32x384xf32, #tpu.memory_space<vmem>>, vector<16xf32>,
      tpu.vector_store %arg15[%swap3A_1947, %swap3A_1948], %select_n3A_1946 {strides = array<i32>} : memref<32x384xf32, #tpu.memory_space<vmem>>, vector<16xf32>,
      %get3A_1950 = arith.index_cast %add3A_90 : i32 to index
      %get3A_1951 = arith.constant 304 : index
      %get3A_1952 = tpu.vector_load %arg13[%get3A_1950, %get3A_1951] {strides = array<i32>} : memref<32x448xi32, #tpu.memory_space<vmem>>, vector<16xi32>,
      %add3A_1953 = arith.constant 303 : i32
      %add3A_1954 = vector.broadcast %add3A_1953 : i32 to vector<16xi32>
      %add3A_1955 = arith.addi %iota3A, %add3A_1954 : vector<16xi32>
      %gather3A_1956 = tpu.vector_load_idx %arg13[%add3A_982, %add3A_1955] : memref<32x448xi32, #tpu.memory_space<vmem>>[vector<16xi32>, vector<16xi32>], vector<16xi32>,
      %add3A_1957 = arith.constant 305 : i32
      %add3A_1958 = vector.broadcast %add3A_1957 : i32 to vector<16xi32>
      %add3A_1959 = arith.addi %iota3A, %add3A_1958 : vector<16xi32>
      %gather3A_1960 = tpu.vector_load_idx %arg13[%add3A_982, %add3A_1959] : memref<32x448xi32, #tpu.memory_space<vmem>>[vector<16xi32>, vector<16xi32>], vector<16xi32>,
      %add3A_1961 = arith.constant 285 : i32
      %add3A_1962 = vector.broadcast %add3A_1961 : i32 to vector<16xi32>
      %add3A_1963 = arith.addi %iota3A, %add3A_1962 : vector<16xi32>
      %gather3A_1964 = tpu.vector_load_idx %arg13[%add3A_982, %add3A_1963] : memref<32x448xi32, #tpu.memory_space<vmem>>[vector<16xi32>, vector<16xi32>], vector<16xi32>,
      %add3A_1965 = arith.constant 323 : i32
      %add3A_1966 = vector.broadcast %add3A_1965 : i32 to vector<16xi32>
      %add3A_1967 = arith.addi %iota3A, %add3A_1966 : vector<16xi32>
      %gather3A_1968 = tpu.vector_load_idx %arg13[%add3A_982, %add3A_1967] : memref<32x448xi32, #tpu.memory_space<vmem>>[vector<16xi32>, vector<16xi32>], vector<16xi32>,
      %get3A_1969 = arith.constant 272 : index
      %get3A_1970 = tpu.vector_load %arg21[%get3A_1969] {strides = array<i32>} : memref<768xi32, #tpu.memory_space<vmem>>, vector<16xi32>,
      %get3A_1971 = arith.constant 656 : index
      %get3A_1972 = tpu.vector_load %arg21[%get3A_1971] {strides = array<i32>} : memref<768xi32, #tpu.memory_space<vmem>>, vector<16xi32>,
      %eq3A_1973 = arith.constant 0 : i32
      %eq3A_1974 = vector.broadcast %eq3A_1973 : i32 to vector<16xi32>
      %eq3A_1975 = arith.cmpi eq, %gather3A_1956, %eq3A_1974 : vector<16xi32>
      %ne3A_1976 = arith.constant 0 : i32
      %ne3A_1977 = vector.broadcast %ne3A_1976 : i32 to vector<16xi32>
      %ne3A_1978 = arith.cmpi ne, %get3A_1970, %ne3A_1977 : vector<16xi32>
      %and3A_1979 = arith.andi %eq3A_1975, %ne3A_1978 : vector<16xi1>
      %eq3A_1980 = arith.constant 0 : i32
      %eq3A_1981 = vector.broadcast %eq3A_1980 : i32 to vector<16xi32>
      %eq3A_1982 = arith.cmpi eq, %gather3A_1960, %eq3A_1981 : vector<16xi32>
      %ne3A_1983 = arith.constant 0 : i32
      %ne3A_1984 = vector.broadcast %ne3A_1983 : i32 to vector<16xi32>
      %ne3A_1985 = arith.cmpi ne, %get3A_1972, %ne3A_1984 : vector<16xi32>
      %and3A_1986 = arith.andi %eq3A_1982, %ne3A_1985 : vector<16xi1>
      %eq3A_1987 = arith.constant 0 : i32
      %eq3A_1988 = vector.broadcast %eq3A_1987 : i32 to vector<16xi32>
      %eq3A_1989 = arith.cmpi eq, %get3A_1952, %eq3A_1988 : vector<16xi32>
      %eq3A_1990 = arith.constant 0 : i32
      %eq3A_1991 = vector.broadcast %eq3A_1990 : i32 to vector<16xi32>
      %eq3A_1992 = arith.cmpi eq, %gather3A_1964, %eq3A_1991 : vector<16xi32>
      %eq3A_1993 = arith.constant 0 : i32
      %eq3A_1994 = vector.broadcast %eq3A_1993 : i32 to vector<16xi32>
      %eq3A_1995 = arith.cmpi eq, %gather3A_1968, %eq3A_1994 : vector<16xi32>
      %or3A_1996 = arith.ori %eq3A_1992, %eq3A_1995 : vector<16xi1>
      %or3A_1997 = arith.ori %or3A_1996, %and3A_1979 : vector<16xi1>
      %or3A_1998 = arith.ori %or3A_1997, %and3A_1986 : vector<16xi1>
      %and3A_1999 = arith.andi %eq3A_1989, %or3A_1998 : vector<16xi1>
      %get3A_2000 = arith.index_cast %add3A_90 : i32 to index
      %get3A_2001 = arith.constant 272 : index
      %get3A_2002 = tpu.vector_load %arg12[%get3A_2000, %get3A_2001] {strides = array<i32>} : memref<32x384xf32, #tpu.memory_space<vmem>>, vector<16xf32>,
      %select_n3A_2003 = arith.select %and3A_1999, %get3A_2002, %broadcast_in_dim3A_7 : vector<16xi1>, vector<16xf32>
      %swap3A_2004 = arith.index_cast %add3A_90 : i32 to index
      %swap3A_2005 = arith.constant 272 : index
      %swap3A_2006 = tpu.vector_load %arg15[%swap3A_2004, %swap3A_2005] {strides = array<i32>} : memref<32x384xf32, #tpu.memory_space<vmem>>, vector<16xf32>,
      tpu.vector_store %arg15[%swap3A_2004, %swap3A_2005], %select_n3A_2003 {strides = array<i32>} : memref<32x384xf32, #tpu.memory_space<vmem>>, vector<16xf32>,
      %get3A_2007 = arith.index_cast %add3A_90 : i32 to index
      %get3A_2008 = arith.constant 320 : index
      %get3A_2009 = tpu.vector_load %arg13[%get3A_2007, %get3A_2008] {strides = array<i32>} : memref<32x448xi32, #tpu.memory_space<vmem>>, vector<16xi32>,
      %add3A_2010 = arith.constant 319 : i32
      %add3A_2011 = vector.broadcast %add3A_2010 : i32 to vector<16xi32>
      %add3A_2012 = arith.addi %iota3A, %add3A_2011 : vector<16xi32>
      %gather3A_2013 = tpu.vector_load_idx %arg13[%add3A_982, %add3A_2012] : memref<32x448xi32, #tpu.memory_space<vmem>>[vector<16xi32>, vector<16xi32>], vector<16xi32>,
      %add3A_2014 = arith.constant 321 : i32
      %add3A_2015 = vector.broadcast %add3A_2014 : i32 to vector<16xi32>
      %add3A_2016 = arith.addi %iota3A, %add3A_2015 : vector<16xi32>
      %gather3A_2017 = tpu.vector_load_idx %arg13[%add3A_982, %add3A_2016] : memref<32x448xi32, #tpu.memory_space<vmem>>[vector<16xi32>, vector<16xi32>], vector<16xi32>,
      %add3A_2018 = arith.constant 301 : i32
      %add3A_2019 = vector.broadcast %add3A_2018 : i32 to vector<16xi32>
      %add3A_2020 = arith.addi %iota3A, %add3A_2019 : vector<16xi32>
      %gather3A_2021 = tpu.vector_load_idx %arg13[%add3A_982, %add3A_2020] : memref<32x448xi32, #tpu.memory_space<vmem>>[vector<16xi32>, vector<16xi32>], vector<16xi32>,
      %add3A_2022 = arith.constant 339 : i32
      %add3A_2023 = vector.broadcast %add3A_2022 : i32 to vector<16xi32>
      %add3A_2024 = arith.addi %iota3A, %add3A_2023 : vector<16xi32>
      %gather3A_2025 = tpu.vector_load_idx %arg13[%add3A_982, %add3A_2024] : memref<32x448xi32, #tpu.memory_space<vmem>>[vector<16xi32>, vector<16xi32>], vector<16xi32>,
      %get3A_2026 = arith.constant 288 : index
      %get3A_2027 = tpu.vector_load %arg21[%get3A_2026] {strides = array<i32>} : memref<768xi32, #tpu.memory_space<vmem>>, vector<16xi32>,
      %get3A_2028 = arith.constant 672 : index
      %get3A_2029 = tpu.vector_load %arg21[%get3A_2028] {strides = array<i32>} : memref<768xi32, #tpu.memory_space<vmem>>, vector<16xi32>,
      %eq3A_2030 = arith.constant 0 : i32
      %eq3A_2031 = vector.broadcast %eq3A_2030 : i32 to vector<16xi32>
      %eq3A_2032 = arith.cmpi eq, %gather3A_2013, %eq3A_2031 : vector<16xi32>
      %ne3A_2033 = arith.constant 0 : i32
      %ne3A_2034 = vector.broadcast %ne3A_2033 : i32 to vector<16xi32>
      %ne3A_2035 = arith.cmpi ne, %get3A_2027, %ne3A_2034 : vector<16xi32>
      %and3A_2036 = arith.andi %eq3A_2032, %ne3A_2035 : vector<16xi1>
      %eq3A_2037 = arith.constant 0 : i32
      %eq3A_2038 = vector.broadcast %eq3A_2037 : i32 to vector<16xi32>
      %eq3A_2039 = arith.cmpi eq, %gather3A_2017, %eq3A_2038 : vector<16xi32>
      %ne3A_2040 = arith.constant 0 : i32
      %ne3A_2041 = vector.broadcast %ne3A_2040 : i32 to vector<16xi32>
      %ne3A_2042 = arith.cmpi ne, %get3A_2029, %ne3A_2041 : vector<16xi32>
      %and3A_2043 = arith.andi %eq3A_2039, %ne3A_2042 : vector<16xi1>
      %eq3A_2044 = arith.constant 0 : i32
      %eq3A_2045 = vector.broadcast %eq3A_2044 : i32 to vector<16xi32>
      %eq3A_2046 = arith.cmpi eq, %get3A_2009, %eq3A_2045 : vector<16xi32>
      %eq3A_2047 = arith.constant 0 : i32
      %eq3A_2048 = vector.broadcast %eq3A_2047 : i32 to vector<16xi32>
      %eq3A_2049 = arith.cmpi eq, %gather3A_2021, %eq3A_2048 : vector<16xi32>
      %eq3A_2050 = arith.constant 0 : i32
      %eq3A_2051 = vector.broadcast %eq3A_2050 : i32 to vector<16xi32>
      %eq3A_2052 = arith.cmpi eq, %gather3A_2025, %eq3A_2051 : vector<16xi32>
      %or3A_2053 = arith.ori %eq3A_2049, %eq3A_2052 : vector<16xi1>
      %or3A_2054 = arith.ori %or3A_2053, %and3A_2036 : vector<16xi1>
      %or3A_2055 = arith.ori %or3A_2054, %and3A_2043 : vector<16xi1>
      %and3A_2056 = arith.andi %eq3A_2046, %or3A_2055 : vector<16xi1>
      %get3A_2057 = arith.index_cast %add3A_90 : i32 to index
      %get3A_2058 = arith.constant 288 : index
      %get3A_2059 = tpu.vector_load %arg12[%get3A_2057, %get3A_2058] {strides = array<i32>} : memref<32x384xf32, #tpu.memory_space<vmem>>, vector<16xf32>,
      %select_n3A_2060 = arith.select %and3A_2056, %get3A_2059, %broadcast_in_dim3A_7 : vector<16xi1>, vector<16xf32>
      %swap3A_2061 = arith.index_cast %add3A_90 : i32 to index
      %swap3A_2062 = arith.constant 288 : index
      %swap3A_2063 = tpu.vector_load %arg15[%swap3A_2061, %swap3A_2062] {strides = array<i32>} : memref<32x384xf32, #tpu.memory_space<vmem>>, vector<16xf32>,
      tpu.vector_store %arg15[%swap3A_2061, %swap3A_2062], %select_n3A_2060 {strides = array<i32>} : memref<32x384xf32, #tpu.memory_space<vmem>>, vector<16xf32>,
      %get3A_2064 = arith.index_cast %add3A_90 : i32 to index
      %get3A_2065 = arith.constant 336 : index
      %get3A_2066 = tpu.vector_load %arg13[%get3A_2064, %get3A_2065] {strides = array<i32>} : memref<32x448xi32, #tpu.memory_space<vmem>>, vector<16xi32>,
      %add3A_2067 = arith.constant 335 : i32
      %add3A_2068 = vector.broadcast %add3A_2067 : i32 to vector<16xi32>
      %add3A_2069 = arith.addi %iota3A, %add3A_2068 : vector<16xi32>
      %gather3A_2070 = tpu.vector_load_idx %arg13[%add3A_982, %add3A_2069] : memref<32x448xi32, #tpu.memory_space<vmem>>[vector<16xi32>, vector<16xi32>], vector<16xi32>,
      %add3A_2071 = arith.constant 337 : i32
      %add3A_2072 = vector.broadcast %add3A_2071 : i32 to vector<16xi32>
      %add3A_2073 = arith.addi %iota3A, %add3A_2072 : vector<16xi32>
      %gather3A_2074 = tpu.vector_load_idx %arg13[%add3A_982, %add3A_2073] : memref<32x448xi32, #tpu.memory_space<vmem>>[vector<16xi32>, vector<16xi32>], vector<16xi32>,
      %add3A_2075 = arith.constant 317 : i32
      %add3A_2076 = vector.broadcast %add3A_2075 : i32 to vector<16xi32>
      %add3A_2077 = arith.addi %iota3A, %add3A_2076 : vector<16xi32>
      %gather3A_2078 = tpu.vector_load_idx %arg13[%add3A_982, %add3A_2077] : memref<32x448xi32, #tpu.memory_space<vmem>>[vector<16xi32>, vector<16xi32>], vector<16xi32>,
      %add3A_2079 = arith.constant 355 : i32
      %add3A_2080 = vector.broadcast %add3A_2079 : i32 to vector<16xi32>
      %add3A_2081 = arith.addi %iota3A, %add3A_2080 : vector<16xi32>
      %gather3A_2082 = tpu.vector_load_idx %arg13[%add3A_982, %add3A_2081] : memref<32x448xi32, #tpu.memory_space<vmem>>[vector<16xi32>, vector<16xi32>], vector<16xi32>,
      %get3A_2083 = arith.constant 304 : index
      %get3A_2084 = tpu.vector_load %arg21[%get3A_2083] {strides = array<i32>} : memref<768xi32, #tpu.memory_space<vmem>>, vector<16xi32>,
      %get3A_2085 = arith.constant 688 : index
      %get3A_2086 = tpu.vector_load %arg21[%get3A_2085] {strides = array<i32>} : memref<768xi32, #tpu.memory_space<vmem>>, vector<16xi32>,
      %eq3A_2087 = arith.constant 0 : i32
      %eq3A_2088 = vector.broadcast %eq3A_2087 : i32 to vector<16xi32>
      %eq3A_2089 = arith.cmpi eq, %gather3A_2070, %eq3A_2088 : vector<16xi32>
      %ne3A_2090 = arith.constant 0 : i32
      %ne3A_2091 = vector.broadcast %ne3A_2090 : i32 to vector<16xi32>
      %ne3A_2092 = arith.cmpi ne, %get3A_2084, %ne3A_2091 : vector<16xi32>
      %and3A_2093 = arith.andi %eq3A_2089, %ne3A_2092 : vector<16xi1>
      %eq3A_2094 = arith.constant 0 : i32
      %eq3A_2095 = vector.broadcast %eq3A_2094 : i32 to vector<16xi32>
      %eq3A_2096 = arith.cmpi eq, %gather3A_2074, %eq3A_2095 : vector<16xi32>
      %ne3A_2097 = arith.constant 0 : i32
      %ne3A_2098 = vector.broadcast %ne3A_2097 : i32 to vector<16xi32>
      %ne3A_2099 = arith.cmpi ne, %get3A_2086, %ne3A_2098 : vector<16xi32>
      %and3A_2100 = arith.andi %eq3A_2096, %ne3A_2099 : vector<16xi1>
      %eq3A_2101 = arith.constant 0 : i32
      %eq3A_2102 = vector.broadcast %eq3A_2101 : i32 to vector<16xi32>
      %eq3A_2103 = arith.cmpi eq, %get3A_2066, %eq3A_2102 : vector<16xi32>
      %eq3A_2104 = arith.constant 0 : i32
      %eq3A_2105 = vector.broadcast %eq3A_2104 : i32 to vector<16xi32>
      %eq3A_2106 = arith.cmpi eq, %gather3A_2078, %eq3A_2105 : vector<16xi32>
      %eq3A_2107 = arith.constant 0 : i32
      %eq3A_2108 = vector.broadcast %eq3A_2107 : i32 to vector<16xi32>
      %eq3A_2109 = arith.cmpi eq, %gather3A_2082, %eq3A_2108 : vector<16xi32>
      %or3A_2110 = arith.ori %eq3A_2106, %eq3A_2109 : vector<16xi1>
      %or3A_2111 = arith.ori %or3A_2110, %and3A_2093 : vector<16xi1>
      %or3A_2112 = arith.ori %or3A_2111, %and3A_2100 : vector<16xi1>
      %and3A_2113 = arith.andi %eq3A_2103, %or3A_2112 : vector<16xi1>
      %get3A_2114 = arith.index_cast %add3A_90 : i32 to index
      %get3A_2115 = arith.constant 304 : index
      %get3A_2116 = tpu.vector_load %arg12[%get3A_2114, %get3A_2115] {strides = array<i32>} : memref<32x384xf32, #tpu.memory_space<vmem>>, vector<16xf32>,
      %select_n3A_2117 = arith.select %and3A_2113, %get3A_2116, %broadcast_in_dim3A_7 : vector<16xi1>, vector<16xf32>
      %swap3A_2118 = arith.index_cast %add3A_90 : i32 to index
      %swap3A_2119 = arith.constant 304 : index
      %swap3A_2120 = tpu.vector_load %arg15[%swap3A_2118, %swap3A_2119] {strides = array<i32>} : memref<32x384xf32, #tpu.memory_space<vmem>>, vector<16xf32>,
      tpu.vector_store %arg15[%swap3A_2118, %swap3A_2119], %select_n3A_2117 {strides = array<i32>} : memref<32x384xf32, #tpu.memory_space<vmem>>, vector<16xf32>,
      %get3A_2121 = arith.index_cast %add3A_90 : i32 to index
      %get3A_2122 = arith.constant 352 : index
      %get3A_2123 = tpu.vector_load %arg13[%get3A_2121, %get3A_2122] {strides = array<i32>} : memref<32x448xi32, #tpu.memory_space<vmem>>, vector<16xi32>,
      %add3A_2124 = arith.constant 351 : i32
      %add3A_2125 = vector.broadcast %add3A_2124 : i32 to vector<16xi32>
      %add3A_2126 = arith.addi %iota3A, %add3A_2125 : vector<16xi32>
      %gather3A_2127 = tpu.vector_load_idx %arg13[%add3A_982, %add3A_2126] : memref<32x448xi32, #tpu.memory_space<vmem>>[vector<16xi32>, vector<16xi32>], vector<16xi32>,
      %add3A_2128 = arith.constant 353 : i32
      %add3A_2129 = vector.broadcast %add3A_2128 : i32 to vector<16xi32>
      %add3A_2130 = arith.addi %iota3A, %add3A_2129 : vector<16xi32>
      %gather3A_2131 = tpu.vector_load_idx %arg13[%add3A_982, %add3A_2130] : memref<32x448xi32, #tpu.memory_space<vmem>>[vector<16xi32>, vector<16xi32>], vector<16xi32>,
      %add3A_2132 = arith.constant 333 : i32
      %add3A_2133 = vector.broadcast %add3A_2132 : i32 to vector<16xi32>
      %add3A_2134 = arith.addi %iota3A, %add3A_2133 : vector<16xi32>
      %gather3A_2135 = tpu.vector_load_idx %arg13[%add3A_982, %add3A_2134] : memref<32x448xi32, #tpu.memory_space<vmem>>[vector<16xi32>, vector<16xi32>], vector<16xi32>,
      %add3A_2136 = arith.constant 371 : i32
      %add3A_2137 = vector.broadcast %add3A_2136 : i32 to vector<16xi32>
      %add3A_2138 = arith.addi %iota3A, %add3A_2137 : vector<16xi32>
      %gather3A_2139 = tpu.vector_load_idx %arg13[%add3A_982, %add3A_2138] : memref<32x448xi32, #tpu.memory_space<vmem>>[vector<16xi32>, vector<16xi32>], vector<16xi32>,
      %get3A_2140 = arith.constant 320 : index
      %get3A_2141 = tpu.vector_load %arg21[%get3A_2140] {strides = array<i32>} : memref<768xi32, #tpu.memory_space<vmem>>, vector<16xi32>,
      %get3A_2142 = arith.constant 704 : index
      %get3A_2143 = tpu.vector_load %arg21[%get3A_2142] {strides = array<i32>} : memref<768xi32, #tpu.memory_space<vmem>>, vector<16xi32>,
      %eq3A_2144 = arith.constant 0 : i32
      %eq3A_2145 = vector.broadcast %eq3A_2144 : i32 to vector<16xi32>
      %eq3A_2146 = arith.cmpi eq, %gather3A_2127, %eq3A_2145 : vector<16xi32>
      %ne3A_2147 = arith.constant 0 : i32
      %ne3A_2148 = vector.broadcast %ne3A_2147 : i32 to vector<16xi32>
      %ne3A_2149 = arith.cmpi ne, %get3A_2141, %ne3A_2148 : vector<16xi32>
      %and3A_2150 = arith.andi %eq3A_2146, %ne3A_2149 : vector<16xi1>
      %eq3A_2151 = arith.constant 0 : i32
      %eq3A_2152 = vector.broadcast %eq3A_2151 : i32 to vector<16xi32>
      %eq3A_2153 = arith.cmpi eq, %gather3A_2131, %eq3A_2152 : vector<16xi32>
      %ne3A_2154 = arith.constant 0 : i32
      %ne3A_2155 = vector.broadcast %ne3A_2154 : i32 to vector<16xi32>
      %ne3A_2156 = arith.cmpi ne, %get3A_2143, %ne3A_2155 : vector<16xi32>
      %and3A_2157 = arith.andi %eq3A_2153, %ne3A_2156 : vector<16xi1>
      %eq3A_2158 = arith.constant 0 : i32
      %eq3A_2159 = vector.broadcast %eq3A_2158 : i32 to vector<16xi32>
      %eq3A_2160 = arith.cmpi eq, %get3A_2123, %eq3A_2159 : vector<16xi32>
      %eq3A_2161 = arith.constant 0 : i32
      %eq3A_2162 = vector.broadcast %eq3A_2161 : i32 to vector<16xi32>
      %eq3A_2163 = arith.cmpi eq, %gather3A_2135, %eq3A_2162 : vector<16xi32>
      %eq3A_2164 = arith.constant 0 : i32
      %eq3A_2165 = vector.broadcast %eq3A_2164 : i32 to vector<16xi32>
      %eq3A_2166 = arith.cmpi eq, %gather3A_2139, %eq3A_2165 : vector<16xi32>
      %or3A_2167 = arith.ori %eq3A_2163, %eq3A_2166 : vector<16xi1>
      %or3A_2168 = arith.ori %or3A_2167, %and3A_2150 : vector<16xi1>
      %or3A_2169 = arith.ori %or3A_2168, %and3A_2157 : vector<16xi1>
      %and3A_2170 = arith.andi %eq3A_2160, %or3A_2169 : vector<16xi1>
      %get3A_2171 = arith.index_cast %add3A_90 : i32 to index
      %get3A_2172 = arith.constant 320 : index
      %get3A_2173 = tpu.vector_load %arg12[%get3A_2171, %get3A_2172] {strides = array<i32>} : memref<32x384xf32, #tpu.memory_space<vmem>>, vector<16xf32>,
      %select_n3A_2174 = arith.select %and3A_2170, %get3A_2173, %broadcast_in_dim3A_7 : vector<16xi1>, vector<16xf32>
      %swap3A_2175 = arith.index_cast %add3A_90 : i32 to index
      %swap3A_2176 = arith.constant 320 : index
      %swap3A_2177 = tpu.vector_load %arg15[%swap3A_2175, %swap3A_2176] {strides = array<i32>} : memref<32x384xf32, #tpu.memory_space<vmem>>, vector<16xf32>,
      tpu.vector_store %arg15[%swap3A_2175, %swap3A_2176], %select_n3A_2174 {strides = array<i32>} : memref<32x384xf32, #tpu.memory_space<vmem>>, vector<16xf32>,
      %get3A_2178 = arith.index_cast %add3A_90 : i32 to index
      %get3A_2179 = arith.constant 368 : index
      %get3A_2180 = tpu.vector_load %arg13[%get3A_2178, %get3A_2179] {strides = array<i32>} : memref<32x448xi32, #tpu.memory_space<vmem>>, vector<16xi32>,
      %add3A_2181 = arith.constant 367 : i32
      %add3A_2182 = vector.broadcast %add3A_2181 : i32 to vector<16xi32>
      %add3A_2183 = arith.addi %iota3A, %add3A_2182 : vector<16xi32>
      %gather3A_2184 = tpu.vector_load_idx %arg13[%add3A_982, %add3A_2183] : memref<32x448xi32, #tpu.memory_space<vmem>>[vector<16xi32>, vector<16xi32>], vector<16xi32>,
      %add3A_2185 = arith.constant 369 : i32
      %add3A_2186 = vector.broadcast %add3A_2185 : i32 to vector<16xi32>
      %add3A_2187 = arith.addi %iota3A, %add3A_2186 : vector<16xi32>
      %gather3A_2188 = tpu.vector_load_idx %arg13[%add3A_982, %add3A_2187] : memref<32x448xi32, #tpu.memory_space<vmem>>[vector<16xi32>, vector<16xi32>], vector<16xi32>,
      %add3A_2189 = arith.constant 349 : i32
      %add3A_2190 = vector.broadcast %add3A_2189 : i32 to vector<16xi32>
      %add3A_2191 = arith.addi %iota3A, %add3A_2190 : vector<16xi32>
      %gather3A_2192 = tpu.vector_load_idx %arg13[%add3A_982, %add3A_2191] : memref<32x448xi32, #tpu.memory_space<vmem>>[vector<16xi32>, vector<16xi32>], vector<16xi32>,
      %add3A_2193 = arith.constant 387 : i32
      %add3A_2194 = vector.broadcast %add3A_2193 : i32 to vector<16xi32>
      %add3A_2195 = arith.addi %iota3A, %add3A_2194 : vector<16xi32>
      %gather3A_2196 = tpu.vector_load_idx %arg13[%add3A_982, %add3A_2195] : memref<32x448xi32, #tpu.memory_space<vmem>>[vector<16xi32>, vector<16xi32>], vector<16xi32>,
      %get3A_2197 = arith.constant 336 : index
      %get3A_2198 = tpu.vector_load %arg21[%get3A_2197] {strides = array<i32>} : memref<768xi32, #tpu.memory_space<vmem>>, vector<16xi32>,
      %get3A_2199 = arith.constant 720 : index
      %get3A_2200 = tpu.vector_load %arg21[%get3A_2199] {strides = array<i32>} : memref<768xi32, #tpu.memory_space<vmem>>, vector<16xi32>,
      %eq3A_2201 = arith.constant 0 : i32
      %eq3A_2202 = vector.broadcast %eq3A_2201 : i32 to vector<16xi32>
      %eq3A_2203 = arith.cmpi eq, %gather3A_2184, %eq3A_2202 : vector<16xi32>
      %ne3A_2204 = arith.constant 0 : i32
      %ne3A_2205 = vector.broadcast %ne3A_2204 : i32 to vector<16xi32>
      %ne3A_2206 = arith.cmpi ne, %get3A_2198, %ne3A_2205 : vector<16xi32>
      %and3A_2207 = arith.andi %eq3A_2203, %ne3A_2206 : vector<16xi1>
      %eq3A_2208 = arith.constant 0 : i32
      %eq3A_2209 = vector.broadcast %eq3A_2208 : i32 to vector<16xi32>
      %eq3A_2210 = arith.cmpi eq, %gather3A_2188, %eq3A_2209 : vector<16xi32>
      %ne3A_2211 = arith.constant 0 : i32
      %ne3A_2212 = vector.broadcast %ne3A_2211 : i32 to vector<16xi32>
      %ne3A_2213 = arith.cmpi ne, %get3A_2200, %ne3A_2212 : vector<16xi32>
      %and3A_2214 = arith.andi %eq3A_2210, %ne3A_2213 : vector<16xi1>
      %eq3A_2215 = arith.constant 0 : i32
      %eq3A_2216 = vector.broadcast %eq3A_2215 : i32 to vector<16xi32>
      %eq3A_2217 = arith.cmpi eq, %get3A_2180, %eq3A_2216 : vector<16xi32>
      %eq3A_2218 = arith.constant 0 : i32
      %eq3A_2219 = vector.broadcast %eq3A_2218 : i32 to vector<16xi32>
      %eq3A_2220 = arith.cmpi eq, %gather3A_2192, %eq3A_2219 : vector<16xi32>
      %eq3A_2221 = arith.constant 0 : i32
      %eq3A_2222 = vector.broadcast %eq3A_2221 : i32 to vector<16xi32>
      %eq3A_2223 = arith.cmpi eq, %gather3A_2196, %eq3A_2222 : vector<16xi32>
      %or3A_2224 = arith.ori %eq3A_2220, %eq3A_2223 : vector<16xi1>
      %or3A_2225 = arith.ori %or3A_2224, %and3A_2207 : vector<16xi1>
      %or3A_2226 = arith.ori %or3A_2225, %and3A_2214 : vector<16xi1>
      %and3A_2227 = arith.andi %eq3A_2217, %or3A_2226 : vector<16xi1>
      %get3A_2228 = arith.index_cast %add3A_90 : i32 to index
      %get3A_2229 = arith.constant 336 : index
      %get3A_2230 = tpu.vector_load %arg12[%get3A_2228, %get3A_2229] {strides = array<i32>} : memref<32x384xf32, #tpu.memory_space<vmem>>, vector<16xf32>,
      %select_n3A_2231 = arith.select %and3A_2227, %get3A_2230, %broadcast_in_dim3A_7 : vector<16xi1>, vector<16xf32>
      %swap3A_2232 = arith.index_cast %add3A_90 : i32 to index
      %swap3A_2233 = arith.constant 336 : index
      %swap3A_2234 = tpu.vector_load %arg15[%swap3A_2232, %swap3A_2233] {strides = array<i32>} : memref<32x384xf32, #tpu.memory_space<vmem>>, vector<16xf32>,
      tpu.vector_store %arg15[%swap3A_2232, %swap3A_2233], %select_n3A_2231 {strides = array<i32>} : memref<32x384xf32, #tpu.memory_space<vmem>>, vector<16xf32>,
      %get3A_2235 = arith.index_cast %add3A_90 : i32 to index
      %get3A_2236 = arith.constant 384 : index
      %get3A_2237 = tpu.vector_load %arg13[%get3A_2235, %get3A_2236] {strides = array<i32>} : memref<32x448xi32, #tpu.memory_space<vmem>>, vector<16xi32>,
      %add3A_2238 = arith.constant 383 : i32
      %add3A_2239 = vector.broadcast %add3A_2238 : i32 to vector<16xi32>
      %add3A_2240 = arith.addi %iota3A, %add3A_2239 : vector<16xi32>
      %gather3A_2241 = tpu.vector_load_idx %arg13[%add3A_982, %add3A_2240] : memref<32x448xi32, #tpu.memory_space<vmem>>[vector<16xi32>, vector<16xi32>], vector<16xi32>,
      %add3A_2242 = arith.constant 385 : i32
      %add3A_2243 = vector.broadcast %add3A_2242 : i32 to vector<16xi32>
      %add3A_2244 = arith.addi %iota3A, %add3A_2243 : vector<16xi32>
      %gather3A_2245 = tpu.vector_load_idx %arg13[%add3A_982, %add3A_2244] : memref<32x448xi32, #tpu.memory_space<vmem>>[vector<16xi32>, vector<16xi32>], vector<16xi32>,
      %add3A_2246 = arith.constant 365 : i32
      %add3A_2247 = vector.broadcast %add3A_2246 : i32 to vector<16xi32>
      %add3A_2248 = arith.addi %iota3A, %add3A_2247 : vector<16xi32>
      %gather3A_2249 = tpu.vector_load_idx %arg13[%add3A_982, %add3A_2248] : memref<32x448xi32, #tpu.memory_space<vmem>>[vector<16xi32>, vector<16xi32>], vector<16xi32>,
      %add3A_2250 = arith.constant 403 : i32
      %add3A_2251 = vector.broadcast %add3A_2250 : i32 to vector<16xi32>
      %add3A_2252 = arith.addi %iota3A, %add3A_2251 : vector<16xi32>
      %gather3A_2253 = tpu.vector_load_idx %arg13[%add3A_982, %add3A_2252] : memref<32x448xi32, #tpu.memory_space<vmem>>[vector<16xi32>, vector<16xi32>], vector<16xi32>,
      %get3A_2254 = arith.constant 352 : index
      %get3A_2255 = tpu.vector_load %arg21[%get3A_2254] {strides = array<i32>} : memref<768xi32, #tpu.memory_space<vmem>>, vector<16xi32>,
      %get3A_2256 = arith.constant 736 : index
      %get3A_2257 = tpu.vector_load %arg21[%get3A_2256] {strides = array<i32>} : memref<768xi32, #tpu.memory_space<vmem>>, vector<16xi32>,
      %eq3A_2258 = arith.constant 0 : i32
      %eq3A_2259 = vector.broadcast %eq3A_2258 : i32 to vector<16xi32>
      %eq3A_2260 = arith.cmpi eq, %gather3A_2241, %eq3A_2259 : vector<16xi32>
      %ne3A_2261 = arith.constant 0 : i32
      %ne3A_2262 = vector.broadcast %ne3A_2261 : i32 to vector<16xi32>
      %ne3A_2263 = arith.cmpi ne, %get3A_2255, %ne3A_2262 : vector<16xi32>
      %and3A_2264 = arith.andi %eq3A_2260, %ne3A_2263 : vector<16xi1>
      %eq3A_2265 = arith.constant 0 : i32
      %eq3A_2266 = vector.broadcast %eq3A_2265 : i32 to vector<16xi32>
      %eq3A_2267 = arith.cmpi eq, %gather3A_2245, %eq3A_2266 : vector<16xi32>
      %ne3A_2268 = arith.constant 0 : i32
      %ne3A_2269 = vector.broadcast %ne3A_2268 : i32 to vector<16xi32>
      %ne3A_2270 = arith.cmpi ne, %get3A_2257, %ne3A_2269 : vector<16xi32>
      %and3A_2271 = arith.andi %eq3A_2267, %ne3A_2270 : vector<16xi1>
      %eq3A_2272 = arith.constant 0 : i32
      %eq3A_2273 = vector.broadcast %eq3A_2272 : i32 to vector<16xi32>
      %eq3A_2274 = arith.cmpi eq, %get3A_2237, %eq3A_2273 : vector<16xi32>
      %eq3A_2275 = arith.constant 0 : i32
      %eq3A_2276 = vector.broadcast %eq3A_2275 : i32 to vector<16xi32>
      %eq3A_2277 = arith.cmpi eq, %gather3A_2249, %eq3A_2276 : vector<16xi32>
      %eq3A_2278 = arith.constant 0 : i32
      %eq3A_2279 = vector.broadcast %eq3A_2278 : i32 to vector<16xi32>
      %eq3A_2280 = arith.cmpi eq, %gather3A_2253, %eq3A_2279 : vector<16xi32>
      %or3A_2281 = arith.ori %eq3A_2277, %eq3A_2280 : vector<16xi1>
      %or3A_2282 = arith.ori %or3A_2281, %and3A_2264 : vector<16xi1>
      %or3A_2283 = arith.ori %or3A_2282, %and3A_2271 : vector<16xi1>
      %and3A_2284 = arith.andi %eq3A_2274, %or3A_2283 : vector<16xi1>
      %get3A_2285 = arith.index_cast %add3A_90 : i32 to index
      %get3A_2286 = arith.constant 352 : index
      %get3A_2287 = tpu.vector_load %arg12[%get3A_2285, %get3A_2286] {strides = array<i32>} : memref<32x384xf32, #tpu.memory_space<vmem>>, vector<16xf32>,
      %select_n3A_2288 = arith.select %and3A_2284, %get3A_2287, %broadcast_in_dim3A_7 : vector<16xi1>, vector<16xf32>
      %swap3A_2289 = arith.index_cast %add3A_90 : i32 to index
      %swap3A_2290 = arith.constant 352 : index
      %swap3A_2291 = tpu.vector_load %arg15[%swap3A_2289, %swap3A_2290] {strides = array<i32>} : memref<32x384xf32, #tpu.memory_space<vmem>>, vector<16xf32>,
      tpu.vector_store %arg15[%swap3A_2289, %swap3A_2290], %select_n3A_2288 {strides = array<i32>} : memref<32x384xf32, #tpu.memory_space<vmem>>, vector<16xf32>,
      %get3A_2292 = arith.index_cast %add3A_90 : i32 to index
      %get3A_2293 = arith.constant 400 : index
      %get3A_2294 = tpu.vector_load %arg13[%get3A_2292, %get3A_2293] {strides = array<i32>} : memref<32x448xi32, #tpu.memory_space<vmem>>, vector<16xi32>,
      %add3A_2295 = arith.constant 399 : i32
      %add3A_2296 = vector.broadcast %add3A_2295 : i32 to vector<16xi32>
      %add3A_2297 = arith.addi %iota3A, %add3A_2296 : vector<16xi32>
      %gather3A_2298 = tpu.vector_load_idx %arg13[%add3A_982, %add3A_2297] : memref<32x448xi32, #tpu.memory_space<vmem>>[vector<16xi32>, vector<16xi32>], vector<16xi32>,
      %add3A_2299 = arith.constant 401 : i32
      %add3A_2300 = vector.broadcast %add3A_2299 : i32 to vector<16xi32>
      %add3A_2301 = arith.addi %iota3A, %add3A_2300 : vector<16xi32>
      %gather3A_2302 = tpu.vector_load_idx %arg13[%add3A_982, %add3A_2301] : memref<32x448xi32, #tpu.memory_space<vmem>>[vector<16xi32>, vector<16xi32>], vector<16xi32>,
      %add3A_2303 = arith.constant 381 : i32
      %add3A_2304 = vector.broadcast %add3A_2303 : i32 to vector<16xi32>
      %add3A_2305 = arith.addi %iota3A, %add3A_2304 : vector<16xi32>
      %gather3A_2306 = tpu.vector_load_idx %arg13[%add3A_982, %add3A_2305] : memref<32x448xi32, #tpu.memory_space<vmem>>[vector<16xi32>, vector<16xi32>], vector<16xi32>,
      %add3A_2307 = arith.constant 419 : i32
      %add3A_2308 = vector.broadcast %add3A_2307 : i32 to vector<16xi32>
      %add3A_2309 = arith.addi %iota3A, %add3A_2308 : vector<16xi32>
      %gather3A_2310 = tpu.vector_load_idx %arg13[%add3A_982, %add3A_2309] : memref<32x448xi32, #tpu.memory_space<vmem>>[vector<16xi32>, vector<16xi32>], vector<16xi32>,
      %get3A_2311 = arith.constant 368 : index
      %get3A_2312 = tpu.vector_load %arg21[%get3A_2311] {strides = array<i32>} : memref<768xi32, #tpu.memory_space<vmem>>, vector<16xi32>,
      %get3A_2313 = arith.constant 752 : index
      %get3A_2314 = tpu.vector_load %arg21[%get3A_2313] {strides = array<i32>} : memref<768xi32, #tpu.memory_space<vmem>>, vector<16xi32>,
      %eq3A_2315 = arith.constant 0 : i32
      %eq3A_2316 = vector.broadcast %eq3A_2315 : i32 to vector<16xi32>
      %eq3A_2317 = arith.cmpi eq, %gather3A_2298, %eq3A_2316 : vector<16xi32>
      %ne3A_2318 = arith.constant 0 : i32
      %ne3A_2319 = vector.broadcast %ne3A_2318 : i32 to vector<16xi32>
      %ne3A_2320 = arith.cmpi ne, %get3A_2312, %ne3A_2319 : vector<16xi32>
      %and3A_2321 = arith.andi %eq3A_2317, %ne3A_2320 : vector<16xi1>
      %eq3A_2322 = arith.constant 0 : i32
      %eq3A_2323 = vector.broadcast %eq3A_2322 : i32 to vector<16xi32>
      %eq3A_2324 = arith.cmpi eq, %gather3A_2302, %eq3A_2323 : vector<16xi32>
      %ne3A_2325 = arith.constant 0 : i32
      %ne3A_2326 = vector.broadcast %ne3A_2325 : i32 to vector<16xi32>
      %ne3A_2327 = arith.cmpi ne, %get3A_2314, %ne3A_2326 : vector<16xi32>
      %and3A_2328 = arith.andi %eq3A_2324, %ne3A_2327 : vector<16xi1>
      %eq3A_2329 = arith.constant 0 : i32
      %eq3A_2330 = vector.broadcast %eq3A_2329 : i32 to vector<16xi32>
      %eq3A_2331 = arith.cmpi eq, %get3A_2294, %eq3A_2330 : vector<16xi32>
      %eq3A_2332 = arith.constant 0 : i32
      %eq3A_2333 = vector.broadcast %eq3A_2332 : i32 to vector<16xi32>
      %eq3A_2334 = arith.cmpi eq, %gather3A_2306, %eq3A_2333 : vector<16xi32>
      %eq3A_2335 = arith.constant 0 : i32
      %eq3A_2336 = vector.broadcast %eq3A_2335 : i32 to vector<16xi32>
      %eq3A_2337 = arith.cmpi eq, %gather3A_2310, %eq3A_2336 : vector<16xi32>
      %or3A_2338 = arith.ori %eq3A_2334, %eq3A_2337 : vector<16xi1>
      %or3A_2339 = arith.ori %or3A_2338, %and3A_2321 : vector<16xi1>
      %or3A_2340 = arith.ori %or3A_2339, %and3A_2328 : vector<16xi1>
      %and3A_2341 = arith.andi %eq3A_2331, %or3A_2340 : vector<16xi1>
      %get3A_2342 = arith.index_cast %add3A_90 : i32 to index
      %get3A_2343 = arith.constant 368 : index
      %get3A_2344 = tpu.vector_load %arg12[%get3A_2342, %get3A_2343] {strides = array<i32>} : memref<32x384xf32, #tpu.memory_space<vmem>>, vector<16xf32>,
      %select_n3A_2345 = arith.select %and3A_2341, %get3A_2344, %broadcast_in_dim3A_7 : vector<16xi1>, vector<16xf32>
      %swap3A_2346 = arith.index_cast %add3A_90 : i32 to index
      %swap3A_2347 = arith.constant 368 : index
      %swap3A_2348 = tpu.vector_load %arg15[%swap3A_2346, %swap3A_2347] {strides = array<i32>} : memref<32x384xf32, #tpu.memory_space<vmem>>, vector<16xf32>,
      tpu.vector_store %arg15[%swap3A_2346, %swap3A_2347], %select_n3A_2345 {strides = array<i32>} : memref<32x384xf32, #tpu.memory_space<vmem>>, vector<16xf32>,
      %or3A_2349 = arith.ori %scan3A_86, %or3A_975 : vector<16xi32>
      scf.yield %or3A_2349 : vector<16xi32>
    }
    %scan3A_75 = arith.constant 32 : i32
    %reduce_max3A = arith.constant true
    %reduce_max3A_76 = vector.broadcast %reduce_max3A : i1 to vector<16xi1>
    %reduce_max3A_77 = arith.constant -2147483648 : i32
    %reduce_max3A_78 = vector.broadcast %reduce_max3A_77 : i32 to vector<16xi32>
    %reduce_max3A_79 = arith.xori %scan3A_74, %reduce_max3A_78 : vector<16xi32>
    %reduce_max3A_80 = tpu.scan <max>, %reduce_max3A_79 masked %reduce_max3A_76 : vector<16xi32>, vector<16xi1> -> vector<16xi32>
    %reduce_max3A_81 = arith.xori %reduce_max3A_80, %reduce_max3A_78 : vector<16xi32>
    %reduce_max3A_82 = vector.extract %reduce_max3A_81[15] : i32 from vector<16xi32>
    %ne3A = arith.constant 0 : i32
    %ne3A_83 = arith.cmpi ne, %reduce_max3A_82, %ne3A : i32
    %convert_element_type3A = arith.extui %ne3A_83 : i1 to i32
    %cond3A = arith.constant 0 : i32
    %cond3A_84 = arith.cmpi ne, %convert_element_type3A, %cond3A : i32
    scf.if %cond3A_84 {
      %scan3A_85 = arith.constant 0 : i32
      %scan3A_86 = arith.constant 0 : i32
      %scan3A_87 = arith.constant 32 : i32
      %scan3A_88 = arith.addi %scan3A_86, %scan3A_87 : i32
      %scan3A_89 = arith.constant 1 : i32
      %scan3A_90 = scf.for %scan3A_92 = %scan3A_86 to %scan3A_88 step %scan3A_89 iter_args(%scan3A_93 = %scan3A_85) -> (i32)  : i32 {
        %get3A = arith.index_cast %scan3A_92 : i32 to index
        %get3A_94 = arith.constant 0 : index
        %get3A_95 = tpu.vector_load %arg23[%get3A, %get3A_94] {strides = array<i32>} : memref<32x16xi32, #tpu.memory_space<vmem>>, vector<16xi32>,
        %reduce_max3A_96 = arith.constant true
        %reduce_max3A_97 = vector.broadcast %reduce_max3A_96 : i1 to vector<16xi1>
        %reduce_max3A_98 = arith.constant -2147483648 : i32
        %reduce_max3A_99 = vector.broadcast %reduce_max3A_98 : i32 to vector<16xi32>
        %reduce_max3A_100 = arith.xori %get3A_95, %reduce_max3A_99 : vector<16xi32>
        %reduce_max3A_101 = tpu.scan <max>, %reduce_max3A_100 masked %reduce_max3A_97 : vector<16xi32>, vector<16xi1> -> vector<16xi32>
        %reduce_max3A_102 = arith.xori %reduce_max3A_101, %reduce_max3A_99 : vector<16xi32>
        %reduce_max3A_103 = vector.extract %reduce_max3A_102[15] : i32 from vector<16xi32>
        %ne3A_104 = arith.constant 0 : i32
        %ne3A_105 = arith.cmpi ne, %reduce_max3A_103, %ne3A_104 : i32
        %convert_element_type3A_106 = arith.extui %ne3A_105 : i1 to i32
        %cond3A_107 = arith.constant 0 : i32
        %cond3A_108 = arith.cmpi ne, %convert_element_type3A_106, %cond3A_107 : i32
        scf.if %cond3A_108 {
          %broadcast_in_dim3A_110 = arith.constant 0 : i32
          %broadcast_in_dim3A_111 = vector.broadcast %broadcast_in_dim3A_110 : i32 to vector<16xi32>
          %add3A_112 = vector.broadcast %scan3A_92 : i32 to vector<16xi32>
          %add3A_113 = arith.addi %broadcast_in_dim3A_111, %add3A_112 : vector<16xi32>
          %get3A_114 = arith.index_cast %scan3A_92 : i32 to index
          %get3A_115 = arith.constant 0 : index
          %get3A_116 = tpu.vector_load %arg16[%get3A_114, %get3A_115] {strides = array<i32>} : memref<32x16xi32, #tpu.memory_space<vmem>>, vector<16xi32>,
          %get3A_117 = arith.index_cast %scan3A_92 : i32 to index
          %get3A_118 = arith.constant 0 : index
          %get3A_119 = tpu.vector_load %arg17[%get3A_117, %get3A_118] {strides = array<i32>} : memref<32x16xi32, #tpu.memory_space<vmem>>, vector<16xi32>,
          %mul3A_120 = arith.constant 512 : i32
          %mul3A_121 = vector.broadcast %mul3A_120 : i32 to vector<16xi32>
          %mul3A_122 = arith.muli %get3A_119, %mul3A_121 : vector<16xi32>
          %scan3A_123 = arith.constant 0 : i32
          %scan3A_124 = arith.constant 0 : i32
          %scan3A_125 = arith.constant 24 : i32
          %scan3A_126 = arith.addi %scan3A_124, %scan3A_125 : i32
          %scan3A_127 = arith.constant 1 : i32
          %scan3A_128 = scf.for %scan3A_144 = %scan3A_124 to %scan3A_126 step %scan3A_127 iter_args(%scan3A_145 = %scan3A_123) -> (i32)  : i32 {
            %mul3A_146 = arith.constant 16 : i32
            %mul3A_147 = arith.muli %mul3A_146, %scan3A_144 : i32
            %add3A_148 = vector.broadcast %mul3A_147 : i32 to vector<16xi32>
            %add3A_149 = arith.addi %iota3A, %add3A_148 : vector<16xi32>
            %gather3A = tpu.vector_load_idx %arg14[%add3A_113, %add3A_149] : memref<32x384xi32, #tpu.memory_space<vmem>>[vector<16xi32>, vector<16xi32>], vector<16xi32>,
            %xor3A = arith.xori %gather3A, %get3A_116 : vector<16xi32>
            %and3A = arith.constant 524287 : i32
            %and3A_150 = vector.broadcast %and3A : i32 to vector<16xi32>
            %and3A_151 = arith.andi %xor3A, %and3A_150 : vector<16xi32>
            %mul3A_152 = arith.constant -1640531527 : i32
            %mul3A_153 = vector.broadcast %mul3A_152 : i32 to vector<16xi32>
            %mul3A_154 = arith.muli %xor3A, %mul3A_153 : vector<16xi32>
            %shift_right_logical3A = arith.constant 13 : i32
            %shift_right_logical3A_155 = vector.broadcast %shift_right_logical3A : i32 to vector<16xi32>
            %shift_right_logical3A_156 = arith.shrui %mul3A_154, %shift_right_logical3A_155 : vector<16xi32>
            %and3A_157 = arith.constant 524287 : i32
            %and3A_158 = vector.broadcast %and3A_157 : i32 to vector<16xi32>
            %and3A_159 = arith.andi %shift_right_logical3A_156, %and3A_158 : vector<16xi32>
            %shift_right_logical3A_160 = arith.constant 5 : i32
            %shift_right_logical3A_161 = vector.broadcast %shift_right_logical3A_160 : i32 to vector<16xi32>
            %shift_right_logical3A_162 = arith.shrui %and3A_151, %shift_right_logical3A_161 : vector<16xi32>
            %gather3A_163 = tpu.vector_load_idx %arg20[%shift_right_logical3A_162] : memref<16384xi32, #tpu.memory_space<vmem>>[vector<16xi32>], vector<16xi32>,
            %shift_right_logical3A_164 = arith.constant 5 : i32
            %shift_right_logical3A_165 = vector.broadcast %shift_right_logical3A_164 : i32 to vector<16xi32>
            %shift_right_logical3A_166 = arith.shrui %and3A_159, %shift_right_logical3A_165 : vector<16xi32>
            %gather3A_167 = tpu.vector_load_idx %arg20[%shift_right_logical3A_166] : memref<16384xi32, #tpu.memory_space<vmem>>[vector<16xi32>], vector<16xi32>,
            %and3A_168 = arith.constant 31 : i32
            %and3A_169 = vector.broadcast %and3A_168 : i32 to vector<16xi32>
            %and3A_170 = arith.andi %and3A_151, %and3A_169 : vector<16xi32>
            %shift_right_logical3A_171 = arith.shrui %gather3A_163, %and3A_170 : vector<16xi32>
            %and3A_172 = arith.constant 31 : i32
            %and3A_173 = vector.broadcast %and3A_172 : i32 to vector<16xi32>
            %and3A_174 = arith.andi %and3A_159, %and3A_173 : vector<16xi32>
            %shift_right_logical3A_175 = arith.shrui %gather3A_167, %and3A_174 : vector<16xi32>
            %and3A_176 = arith.andi %shift_right_logical3A_171, %shift_right_logical3A_175 : vector<16xi32>
            %and3A_177 = arith.constant 1 : i32
            %and3A_178 = vector.broadcast %and3A_177 : i32 to vector<16xi32>
            %and3A_179 = arith.andi %and3A_176, %and3A_178 : vector<16xi32>
            %reduce_max3A_180 = arith.constant true
            %reduce_max3A_181 = vector.broadcast %reduce_max3A_180 : i1 to vector<16xi1>
            %reduce_max3A_182 = arith.constant -2147483648 : i32
            %reduce_max3A_183 = vector.broadcast %reduce_max3A_182 : i32 to vector<16xi32>
            %reduce_max3A_184 = arith.xori %and3A_179, %reduce_max3A_183 : vector<16xi32>
            %reduce_max3A_185 = tpu.scan <max>, %reduce_max3A_184 masked %reduce_max3A_181 : vector<16xi32>, vector<16xi1> -> vector<16xi32>
            %reduce_max3A_186 = arith.xori %reduce_max3A_185, %reduce_max3A_183 : vector<16xi32>
            %reduce_max3A_187 = vector.extract %reduce_max3A_186[15] : i32 from vector<16xi32>
            %eq3A = arith.constant 1 : i32
            %eq3A_188 = arith.cmpi eq, %reduce_max3A_187, %eq3A : i32
            %convert_element_type3A_189 = arith.extui %eq3A_188 : i1 to i32
            %cond3A_190 = arith.constant 0 : i32
            %cond3A_191 = arith.cmpi ne, %convert_element_type3A_189, %cond3A_190 : i32
            scf.if %cond3A_191 {
              %eq3A_193 = arith.constant 1 : i32
              %eq3A_194 = vector.broadcast %eq3A_193 : i32 to vector<16xi32>
              %eq3A_195 = arith.cmpi eq, %and3A_179, %eq3A_194 : vector<16xi32>
              %broadcast_in_dim3A_196 = arith.constant -1 : i32
              %broadcast_in_dim3A_197 = vector.broadcast %broadcast_in_dim3A_196 : i32 to vector<16xi32>
              %add3A_198 = arith.constant 256 : i32
              %add3A_199 = vector.broadcast %add3A_198 : i32 to vector<16xi32>
              %add3A_200 = arith.addi %broadcast_in_dim3A_197, %add3A_199 : vector<16xi32>
              %add3A_201 = arith.addi %mul3A_122, %add3A_200 : vector<16xi32>
              %gather3A_202 = tpu.vector_load_idx %arg18[%add3A_201] masked %eq3A_195 : memref<1024xi32, #tpu.memory_space<vmem>>[vector<16xi32>], vector<16xi32>, vector<16xi1>
              %lt3A = arith.cmpi slt, %gather3A_202, %xor3A : vector<16xi32>
              %and3A_203 = arith.andi %eq3A_195, %lt3A : vector<16xi1>
              %select_n3A = arith.select %and3A_203, %add3A_200, %broadcast_in_dim3A_197 : vector<16xi1>, vector<16xi32>
              %add3A_204 = arith.constant 128 : i32
              %add3A_205 = vector.broadcast %add3A_204 : i32 to vector<16xi32>
              %add3A_206 = arith.addi %select_n3A, %add3A_205 : vector<16xi32>
              %add3A_207 = arith.addi %mul3A_122, %add3A_206 : vector<16xi32>
              %gather3A_208 = tpu.vector_load_idx %arg18[%add3A_207] masked %eq3A_195 : memref<1024xi32, #tpu.memory_space<vmem>>[vector<16xi32>], vector<16xi32>, vector<16xi1>
              %lt3A_209 = arith.cmpi slt, %gather3A_208, %xor3A : vector<16xi32>
              %and3A_210 = arith.andi %eq3A_195, %lt3A_209 : vector<16xi1>
              %select_n3A_211 = arith.select %and3A_210, %add3A_206, %select_n3A : vector<16xi1>, vector<16xi32>
              %add3A_212 = arith.constant 64 : i32
              %add3A_213 = vector.broadcast %add3A_212 : i32 to vector<16xi32>
              %add3A_214 = arith.addi %select_n3A_211, %add3A_213 : vector<16xi32>
              %add3A_215 = arith.addi %mul3A_122, %add3A_214 : vector<16xi32>
              %gather3A_216 = tpu.vector_load_idx %arg18[%add3A_215] masked %eq3A_195 : memref<1024xi32, #tpu.memory_space<vmem>>[vector<16xi32>], vector<16xi32>, vector<16xi1>
              %lt3A_217 = arith.cmpi slt, %gather3A_216, %xor3A : vector<16xi32>
              %and3A_218 = arith.andi %eq3A_195, %lt3A_217 : vector<16xi1>
              %select_n3A_219 = arith.select %and3A_218, %add3A_214, %select_n3A_211 : vector<16xi1>, vector<16xi32>
              %add3A_220 = arith.constant 32 : i32
              %add3A_221 = vector.broadcast %add3A_220 : i32 to vector<16xi32>
              %add3A_222 = arith.addi %select_n3A_219, %add3A_221 : vector<16xi32>
              %add3A_223 = arith.addi %mul3A_122, %add3A_222 : vector<16xi32>
              %gather3A_224 = tpu.vector_load_idx %arg18[%add3A_223] masked %eq3A_195 : memref<1024xi32, #tpu.memory_space<vmem>>[vector<16xi32>], vector<16xi32>, vector<16xi1>
              %lt3A_225 = arith.cmpi slt, %gather3A_224, %xor3A : vector<16xi32>
              %and3A_226 = arith.andi %eq3A_195, %lt3A_225 : vector<16xi1>
              %select_n3A_227 = arith.select %and3A_226, %add3A_222, %select_n3A_219 : vector<16xi1>, vector<16xi32>
              %add3A_228 = arith.constant 16 : i32
              %add3A_229 = vector.broadcast %add3A_228 : i32 to vector<16xi32>
              %add3A_230 = arith.addi %select_n3A_227, %add3A_229 : vector<16xi32>
              %add3A_231 = arith.addi %mul3A_122, %add3A_230 : vector<16xi32>
              %gather3A_232 = tpu.vector_load_idx %arg18[%add3A_231] masked %eq3A_195 : memref<1024xi32, #tpu.memory_space<vmem>>[vector<16xi32>], vector<16xi32>, vector<16xi1>
              %lt3A_233 = arith.cmpi slt, %gather3A_232, %xor3A : vector<16xi32>
              %and3A_234 = arith.andi %eq3A_195, %lt3A_233 : vector<16xi1>
              %select_n3A_235 = arith.select %and3A_234, %add3A_230, %select_n3A_227 : vector<16xi1>, vector<16xi32>
              %add3A_236 = arith.constant 8 : i32
              %add3A_237 = vector.broadcast %add3A_236 : i32 to vector<16xi32>
              %add3A_238 = arith.addi %select_n3A_235, %add3A_237 : vector<16xi32>
              %add3A_239 = arith.addi %mul3A_122, %add3A_238 : vector<16xi32>
              %gather3A_240 = tpu.vector_load_idx %arg18[%add3A_239] masked %eq3A_195 : memref<1024xi32, #tpu.memory_space<vmem>>[vector<16xi32>], vector<16xi32>, vector<16xi1>
              %lt3A_241 = arith.cmpi slt, %gather3A_240, %xor3A : vector<16xi32>
              %and3A_242 = arith.andi %eq3A_195, %lt3A_241 : vector<16xi1>
              %select_n3A_243 = arith.select %and3A_242, %add3A_238, %select_n3A_235 : vector<16xi1>, vector<16xi32>
              %add3A_244 = arith.constant 4 : i32
              %add3A_245 = vector.broadcast %add3A_244 : i32 to vector<16xi32>
              %add3A_246 = arith.addi %select_n3A_243, %add3A_245 : vector<16xi32>
              %add3A_247 = arith.addi %mul3A_122, %add3A_246 : vector<16xi32>
              %gather3A_248 = tpu.vector_load_idx %arg18[%add3A_247] masked %eq3A_195 : memref<1024xi32, #tpu.memory_space<vmem>>[vector<16xi32>], vector<16xi32>, vector<16xi1>
              %lt3A_249 = arith.cmpi slt, %gather3A_248, %xor3A : vector<16xi32>
              %and3A_250 = arith.andi %eq3A_195, %lt3A_249 : vector<16xi1>
              %select_n3A_251 = arith.select %and3A_250, %add3A_246, %select_n3A_243 : vector<16xi1>, vector<16xi32>
              %add3A_252 = arith.constant 2 : i32
              %add3A_253 = vector.broadcast %add3A_252 : i32 to vector<16xi32>
              %add3A_254 = arith.addi %select_n3A_251, %add3A_253 : vector<16xi32>
              %add3A_255 = arith.addi %mul3A_122, %add3A_254 : vector<16xi32>
              %gather3A_256 = tpu.vector_load_idx %arg18[%add3A_255] masked %eq3A_195 : memref<1024xi32, #tpu.memory_space<vmem>>[vector<16xi32>], vector<16xi32>, vector<16xi1>
              %lt3A_257 = arith.cmpi slt, %gather3A_256, %xor3A : vector<16xi32>
              %and3A_258 = arith.andi %eq3A_195, %lt3A_257 : vector<16xi1>
              %select_n3A_259 = arith.select %and3A_258, %add3A_254, %select_n3A_251 : vector<16xi1>, vector<16xi32>
              %add3A_260 = arith.constant 1 : i32
              %add3A_261 = vector.broadcast %add3A_260 : i32 to vector<16xi32>
              %add3A_262 = arith.addi %select_n3A_259, %add3A_261 : vector<16xi32>
              %add3A_263 = arith.addi %mul3A_122, %add3A_262 : vector<16xi32>
              %gather3A_264 = tpu.vector_load_idx %arg18[%add3A_263] masked %eq3A_195 : memref<1024xi32, #tpu.memory_space<vmem>>[vector<16xi32>], vector<16xi32>, vector<16xi1>
              %lt3A_265 = arith.cmpi slt, %gather3A_264, %xor3A : vector<16xi32>
              %and3A_266 = arith.andi %eq3A_195, %lt3A_265 : vector<16xi1>
              %select_n3A_267 = arith.select %and3A_266, %add3A_262, %select_n3A_259 : vector<16xi1>, vector<16xi32>
              %add3A_268 = arith.constant 1 : i32
              %add3A_269 = vector.broadcast %add3A_268 : i32 to vector<16xi32>
              %add3A_270 = arith.addi %select_n3A_267, %add3A_269 : vector<16xi32>
              %add3A_271 = arith.addi %mul3A_122, %add3A_270 : vector<16xi32>
              %gather3A_272 = tpu.vector_load_idx %arg18[%add3A_271] masked %eq3A_195 : memref<1024xi32, #tpu.memory_space<vmem>>[vector<16xi32>], vector<16xi32>, vector<16xi1>
              %eq3A_273 = arith.cmpi eq, %gather3A_272, %xor3A : vector<16xi32>
              %and3A_274 = arith.andi %eq3A_195, %eq3A_273 : vector<16xi1>
              tpu.vector_store_idx %arg22[%add3A_270], %broadcast_in_dim3A_3 masked %and3A_274 : memref<512xi32, #tpu.memory_space<vmem>>[vector<16xi32>], vector<16xi32>, vector<16xi1>
            } else {
            }
            %scan3A_192 = arith.constant 0 : i32
            scf.yield %scan3A_192 : i32
          }
          %scan3A_129 = arith.constant 24 : i32
          %scan3A_130 = arith.constant 0 : i32
          %scan3A_131 = arith.constant 0 : i32
          %scan3A_132 = arith.constant 24 : i32
          %scan3A_133 = arith.addi %scan3A_131, %scan3A_132 : i32
          %scan3A_134 = arith.constant 1 : i32
          %scan3A_135 = scf.for %scan3A_144 = %scan3A_131 to %scan3A_133 step %scan3A_134 iter_args(%scan3A_145 = %scan3A_130) -> (i32)  : i32 {
            %mul3A_146 = arith.constant 16 : i32
            %mul3A_147 = arith.muli %mul3A_146, %scan3A_144 : i32
            %add3A_148 = vector.broadcast %mul3A_147 : i32 to vector<16xi32>
            %add3A_149 = arith.addi %iota3A, %add3A_148 : vector<16xi32>
            %add3A_150 = arith.constant 32 : i32
            %add3A_151 = vector.broadcast %add3A_150 : i32 to vector<16xi32>
            %add3A_152 = arith.addi %add3A_151, %add3A_149 : vector<16xi32>
            %gather3A = tpu.vector_load_idx %arg13[%add3A_113, %add3A_152] : memref<32x448xi32, #tpu.memory_space<vmem>>[vector<16xi32>, vector<16xi32>], vector<16xi32>,
            %add3A_153 = arith.constant 31 : i32
            %add3A_154 = vector.broadcast %add3A_153 : i32 to vector<16xi32>
            %add3A_155 = arith.addi %add3A_154, %add3A_149 : vector<16xi32>
            %gather3A_156 = tpu.vector_load_idx %arg13[%add3A_113, %add3A_155] : memref<32x448xi32, #tpu.memory_space<vmem>>[vector<16xi32>, vector<16xi32>], vector<16xi32>,
            %add3A_157 = arith.constant 33 : i32
            %add3A_158 = vector.broadcast %add3A_157 : i32 to vector<16xi32>
            %add3A_159 = arith.addi %add3A_158, %add3A_149 : vector<16xi32>
            %gather3A_160 = tpu.vector_load_idx %arg13[%add3A_113, %add3A_159] : memref<32x448xi32, #tpu.memory_space<vmem>>[vector<16xi32>, vector<16xi32>], vector<16xi32>,
            %add3A_161 = arith.constant 13 : i32
            %add3A_162 = vector.broadcast %add3A_161 : i32 to vector<16xi32>
            %add3A_163 = arith.addi %add3A_162, %add3A_149 : vector<16xi32>
            %gather3A_164 = tpu.vector_load_idx %arg13[%add3A_113, %add3A_163] : memref<32x448xi32, #tpu.memory_space<vmem>>[vector<16xi32>, vector<16xi32>], vector<16xi32>,
            %add3A_165 = arith.constant 51 : i32
            %add3A_166 = vector.broadcast %add3A_165 : i32 to vector<16xi32>
            %add3A_167 = arith.addi %add3A_166, %add3A_149 : vector<16xi32>
            %gather3A_168 = tpu.vector_load_idx %arg13[%add3A_113, %add3A_167] : memref<32x448xi32, #tpu.memory_space<vmem>>[vector<16xi32>, vector<16xi32>], vector<16xi32>,
            %gather3A_169 = tpu.vector_load_idx %arg21[%add3A_149] : memref<768xi32, #tpu.memory_space<vmem>>[vector<16xi32>], vector<16xi32>,
            %add3A_170 = arith.constant 384 : i32
            %add3A_171 = vector.broadcast %add3A_170 : i32 to vector<16xi32>
            %add3A_172 = arith.addi %add3A_171, %add3A_149 : vector<16xi32>
            %gather3A_173 = tpu.vector_load_idx %arg21[%add3A_172] : memref<768xi32, #tpu.memory_space<vmem>>[vector<16xi32>], vector<16xi32>,
            %eq3A = arith.constant 0 : i32
            %eq3A_174 = vector.broadcast %eq3A : i32 to vector<16xi32>
            %eq3A_175 = arith.cmpi eq, %gather3A_156, %eq3A_174 : vector<16xi32>
            %ne3A_176 = arith.constant 0 : i32
            %ne3A_177 = vector.broadcast %ne3A_176 : i32 to vector<16xi32>
            %ne3A_178 = arith.cmpi ne, %gather3A_169, %ne3A_177 : vector<16xi32>
            %and3A = arith.andi %eq3A_175, %ne3A_178 : vector<16xi1>
            %eq3A_179 = arith.constant 0 : i32
            %eq3A_180 = vector.broadcast %eq3A_179 : i32 to vector<16xi32>
            %eq3A_181 = arith.cmpi eq, %gather3A_160, %eq3A_180 : vector<16xi32>
            %ne3A_182 = arith.constant 0 : i32
            %ne3A_183 = vector.broadcast %ne3A_182 : i32 to vector<16xi32>
            %ne3A_184 = arith.cmpi ne, %gather3A_173, %ne3A_183 : vector<16xi32>
            %and3A_185 = arith.andi %eq3A_181, %ne3A_184 : vector<16xi1>
            %eq3A_186 = arith.constant 0 : i32
            %eq3A_187 = vector.broadcast %eq3A_186 : i32 to vector<16xi32>
            %eq3A_188 = arith.cmpi eq, %gather3A, %eq3A_187 : vector<16xi32>
            %eq3A_189 = arith.constant 0 : i32
            %eq3A_190 = vector.broadcast %eq3A_189 : i32 to vector<16xi32>
            %eq3A_191 = arith.cmpi eq, %gather3A_164, %eq3A_190 : vector<16xi32>
            %eq3A_192 = arith.constant 0 : i32
            %eq3A_193 = vector.broadcast %eq3A_192 : i32 to vector<16xi32>
            %eq3A_194 = arith.cmpi eq, %gather3A_168, %eq3A_193 : vector<16xi32>
            %or3A = arith.ori %eq3A_191, %eq3A_194 : vector<16xi1>
            %or3A_195 = arith.ori %or3A, %and3A : vector<16xi1>
            %or3A_196 = arith.ori %or3A_195, %and3A_185 : vector<16xi1>
            %and3A_197 = arith.andi %eq3A_188, %or3A_196 : vector<16xi1>
            %mul3A_198 = arith.constant 384 : i32
            %mul3A_199 = vector.broadcast %mul3A_198 : i32 to vector<16xi32>
            %mul3A_200 = arith.muli %get3A_119, %mul3A_199 : vector<16xi32>
            %add3A_201 = arith.addi %mul3A_200, %add3A_149 : vector<16xi32>
            %gather3A_202 = tpu.vector_load_idx %arg19[%add3A_201] : memref<768xi32, #tpu.memory_space<vmem>>[vector<16xi32>], vector<16xi32>,
            %gather3A_203 = tpu.vector_load_idx %arg22[%gather3A_202] : memref<512xi32, #tpu.memory_space<vmem>>[vector<16xi32>], vector<16xi32>,
            %eq3A_204 = arith.constant 0 : i32
            %eq3A_205 = vector.broadcast %eq3A_204 : i32 to vector<16xi32>
            %eq3A_206 = arith.cmpi eq, %gather3A_203, %eq3A_205 : vector<16xi32>
            %and3A_207 = arith.andi %and3A_197, %eq3A_206 : vector<16xi1>
            %gather3A_208 = tpu.vector_load_idx %arg12[%add3A_113, %add3A_149] : memref<32x384xf32, #tpu.memory_space<vmem>>[vector<16xi32>, vector<16xi32>], vector<16xf32>,
            %select_n3A = arith.select %and3A_207, %gather3A_208, %broadcast_in_dim3A_7 : vector<16xi1>, vector<16xf32>
            tpu.vector_store_idx %arg15[%add3A_113, %add3A_149], %select_n3A : memref<32x384xf32, #tpu.memory_space<vmem>>[vector<16xi32>, vector<16xi32>], vector<16xf32>,
            %scan3A_209 = arith.constant 0 : i32
            scf.yield %scan3A_209 : i32
          }
          %scan3A_136 = arith.constant 24 : i32
          %scan3A_137 = arith.constant 0 : i32
          %scan3A_138 = arith.constant 0 : i32
          %scan3A_139 = arith.constant 32 : i32
          %scan3A_140 = arith.addi %scan3A_138, %scan3A_139 : i32
          %scan3A_141 = arith.constant 1 : i32
          %scan3A_142 = scf.for %scan3A_144 = %scan3A_138 to %scan3A_140 step %scan3A_141 iter_args(%scan3A_145 = %scan3A_137) -> (i32)  : i32 {
            %mul3A_146 = arith.constant 16 : i32
            %mul3A_147 = arith.muli %mul3A_146, %scan3A_144 : i32
            %add3A_148 = vector.broadcast %mul3A_147 : i32 to vector<16xi32>
            %add3A_149 = arith.addi %iota3A, %add3A_148 : vector<16xi32>
            tpu.vector_store_idx %arg22[%add3A_149], %broadcast_in_dim3A_5 : memref<512xi32, #tpu.memory_space<vmem>>[vector<16xi32>], vector<16xi32>,
            %scan3A_150 = arith.constant 0 : i32
            scf.yield %scan3A_150 : i32
          }
          %scan3A_143 = arith.constant 32 : i32
        } else {
        }
        %scan3A_109 = arith.constant 0 : i32
        scf.yield %scan3A_109 : i32
      }
      %scan3A_91 = arith.constant 32 : i32
    } else {
    }
    "tpu.region"() ({
      %run_scoped3A = tpu.sem_alloc : memref<!tpu.dma_semaphore, #tpu.memory_space<semaphore_mem>>
      %dma_start3A = arith.constant 0 : i32
      %dma_start3A_85 = tpu.memref_slice %arg11[%mul3A_2, %dma_start3A] : memref<1024x384xf32, #tpu.memory_space<hbm>> -> memref<32x384xf32, #tpu.memory_space<hbm>>
      %dma_start3A_86 = arith.constant 0 : i32
      %dma_start3A_87 = tpu.memref_slice %arg11[%mul3A_2, %dma_start3A_86] : memref<1024x384xf32, #tpu.memory_space<hbm>> -> memref<32x384xf32, #tpu.memory_space<hbm>>
      tpu.enqueue_dma source(%arg15 : memref<32x384xf32, #tpu.memory_space<vmem>>) target(%dma_start3A_87 : memref<32x384xf32, #tpu.memory_space<hbm>>) target_semaphore(%run_scoped3A : memref<!tpu.dma_semaphore, #tpu.memory_space<semaphore_mem>>)
      %dma_wait3A = arith.constant 0 : i32
      %dma_wait3A_88 = tpu.memref_slice %arg11[%mul3A_2, %dma_wait3A] : memref<1024x384xf32, #tpu.memory_space<hbm>> -> memref<32x384xf32, #tpu.memory_space<hbm>>
      %dma_wait3A_89 = arith.constant 0 : i32
      %dma_wait3A_90 = tpu.memref_slice %arg11[%mul3A_2, %dma_wait3A_89] : memref<1024x384xf32, #tpu.memory_space<hbm>> -> memref<32x384xf32, #tpu.memory_space<hbm>>
      tpu.wait_dma2 semaphore(%run_scoped3A : memref<!tpu.dma_semaphore, #tpu.memory_space<semaphore_mem>>) src(%arg15 : memref<32x384xf32, #tpu.memory_space<vmem>>) dst(%dma_wait3A_90 : memref<32x384xf32, #tpu.memory_space<hbm>>)
      tpu.yield
    }) : () -> ()
    return
  }
}

</mosaic_0001>

<sc_bundles>
// kernel: kernel.3.cloned.1.call-start
scs
__scs_entry_jumppad:
0x0: {  	(pc) =	sbr.rel $0x88, $3  }
0x1: {  	(tag) =	ssettag $0x0;
	lr =	simm.s32 $0x1  }
0x2: {  	[smem:$0x3F9B] =	sst lr;
	_ =	strace $0xD0000000  }
0x3: {  	_ = 	snop  }
0x4: {  	_ = 	snop  }
0x5: {  	_ = 	snop  }
0x6: {  	_ = 	snop  }
0x7: {  	_ = 	snop  }
__scs_overlays_trampoline_lowered:
0x8: {  	[smem:$0x3FAA] =	sst s0  }
0x9: {  	[smem:$0x3FAB] =	sst s1  }
0xa: {  	[smem:$0x3FAC] =	sst s2  }
0xb: {  	[smem:$0x3FAD] =	sst s3  }
0xc: {  	[smem:$0x3FAE] =	sst s4  }
0xd: {  	[smem:$0x3FAF] =	sst s5  }
0xe: {  	[smem:$0x3FB0] =	sst s6  }
0xf: {  	[smem:$0x3FB1] =	sst s7  }
0x10: {  	[smem:$0x3FB2] =	sst s8  }
0x11: {  	[smem:$0x3FB3] =	sst s9;
	s0 =	simm.s32 @!p0 $0x0  }
0x12: {  	s1 =	sld [smem:$0x3F99];
	s0 =	simm.s32 @p0 $0x1  }
0x13: {  	[smem:$0x3FB4] =	sst s0;
	s0 =	simm.s32 @!p1 $0x0  }
0x14: {  	s2 =	sld [smem:$0x3F98];
	s0 =	simm.s32 @p1 $0x1  }
0x15: {  	[smem:$0x3FB5] =	sst s0;
	s0 =	simm.s32 @!p2 $0x0  }
0x16: {  	s3 =	sld [smem:$0x3FDB];
	s0 =	simm.s32 @p2 $0x1  }
0x17: {  	s4 =	simm.s32 $0x1BF5;
	[smem:$0x3FB7] =	sst s0  }
0x18: {  	s0 =	sld [smem:$0x3F9A];
	_ =	swait.ge [sflag:s4], $0x0  }
0x19: {  	s7 =	sld [smem:$0x3F9B]  }
0x1a: {  	s8 =	sadd.s32 $0xFFFFE003, lr  }
0x1b: {  	s9 =	sadd.s32 $0xFFFFFEF7, lr;
	s5 =	simm.s32 $0xFFFFFFFF;
	p2 =	slt.u32 s8, $0xFFFFF086  }
0x1c: {  	p1 =	slt.u32 s9, $0xF7A;
	s5 =	simm.s32 @!p2 $0x0  }
0x1d: {  	s5 =	simm.s32 @p1 $0x1;
	p0 =	seq.s32 s7, s2  }
0x1e: {  	s7 =	smul.u32 @!p0 $0xF7A, s2;
	p2 =	seq.s32 @!p0 s5, $0x0  }
0x1f: {  	s9 =	smul.u32 $0xF7A, s1;
	s8 =	simm.s32 @!p0 $0x1BF5;
	p2 =	por !p2, p0  }
0x20: {  	[sflag:s8] =	ssyncset.s32 @!p0 $0xFFFFF086;
	s6 =	sadd.s32 @!p0 s3, s7;
	s7 =	simm.s32 @!p0 $0x108  }
0x21: {  	s3 =	sadd.s32 s3, s9;
	s6 =	sadd.s32 @!p0 $0x88, s6;
	s7 =	simm.s32 @p2 $0x1082  }
0x22: {  	[simem:s7], [sflag:s8] =	dma.local @!p0 [hbm:s6], $0xF7A  }
0x23: {  	s9 =	sor.u32 $0xD0000000, s2;
	s6 =	simm.s32 $0x108;
	_ =	swait.ge @!p0 [sflag:s8], $0x0  }
0x24: {  	s3 =	sadd.s32 $0x88, s3;
	s6 =	simm.s32 @!p1 $0x1082;
	[sflag:s4] =	ssyncset.s32 $0xFFFFF086  }
0x25: {  	[simem:s6], [sflag:s4] =	dma.local [hbm:s3], $0xF7A  }
0x26: {  	[smem:$0x3F9B] =	sst s1;
	(tag) =	ssettag s2;
	_ =	strace s9  }
0x27: {  	s1 =	sld [smem:$0x3FAB]  }
0x28: {  	s2 =	sld [smem:$0x3FAC]  }
0x29: {  	s4 =	sld [smem:$0x3FAE]  }
0x2a: {  	p0 =	seq.s32 s5, $0x0;
	s5 =	sld [smem:$0x3FAF]  }
0x2b: {  	s6 =	sld [smem:$0x3FB0]  }
0x2c: {  	s7 =	sld [smem:$0x3FB1]  }
0x2d: {  	s3 =	simm.s32 $0x108;
	s8 =	sld [smem:$0x3FB2]  }
0x2e: {  	s3 =	simm.s32 @!p0 $0x1082;
	s9 =	sld [smem:$0x3FB3]  }
0x2f: {  	lr =	sadd.s32 s0, s3;
	s0 =	sld [smem:$0x3FAA]  }
0x30: {  	s3 =	sld [smem:$0x3FAD]  }
0x31: {  	[smem:$0x3FB6] =	sst s10  }
0x32: {  	s10 =	sld [smem:$0x3FB4];
	_ =	sdelay $0x3  }
0x33: {  	p0 =	seq.s32 s10, $0x1;
	s10 =	sld [smem:$0x3FB6];
	_ =	sdelay $0x3  }
0x34: {  	[smem:$0x3FB6] =	sst s10  }
0x35: {  	s10 =	sld [smem:$0x3FB5];
	_ =	sdelay $0x3  }
0x36: {  	p1 =	seq.s32 s10, $0x1;
	s10 =	sld [smem:$0x3FB6];
	_ =	sdelay $0x3  }
0x37: {  	[smem:$0x3FB6] =	sst s10  }
0x38: {  	s10 =	sld [smem:$0x3FB7]  }
0x39: {  	_ = 	snop;
	(pc) =	sbr.ind lr, $3  }
0x3a: {  	_ = 	snop  }
0x3b: {  	_ = 	snop  }
0x3c: {  	p2 =	seq.s32 s10, $0x1;
	s10 =	sld [smem:$0x3FB6]  }
0x3d: {  	_ =	shalt  }
0x3e: {  	_ =	shalt  }
0x3f: {  	_ =	shalt  }
0x40: {  	_ =	shalt  }
0x41: {  	_ =	shalt  }
0x42: {  	_ =	shalt  }
0x43: {  	_ =	shalt  }
0x44: {  	_ =	shalt  }
0x45: {  	_ =	shalt  }
0x46: {  	_ =	shalt  }
0x47: {  	_ =	shalt  }
0x48: {  	_ =	shalt  }
0x49: {  	_ =	shalt  }
0x4a: {  	_ =	shalt  }
0x4b: {  	_ =	shalt  }
0x4c: {  	_ =	shalt  }
0x4d: {  	_ =	shalt  }
0x4e: {  	_ =	shalt  }
0x4f: {  	_ =	shalt  }
0x50: {  	_ =	shalt  }
0x51: {  	_ =	shalt  }
0x52: {  	_ =	shalt  }
0x53: {  	_ =	shalt  }
0x54: {  	_ =	shalt  }
0x55: {  	_ =	shalt  }
0x56: {  	_ =	shalt  }
0x57: {  	_ =	shalt  }
0x58: {  	_ =	shalt  }
0x59: {  	_ =	shalt  }
0x5a: {  	_ =	shalt  }
0x5b: {  	_ =	shalt  }
0x5c: {  	_ =	shalt  }
0x5d: {  	_ =	shalt  }
0x5e: {  	_ =	shalt  }
0x5f: {  	_ =	shalt  }
0x60: {  	_ =	shalt  }
0x61: {  	_ =	shalt  }
0x62: {  	_ =	shalt  }
0x63: {  	_ =	shalt  }
0x64: {  	_ =	shalt  }
0x65: {  	_ =	shalt  }
0x66: {  	_ =	shalt  }
0x67: {  	_ =	shalt  }
0x68: {  	_ =	shalt  }
0x69: {  	_ =	shalt  }
0x6a: {  	_ =	shalt  }
0x6b: {  	_ =	shalt  }
0x6c: {  	_ =	shalt  }
0x6d: {  	_ =	shalt  }
0x6e: {  	_ =	shalt  }
0x6f: {  	_ =	shalt  }
0x70: {  	_ =	shalt  }
0x71: {  	_ =	shalt  }
0x72: {  	_ =	shalt  }
0x73: {  	_ =	shalt  }
0x74: {  	_ =	shalt  }
0x75: {  	_ =	shalt  }
0x76: {  	_ =	shalt  }
0x77: {  	_ =	shalt  }
0x78: {  	_ =	shalt  }
0x79: {  	_ =	shalt  }
0x7a: {  	_ =	shalt  }
0x7b: {  	_ =	shalt  }
0x7c: {  	_ =	shalt  }
0x7d: {  	_ =	shalt  }
0x7e: {  	_ =	shalt  }
0x7f: {  	_ =	shalt  }
0x80: {  	_ =	shalt  }
0x81: {  	_ =	shalt  }
0x82: {  	_ =	shalt  }
0x83: {  	_ =	shalt  }
0x84: {  	_ =	shalt  }
0x85: {  	_ =	shalt  }
0x86: {  	_ =	shalt  }
0x87: {  	_ =	shalt  }
.Lfunc_end0:
.L_simem_size_0:
called_computation_lowered:
.L_overlay_start_0:
0x88: {  	s2 =	sld [smem:$0x3FD9]  }
0x89: {  	s3 =	sld [smem:$0x3FFE];
	_ =	sdelay $0x1  }
0x8a: {  	s1 =	srdreg.scid  }
0x8b: {  	s0 =	sand.u32 $0x1, s1  }
0x8c: {  	s17 =	sshll.u32 s0, $0xA;
	s2 =	sadd.s32 s3, s2  }
0x8d: {  	s2 =	sadd.s32 s2, s17  }
0x8e: {  	[smem:$0x3FC2] =	sst s2  }
0x8f: {  	_ = 	snop  }
0x90: {  	s2 =	sld [smem:$0x3FD0];
	(tm) =	ssettm $0x1  }
0x91: {  	s18 =	sld [smem:$0x3FFB];
	_ =	sdelay $0x3  }
0x92: {  	_ =	strace s18  }
0x93: {  	s3 =	sld [smem:$0x3FFC];
	_ =	sdelay $0x3  }
0x94: {  	_ =	strace s3  }
0x95: {  	s3 =	sld [smem:$0x3FFD];
	_ =	sdelay $0x3  }
0x96: {  	_ =	strace s3  }
0x97: {  	_ =	strace $0x8FFFFFFF  }
0x98: {  	s19 =	sld [smem:$0x3FDB];
	_ =	sdelay $0x1  }
0x99: {  	s4 =	simm.s32 $_scs_section_size  }
0x9a: {  	s5 =	simm.s32 $_size__tile_overlayer_lowered;
	s6 =	simm.s32 $_tile_overlayer_lowered  }
0x9b: {  	s22 =	simm.s32 $0x1BFF;
	s21 =	sshll.u32 s6, $0x1;
	s3 =	sadd.s32 s4, s19  }
0x9c: {  	s7 =	simm.s32 $0x0;
	s20 =	sshll.u32 s5, $0x1;
	s5 =	sadd.s32 s21, s3  }
0x9d: {  	[timem:s7], [sflag:s22] =	dma.local [hbm:s5], s20  }
0x9e: {  	_ =	swait.ge [sflag:s22], s20  }
0x9f: {  	s4 =	ssub.s32 $0x0, s20;
	[sflag:s22] =	ssyncset.done $0x0  }
0xa0: {  	[sflag:s22] =	ssyncadd.s32 s4;
	_ =	sdelay $0x1  }
0xa1: {  	s23 =	simm.s32 $0x1B8B  }
0xa2: {  	_ =	swait.ge [sflag:s23], $0x1  }
0xa3: {  	[sflag:s23] =	ssyncset.done $0x0  }
0xa4: {  	s25 =	simm.s32 $0x1B8E;
	s24 =	sld [smem:$0x3FFE];
	[sflag:s23] =	ssyncadd.s32 $0xFFFFFFFF  }
0xa5: {  	s26 =	simm.s32 $execute0_lowered;
	[smem:$0x3FD2] =	sst s25  }
0xa6: {  	s5 =	sshll.u32 s26, $0x1;
	_ =	strace $0x80000046;
	[dreg:$0x1] =	wrdreg $0xFFFFFFFF  }
0xa7: {  	s28 =	simm.s32 $_size_execute0_lowered;
	s3 =	sadd.s32 s3, s5;
	[dreg:$0x0] =	wrdreg $0x0  }
0xa8: {  	s5 =	sshll.u32 s28, $0x1;
	[dreg:$0x2] =	wrdreg s3  }
0xa9: {  	[dreg:$0x3] =	wrdreg s5  }
0xaa: {  	[dreg:$0x4] =	wrdreg $0xC0  }
0xab: {  	_ =	task [dreg:s7], $0x5FFFF  }
0xac: {  	[dreg:$0x1] =	wrdreg $0xFFFFFFFF  }
0xad: {  	[dreg:$0x0] =	wrdreg $0x60  }
0xae: {  	[dreg:$0x2] =	wrdreg s24  }
0xaf: {  	[dreg:$0x3] =	wrdreg s2  }
0xb0: {  	[dreg:$0x4] =	wrdreg $0x9  }
0xb1: {  	_ =	task.clear_ibuf [dreg:s7], $0x5FFFF;
	_ =	strace $0x90000046  }
0xb2: {  	s29 =	simm.s32 $0x9;
	_ =	strace $0x80000048  }
0xb3: {  	_ =	swait.ge [sflag:s29], $0x1  }
0xb4: {  	[sflag:s29] =	ssyncadd.s32 $0xFFFFFFFF  }
0xb5: {  	_ =	strace $0x90000048  }
0xb6: {  	_ =	sfence  }
0xb7: {  	s30 =	sld [smem:$0x0];
	_ =	sdelay $0x2  }
0xb8: {  	s31 =	sshll.u32 s1, $0xD;
	s1 =	sshrl.u32 s1, $0x2  }
0xb9: {  	s3 =	sand.u32 $0x4000, s31;
	s1 =	sadd.s32 s1, s30  }
0xba: {  	s0 =	sor.u32 s3, s0;
	s1 =	sshll.u32 s1, $0x11  }
0xbb: {  	s0 =	sor.u32 s1, s0  }
0xbc: {  	s0 =	sadd.s32 $0x8F2B, s0  }
0xbd: {  	[sflag:s0] =	ssyncadd.remote.s32 $0x1  }
0xbe: {  	_ =	sfence.sel $0xFFFF  }
0xbf: {  	[dreg:$0x0] =	wrdreg $0xFFFFFFFF;
	(pc) =	sbr.abs _section_cstart, $3  }
0xc0: {  	[dreg:$0x1] =	wrdreg $0xFFFFFFFF  }
0xc1: {  	_ =	task.clear_ibuf [dreg:s7], $0x2FFFF;
	_ =	strace $0x9FFFFFFF  }
0xc2: {  	(tm) =	ssettm $0x7FFFFFFF  }
0xc3: {  	_ =	shalt  }
tec
execute0_lowered:
.L_overlay_start_1:
0x0: {  	(tag) =	ssettag $0x1  }
0x1: {  	v0 =	vlaneseq.u32  }
0x2: {  	v5 =	vadd.s32 $0x1D, v0  }
0x3: {  	[tilespmem:$0x1FCC0] =	vst v5;
	v5 =	vadd.s32 $0x43, v0  }
0x4: {  	[tilespmem:$0x1FCD0] =	vst v5;
	v5 =	vadd.s32 $0x3F, v0  }
0x5: {  	[tilespmem:$0x1FCE0] =	vst v5;
	v5 =	vadd.s32 $0x41, v0  }
0x6: {  	v6 =	vimm.s32 $0x7A797877;
	[tilespmem:$0x1FCF0] =	vst v5;
	v5 =	vadd.s32 $0x2D, v0  }
0x7: {  	vm3 =	vcmask $0xF00;
	v7 =	vimm.s32 $0x7E7D7C7B;
	[tilespmem:$0x1FD00] =	vst v5;
	v5 =	vadd.s32 $0x53, v0  }
0x8: {  	vm4 =	vcmask $0x1F10;
	vm5 =	vcmask $0x2F20;
	[tilespmem:$0x1FD10] =	vst v5;
	v5 =	vadd.s32 $0x4F, v0  }
0x9: {  	vm2 =	vcmask $0x3330;
	vm1 =	vcmask $0x3734;
	[tilespmem:$0x1FD20] =	vst v5;
	v5 =	vimm.s32 $0x76757473  }
0xa: {  	vm0 =	vcmask $0x3B38;
	vm14 =	vcmask $0x300;
	v5 =	vunpack.c.0.s8.s32 v5  }
0xb: {  	vm13 =	vcmask $0x704;
	vm15 =	vcmask $0x3B30;
	v6 =	vunpack.c.0.s8.s32 v6  }
0xc: {  	vm12 =	vcmask $0xB08;
	v7 =	vunpack.c.0.s8.s32 v7;
	v5 =	vnsel vm3, $0x402, v5  }
0xd: {  	vm11 =	vcmask $0xF0C;
	vm10 =	vcmask $0x1310;
	v5 =	vsel vm4, v6, v5  }
0xe: {  	vm9 =	vcmask $0x1714;
	vm8 =	vcmask $0x1B18;
	v5 =	vsel vm5, v7, v5  }
0xf: {  	vm7 =	vcmask $0x1F1C;
	v6 =	vimm.s32 $0x74737271;
	v5 =	vsel vm2, $0x7F, v5  }
0x10: {  	v6 =	vunpack.c.0.s8.s32 v6;
	v7 =	vimm.s32 $0x78777675;
	v5 =	vsel vm1, $0x400, v5  }
0x11: {  	vm6 =	vcmask $0x2320;
	v52 =	vsel vm0, $0x401, v5;
	v5 =	vunpack.c.0.s8.s32 v7  }
0x12: {  	v14 =	vadd.s32 $0x2F, v0;
	v15 =	vadd.s32 $0x31, v0;
	v6 =	vnsel vm3, $0x400, v6  }
0x13: {  	v7 =	vimm.s32 $0x7C7B7A79;
	v5 =	vsel vm4, v5, v6;
	v6 =	vimm.s32 $0x40E  }
0x14: {  	v56 =	vadd.s32 $0x403, v0;
	v7 =	vunpack.c.0.s8.s32 v7;
	v6 =	vsel vm14, $0x7F, v6  }
0x15: {  	v32 =	vadd.s32 $0x401, v0;
	v38 =	vadd.s32 $0x6D, v0;
	v6 =	vsel vm13, $0x400, v6  }
0x16: {  	v5 =	vsel vm5, v7, v5;
	v7 =	vimm.s32 $0x7F7E7D;
	v6 =	vsel vm12, $0x401, v6  }
0x17: {  	v37 =	vadd.s32 $0x413, v0;
	v7 =	vunpack.c.0.s8.s32 v7;
	v6 =	vsel vm11, $0x402, v6  }
0x18: {  	v36 =	vadd.s32 $0x40F, v0;
	vm3 =	vcmask $0xB00;
	v6 =	vsel vm10, $0x403, v6  }
0x19: {  	v35 =	vadd.s32 $0x411, v0;
	v8 =	vnsel vm3, $0x40C, v7;
	v6 =	vsel vm9, $0x404, v6  }
0x1a: {  	v33 =	vadd.s32 $0x423, v0;
	v8 =	vsel vm11, $0x400, v8;
	v6 =	vsel vm8, $0x405, v6  }
0x1b: {  	v58 =	vadd.s32 $0x41F, v0;
	v8 =	vsel vm10, $0x401, v8;
	v6 =	vsel vm7, $0x406, v6  }
0x1c: {  	vm5 =	vcmask $0x2724;
	v8 =	vsel vm9, $0x402, v8;
	v6 =	vsel vm6, $0x407, v6  }
0x1d: {  	vm4 =	vcmask $0x2B28;
	v8 =	vsel vm8, $0x403, v8;
	v6 =	vsel vm5, $0x408, v6  }
0x1e: {  	vm3 =	vcmask $0x2F2C;
	v8 =	vsel vm7, $0x404, v8;
	v6 =	vsel vm4, $0x409, v6  }
0x1f: {  	v54 =	vsel vm15, v7, v5;
	v5 =	vsel vm3, $0x40A, v6;
	v6 =	vsel vm6, $0x405, v8  }
0x20: {  	v21 =	vadd.s32 $0x421, v0;
	v5 =	vsel vm2, $0x40B, v5;
	v6 =	vsel vm5, $0x406, v6  }
0x21: {  	v22 =	vadd.s32 $0x40D, v0;
	v5 =	vsel vm1, $0x40C, v5;
	v6 =	vsel vm4, $0x407, v6  }
0x22: {  	v63 =	vadd.s32 $0x41D, v0;
	v31 =	vsel vm0, $0x40D, v5;
	v5 =	vsel vm3, $0x408, v6  }
0x23: {  	v62 =	vadd.s32 $0x443, v0;
	v61 =	vadd.s32 $0x43F, v0;
	v5 =	vsel vm2, $0x409, v5  }
0x24: {  	v60 =	vadd.s32 $0x441, v0;
	v10 =	vadd.s32 $0x42D, v0;
	v5 =	vsel vm1, $0x40A, v5  }
0x25: {  	v23 =	vadd.s32 $0x44F, v0;
	v34 =	vsel vm0, $0x40B, v5;
	v5 =	vimm.s32 $0x802  }
0x26: {  	v24 =	vadd.s32 $0x451, v0;
	v6 =	vimm.s32 $0x800;
	v5 =	vsel vm14, $0x473, v5  }
0x27: {  	v25 =	vadd.s32 $0x43D, v0;
	v6 =	vsel vm14, $0x471, v6;
	v5 =	vsel vm13, $0x474, v5  }
0x28: {  	v26 =	vadd.s32 $0x463, v0;
	v6 =	vsel vm13, $0x472, v6;
	v5 =	vsel vm12, $0x475, v5  }
0x29: {  	v27 =	vadd.s32 $0x45F, v0;
	v6 =	vsel vm12, $0x473, v6;
	v5 =	vsel vm11, $0x476, v5  }
0x2a: {  	v28 =	vadd.s32 $0x461, v0;
	v6 =	vsel vm11, $0x474, v6;
	v5 =	vsel vm10, $0x477, v5  }
0x2b: {  	v29 =	vadd.s32 $0x44D, v0;
	v6 =	vsel vm10, $0x475, v6;
	v5 =	vsel vm9, $0x478, v5  }
0x2c: {  	s3 =	srdreg.scid;
	v41 =	vadd.s32 $0x46F, v0;
	v6 =	vsel vm9, $0x476, v6;
	v5 =	vsel vm8, $0x479, v5  }
0x2d: {  	s0 =	rddreg [dreg:$0x0];
	v43 =	vadd.s32 $0x45D, v0;
	s4 =	sand.u32 $0x1, s3;
	s3 =	simm.s32 $0x0;
	v6 =	vsel vm8, $0x477, v6;
	v5 =	vsel vm7, $0x47A, v5  }
0x2e: {  	v44 =	vadd.s32 $0x803, v0;
	[smem:$0x7FF] =	sst s3;
	v6 =	vsel vm7, $0x478, v6;
	v5 =	vsel vm6, $0x47B, v5  }
0x2f: {  	s11 =	rddreg [dreg:$0x1];
	v46 =	vadd.s32 $0x801, v0;
	_ =	strace $0x80000047;
	[tilespmem:$0x1FD30] =	vst v22;
	v6 =	vsel vm6, $0x479, v6;
	v5 =	vsel vm5, $0x47C, v5  }
0x30: {  	v12 =	vadd.s32 $0x46D, v0;
	[tilespmem:$0x1FD70] =	vst v63;
	v6 =	vsel vm5, $0x47A, v6;
	v5 =	vsel vm4, $0x47D, v5  }
0x31: {  	v59 =	vadd.s32 $0x813, v0;
	[tilespmem:$0x1FD80] =	vst v62;
	v6 =	vsel vm4, $0x47B, v6;
	v5 =	vsel vm3, $0x47E, v5  }
0x32: {  	v49 =	vadd.s32 $0x80F, v0;
	[tilespmem:$0x1FD90] =	vst v61;
	v6 =	vsel vm3, $0x47C, v6;
	v5 =	vsel vm2, $0x47F, v5  }
0x33: {  	[tilespmem:$0x1FDA0] =	vst v60;
	v7 =	vimm.s32 $0xC02;
	v6 =	vsel vm2, $0x47D, v6;
	v5 =	vsel vm1, $0x800, v5  }
0x34: {  	[tilespmem:$0x1FDB0] =	vst v21;
	v6 =	vsel vm1, $0x47E, v6;
	v30 =	vsel vm0, $0x801, v5;
	v5 =	vimm.s32 $0x80E  }
0x35: {  	[tilespmem:$0x1FDC0] =	vst v58;
	v42 =	vsel vm0, $0x47F, v6;
	v6 =	vimm.s32 $0x80C;
	v5 =	vsel vm14, $0x47F, v5  }
0x36: {  	[tilespmem:$0x1FDD0] =	vst v33;
	v7 =	vsel vm14, $0x873, v7;
	v6 =	vsel vm14, $0x47D, v6;
	v5 =	vsel vm13, $0x800, v5  }
0x37: {  	[tilespmem:$0x1FDF0] =	vst v35;
	v7 =	vsel vm13, $0x874, v7;
	v6 =	vsel vm13, $0x47E, v6;
	v5 =	vsel vm12, $0x801, v5  }
0x38: {  	[tilespmem:$0x1FE00] =	vst v36;
	v7 =	vsel vm12, $0x875, v7;
	v6 =	vsel vm12, $0x47F, v6;
	v5 =	vsel vm11, $0x802, v5  }
0x39: {  	[tilespmem:$0x1FE10] =	vst v37;
	v7 =	vsel vm11, $0x876, v7;
	v6 =	vsel vm11, $0x800, v6;
	v5 =	vsel vm10, $0x803, v5  }
0x3a: {  	[tilespmem:$0x1FE20] =	vst v38;
	v7 =	vsel vm10, $0x877, v7;
	v6 =	vsel vm10, $0x801, v6;
	v5 =	vsel vm9, $0x804, v5  }
0x3b: {  	[tilespmem:$0x1FE30] =	vst v32;
	v7 =	vsel vm9, $0x878, v7;
	v6 =	vsel vm9, $0x802, v6;
	v5 =	vsel vm8, $0x805, v5  }
0x3c: {  	[tilespmem:$0x1FE50] =	vst v41;
	v7 =	vsel vm8, $0x879, v7;
	v6 =	vsel vm8, $0x803, v6;
	v5 =	vsel vm7, $0x806, v5  }
0x3d: {  	[tilespmem:$0x1FE70] =	vst v43;
	v8 =	vadd.s32 $0x453, v0;
	v6 =	vsel vm7, $0x804, v6;
	v5 =	vsel vm6, $0x807, v5  }
0x3e: {  	[tilespmem:$0x1FE80] =	vst v44;
	v7 =	vsel vm7, $0x87A, v7;
	v6 =	vsel vm6, $0x805, v6;
	v5 =	vsel vm5, $0x808, v5  }
0x3f: {  	[tilespmem:$0x1FEA0] =	vst v46;
	v7 =	vsel vm6, $0x87B, v7;
	v6 =	vsel vm5, $0x806, v6;
	v5 =	vsel vm4, $0x809, v5  }
0x40: {  	[tilespmem:$0x1FEE0] =	vst v56;
	v7 =	vsel vm5, $0x87C, v7;
	v6 =	vsel vm4, $0x807, v6;
	v5 =	vsel vm3, $0x80A, v5  }
0x41: {  	[tilespmem:$0x1FF00] =	vst v12;
	v7 =	vsel vm4, $0x87D, v7;
	v6 =	vsel vm3, $0x808, v6;
	v5 =	vsel vm2, $0x80B, v5  }
0x42: {  	[tilespmem:$0x1FF10] =	vst v59;
	v7 =	vsel vm3, $0x87E, v7;
	v6 =	vsel vm2, $0x809, v6;
	v5 =	vsel vm1, $0x80C, v5  }
0x43: {  	[tilespmem:$0x1FF20] =	vst v49;
	v7 =	vsel vm2, $0x87F, v7;
	v45 =	vsel vm0, $0x80D, v5;
	v5 =	vsel vm1, $0x80A, v6  }
0x44: {  	[tilespmem:$0x1FF40] =	vst v10;
	v6 =	vsel vm1, $0xC00, v7;
	v7 =	vimm.s32 $0xC0C;
	v47 =	vsel vm0, $0x80B, v5  }
0x45: {  	[tilespmem:$0x1FF60] =	vst v23;
	v13 =	vsel vm0, $0xC01, v6;
	v5 =	vimm.s32 $0xC00;
	v6 =	vimm.s32 $0xC0E  }
0x46: {  	[tilespmem:$0x1FF70] =	vst v24;
	v7 =	vsel vm14, $0x87D, v7;
	v5 =	vsel vm14, $0x871, v5;
	v6 =	vsel vm14, $0x87F, v6  }
0x47: {  	[tilespmem:$0x1FF80] =	vst v25;
	v7 =	vsel vm13, $0x87E, v7;
	v5 =	vsel vm13, $0x872, v5;
	v6 =	vsel vm13, $0xC00, v6  }
0x48: {  	[tilespmem:$0x1FF90] =	vst v26;
	v7 =	vsel vm12, $0x87F, v7;
	v5 =	vsel vm12, $0x873, v5;
	v6 =	vsel vm12, $0xC01, v6  }
0x49: {  	[tilespmem:$0x1FFA0] =	vst v27;
	v7 =	vsel vm11, $0xC00, v7;
	v5 =	vsel vm11, $0x874, v5;
	v6 =	vsel vm11, $0xC02, v6  }
0x4a: {  	[tilespmem:$0x1FFB0] =	vst v28;
	v7 =	vsel vm10, $0xC01, v7;
	v5 =	vsel vm10, $0x875, v5;
	v6 =	vsel vm10, $0xC03, v6  }
0x4b: {  	[tilespmem:$0x1FFC0] =	vst v29;
	v7 =	vsel vm9, $0xC02, v7;
	v5 =	vsel vm9, $0x876, v5;
	v6 =	vsel vm9, $0xC04, v6  }
0x4c: {  	[tilespmem:$0x1FFE0] =	vst v14;
	v7 =	vsel vm8, $0xC03, v7;
	v5 =	vsel vm8, $0x877, v5;
	v6 =	vsel vm8, $0xC05, v6  }
0x4d: {  	[tilespmem:$0x1FFF0] =	vst v15;
	v7 =	vsel vm7, $0xC04, v7;
	v5 =	vsel vm7, $0x878, v5;
	v6 =	vsel vm7, $0xC06, v6  }
0x4e: {  	[tilespmem:$0x1FF50] =	vst v8;
	v7 =	vsel vm6, $0xC05, v7;
	v5 =	vsel vm6, $0x879, v5;
	v6 =	vsel vm6, $0xC07, v6  }
0x4f: {  	s15 =	simm.s32 $0x3000;
	s16 =	simm.s32 $0x7000;
	[tilespmem:$0x1FE40] =	vst v31;
	v7 =	vsel vm5, $0xC06, v7;
	v5 =	vsel vm5, $0x87A, v5;
	v6 =	vsel vm5, $0xC08, v6  }
0x50: {  	s17 =	simm.s32 $0xE000;
	s18 =	simm.s32 $0xF000;
	[tilespmem:$0x1FDE0] =	vst v34;
	v7 =	vsel vm4, $0xC07, v7;
	v5 =	vsel vm4, $0x87B, v5;
	v6 =	vsel vm4, $0xC09, v6  }
0x51: {  	s19 =	simm.s32 $0xF400;
	s20 =	simm.s32 $0xF700;
	[tilespmem:$0x1FE60] =	vst v42;
	v7 =	vsel vm3, $0xC08, v7;
	v5 =	vsel vm3, $0x87C, v5;
	v6 =	vsel vm3, $0xC0A, v6  }
0x52: {  	s2 =	stileid.u32;
	s21 =	simm.s32 $0x13700;
	s22 =	simm.s32 $0xA000;
	[tilespmem:$0x1FFD0] =	vst v30;
	v7 =	vsel vm2, $0xC09, v7;
	v5 =	vsel vm2, $0x87D, v5;
	v6 =	vsel vm2, $0xC0B, v6  }
0x53: {  	s23 =	simm.s32 $0x13A00;
	s5 =	sshll.u32 s2, $0x6;
	s6 =	sshll.u32 s4, $0x5;
	[tilespmem:$0x1FE90] =	vst v45;
	v7 =	vsel vm1, $0xC0A, v7;
	v5 =	vsel vm1, $0x87E, v5;
	v6 =	vsel vm1, $0xC0C, v6  }
0x54: {  	s24 =	simm.s32 $0x0;
	v48 =	vadd.s32 $0x433, v0;
	s9 =	ssub.s32 $0x2, s4;
	s5 =	sor.u32 s6, s5;
	[tilespmem:$0x1FEB0] =	vst v47  }
0x55: {  	v40 =	vadd.s32 $0x42F, v0;
	v20 =	vadd.s32 $0x431, v0;
	s6 =	sshll.u32 s5, $0x6;
	s12 =	sshll.u32 s5, $0x4;
	s5 =	sshrl.u32 s5, $0x3;
	[tilespmem:$0x1FEC0] =	vst v13;
	v39 =	vsel vm0, $0x87F, v5  }
0x56: {  	s4 =	sadd.s32 $0xC00, s0;
	s13 =	sshrl.u32 s9, $0x1;
	s7 =	smul.u32 $0x180, s5;
	[tilespmem:$0x1FED0] =	vst v39;
	v5 =	vmovc v20;
	v20 =	vsel vm0, $0xC0D, v6;
	v6 =	vmovc v40;
	v40 =	vsel vm0, $0xC0B, v7;
	v7 =	vmov v48  }
.Ltmp0:
0x57: {  	v1 =	vadd.s32 $0x1F, v0;
	s13 =	ssub.s32 s9, s13;
	s8 =	sadd.s32 s6, s0;
	[tilespmem:$0x1FD40] =	vst v7;
	(pc) =	sbr.rel .LBB2_1-.Ltmp0, $4  }
0x58: {  	v2 =	vadd.s32 $0x21, v0;
	v3 =	vadd.s32 $0xD, v0;
	v4 =	vadd.s32 $0x33, v0;
	s10 =	sadd.s32 s12, s0;
	s5 =	sadd.s32 $0x200, s0;
	s6 =	sadd.s32 $0xA00, s0;
	[tilespmem:$0x1FD50] =	vst v6  }
0x59: {  	v16 =	vadd.s32 $0x51, v0;
	v17 =	vadd.s32 $0x3D, v0;
	v18 =	vadd.s32 $0x63, v0;
	s11 =	sadd.s32 s11, s12;
	s13 =	smax.u32 s13, $0x1;
	s14 =	sadd.s32 s7, s0;
	[tilespmem:$0x1FD60] =	vst v5  }
0x5a: {  	v9 =	vimm.s32 $0x0;
	v19 =	vadd.s32 $0x5F, v0;
	v50 =	vadd.s32 $0x61, v0;
	s8 =	sadd.s32 $0xE00, s8;
	s10 =	sadd.s32 $0x28E00, s10;
	s7 =	sadd.s32 $0x10E00, s14;
	[tilespmem:$0x1FEF0] =	vst v40  }
0x5b: {  	v51 =	vadd.s32 $0x4D, v0;
	v55 =	vadd.s32 $0x6F, v0;
	v57 =	vadd.s32 $0x5D, v0;
	s9 =	sadd.s32 $0x1CE00, s14;
	s12 =	sadd.s32 $0x2CE00, s14;
	s14 =	simm.s32 $0x1;
	[tilespmem:$0x1FF30] =	vst v20  }
.LBB2_13:
0x5c: {  	s24 =	sadd.s32 $0x1, s24  }
0x5d: {  	p0 =	sne.s32 s24, s13  }
.Ltmp1:
0x5e: {  	_ = 	snop;
	(pc) =	sbr.rel @!p0 .LBB2_14-.Ltmp1, $4  }
0x5f: {  	[hbm4b:s12+s3] =	stream.linear.scatter [tilespmem:s22], [sflag:$0x1], $0x3000, $0x38;
	[tilespmem:$0x14C00] =	vst v63  }
0x60: {  	_ =	swait.ge [sflag:s14], $0x3000  }
0x61: {  	[sflag:s14] =	ssyncset.done $0x0  }
0x62: {  	[sflag:s14] =	ssyncadd.s32 $0xFFFFD000  }
.LBB2_1:
0x63: {  	[tilespmem:s3], [sflag:$0x1] =	stream.linear.gather [hbm4b:s7+s3], $0x3000, $0x38;
	[tilespmem:$0x14C00] =	vst v63  }
0x64: {  	_ =	swait.ge [sflag:s14], $0x3000  }
0x65: {  	[sflag:s14] =	ssyncset.done $0x0  }
0x66: {  	[sflag:s14] =	ssyncadd.s32 $0xFFFFD000  }
0x67: {  	[tilespmem:s15], [sflag:$0x1] =	stream.linear.gather [hbm4b:s8+s3], $0x4000, $0x38;
	[tilespmem:$0x14C00] =	vst v63  }
0x68: {  	_ =	swait.ge [sflag:s14], $0x4000  }
0x69: {  	[sflag:s14] =	ssyncset.done $0x0  }
0x6a: {  	[sflag:s14] =	ssyncadd.s32 $0xFFFFC000  }
0x6b: {  	[tilespmem:s16], [sflag:$0x1] =	stream.linear.gather [hbm4b:s9+s3], $0x3000, $0x38;
	[tilespmem:$0x14C00] =	vst v63  }
0x6c: {  	_ =	swait.ge [sflag:s14], $0x3000  }
0x6d: {  	[sflag:s14] =	ssyncset.done $0x0  }
0x6e: {  	s25 =	simm.s32 $0xD000;
	[sflag:s14] =	ssyncadd.s32 $0xFFFFD000  }
0x6f: {  	[tilespmem:s25], [sflag:$0x1] =	stream.linear.gather [hbm4b:s10+s3], $0x1000, $0x38;
	[tilespmem:$0x14C00] =	vst v63  }
0x70: {  	_ =	swait.ge [sflag:s14], $0x1000  }
0x71: {  	[sflag:s14] =	ssyncset.done $0x0  }
0x72: {  	[sflag:s14] =	ssyncadd.s32 $0xFFFFF000  }
0x73: {  	[tilespmem:s17], [sflag:$0x1] =	stream.linear.gather [hbm4b:s11+s3], $0x1000, $0x38;
	[tilespmem:$0x14C00] =	vst v63  }
0x74: {  	_ =	swait.ge [sflag:s14], $0x1000  }
0x75: {  	[sflag:s14] =	ssyncset.done $0x0  }
0x76: {  	[sflag:s14] =	ssyncadd.s32 $0xFFFFF000  }
0x77: {  	[tilespmem:s18], [sflag:$0x1] =	stream.linear.gather [hbm4b:s0+s3], $0x400, $0x38;
	[tilespmem:$0x14C00] =	vst v63  }
0x78: {  	_ =	swait.ge [sflag:s14], $0x400  }
0x79: {  	[sflag:s14] =	ssyncset.done $0x0  }
0x7a: {  	[sflag:s14] =	ssyncadd.s32 $0xFFFFFC00  }
0x7b: {  	[tilespmem:s19], [sflag:$0x1] =	stream.linear.gather [hbm4b:s4+s3], $0x300, $0x38;
	[tilespmem:$0x14C00] =	vst v63  }
0x7c: {  	_ =	swait.ge [sflag:s14], $0x300  }
0x7d: {  	[sflag:s14] =	ssyncset.done $0x0  }
0x7e: {  	[sflag:s14] =	ssyncadd.s32 $0xFFFFFD00  }
0x7f: {  	[tilespmem:s20], [sflag:$0x1] =	stream.linear.gather [hbm4b:s5+s3], $0x4000, $0x38;
	[tilespmem:$0x14C00] =	vst v63  }
0x80: {  	_ =	swait.ge [sflag:s14], $0x4000  }
0x81: {  	[sflag:s14] =	ssyncset.done $0x0  }
0x82: {  	[sflag:s14] =	ssyncadd.s32 $0xFFFFC000  }
0x83: {  	[tilespmem:s21], [sflag:$0x1] =	stream.linear.gather [hbm4b:s6+s3], $0x300, $0x38;
	[tilespmem:$0x14C00] =	vst v63  }
0x84: {  	_ =	swait.ge [sflag:s14], $0x300  }
0x85: {  	[sflag:s14] =	ssyncset.done $0x0  }
0x86: {  	[sflag:s14] =	ssyncadd.s32 $0xFFFFFD00  }
0x87: {  	[tilespmem:$0x13A00] =	vst v9  }
0x88: {  	[tilespmem:$0x13A10] =	vst v9  }
0x89: {  	[tilespmem:$0x13A20] =	vst v9  }
0x8a: {  	[tilespmem:$0x13A30] =	vst v9  }
0x8b: {  	[tilespmem:$0x13A40] =	vst v9  }
0x8c: {  	[tilespmem:$0x13A50] =	vst v9  }
0x8d: {  	[tilespmem:$0x13A60] =	vst v9  }
0x8e: {  	[tilespmem:$0x13A70] =	vst v9  }
0x8f: {  	[tilespmem:$0x13A80] =	vst v9  }
0x90: {  	[tilespmem:$0x13A90] =	vst v9  }
0x91: {  	[tilespmem:$0x13AA0] =	vst v9  }
0x92: {  	[tilespmem:$0x13AB0] =	vst v9  }
0x93: {  	[tilespmem:$0x13AC0] =	vst v9  }
0x94: {  	[tilespmem:$0x13AD0] =	vst v9  }
0x95: {  	[tilespmem:$0x13AE0] =	vst v9  }
0x96: {  	[tilespmem:$0x13AF0] =	vst v9  }
0x97: {  	[tilespmem:$0x13B00] =	vst v9  }
0x98: {  	[tilespmem:$0x13B10] =	vst v9  }
0x99: {  	[tilespmem:$0x13B20] =	vst v9  }
0x9a: {  	[tilespmem:$0x13B30] =	vst v9  }
0x9b: {  	[tilespmem:$0x13B40] =	vst v9  }
0x9c: {  	[tilespmem:$0x13B50] =	vst v9  }
0x9d: {  	[tilespmem:$0x13B60] =	vst v9  }
0x9e: {  	[tilespmem:$0x13B70] =	vst v9  }
0x9f: {  	[tilespmem:$0x13B80] =	vst v9  }
0xa0: {  	[tilespmem:$0x13B90] =	vst v9  }
0xa1: {  	[tilespmem:$0x13BA0] =	vst v9  }
0xa2: {  	[tilespmem:$0x13BB0] =	vst v9  }
0xa3: {  	[tilespmem:$0x13BC0] =	vst v9  }
0xa4: {  	[tilespmem:$0x13BD0] =	vst v9  }
0xa5: {  	v11 =	vimm.s32 $0x0;
	v48 =	vmovc v16;
	v49 =	vmovc v17;
	v59 =	vmov v56;
	v56 =	vmov v54;
	[tilespmem:$0x13BE0] =	vst v9  }
0xa6: {  	s26 =	simm.s32 $0x13C00;
	s28 =	simm.s32 $0x0;
	s29 =	simm.s32 $0x0;
	v54 =	vmovc v52;
	v52 =	vmovc v50;
	v50 =	vmov v18;
	v53 =	vmov v51;
	v51 =	vmov v19;
	[tilespmem:$0x13BF0] =	vst v9  }
.LBB2_2:
0xa7: {  	s30 =	sshrl.u32 s29, $0x3  }
0xa8: {  	s30 =	smul.u32 $0xC00, s30  }
0xa9: {  	s31 =	sand.u32 $0x380, s28  }
0xaa: {  	v12 =	vld [tilespmem:s25+$0x0];
	s30 =	sor.u32 s31, s30  }
0xab: {  	v13 =	vld [tilespmem:s30+$0x7000];
	_ =	sdelay $0x3  }
0xac: {  	v14 =	vld [tilespmem:s30+$0x7010]  }
0xad: {  	v13 =	vxor.u32 v12, v13  }
0xae: {  	v15 =	vmul.u32 $0x9E3779B9, v13;
	v16 =	vshrl.u32 v13, $0x5  }
0xaf: {  	v16 =	vand.u32 $0x3FFF, v16  }
0xb0: {  	v18 =	vld [tilespmem:s30+$0x7020];
	v17 =	vshrl.u32 v15, $0x12  }
0xb1: {  	v14 =	vxor.u32 v12, v14  }
0xb2: {  	v19 =	vshrl.u32 v14, $0x5;
	v20 =	vmul.u32 $0x9E3779B9, v14  }
0xb3: {  	v10 =	vmov v21;
	v21 =	vld [tilespmem:s30+$0x7030];
	v19 =	vand.u32 $0x3FFF, v19  }
0xb4: {  	v8 =	vmov v22;
	v22 =	vshrl.u32 v20, $0x12;
	v16 =	vld.idx.msk [tilespmem:v16+s20+$0x0], $0xffff  }
0xb5: {  	v18 =	vxor.u32 v12, v18;
	v17 =	vld.idx.msk [tilespmem:v17+s20+$0x0], $0xffff  }
0xb6: {  	v23 =	vmul.u32 $0x9E3779B9, v18;
	v24 =	vshrl.u32 v18, $0x5  }
0xb7: {  	v26 =	vld [tilespmem:s30+$0x7040];
	v24 =	vand.u32 $0x3FFF, v24  }
0xb8: {  	v13 =	vand.u32 $0x1F, v13;
	v15 =	vshrl.u32 v15, $0xD;
	v25 =	vshrl.u32 v23, $0x12;
	v19 =	vld.idx.msk [tilespmem:v19+s20+$0x0], $0xffff  }
0xb9: {  	v21 =	vxor.u32 v12, v21;
	v15 =	vand.u32 $0x1F, v15;
	v13 =	vshrl.u32 v16, v13;
	v16 =	vld.idx.msk [tilespmem:v22+s20+$0x0], $0xffff  }
0xba: {  	v22 =	vshrl.u32 v21, $0x5;
	v15 =	vshrl.u32 v17, v15;
	v17 =	vmul.u32 $0x9E3779B9, v21  }
0xbb: {  	v22 =	vand.u32 $0x3FFF, v22;
	v13 =	vand.u32 v13, v15;
	v15 =	vld [tilespmem:s30+$0x7050]  }
0xbc: {  	v14 =	vand.u32 $0x1F, v14;
	v20 =	vshrl.u32 v20, $0xD;
	v24 =	vld.idx.msk [tilespmem:v24+s20+$0x0], $0xffff;
	v27 =	vshrl.u32 v17, $0x12  }
0xbd: {  	v14 =	vshrl.u32 v19, v14;
	v19 =	vand.u32 $0x1F, v20;
	v20 =	vld.idx.msk [tilespmem:v25+s20+$0x0], $0xffff;
	v25 =	vxor.u32 v12, v26  }
0xbe: {  	v26 =	vshrl.u32 v25, $0x5;
	v16 =	vshrl.u32 v16, v19;
	v19 =	vmul.u32 $0x9E3779B9, v25  }
0xbf: {  	v28 =	vld [tilespmem:s30+$0x7060];
	v14 =	vand.u32 v14, v16;
	v16 =	vshrl.u32 v23, $0xD;
	v23 =	vand.u32 $0x3FFF, v26  }
0xc0: {  	v18 =	vand.u32 $0x1F, v18;
	v22 =	vld.idx.msk [tilespmem:v22+s20+$0x0], $0xffff;
	v26 =	vshrl.u32 v19, $0x12;
	v15 =	vxor.u32 v12, v15  }
0xc1: {  	v16 =	vand.u32 $0x1F, v16;
	v27 =	vld.idx.msk [tilespmem:v27+s20+$0x0], $0xffff;
	v29 =	vmul.u32 $0x9E3779B9, v15;
	v30 =	vshrl.u32 v15, $0x5  }
0xc2: {  	v18 =	vshrl.u32 v24, v18;
	v16 =	vshrl.u32 v20, v16;
	v20 =	vand.u32 $0x3FFF, v30  }
0xc3: {  	v13 =	vor.u32 v13, v14;
	v24 =	vand.u32 v18, v16;
	v18 =	vld [tilespmem:s30+$0x7070];
	v16 =	vshrl.u32 v29, $0x12  }
0xc4: {  	v14 =	vshrl.u32 v17, $0xD;
	v13 =	vor.u32 v24, v13;
	v24 =	vand.u32 $0x1F, v21;
	v21 =	vld.idx.msk [tilespmem:v23+s20+$0x0], $0xffff  }
0xc5: {  	v14 =	vand.u32 $0x1F, v14;
	v17 =	vshrl.u32 v22, v24;
	v23 =	vxor.u32 v12, v28;
	v22 =	vld.idx.msk [tilespmem:v26+s20+$0x0], $0xffff  }
0xc6: {  	v24 =	vmul.u32 $0x9E3779B9, v23;
	v26 =	vshrl.u32 v23, $0x5;
	v14 =	vshrl.u32 v27, v14  }
0xc7: {  	v14 =	vand.u32 v17, v14;
	v17 =	vshrl.u32 v19, $0xD;
	v19 =	vld.idx.msk [tilespmem:v20+s20+$0x0], $0xffff;
	v20 =	vand.u32 $0x3FFF, v26  }
0xc8: {  	v25 =	vand.u32 $0x1F, v25;
	v26 =	vshrl.u32 v24, $0x12;
	v18 =	vxor.u32 v12, v18;
	v16 =	vld.idx.msk [tilespmem:v16+s20+$0x0], $0xffff  }
0xc9: {  	v27 =	vld [tilespmem:s30+$0x7400];
	v17 =	vand.u32 $0x1F, v17;
	v21 =	vshrl.u32 v21, v25;
	v25 =	vshrl.u32 v18, $0x5  }
0xca: {  	v17 =	vshrl.u32 v22, v17;
	v22 =	vmul.u32 $0x9E3779B9, v18;
	v25 =	vand.u32 $0x3FFF, v25  }
0xcb: {  	v13 =	vor.u32 v14, v13;
	v14 =	vand.u32 v21, v17;
	v17 =	vshrl.u32 v29, $0xD;
	v21 =	vld [tilespmem:s30+$0x7410]  }
0xcc: {  	v15 =	vand.u32 $0x1F, v15;
	v17 =	vand.u32 $0x1F, v17;
	v20 =	vld.idx.msk [tilespmem:v20+s20+$0x0], $0xffff;
	v28 =	vshrl.u32 v22, $0x12  }
0xcd: {  	v13 =	vor.u32 v14, v13;
	v14 =	vshrl.u32 v19, v15;
	v15 =	vshrl.u32 v16, v17;
	v16 =	vld.idx.msk [tilespmem:v26+s20+$0x0], $0xffff  }
0xce: {  	v19 =	vand.u32 $0x1F, v23;
	v17 =	vxor.u32 v12, v27;
	v14 =	vand.u32 v14, v15  }
0xcf: {  	v15 =	vshrl.u32 v24, $0xD;
	v24 =	vmul.u32 $0x9E3779B9, v17;
	v23 =	vld.idx.msk [tilespmem:v25+s20+$0x0], $0xffff;
	v25 =	vshrl.u32 v17, $0x5  }
0xd0: {  	v26 =	vld [tilespmem:s30+$0x7420];
	v25 =	vand.u32 $0x3FFF, v25;
	v21 =	vxor.u32 v12, v21  }
0xd1: {  	v15 =	vand.u32 $0x1F, v15;
	v27 =	vld.idx.msk [tilespmem:v28+s20+$0x0], $0xffff;
	v28 =	vshrl.u32 v24, $0x12;
	v29 =	vmul.u32 $0x9E3779B9, v21  }
0xd2: {  	v30 =	vshrl.u32 v21, $0x5;
	v19 =	vshrl.u32 v20, v19;
	v15 =	vshrl.u32 v16, v15  }
0xd3: {  	v13 =	vor.u32 v14, v13;
	v16 =	vand.u32 $0x3FFF, v30;
	v19 =	vand.u32 v19, v15  }
0xd4: {  	v14 =	vshrl.u32 v22, $0xD;
	v15 =	vshrl.u32 v29, $0x12;
	v13 =	vor.u32 v19, v13;
	v19 =	vld [tilespmem:s30+$0x7430]  }
0xd5: {  	v18 =	vand.u32 $0x1F, v18;
	v14 =	vand.u32 $0x1F, v14;
	v22 =	vxor.u32 v12, v26;
	v20 =	vld.idx.msk [tilespmem:v25+s20+$0x0], $0xffff  }
0xd6: {  	v18 =	vshrl.u32 v23, v18;
	v25 =	vshrl.u32 v22, $0x5;
	v14 =	vshrl.u32 v27, v14;
	v23 =	vld.idx.msk [tilespmem:v28+s20+$0x0], $0xffff  }
0xd7: {  	v26 =	vld [tilespmem:s30+$0x7440];
	v25 =	vand.u32 $0x3FFF, v25;
	v14 =	vand.u32 v18, v14;
	v18 =	vmul.u32 $0x9E3779B9, v22  }
0xd8: {  	v17 =	vand.u32 $0x1F, v17;
	v16 =	vld.idx.msk [tilespmem:v16+s20+$0x0], $0xffff;
	v13 =	vor.u32 v14, v13  }
0xd9: {  	v14 =	vshrl.u32 v24, $0xD;
	v15 =	vld.idx.msk [tilespmem:v15+s20+$0x0], $0xffff;
	v24 =	vshrl.u32 v18, $0x12;
	v19 =	vxor.u32 v12, v19  }
0xda: {  	v14 =	vand.u32 $0x1F, v14;
	v27 =	vmul.u32 $0x9E3779B9, v19;
	v28 =	vshrl.u32 v19, $0x5  }
0xdb: {  	v17 =	vshrl.u32 v20, v17;
	v14 =	vshrl.u32 v23, v14;
	v20 =	vand.u32 $0x3FFF, v28  }
0xdc: {  	v23 =	vld.idx.msk [tilespmem:v25+s20+$0x0], $0xffff;
	v14 =	vand.u32 v17, v14;
	v17 =	vshrl.u32 v29, $0xD;
	v25 =	vshrl.u32 v27, $0x12  }
0xdd: {  	v13 =	vor.u32 v14, v13;
	v14 =	vand.u32 $0x1F, v21;
	v17 =	vand.u32 $0x1F, v17;
	v21 =	vld [tilespmem:s30+$0x7450]  }
0xde: {  	v14 =	vshrl.u32 v16, v14;
	v15 =	vshrl.u32 v15, v17;
	v16 =	vld.idx.msk [tilespmem:v24+s20+$0x0], $0xffff;
	v17 =	vxor.u32 v12, v26  }
0xdf: {  	v14 =	vand.u32 v14, v15;
	v15 =	vmul.u32 $0x9E3779B9, v17;
	v24 =	vshrl.u32 v17, $0x5  }
0xe0: {  	v13 =	vor.u32 v14, v13;
	v14 =	vld.idx.msk [tilespmem:v20+s20+$0x0], $0xffff;
	v20 =	vand.u32 $0x3FFF, v24  }
0xe1: {  	v22 =	vand.u32 $0x1F, v22;
	v18 =	vshrl.u32 v18, $0xD;
	v24 =	vld.idx.msk [tilespmem:v25+s20+$0x0], $0xffff;
	v25 =	vshrl.u32 v15, $0x12  }
0xe2: {  	v18 =	vand.u32 $0x1F, v18;
	v22 =	vshrl.u32 v23, v22;
	v23 =	vld [tilespmem:s30+$0x7460];
	v21 =	vxor.u32 v12, v21  }
0xe3: {  	v16 =	vshrl.u32 v16, v18;
	v18 =	vmul.u32 $0x9E3779B9, v21;
	v26 =	vshrl.u32 v21, $0x5  }
0xe4: {  	v16 =	vand.u32 v22, v16;
	v22 =	vshrl.u32 v27, $0xD;
	v26 =	vand.u32 $0x3FFF, v26;
	v27 =	vld [tilespmem:s30+$0x7470]  }
0xe5: {  	v19 =	vand.u32 $0x1F, v19;
	v17 =	vand.u32 $0x1F, v17;
	v20 =	vld.idx.msk [tilespmem:v20+s20+$0x0], $0xffff;
	v28 =	vshrl.u32 v18, $0x12  }
0xe6: {  	v15 =	vshrl.u32 v15, $0xD;
	v22 =	vand.u32 $0x1F, v22;
	v14 =	vshrl.u32 v14, v19;
	v19 =	vld.idx.msk [tilespmem:v25+s20+$0x0], $0xffff  }
0xe7: {  	v13 =	vor.u32 v16, v13;
	v16 =	vxor.u32 v12, v23;
	v24 =	vshrl.u32 v24, v22  }
0xe8: {  	v22 =	vmul.u32 $0x9E3779B9, v16;
	v23 =	vshrl.u32 v16, $0x5;
	v14 =	vand.u32 v14, v24;
	v24 =	vld [tilespmem:s30+$0x7800]  }
0xe9: {  	v15 =	vand.u32 $0x1F, v15;
	v23 =	vand.u32 $0x3FFF, v23;
	v25 =	vld.idx.msk [tilespmem:v26+s20+$0x0], $0xffff;
	v26 =	vxor.u32 v12, v27  }
0xea: {  	v27 =	vld.idx.msk [tilespmem:v28+s20+$0x0], $0xffff;
	v28 =	vshrl.u32 v22, $0x12;
	v29 =	vmul.u32 $0x9E3779B9, v26;
	v30 =	vshrl.u32 v26, $0x5  }
0xeb: {  	v17 =	vshrl.u32 v20, v17;
	v15 =	vshrl.u32 v19, v15;
	v19 =	vand.u32 $0x3FFF, v30  }
0xec: {  	v13 =	vor.u32 v14, v13;
	v14 =	vand.u32 v17, v15;
	v15 =	vshrl.u32 v29, $0x12;
	v17 =	vld [tilespmem:s30+$0x7810]  }
0xed: {  	v18 =	vshrl.u32 v18, $0xD;
	v20 =	vand.u32 $0x1F, v21;
	v21 =	vxor.u32 v12, v24  }
0xee: {  	v18 =	vand.u32 $0x1F, v18;
	v23 =	vld.idx.msk [tilespmem:v23+s20+$0x0], $0xffff;
	v24 =	vmul.u32 $0x9E3779B9, v21;
	v30 =	vshrl.u32 v21, $0x5  }
0xef: {  	v20 =	vshrl.u32 v25, v20;
	v18 =	vshrl.u32 v27, v18;
	v25 =	vld.idx.msk [tilespmem:v28+s20+$0x0], $0xffff;
	v27 =	vand.u32 $0x3FFF, v30  }
0xf0: {  	v13 =	vor.u32 v14, v13;
	v14 =	vand.u32 v20, v18;
	v18 =	vld.idx.msk [tilespmem:v19+s20+$0x0], $0xffff;
	v19 =	vshrl.u32 v24, $0x12  }
0xf1: {  	v13 =	vor.u32 v14, v13;
	v14 =	vld.idx.msk [tilespmem:v15+s20+$0x0], $0xffff;
	v15 =	vxor.u32 v12, v17  }
0xf2: {  	v22 =	vshrl.u32 v22, $0xD;
	v28 =	vld [tilespmem:s30+$0x7820];
	v17 =	vmul.u32 $0x9E3779B9, v15;
	v20 =	vshrl.u32 v15, $0x5  }
0xf3: {  	v16 =	vand.u32 $0x1F, v16;
	v22 =	vand.u32 $0x1F, v22;
	v20 =	vand.u32 $0x3FFF, v20  }
0xf4: {  	v16 =	vshrl.u32 v23, v16;
	v23 =	vshrl.u32 v29, $0xD;
	v27 =	vld.idx.msk [tilespmem:v27+s20+$0x0], $0xffff;
	v29 =	vshrl.u32 v17, $0x12  }
0xf5: {  	v23 =	vand.u32 $0x1F, v23;
	v22 =	vshrl.u32 v25, v22;
	v25 =	vand.u32 $0x1F, v26;
	v19 =	vld.idx.msk [tilespmem:v19+s20+$0x0], $0xffff  }
0xf6: {  	v16 =	vand.u32 v16, v22;
	v18 =	vshrl.u32 v18, v25;
	v22 =	vld [tilespmem:s30+$0x7830];
	v14 =	vshrl.u32 v14, v23  }
0xf7: {  	v13 =	vor.u32 v16, v13;
	v16 =	vxor.u32 v12, v28;
	v14 =	vand.u32 v18, v14  }
0xf8: {  	v18 =	vshrl.u32 v24, $0xD;
	v23 =	vmul.u32 $0x9E3779B9, v16;
	v24 =	vshrl.u32 v16, $0x5;
	v20 =	vld.idx.msk [tilespmem:v20+s20+$0x0], $0xffff  }
0xf9: {  	v21 =	vand.u32 $0x1F, v21;
	v18 =	vand.u32 $0x1F, v18;
	v24 =	vand.u32 $0x3FFF, v24;
	v25 =	vld.idx.msk [tilespmem:v29+s20+$0x0], $0xffff  }
0xfa: {  	v21 =	vshrl.u32 v27, v21;
	v18 =	vshrl.u32 v19, v18;
	v19 =	vshrl.u32 v23, $0x12  }
0xfb: {  	v13 =	vor.u32 v14, v13;
	v14 =	vand.u32 v21, v18;
	v18 =	vxor.u32 v12, v22;
	v21 =	vld [tilespmem:s30+$0x7840]  }
0xfc: {  	v17 =	vshrl.u32 v17, $0xD;
	v22 =	vmul.u32 $0x9E3779B9, v18;
	v26 =	vshrl.u32 v18, $0x5  }
0xfd: {  	v15 =	vand.u32 $0x1F, v15;
	v17 =	vand.u32 $0x1F, v17;
	v27 =	vld [tilespmem:s30+$0x7850];
	v26 =	vand.u32 $0x3FFF, v26  }
0xfe: {  	v15 =	vshrl.u32 v20, v15;
	v20 =	vld.idx.msk [tilespmem:v24+s20+$0x0], $0xffff;
	v17 =	vshrl.u32 v25, v17;
	v24 =	vshrl.u32 v22, $0x12  }
0xff: {  	v25 =	vand.u32 v15, v17;
	v15 =	vld.idx.msk [tilespmem:v19+s20+$0x0], $0xffff  }
0x100: {  	v16 =	vand.u32 $0x1F, v16;
	v13 =	vor.u32 v14, v13;
	v17 =	vld [tilespmem:s30+$0x7860];
	v14 =	vxor.u32 v12, v21  }
0x101: {  	v19 =	vshrl.u32 v23, $0xD;
	v21 =	vmul.u32 $0x9E3779B9, v14;
	v23 =	vshrl.u32 v14, $0x5  }
0x102: {  	v13 =	vor.u32 v25, v13;
	v25 =	vld.idx.msk [tilespmem:v26+s20+$0x0], $0xffff;
	v23 =	vand.u32 $0x3FFF, v23;
	v26 =	vxor.u32 v12, v27  }
0x103: {  	v24 =	vld.idx.msk [tilespmem:v24+s20+$0x0], $0xffff;
	v27 =	vshrl.u32 v21, $0x12;
	v28 =	vmul.u32 $0x9E3779B9, v26;
	v29 =	vshrl.u32 v26, $0x5  }
0x104: {  	v19 =	vand.u32 $0x1F, v19;
	v16 =	vshrl.u32 v20, v16;
	v20 =	vand.u32 $0x3FFF, v29;
	v29 =	vld [tilespmem:s30+$0x7870]  }
0x105: {  	v15 =	vshrl.u32 v15, v19;
	v17 =	vxor.u32 v12, v17;
	v19 =	vshrl.u32 v28, $0x12  }
0x106: {  	v15 =	vand.u32 v16, v15;
	v16 =	vmul.u32 $0x9E3779B9, v17;
	v30 =	vshrl.u32 v17, $0x5  }
0x107: {  	v13 =	vor.u32 v15, v13;
	v15 =	vshrl.u32 v22, $0xD;
	v22 =	vld.idx.msk [tilespmem:v23+s20+$0x0], $0xffff;
	v23 =	vand.u32 $0x3FFF, v30  }
0x108: {  	v18 =	vand.u32 $0x1F, v18;
	v15 =	vand.u32 $0x1F, v15;
	v30 =	vshrl.u32 v16, $0x12;
	v27 =	vld.idx.msk [tilespmem:v27+s20+$0x0], $0xffff  }
0x109: {  	v18 =	vshrl.u32 v25, v18;
	v15 =	vshrl.u32 v24, v15;
	v20 =	vld.idx.msk [tilespmem:v20+s20+$0x0], $0xffff;
	v12 =	vxor.u32 v12, v29  }
0x10a: {  	v15 =	vand.u32 v18, v15;
	v18 =	vld.idx.msk [tilespmem:v19+s20+$0x0], $0xffff;
	v19 =	vmul.u32 $0x9E3779B9, v12;
	v24 =	vshrl.u32 v12, $0x5  }
0x10b: {  	v13 =	vor.u32 v15, v13;
	v15 =	vand.u32 $0x3FFF, v24  }
0x10c: {  	v14 =	vand.u32 $0x1F, v14;
	v21 =	vshrl.u32 v21, $0xD;
	v23 =	vld.idx.msk [tilespmem:v23+s20+$0x0], $0xffff;
	v24 =	vshrl.u32 v19, $0x12  }
0x10d: {  	v21 =	vand.u32 $0x1F, v21;
	v14 =	vshrl.u32 v22, v14;
	v22 =	vshrl.u32 v28, $0xD;
	v25 =	vld.idx.msk [tilespmem:v30+s20+$0x0], $0xffff  }
0x10e: {  	v26 =	vand.u32 $0x1F, v26;
	v21 =	vshrl.u32 v27, v21;
	v22 =	vand.u32 $0x1F, v22  }
0x10f: {  	v14 =	vand.u32 v14, v21;
	v20 =	vshrl.u32 v20, v26;
	v18 =	vshrl.u32 v18, v22  }
0x110: {  	v16 =	vshrl.u32 v16, $0xD;
	v13 =	vor.u32 v14, v13;
	v14 =	vand.u32 v20, v18;
	v15 =	vld.idx.msk [tilespmem:v15+s20+$0x0], $0xffff  }
0x111: {  	v16 =	vand.u32 $0x1F, v16;
	v14 =	vor.u32 v14, v13;
	v13 =	vand.u32 $0x1F, v17;
	v17 =	vld.idx.msk [tilespmem:v24+s20+$0x0], $0xffff  }
0x112: {  	v18 =	vmov s29;
	v16 =	vshrl.u32 v25, v16;
	v13 =	vshrl.u32 v23, v13  }
0x113: {  	v16 =	vand.u32 v13, v16;
	v13 =	vshll.u32 v18, $0x9;
	v18 =	vshll.u32 v18, $0x7  }
0x114: {  	v19 =	vshrl.u32 v19, $0xD;
	v13 =	vand.u32 $0x3000, v13;
	v18 =	vand.u32 $0x380, v18  }
0x115: {  	v12 =	vand.u32 $0x1F, v12;
	v19 =	vand.u32 $0x1F, v19;
	v13 =	vor.u32 v18, v13  }
0x116: {  	v12 =	vshrl.u32 v15, v12;
	v15 =	vshrl.u32 v17, v19;
	v17 =	vor.u32 v1, v13  }
0x117: {  	v14 =	vor.u32 v16, v14;
	v12 =	vand.u32 v12, v15  }
0x118: {  	v12 =	vor.u32 v12, v14  }
0x119: {  	v16 =	vor.u32 v4, v13;
	v12 =	vand.u32 $0x1, v12  }
0x11a: {  	v14 =	vor.u32 v3, v13;
	[tilespmem:s26+$0x0] =	vst v12  }
0x11b: {  	v15 =	vor.u32 v2, v13;
	v17 =	vld.idx.msk [tilespmem:v17+s15+$0x0], $0xffff  }
0x11c: {  	v18 =	vld [tilespmem:$0x13700]  }
0x11d: {  	v19 =	vld [tilespmem:$0x13880]  }
0x11e: {  	s1 =	sshll.u32 s29, $0x9;
	v16 =	vld.idx.msk [tilespmem:v16+s15+$0x0], $0xffff  }
0x11f: {  	s1 =	sand.u32 $0x3FFFF000, s1;
	v14 =	vld.idx.msk [tilespmem:v14+s15+$0x0], $0xffff  }
0x120: {  	s31 =	sor.u32 s31, s1;
	v15 =	vld.idx.msk [tilespmem:v15+s15+$0x0], $0xffff  }
0x121: {  	v20 =	vld [tilespmem:s31+$0x3020]  }
0x122: {  	vm4 =	vne.s32 v19, $0x0;
	v19 =	vld [tilespmem:$0x1FFE0]  }
0x123: {  	vm0 =	veq.s32 v17, $0x0;
	v17 =	vld [tilespmem:$0x1FCC0]  }
0x124: {  	vm1 =	vne.s32 v18, $0x0;
	vm2 =	veq.s32 v16, $0x0;
	vm15 =	veq.s32 v14, $0x0;
	v14 =	vld [tilespmem:s30+$0x0]  }
0x125: {  	v18 =	vld [tilespmem:$0x1FCD0];
	vm0 =	vmand vm0, vm1;
	vm3 =	veq.s32 v15, $0x0;
	vm1 =	vmor vm15, vm2  }
0x126: {  	v16 =	vld [tilespmem:$0x1FFF0];
	vm8 =	vmand vm3, vm4;
	vm0 =	vmor vm1, vm0  }
0x127: {  	vm9 =	veq.s32 v20, $0x0;
	vm0 =	vmor vm0, vm8  }
0x128: {  	v15 =	vor.u32 v19, v13;
	vm0 =	vmand vm9, vm0  }
0x129: {  	v17 =	vor.u32 v17, v13;
	v14 =	vnsel vm0, $0x0, v14  }
0x12a: {  	[tilespmem:s30+$0xA000] =	vst v14;
	v14 =	vor.u32 v18, v13  }
0x12b: {  	v16 =	vor.u32 v16, v13;
	v18 =	vld [tilespmem:$0x13710]  }
0x12c: {  	v19 =	vld [tilespmem:$0x13890]  }
0x12d: {  	v15 =	vld.idx.msk [tilespmem:v15+s15+$0x0], $0xffff  }
0x12e: {  	v17 =	vld.idx.msk [tilespmem:v17+s15+$0x0], $0xffff  }
0x12f: {  	v14 =	vld.idx.msk [tilespmem:v14+s15+$0x0], $0xffff  }
0x130: {  	v16 =	vld.idx.msk [tilespmem:v16+s15+$0x0], $0xffff  }
0x131: {  	vm15 =	vne.s32 v19, $0x0;
	v19 =	vld [tilespmem:$0x1FCE0]  }
0x132: {  	v20 =	vld [tilespmem:s31+$0x3030]  }
0x133: {  	vm12 =	veq.s32 v17, $0x0;
	v17 =	vld [tilespmem:$0x1FD00]  }
0x134: {  	vm11 =	vne.s32 v18, $0x0;
	vm10 =	veq.s32 v15, $0x0;
	vm13 =	veq.s32 v14, $0x0;
	v14 =	vld [tilespmem:s30+$0x10]  }
0x135: {  	v18 =	vld [tilespmem:$0x1FD10];
	vm14 =	veq.s32 v16, $0x0;
	vm0 =	vmand vm10, vm11;
	vm1 =	vmor vm12, vm13  }
0x136: {  	v16 =	vld [tilespmem:$0x1FCF0];
	vm8 =	vmand vm14, vm15;
	v15 =	vor.u32 v19, v13;
	vm0 =	vmor vm1, vm0  }
0x137: {  	vm9 =	veq.s32 v20, $0x0;
	vm0 =	vmor vm0, vm8  }
0x138: {  	v17 =	vor.u32 v17, v13;
	vm0 =	vmand vm9, vm0  }
0x139: {  	v14 =	vnsel vm0, $0x0, v14  }
0x13a: {  	[tilespmem:s30+$0xA010] =	vst v14;
	v14 =	vor.u32 v18, v13  }
0x13b: {  	v16 =	vor.u32 v16, v13;
	v15 =	vld.idx.msk [tilespmem:v15+s15+$0x0], $0xffff  }
0x13c: {  	v19 =	vld [tilespmem:$0x138A0]  }
0x13d: {  	v17 =	vld.idx.msk [tilespmem:v17+s15+$0x0], $0xffff  }
0x13e: {  	v18 =	vld [tilespmem:$0x13720]  }
0x13f: {  	v14 =	vld.idx.msk [tilespmem:v14+s15+$0x0], $0xffff  }
0x140: {  	v16 =	vld.idx.msk [tilespmem:v16+s15+$0x0], $0xffff  }
0x141: {  	vm15 =	vne.s32 v19, $0x0;
	v19 =	vld [tilespmem:$0x1FD20]  }
0x142: {  	v20 =	vld [tilespmem:s31+$0x3040]  }
0x143: {  	vm10 =	veq.s32 v15, $0x0  }
0x144: {  	vm11 =	vne.s32 v18, $0x0;
	vm12 =	veq.s32 v17, $0x0;
	vm13 =	veq.s32 v14, $0x0;
	v14 =	vld [tilespmem:s30+$0x20]  }
0x145: {  	vm14 =	veq.s32 v16, $0x0;
	vm0 =	vmand vm10, vm11;
	vm1 =	vmor vm12, vm13  }
0x146: {  	vm8 =	vmand vm14, vm15;
	v15 =	vor.u32 v19, v13;
	vm0 =	vmor vm1, vm0  }
0x147: {  	vm9 =	veq.s32 v20, $0x0;
	v16 =	vor.u32 v48, v13;
	vm0 =	vmor vm0, vm8  }
0x148: {  	v17 =	vor.u32 v49, v13;
	vm0 =	vmand vm9, vm0  }
0x149: {  	v14 =	vnsel vm0, $0x0, v14  }
0x14a: {  	[tilespmem:s30+$0xA020] =	vst v14;
	v14 =	vor.u32 v50, v13  }
0x14b: {  	v15 =	vld.idx.msk [tilespmem:v15+s15+$0x0], $0xffff  }
0x14c: {  	v16 =	vld.idx.msk [tilespmem:v16+s15+$0x0], $0xffff  }
0x14d: {  	v17 =	vld.idx.msk [tilespmem:v17+s15+$0x0], $0xffff  }
0x14e: {  	v18 =	vld [tilespmem:$0x13730]  }
0x14f: {  	v14 =	vld.idx.msk [tilespmem:v14+s15+$0x0], $0xffff  }
0x150: {  	v19 =	vld [tilespmem:$0x138B0];
	_ =	sdelay $0x1  }
0x151: {  	v20 =	vld [tilespmem:s31+$0x3050]  }
0x152: {  	vm10 =	veq.s32 v15, $0x0;
	vm11 =	vne.s32 v18, $0x0  }
0x153: {  	vm12 =	veq.s32 v17, $0x0;
	vm14 =	veq.s32 v16, $0x0;
	vm13 =	veq.s32 v14, $0x0;
	v14 =	vld [tilespmem:s30+$0x30]  }
0x154: {  	vm15 =	vne.s32 v19, $0x0;
	vm0 =	vmand vm10, vm11;
	vm1 =	vmor vm12, vm13  }
0x155: {  	v15 =	vor.u32 v51, v13;
	vm8 =	vmand vm14, vm15;
	vm0 =	vmor vm1, vm0  }
0x156: {  	vm9 =	veq.s32 v20, $0x0;
	v16 =	vor.u32 v52, v13;
	vm0 =	vmor vm0, vm8  }
0x157: {  	v17 =	vor.u32 v53, v13;
	vm0 =	vmand vm9, vm0  }
0x158: {  	v14 =	vnsel vm0, $0x0, v14  }
0x159: {  	[tilespmem:s30+$0xA030] =	vst v14;
	v14 =	vor.u32 v54, v13  }
0x15a: {  	v15 =	vld.idx.msk [tilespmem:v15+s15+$0x0], $0xffff  }
0x15b: {  	v16 =	vld.idx.msk [tilespmem:v16+s15+$0x0], $0xffff  }
0x15c: {  	v17 =	vld.idx.msk [tilespmem:v17+s15+$0x0], $0xffff  }
0x15d: {  	v18 =	vld [tilespmem:$0x13740]  }
0x15e: {  	v14 =	vld.idx.msk [tilespmem:v14+s15+$0x0], $0xffff  }
0x15f: {  	v19 =	vld [tilespmem:$0x138C0];
	_ =	sdelay $0x1  }
0x160: {  	v20 =	vld [tilespmem:s31+$0x3060]  }
0x161: {  	vm10 =	veq.s32 v15, $0x0;
	vm11 =	vne.s32 v18, $0x0  }
0x162: {  	vm12 =	veq.s32 v17, $0x0;
	vm14 =	veq.s32 v16, $0x0;
	vm13 =	veq.s32 v14, $0x0;
	v14 =	vld [tilespmem:s30+$0x40]  }
0x163: {  	vm15 =	vne.s32 v19, $0x0;
	vm0 =	vmand vm10, vm11;
	vm1 =	vmor vm12, vm13  }
0x164: {  	v15 =	vor.u32 v55, v13;
	vm8 =	vmand vm14, vm15;
	vm0 =	vmor vm1, vm0  }
0x165: {  	vm9 =	veq.s32 v20, $0x0;
	v16 =	vor.u32 v56, v13;
	vm0 =	vmor vm0, vm8  }
0x166: {  	v17 =	vor.u32 v57, v13;
	vm0 =	vmand vm9, vm0  }
0x167: {  	v14 =	vnsel vm0, $0x0, v14  }
0x168: {  	[tilespmem:s30+$0xA040] =	vst v14;
	v14 =	vor.u32 v59, v13  }
0x169: {  	v15 =	vld.idx.msk [tilespmem:v15+s15+$0x0], $0xffff  }
0x16a: {  	v16 =	vld.idx.msk [tilespmem:v16+s15+$0x0], $0xffff  }
0x16b: {  	v17 =	vld.idx.msk [tilespmem:v17+s15+$0x0], $0xffff  }
0x16c: {  	v18 =	vld [tilespmem:$0x13750]  }
0x16d: {  	v14 =	vld.idx.msk [tilespmem:v14+s15+$0x0], $0xffff  }
0x16e: {  	v19 =	vld [tilespmem:$0x138D0];
	_ =	sdelay $0x1  }
0x16f: {  	v20 =	vld [tilespmem:s31+$0x3070]  }
0x170: {  	vm10 =	veq.s32 v15, $0x0;
	vm11 =	vne.s32 v18, $0x0  }
0x171: {  	vm12 =	veq.s32 v17, $0x0;
	vm14 =	veq.s32 v16, $0x0;
	vm13 =	veq.s32 v14, $0x0;
	v14 =	vld [tilespmem:s30+$0x50]  }
0x172: {  	vm15 =	vne.s32 v19, $0x0;
	vm0 =	vmand vm10, vm11;
	vm1 =	vmor vm12, vm13  }
0x173: {  	v15 =	vor.u32 v31, v13;
	vm8 =	vmand vm14, vm15;
	vm0 =	vmor vm1, vm0  }
0x174: {  	vm9 =	veq.s32 v20, $0x0;
	v16 =	vor.u32 v32, v13;
	vm0 =	vmor vm0, vm8  }
0x175: {  	v17 =	vor.u32 v38, v13;
	vm0 =	vmand vm9, vm0  }
0x176: {  	v14 =	vnsel vm0, $0x0, v14  }
0x177: {  	[tilespmem:s30+$0xA050] =	vst v14;
	v14 =	vor.u32 v37, v13  }
0x178: {  	v15 =	vld.idx.msk [tilespmem:v15+s15+$0x0], $0xffff  }
0x179: {  	v16 =	vld.idx.msk [tilespmem:v16+s15+$0x0], $0xffff  }
0x17a: {  	v17 =	vld.idx.msk [tilespmem:v17+s15+$0x0], $0xffff  }
0x17b: {  	v18 =	vld [tilespmem:$0x13760]  }
0x17c: {  	v14 =	vld.idx.msk [tilespmem:v14+s15+$0x0], $0xffff  }
0x17d: {  	v19 =	vld [tilespmem:$0x138E0];
	_ =	sdelay $0x1  }
0x17e: {  	v20 =	vld [tilespmem:s31+$0x3400]  }
0x17f: {  	vm10 =	veq.s32 v15, $0x0;
	vm11 =	vne.s32 v18, $0x0  }
0x180: {  	vm12 =	veq.s32 v17, $0x0;
	vm14 =	veq.s32 v16, $0x0;
	vm13 =	veq.s32 v14, $0x0;
	v14 =	vld [tilespmem:s30+$0x60]  }
0x181: {  	vm15 =	vne.s32 v19, $0x0;
	vm0 =	vmand vm10, vm11;
	vm1 =	vmor vm12, vm13  }
0x182: {  	v15 =	vor.u32 v36, v13;
	vm8 =	vmand vm14, vm15;
	vm0 =	vmor vm1, vm0  }
0x183: {  	vm9 =	veq.s32 v20, $0x0;
	v16 =	vor.u32 v35, v13;
	vm0 =	vmor vm0, vm8  }
0x184: {  	v17 =	vor.u32 v34, v13;
	vm0 =	vmand vm9, vm0  }
0x185: {  	v14 =	vnsel vm0, $0x0, v14  }
0x186: {  	[tilespmem:s30+$0xA060] =	vst v14;
	v14 =	vor.u32 v33, v13  }
0x187: {  	v15 =	vld.idx.msk [tilespmem:v15+s15+$0x0], $0xffff  }
0x188: {  	v16 =	vld.idx.msk [tilespmem:v16+s15+$0x0], $0xffff  }
0x189: {  	v17 =	vld.idx.msk [tilespmem:v17+s15+$0x0], $0xffff  }
0x18a: {  	v18 =	vld [tilespmem:$0x13770]  }
0x18b: {  	v14 =	vld.idx.msk [tilespmem:v14+s15+$0x0], $0xffff  }
0x18c: {  	v19 =	vld [tilespmem:$0x138F0];
	_ =	sdelay $0x1  }
0x18d: {  	v20 =	vld [tilespmem:s31+$0x3410]  }
0x18e: {  	vm10 =	veq.s32 v15, $0x0;
	vm11 =	vne.s32 v18, $0x0  }
0x18f: {  	vm12 =	veq.s32 v17, $0x0;
	vm14 =	veq.s32 v16, $0x0;
	vm13 =	veq.s32 v14, $0x0;
	v14 =	vld [tilespmem:s30+$0x70]  }
0x190: {  	vm15 =	vne.s32 v19, $0x0;
	vm0 =	vmand vm10, vm11;
	vm1 =	vmor vm12, vm13  }
0x191: {  	v21 =	vmovc v10;
	v15 =	vor.u32 v58, v13;
	vm8 =	vmand vm14, vm15;
	vm0 =	vmor vm1, vm0  }
0x192: {  	v22 =	vmovc v8;
	vm9 =	veq.s32 v20, $0x0;
	v16 =	vor.u32 v21, v13;
	vm0 =	vmor vm0, vm8  }
0x193: {  	v17 =	vor.u32 v22, v13;
	vm0 =	vmand vm9, vm0  }
0x194: {  	v14 =	vnsel vm0, $0x0, v14  }
0x195: {  	[tilespmem:s30+$0xA070] =	vst v14;
	v14 =	vor.u32 v7, v13  }
0x196: {  	v15 =	vld.idx.msk [tilespmem:v15+s15+$0x0], $0xffff  }
0x197: {  	v16 =	vld.idx.msk [tilespmem:v16+s15+$0x0], $0xffff  }
0x198: {  	v17 =	vld.idx.msk [tilespmem:v17+s15+$0x0], $0xffff  }
0x199: {  	v18 =	vld [tilespmem:$0x13780]  }
0x19a: {  	v14 =	vld.idx.msk [tilespmem:v14+s15+$0x0], $0xffff  }
0x19b: {  	v19 =	vld [tilespmem:$0x13900];
	_ =	sdelay $0x1  }
0x19c: {  	v20 =	vld [tilespmem:s31+$0x3420]  }
0x19d: {  	vm10 =	veq.s32 v15, $0x0;
	vm11 =	vne.s32 v18, $0x0  }
0x19e: {  	vm12 =	veq.s32 v17, $0x0;
	vm14 =	veq.s32 v16, $0x0;
	vm13 =	veq.s32 v14, $0x0;
	v14 =	vld [tilespmem:s30+$0x400]  }
0x19f: {  	vm15 =	vne.s32 v19, $0x0;
	vm0 =	vmand vm10, vm11;
	vm1 =	vmor vm12, vm13  }
0x1a0: {  	v15 =	vor.u32 v6, v13;
	vm8 =	vmand vm14, vm15;
	vm0 =	vmor vm1, vm0  }
0x1a1: {  	vm9 =	veq.s32 v20, $0x0;
	v16 =	vor.u32 v5, v13;
	vm0 =	vmor vm0, vm8  }
0x1a2: {  	v17 =	vor.u32 v63, v13;
	vm0 =	vmand vm9, vm0  }
0x1a3: {  	v14 =	vnsel vm0, $0x0, v14  }
0x1a4: {  	[tilespmem:s30+$0xA400] =	vst v14;
	v14 =	vor.u32 v62, v13  }
0x1a5: {  	v15 =	vld.idx.msk [tilespmem:v15+s15+$0x0], $0xffff  }
0x1a6: {  	v16 =	vld.idx.msk [tilespmem:v16+s15+$0x0], $0xffff  }
0x1a7: {  	v17 =	vld.idx.msk [tilespmem:v17+s15+$0x0], $0xffff  }
0x1a8: {  	v18 =	vld [tilespmem:$0x13790]  }
0x1a9: {  	v14 =	vld.idx.msk [tilespmem:v14+s15+$0x0], $0xffff  }
0x1aa: {  	v19 =	vld [tilespmem:$0x13910];
	_ =	sdelay $0x1  }
0x1ab: {  	v20 =	vld [tilespmem:s31+$0x3430]  }
0x1ac: {  	v10 =	vld [tilespmem:$0x1FF40];
	vm10 =	veq.s32 v15, $0x0;
	vm11 =	vne.s32 v18, $0x0  }
0x1ad: {  	vm12 =	veq.s32 v17, $0x0;
	vm14 =	veq.s32 v16, $0x0;
	vm13 =	veq.s32 v14, $0x0;
	v14 =	vld [tilespmem:s30+$0x410]  }
0x1ae: {  	v8 =	vld [tilespmem:$0x1FF50];
	vm15 =	vne.s32 v19, $0x0;
	vm0 =	vmand vm10, vm11;
	vm1 =	vmor vm12, vm13  }
0x1af: {  	v15 =	vor.u32 v61, v13;
	vm8 =	vmand vm14, vm15;
	vm0 =	vmor vm1, vm0  }
0x1b0: {  	vm9 =	veq.s32 v20, $0x0;
	v16 =	vor.u32 v60, v13;
	vm0 =	vmor vm0, vm8  }
0x1b1: {  	v17 =	vor.u32 v10, v13;
	vm0 =	vmand vm9, vm0  }
0x1b2: {  	v14 =	vnsel vm0, $0x0, v14  }
0x1b3: {  	v24 =	vld [tilespmem:$0x1FF70];
	[tilespmem:s30+$0xA410] =	vst v14;
	v14 =	vor.u32 v8, v13  }
0x1b4: {  	v15 =	vld.idx.msk [tilespmem:v15+s15+$0x0], $0xffff  }
0x1b5: {  	v16 =	vld.idx.msk [tilespmem:v16+s15+$0x0], $0xffff  }
0x1b6: {  	v17 =	vld.idx.msk [tilespmem:v17+s15+$0x0], $0xffff  }
0x1b7: {  	v18 =	vld [tilespmem:$0x137A0]  }
0x1b8: {  	v14 =	vld.idx.msk [tilespmem:v14+s15+$0x0], $0xffff  }
0x1b9: {  	v19 =	vld [tilespmem:$0x13920]  }
0x1ba: {  	v23 =	vld [tilespmem:$0x1FF60]  }
0x1bb: {  	v20 =	vld [tilespmem:s31+$0x3440]  }
0x1bc: {  	v25 =	vld [tilespmem:$0x1FF80];
	vm10 =	veq.s32 v15, $0x0;
	vm11 =	vne.s32 v18, $0x0  }
0x1bd: {  	vm12 =	veq.s32 v17, $0x0;
	vm14 =	veq.s32 v16, $0x0;
	vm13 =	veq.s32 v14, $0x0;
	v14 =	vld [tilespmem:s30+$0x420]  }
0x1be: {  	v26 =	vld [tilespmem:$0x1FF90];
	vm15 =	vne.s32 v19, $0x0;
	vm0 =	vmand vm10, vm11;
	vm1 =	vmor vm12, vm13  }
0x1bf: {  	v15 =	vor.u32 v23, v13;
	vm8 =	vmand vm14, vm15;
	vm0 =	vmor vm1, vm0  }
0x1c0: {  	vm9 =	veq.s32 v20, $0x0;
	v16 =	vor.u32 v24, v13;
	vm0 =	vmor vm0, vm8  }
0x1c1: {  	v25 =	vor.u32 v25, v13;
	vm0 =	vmand vm9, vm0  }
0x1c2: {  	v14 =	vnsel vm0, $0x0, v14  }
0x1c3: {  	v28 =	vld [tilespmem:$0x1FFB0];
	v24 =	vor.u32 v26, v13;
	[tilespmem:s30+$0xA420] =	vst v14  }
0x1c4: {  	v15 =	vld.idx.msk [tilespmem:v15+s15+$0x0], $0xffff  }
0x1c5: {  	v16 =	vld.idx.msk [tilespmem:v16+s15+$0x0], $0xffff  }
0x1c6: {  	v17 =	vld.idx.msk [tilespmem:v25+s15+$0x0], $0xffff  }
0x1c7: {  	v25 =	vld [tilespmem:$0x137B0]  }
0x1c8: {  	v14 =	vld.idx.msk [tilespmem:v24+s15+$0x0], $0xffff  }
0x1c9: {  	v26 =	vld [tilespmem:$0x13930]  }
0x1ca: {  	v27 =	vld [tilespmem:$0x1FFA0]  }
0x1cb: {  	v20 =	vld [tilespmem:s31+$0x3450]  }
0x1cc: {  	v29 =	vld [tilespmem:$0x1FFC0];
	vm10 =	veq.s32 v15, $0x0;
	vm11 =	vne.s32 v25, $0x0  }
0x1cd: {  	v24 =	vld [tilespmem:s30+$0x430];
	vm12 =	veq.s32 v17, $0x0;
	vm13 =	veq.s32 v14, $0x0;
	vm14 =	veq.s32 v16, $0x0  }
0x1ce: {  	v30 =	vld [tilespmem:$0x1FFD0];
	vm15 =	vne.s32 v26, $0x0;
	vm0 =	vmand vm10, vm11;
	vm1 =	vmor vm12, vm13  }
0x1cf: {  	v25 =	vor.u32 v27, v13;
	vm8 =	vmand vm14, vm15;
	vm0 =	vmor vm1, vm0  }
0x1d0: {  	vm9 =	veq.s32 v20, $0x0;
	v26 =	vor.u32 v28, v13;
	vm0 =	vmor vm0, vm8  }
0x1d1: {  	v27 =	vor.u32 v29, v13;
	vm0 =	vmand vm9, vm0  }
0x1d2: {  	v14 =	vnsel vm0, $0x0, v24  }
0x1d3: {  	v24 =	vor.u32 v30, v13;
	[tilespmem:s30+$0xA430] =	vst v14  }
0x1d4: {  	v15 =	vld.idx.msk [tilespmem:v25+s15+$0x0], $0xffff  }
0x1d5: {  	v16 =	vld.idx.msk [tilespmem:v26+s15+$0x0], $0xffff  }
0x1d6: {  	v17 =	vld.idx.msk [tilespmem:v27+s15+$0x0], $0xffff  }
0x1d7: {  	v25 =	vld [tilespmem:$0x137C0]  }
0x1d8: {  	v14 =	vld.idx.msk [tilespmem:v24+s15+$0x0], $0xffff  }
0x1d9: {  	v26 =	vld [tilespmem:$0x13940];
	_ =	sdelay $0x1  }
0x1da: {  	v20 =	vld [tilespmem:s31+$0x3460]  }
0x1db: {  	vm10 =	veq.s32 v15, $0x0;
	vm11 =	vne.s32 v25, $0x0  }
0x1dc: {  	v27 =	vld [tilespmem:s30+$0x440];
	vm12 =	veq.s32 v17, $0x0;
	vm14 =	veq.s32 v16, $0x0;
	vm13 =	veq.s32 v14, $0x0  }
0x1dd: {  	vm15 =	vne.s32 v26, $0x0;
	vm0 =	vmand vm10, vm11;
	vm1 =	vmor vm12, vm13  }
0x1de: {  	v24 =	vor.u32 v41, v13;
	vm8 =	vmand vm14, vm15;
	vm0 =	vmor vm1, vm0  }
0x1df: {  	vm9 =	veq.s32 v20, $0x0;
	v25 =	vor.u32 v42, v13;
	vm0 =	vmor vm0, vm8  }
0x1e0: {  	v26 =	vor.u32 v43, v13;
	vm0 =	vmand vm9, vm0  }
0x1e1: {  	v14 =	vnsel vm0, $0x0, v27  }
0x1e2: {  	v27 =	vor.u32 v44, v13;
	[tilespmem:s30+$0xA440] =	vst v14  }
0x1e3: {  	v15 =	vld.idx.msk [tilespmem:v24+s15+$0x0], $0xffff  }
0x1e4: {  	v16 =	vld.idx.msk [tilespmem:v25+s15+$0x0], $0xffff  }
0x1e5: {  	v17 =	vld.idx.msk [tilespmem:v26+s15+$0x0], $0xffff  }
0x1e6: {  	v24 =	vld [tilespmem:$0x137D0]  }
0x1e7: {  	v14 =	vld.idx.msk [tilespmem:v27+s15+$0x0], $0xffff  }
0x1e8: {  	v25 =	vld [tilespmem:$0x13950];
	_ =	sdelay $0x1  }
0x1e9: {  	v20 =	vld [tilespmem:s31+$0x3470]  }
0x1ea: {  	vm10 =	veq.s32 v15, $0x0;
	vm11 =	vne.s32 v24, $0x0  }
0x1eb: {  	v26 =	vld [tilespmem:s30+$0x450];
	vm12 =	veq.s32 v17, $0x0;
	vm14 =	veq.s32 v16, $0x0;
	vm13 =	veq.s32 v14, $0x0  }
0x1ec: {  	vm15 =	vne.s32 v25, $0x0;
	vm0 =	vmand vm10, vm11;
	vm1 =	vmor vm12, vm13  }
0x1ed: {  	vm6 =	vmand vm14, vm15;
	vm0 =	vmor vm1, vm0  }
0x1ee: {  	vm7 =	veq.s32 v20, $0x0;
	v25 =	vld [tilespmem:$0x1FF00];
	vm0 =	vmor vm0, vm6  }
0x1ef: {  	vm0 =	vmand vm7, vm0  }
0x1f0: {  	v14 =	vnsel vm0, $0x0, v26;
	v26 =	vld [tilespmem:$0x1FF10]  }
0x1f1: {  	v27 =	vor.u32 v45, v13  }
0x1f2: {  	v24 =	vor.u32 v46, v13  }
0x1f3: {  	v17 =	vor.u32 v25, v13;
	_ =	sdelay $0x1  }
0x1f4: {  	v19 =	vld [tilespmem:$0x1FF20];
	[tilespmem:s30+$0xA450] =	vst v14;
	v18 =	vor.u32 v26, v13  }
0x1f5: {  	v14 =	vld.idx.msk [tilespmem:v27+s15+$0x0], $0xffff  }
0x1f6: {  	v15 =	vld.idx.msk [tilespmem:v24+s15+$0x0], $0xffff  }
0x1f7: {  	v27 =	vld.idx.msk [tilespmem:v17+s15+$0x0], $0xffff  }
0x1f8: {  	v25 =	vld [tilespmem:$0x137E0]  }
0x1f9: {  	v24 =	vld.idx.msk [tilespmem:v18+s15+$0x0], $0xffff  }
0x1fa: {  	v26 =	vld [tilespmem:$0x13960];
	_ =	sdelay $0x1  }
0x1fb: {  	v20 =	vld [tilespmem:s31+$0x3800]  }
0x1fc: {  	vm8 =	veq.s32 v14, $0x0;
	vm9 =	vne.s32 v25, $0x0;
	vm10 =	veq.s32 v15, $0x0  }
0x1fd: {  	vm12 =	veq.s32 v27, $0x0;
	v27 =	vld [tilespmem:s30+$0x460];
	v15 =	vor.u32 v19, v13;
	vm5 =	veq.s32 v24, $0x0  }
0x1fe: {  	vm0 =	vmand vm8, vm9;
	vm11 =	vne.s32 v26, $0x0;
	vm14 =	vmor vm12, vm5  }
0x1ff: {  	vm13 =	vmand vm10, vm11;
	v24 =	vadd.s32 $0x811, v0;
	vm0 =	vmor vm14, vm0  }
0x200: {  	vm15 =	veq.s32 v20, $0x0;
	v16 =	vor.u32 v24, v13;
	vm0 =	vmor vm0, vm13  }
0x201: {  	v25 =	vor.u32 v47, v13;
	vm0 =	vmand vm15, vm0  }
0x202: {  	v14 =	vnsel vm0, $0x0, v27  }
0x203: {  	[tilespmem:s30+$0xA460] =	vst v14  }
0x204: {  	v26 =	vadd.s32 $0x823, v0;
	v15 =	vld.idx.msk [tilespmem:v15+s15+$0x0], $0xffff  }
0x205: {  	v14 =	vor.u32 v26, v13;
	v16 =	vld.idx.msk [tilespmem:v16+s15+$0x0], $0xffff  }
0x206: {  	v17 =	vld.idx.msk [tilespmem:v25+s15+$0x0], $0xffff  }
0x207: {  	v27 =	vld [tilespmem:$0x137F0]  }
0x208: {  	v24 =	vld [tilespmem:$0x13970]  }
0x209: {  	v20 =	vld [tilespmem:s31+$0x3810]  }
0x20a: {  	v14 =	vld.idx.msk [tilespmem:v14+s15+$0x0], $0xffff;
	_ =	sdelay $0x2  }
0x20b: {  	v26 =	vadd.s32 $0x81F, v0;
	vm4 =	veq.s32 v15, $0x0  }
0x20c: {  	vm5 =	vne.s32 v27, $0x0;
	vm6 =	veq.s32 v16, $0x0;
	vm7 =	vne.s32 v24, $0x0  }
0x20d: {  	v25 =	vld [tilespmem:s30+$0x470];
	vm8 =	veq.s32 v17, $0x0;
	vm10 =	veq.s32 v20, $0x0;
	vm9 =	veq.s32 v14, $0x0  }
0x20e: {  	v15 =	vor.u32 v26, v13;
	vm0 =	vmand vm4, vm5;
	vm2 =	vmor vm8, vm9  }
0x20f: {  	v27 =	vadd.s32 $0x821, v0;
	vm1 =	vmand vm6, vm7;
	vm0 =	vmor vm2, vm0  }
0x210: {  	v24 =	vadd.s32 $0x80D, v0;
	v16 =	vor.u32 v27, v13;
	vm0 =	vmor vm0, vm1  }
0x211: {  	v17 =	vor.u32 v24, v13;
	vm0 =	vmand vm10, vm0  }
0x212: {  	v14 =	vnsel vm0, $0x0, v25  }
0x213: {  	[tilespmem:s30+$0xA470] =	vst v14  }
0x214: {  	v25 =	vadd.s32 $0x833, v0;
	v15 =	vld.idx.msk [tilespmem:v15+s15+$0x0], $0xffff  }
0x215: {  	v14 =	vor.u32 v25, v13;
	v16 =	vld.idx.msk [tilespmem:v16+s15+$0x0], $0xffff  }
0x216: {  	v17 =	vld.idx.msk [tilespmem:v17+s15+$0x0], $0xffff  }
0x217: {  	v26 =	vld [tilespmem:$0x13800]  }
0x218: {  	v27 =	vld [tilespmem:$0x13980]  }
0x219: {  	v20 =	vld [tilespmem:s31+$0x3820]  }
0x21a: {  	v14 =	vld.idx.msk [tilespmem:v14+s15+$0x0], $0xffff;
	_ =	sdelay $0x2  }
0x21b: {  	v25 =	vadd.s32 $0x82F, v0;
	vm11 =	veq.s32 v15, $0x0  }
0x21c: {  	vm12 =	vne.s32 v26, $0x0;
	vm13 =	veq.s32 v16, $0x0;
	vm14 =	vne.s32 v27, $0x0  }
0x21d: {  	v24 =	vld [tilespmem:s30+$0x800];
	vm15 =	veq.s32 v17, $0x0;
	vm9 =	veq.s32 v20, $0x0;
	vm8 =	veq.s32 v14, $0x0  }
0x21e: {  	v15 =	vor.u32 v25, v13;
	vm0 =	vmand vm11, vm12;
	vm2 =	vmor vm15, vm8  }
0x21f: {  	v26 =	vadd.s32 $0x831, v0;
	vm1 =	vmand vm13, vm14;
	vm0 =	vmor vm2, vm0  }
0x220: {  	v27 =	vadd.s32 $0x81D, v0;
	v16 =	vor.u32 v26, v13;
	vm0 =	vmor vm0, vm1  }
0x221: {  	v17 =	vor.u32 v27, v13;
	vm0 =	vmand vm9, vm0  }
0x222: {  	v14 =	vnsel vm0, $0x0, v24  }
0x223: {  	v24 =	vadd.s32 $0x843, v0;
	[tilespmem:s30+$0xA800] =	vst v14  }
0x224: {  	v14 =	vor.u32 v24, v13;
	v15 =	vld.idx.msk [tilespmem:v15+s15+$0x0], $0xffff  }
0x225: {  	v16 =	vld.idx.msk [tilespmem:v16+s15+$0x0], $0xffff  }
0x226: {  	v17 =	vld.idx.msk [tilespmem:v17+s15+$0x0], $0xffff  }
0x227: {  	v25 =	vld [tilespmem:$0x13810]  }
0x228: {  	v26 =	vld [tilespmem:$0x13990]  }
0x229: {  	v14 =	vld.idx.msk [tilespmem:v14+s15+$0x0], $0xffff  }
0x22a: {  	v20 =	vld [tilespmem:s31+$0x3830];
	_ =	sdelay $0x1  }
0x22b: {  	v19 =	vadd.s32 $0x83F, v0;
	v24 =	vadd.s32 $0x841, v0  }
0x22c: {  	vm10 =	veq.s32 v15, $0x0;
	vm11 =	vne.s32 v25, $0x0;
	vm12 =	veq.s32 v16, $0x0  }
0x22d: {  	v27 =	vld [tilespmem:s30+$0x810];
	vm13 =	vne.s32 v26, $0x0;
	vm14 =	veq.s32 v17, $0x0;
	vm15 =	veq.s32 v14, $0x0  }
0x22e: {  	vm8 =	veq.s32 v20, $0x0;
	vm0 =	vmand vm10, vm11;
	vm2 =	vmor vm14, vm15  }
0x22f: {  	v15 =	vor.u32 v19, v13;
	vm1 =	vmand vm12, vm13;
	vm0 =	vmor vm2, vm0  }
0x230: {  	v16 =	vor.u32 v24, v13;
	v25 =	vadd.s32 $0x82D, v0;
	vm0 =	vmor vm0, vm1  }
0x231: {  	v17 =	vor.u32 v25, v13;
	vm0 =	vmand vm8, vm0  }
0x232: {  	v14 =	vnsel vm0, $0x0, v27  }
0x233: {  	[tilespmem:s30+$0xA810] =	vst v14  }
0x234: {  	v26 =	vadd.s32 $0x853, v0;
	v15 =	vld.idx.msk [tilespmem:v15+s15+$0x0], $0xffff  }
0x235: {  	v14 =	vor.u32 v26, v13;
	v16 =	vld.idx.msk [tilespmem:v16+s15+$0x0], $0xffff  }
0x236: {  	v17 =	vld.idx.msk [tilespmem:v17+s15+$0x0], $0xffff  }
0x237: {  	v27 =	vld [tilespmem:$0x13820]  }
0x238: {  	v24 =	vld [tilespmem:$0x139A0]  }
0x239: {  	v20 =	vld [tilespmem:s31+$0x3840]  }
0x23a: {  	v14 =	vld.idx.msk [tilespmem:v14+s15+$0x0], $0xffff;
	_ =	sdelay $0x2  }
0x23b: {  	v26 =	vadd.s32 $0x84F, v0;
	vm9 =	veq.s32 v15, $0x0  }
0x23c: {  	vm10 =	vne.s32 v27, $0x0;
	vm11 =	veq.s32 v16, $0x0;
	vm12 =	vne.s32 v24, $0x0  }
0x23d: {  	v25 =	vld [tilespmem:s30+$0x820];
	vm13 =	veq.s32 v17, $0x0;
	vm15 =	veq.s32 v20, $0x0;
	vm14 =	veq.s32 v14, $0x0  }
0x23e: {  	v15 =	vor.u32 v26, v13;
	vm0 =	vmand vm9, vm10;
	vm2 =	vmor vm13, vm14  }
0x23f: {  	v27 =	vadd.s32 $0x851, v0;
	vm1 =	vmand vm11, vm12;
	vm0 =	vmor vm2, vm0  }
0x240: {  	v24 =	vadd.s32 $0x83D, v0;
	v16 =	vor.u32 v27, v13;
	vm0 =	vmor vm0, vm1  }
0x241: {  	v17 =	vor.u32 v24, v13;
	vm0 =	vmand vm15, vm0  }
0x242: {  	v14 =	vnsel vm0, $0x0, v25;
	v25 =	vadd.s32 $0x863, v0  }
0x243: {  	[tilespmem:s30+$0xA820] =	vst v14;
	v14 =	vor.u32 v25, v13  }
0x244: {  	v15 =	vld.idx.msk [tilespmem:v15+s15+$0x0], $0xffff  }
0x245: {  	v16 =	vld.idx.msk [tilespmem:v16+s15+$0x0], $0xffff  }
0x246: {  	v17 =	vld.idx.msk [tilespmem:v17+s15+$0x0], $0xffff  }
0x247: {  	v26 =	vld [tilespmem:$0x13830]  }
0x248: {  	v14 =	vld.idx.msk [tilespmem:v14+s15+$0x0], $0xffff  }
0x249: {  	v27 =	vld [tilespmem:$0x139B0];
	_ =	sdelay $0x1  }
0x24a: {  	v20 =	vld [tilespmem:s31+$0x3850]  }
0x24b: {  	vm4 =	veq.s32 v15, $0x0;
	vm5 =	vne.s32 v26, $0x0  }
0x24c: {  	v24 =	vld [tilespmem:s30+$0x830];
	vm6 =	veq.s32 v16, $0x0;
	vm8 =	veq.s32 v17, $0x0;
	vm9 =	veq.s32 v14, $0x0  }
0x24d: {  	vm7 =	vne.s32 v27, $0x0;
	vm0 =	vmand vm4, vm5;
	vm2 =	vmor vm8, vm9  }
0x24e: {  	vm1 =	vmand vm6, vm7;
	vm0 =	vmor vm2, vm0  }
0x24f: {  	vm10 =	veq.s32 v20, $0x0;
	vm0 =	vmor vm0, vm1  }
0x250: {  	vm0 =	vmand vm10, vm0  }
0x251: {  	v25 =	vadd.s32 $0x85F, v0;
	v14 =	vnsel vm0, $0x0, v24;
	v24 =	vld [tilespmem:$0x1FEC0]  }
0x252: {  	v15 =	vor.u32 v25, v13;
	v26 =	vadd.s32 $0x861, v0  }
0x253: {  	v27 =	vadd.s32 $0x84D, v0;
	v16 =	vor.u32 v26, v13  }
0x254: {  	v17 =	vor.u32 v27, v13;
	_ =	sdelay $0x1  }
0x255: {  	[tilespmem:s30+$0xA830] =	vst v14;
	v14 =	vor.u32 v24, v13  }
0x256: {  	v15 =	vld.idx.msk [tilespmem:v15+s15+$0x0], $0xffff  }
0x257: {  	v16 =	vld.idx.msk [tilespmem:v16+s15+$0x0], $0xffff  }
0x258: {  	v17 =	vld.idx.msk [tilespmem:v17+s15+$0x0], $0xffff  }
0x259: {  	v25 =	vld [tilespmem:$0x13840]  }
0x25a: {  	v14 =	vld.idx.msk [tilespmem:v14+s15+$0x0], $0xffff  }
0x25b: {  	v26 =	vld [tilespmem:$0x139C0];
	_ =	sdelay $0x1  }
0x25c: {  	v20 =	vld [tilespmem:s31+$0x3860]  }
0x25d: {  	v19 =	vadd.s32 $0x86F, v0;
	vm11 =	veq.s32 v15, $0x0;
	vm12 =	vne.s32 v25, $0x0  }
0x25e: {  	v27 =	vld [tilespmem:s30+$0x840];
	vm13 =	veq.s32 v16, $0x0;
	vm15 =	veq.s32 v17, $0x0;
	vm8 =	veq.s32 v14, $0x0  }
0x25f: {  	vm14 =	vne.s32 v26, $0x0;
	vm0 =	vmand vm11, vm12;
	vm9 =	vmor vm15, vm8  }
0x260: {  	v15 =	vor.u32 v19, v13;
	vm1 =	vmand vm13, vm14;
	vm0 =	vmor vm9, vm0  }
0x261: {  	v24 =	vor.u32 v39, v13;
	vm10 =	veq.s32 v20, $0x0;
	vm0 =	vmor vm0, vm1  }
0x262: {  	v25 =	vadd.s32 $0x85D, v0;
	vm0 =	vmand vm10, vm0  }
0x263: {  	v17 =	vor.u32 v25, v13;
	v14 =	vnsel vm0, $0x0, v27  }
0x264: {  	v26 =	vadd.s32 $0xC03, v0;
	[tilespmem:s30+$0xA840] =	vst v14  }
0x265: {  	v27 =	vor.u32 v26, v13;
	v15 =	vld.idx.msk [tilespmem:v15+s15+$0x0], $0xffff  }
0x266: {  	v16 =	vld.idx.msk [tilespmem:v24+s15+$0x0], $0xffff  }
0x267: {  	v20 =	vld [tilespmem:s31+$0x3870]  }
0x268: {  	v17 =	vld.idx.msk [tilespmem:v17+s15+$0x0], $0xffff  }
0x269: {  	v24 =	vld [tilespmem:$0x13850]  }
0x26a: {  	v14 =	vld.idx.msk [tilespmem:v27+s15+$0x0], $0xffff  }
0x26b: {  	v25 =	vld [tilespmem:$0x139D0]  }
0x26c: {  	vm9 =	veq.s32 v20, $0x0;
	v20 =	vld [tilespmem:$0x1FF30];
	_ =	sdelay $0x1  }
0x26d: {  	v27 =	vadd.s32 $0xC01, v0;
	vm11 =	veq.s32 v15, $0x0;
	vm12 =	vne.s32 v24, $0x0  }
0x26e: {  	v26 =	vld [tilespmem:s30+$0x850];
	vm13 =	veq.s32 v16, $0x0;
	vm15 =	veq.s32 v17, $0x0;
	vm8 =	veq.s32 v14, $0x0  }
0x26f: {  	vm14 =	vne.s32 v25, $0x0;
	vm0 =	vmand vm11, vm12;
	vm3 =	vmor vm15, vm8  }
0x270: {  	vm1 =	vmand vm13, vm14;
	vm0 =	vmor vm3, vm0;
	v15 =	vor.u32 v20, v13  }
0x271: {  	v16 =	vor.u32 v27, v13;
	v24 =	vadd.s32 $0x86D, v0;
	vm0 =	vmor vm0, vm1  }
0x272: {  	v17 =	vor.u32 v24, v13;
	vm0 =	vmand vm9, vm0  }
0x273: {  	v14 =	vnsel vm0, $0x0, v26  }
0x274: {  	v25 =	vadd.s32 $0xC13, v0;
	[tilespmem:s30+$0xA850] =	vst v14  }
0x275: {  	v26 =	vor.u32 v25, v13;
	v15 =	vld.idx.msk [tilespmem:v15+s15+$0x0], $0xffff  }
0x276: {  	v16 =	vld.idx.msk [tilespmem:v16+s15+$0x0], $0xffff  }
0x277: {  	v17 =	vld.idx.msk [tilespmem:v17+s15+$0x0], $0xffff  }
0x278: {  	v27 =	vld [tilespmem:$0x13860]  }
0x279: {  	v24 =	vld [tilespmem:$0x139E0]  }
0x27a: {  	v14 =	vld.idx.msk [tilespmem:v26+s15+$0x0], $0xffff;
	_ =	sdelay $0x2  }
0x27b: {  	v25 =	vld [tilespmem:s31+$0x3C00];
	v26 =	vadd.s32 $0xC0F, v0  }
0x27c: {  	vm10 =	veq.s32 v15, $0x0;
	vm11 =	vne.s32 v27, $0x0;
	vm12 =	veq.s32 v16, $0x0  }
0x27d: {  	vm13 =	vne.s32 v24, $0x0;
	vm14 =	veq.s32 v17, $0x0;
	vm15 =	veq.s32 v14, $0x0;
	v14 =	vld [tilespmem:s30+$0x860]  }
0x27e: {  	v16 =	vor.u32 v26, v13;
	vm0 =	vmand vm10, vm11;
	vm6 =	vmor vm14, vm15  }
0x27f: {  	v27 =	vadd.s32 $0xC11, v0;
	vm1 =	vmand vm12, vm13;
	vm0 =	vmor vm6, vm0  }
0x280: {  	vm7 =	veq.s32 v25, $0x0;
	v24 =	vor.u32 v27, v13;
	vm0 =	vmor vm0, vm1  }
0x281: {  	v25 =	vor.u32 v40, v13;
	vm0 =	vmand vm7, vm0  }
0x282: {  	v26 =	vadd.s32 $0xC23, v0;
	v14 =	vnsel vm0, $0x0, v14  }
0x283: {  	v13 =	vor.u32 v26, v13;
	[tilespmem:s30+$0xA860] =	vst v14  }
0x284: {  	v14 =	vld.idx.msk [tilespmem:v16+s15+$0x0], $0xffff  }
0x285: {  	v15 =	vld.idx.msk [tilespmem:v24+s15+$0x0], $0xffff  }
0x286: {  	v27 =	vld.idx.msk [tilespmem:v25+s15+$0x0], $0xffff  }
0x287: {  	v24 =	vld [tilespmem:$0x13870]  }
0x288: {  	v13 =	vld.idx.msk [tilespmem:v13+s15+$0x0], $0xffff  }
0x289: {  	v25 =	vld [tilespmem:$0x139F0];
	_ =	sdelay $0x1  }
0x28a: {  	v26 =	vld [tilespmem:s31+$0x3C10]  }
0x28b: {  	vm8 =	veq.s32 v14, $0x0;
	vm9 =	vne.s32 v24, $0x0  }
0x28c: {  	vm10 =	veq.s32 v15, $0x0;
	vm11 =	veq.s32 v27, $0x0;
	vm12 =	veq.s32 v13, $0x0;
	v27 =	vld [tilespmem:s30+$0x870]  }
0x28d: {  	p0 =	sne.s32 s29, $0x1F;
	vm13 =	vne.s32 v25, $0x0;
	vm0 =	vmand vm8, vm9;
	vm14 =	vmor vm11, vm12  }
.Ltmp2:
0x28e: {  	vm2 =	vmand vm10, vm13;
	vm0 =	vmor vm14, vm0;
	(pc) =	sbr.rel @p0 .LBB2_2-.Ltmp2, $4  }
0x28f: {  	vm15 =	veq.s32 v26, $0x0;
	vm0 =	vmor vm0, vm2  }
0x290: {  	vm0 =	vmand vm15, vm0  }
0x291: {  	s28 =	sadd.s32 $0x80, s28;
	v13 =	vnsel vm0, $0x0, v27  }
0x292: {  	s25 =	sadd.s32 $0x80, s25;
	s29 =	sadd.s32 $0x1, s29;
	v11 =	vor.u32 v11, v12;
	s26 =	sadd.s32 $0x80, s26;
	[tilespmem:s30+$0xA870] =	vst v13  }
0x293: {  	v11 =	vxor.u32 $0x80000000, v11  }
0x294: {  	(xrf0) =	vmax.scan.msk.u32 $0xffff, v11;
	_ =	sdelay $0x5  }
0x295: {  	v11, _, _ =	vpop (xrf0)  }
0x296: {  	(v2sf) =	vpush v11, $0xF;
	_ =	sdelay $0xe  }
0x297: {  	s1 =	spop (v2sf)  }
0x298: {  	p0 =	seq.s32 s1, $0x80000000  }
.Ltmp3:
0x299: {  	_ = 	snop;
	(pc) =	sbr.rel @p0 .LBB2_13-.Ltmp3, $4  }
.Ltmp4:
0x29a: {  	_ = 	snop;
	(pc) =	sbr.rel @!p0 .LBB2_4-.Ltmp4, $4  }
0x29b: {  	_ = 	snop  }
0x29c: {  	v14 =	vld [tilespmem:$0x1FFE0];
	v16 =	vmovc v48;
	v17 =	vmov v49;
	v18 =	vmov v50;
	v19 =	vmov v51  }
0x29d: {  	s25 =	simm.s32 $0x0;
	v15 =	vld [tilespmem:$0x1FFF0];
	v50 =	vmovc v52;
	v51 =	vmovc v53;
	v52 =	vmov v54;
	v54 =	vmov v56;
	v56 =	vmov v59  }
0x29e: {  	_ = 	snop  }
.LBB2_12:
0x29f: {  	s25 =	sadd.s32 $0x1, s25  }
0x2a0: {  	p0 =	sne.s32 s25, $0x20  }
.Ltmp5:
0x2a1: {  	_ = 	snop;
	(pc) =	sbr.rel @!p0 .LBB2_13-.Ltmp5, $1  }
0x2a2: {  	_ =	sdelay $0x3  }
.LBB2_4:
0x2a3: {  	s26 =	sshll.u32 s25, $0x7  }
0x2a4: {  	v11 =	vld [tilespmem:s26+$0x13C00];
	_ =	sdelay $0x4  }
0x2a5: {  	v11 =	vxor.u32 $0x80000000, v11  }
0x2a6: {  	(xrf0) =	vmax.scan.msk.u32 $0xffff, v11;
	_ =	sdelay $0x5  }
0x2a7: {  	v11, _, _ =	vpop (xrf0)  }
0x2a8: {  	(v2sf) =	vpush v11, $0xF;
	_ =	sdelay $0xe  }
0x2a9: {  	s1 =	spop (v2sf)  }
0x2aa: {  	p0 =	seq.s32 s1, $0x80000000  }
.Ltmp6:
0x2ab: {  	_ = 	snop;
	(pc) =	sbr.rel @p0 .LBB2_12-.Ltmp6, $1  }
0x2ac: {  	_ =	sdelay $0x3  }
0x2ad: {  	v39 =	vmov v14;
	v14 =	vld [tilespmem:s26+$0xE000]  }
0x2ae: {  	v11 =	vmov s25  }
0x2af: {  	v13 =	vshrl.u32 v11, $0x3  }
0x2b0: {  	v11 =	vshll.u32 v11, $0x7;
	v12 =	vmul.u32 $0xC00, v13  }
0x2b1: {  	v11 =	vand.u32 $0x380, v11  }
0x2b2: {  	v10 =	vmovc v18;
	v40 =	vmov v15;
	v15 =	vor.u32 v11, v12;
	v25 =	vshll.u32 v14, $0x9  }
0x2b3: {  	v49 =	vmovc v17;
	v48 =	vmovc v16;
	v16 =	vor.u32 $0x80, v25;
	v17 =	vor.u32 $0x40, v25;
	v18 =	vor.u32 $0x20, v25  }
0x2b4: {  	v53 =	vmovc v51;
	v51 =	vmovc v19;
	v19 =	vor.u32 $0x10, v25;
	v20 =	vor.u32 $0x8, v25;
	v21 =	vor.u32 $0x4, v25  }
0x2b5: {  	v22 =	vld [tilespmem:s26+$0xD000];
	s26 =	simm.s32 $0x0;
	v23 =	vor.u32 $0x2, v25;
	v24 =	vor.u32 $0x1, v25;
	v25 =	vor.u32 $0xFF, v25  }
.LBB2_6:
0x2b6: {  	v26 =	vmov s26  }
0x2b7: {  	v26 =	vshll.u32 v26, $0x3  }
0x2b8: {  	v27 =	vor.u32 s26, v0;
	v26 =	vand.u32 $0xC00, v26  }
0x2b9: {  	v27 =	vand.u32 $0x7F, v27;
	v26 =	vadd.s32 v15, v26  }
0x2ba: {  	v26 =	vor.u32 v27, v26;
	_ =	sdelay $0x4  }
0x2bb: {  	v26 =	vld.idx.msk [tilespmem:v26+s16+$0x0], $0xffff;
	_ =	sdelay $0x4  }
0x2bc: {  	v26 =	vxor.u32 v22, v26  }
0x2bd: {  	v27 =	vmul.u32 $0x9E3779B9, v26;
	v28 =	vshrl.u32 v26, $0x5  }
0x2be: {  	v28 =	vand.u32 $0x3FFF, v28  }
0x2bf: {  	v29 =	vshrl.u32 v27, $0x12;
	_ =	sdelay $0x3  }
0x2c0: {  	v28 =	vld.idx.msk [tilespmem:v28+s20+$0x0], $0xffff  }
0x2c1: {  	v29 =	vld.idx.msk [tilespmem:v29+s20+$0x0], $0xffff;
	_ =	sdelay $0x2  }
0x2c2: {  	v27 =	vshrl.u32 v27, $0xD  }
0x2c3: {  	v30 =	vand.u32 $0x1F, v26;
	v27 =	vand.u32 $0x1F, v27  }
0x2c4: {  	v28 =	vshrl.u32 v28, v30;
	v27 =	vshrl.u32 v29, v27  }
0x2c5: {  	v27 =	vand.u32 v28, v27  }
0x2c6: {  	v27 =	vand.u32 $0x1, v27  }
0x2c7: {  	v63 =	vor.u32 $0x80000000, v27  }
0x2c8: {  	(xrf0) =	vmax.scan.msk.u32 $0xffff, v63;
	_ =	sdelay $0x5  }
0x2c9: {  	v28, _, _ =	vpop (xrf0)  }
0x2ca: {  	(v2sf) =	vpush v28, $0xF;
	_ =	sdelay $0xe  }
0x2cb: {  	s1 =	spop (v2sf)  }
0x2cc: {  	p0 =	sne.s32 s1, $0x80000001  }
0x2cd: {  	vm0 =	veq.s32 @!p0 v27, $0x1;
	_ =	sdelay $0x5  }
0x2ce: {  	v27 =	vld.idx.msk @!p0 [tilespmem:v25+s18+$0x0], vm0;
	_ =	sdelay $0x4  }
0x2cf: {  	vm1 =	vlt.s32 @!p0 v27, v26  }
0x2d0: {  	v27 =	vimm.s32 @!p0 $0xFFFFFFFF;
	vm1 =	vmand @!p0 vm1, vm0  }
0x2d1: {  	v27 =	vsel @!p0 vm1, $0xFF, v27  }
0x2d2: {  	v28 =	vadd.s32 @!p0 v16, v27;
	_ =	sdelay $0x4  }
0x2d3: {  	v28 =	vld.idx.msk @!p0 [tilespmem:v28+s18+$0x0], vm0;
	_ =	sdelay $0x4  }
0x2d4: {  	vm1 =	vlt.s32 @!p0 v28, v26  }
0x2d5: {  	v28 =	vadd.s32 @!p0 $0x80, v27;
	vm1 =	vmand @!p0 vm1, vm0  }
0x2d6: {  	v27 =	vsel @!p0 vm1, v28, v27  }
0x2d7: {  	v28 =	vadd.s32 @!p0 v17, v27;
	_ =	sdelay $0x4  }
0x2d8: {  	v28 =	vld.idx.msk @!p0 [tilespmem:v28+s18+$0x0], vm0;
	_ =	sdelay $0x4  }
0x2d9: {  	vm1 =	vlt.s32 @!p0 v28, v26  }
0x2da: {  	v28 =	vadd.s32 @!p0 $0x40, v27;
	vm1 =	vmand @!p0 vm1, vm0  }
0x2db: {  	v27 =	vsel @!p0 vm1, v28, v27  }
0x2dc: {  	v28 =	vadd.s32 @!p0 v18, v27;
	_ =	sdelay $0x4  }
0x2dd: {  	v28 =	vld.idx.msk @!p0 [tilespmem:v28+s18+$0x0], vm0;
	_ =	sdelay $0x4  }
0x2de: {  	vm1 =	vlt.s32 @!p0 v28, v26  }
0x2df: {  	v28 =	vadd.s32 @!p0 $0x20, v27;
	vm1 =	vmand @!p0 vm1, vm0  }
0x2e0: {  	v27 =	vsel @!p0 vm1, v28, v27  }
0x2e1: {  	v28 =	vadd.s32 @!p0 v19, v27;
	_ =	sdelay $0x4  }
0x2e2: {  	v28 =	vld.idx.msk @!p0 [tilespmem:v28+s18+$0x0], vm0;
	_ =	sdelay $0x4  }
0x2e3: {  	vm1 =	vlt.s32 @!p0 v28, v26  }
0x2e4: {  	v28 =	vadd.s32 @!p0 $0x10, v27;
	vm1 =	vmand @!p0 vm1, vm0  }
0x2e5: {  	v27 =	vsel @!p0 vm1, v28, v27  }
0x2e6: {  	v28 =	vadd.s32 @!p0 v20, v27;
	_ =	sdelay $0x4  }
0x2e7: {  	v28 =	vld.idx.msk @!p0 [tilespmem:v28+s18+$0x0], vm0;
	_ =	sdelay $0x4  }
0x2e8: {  	vm1 =	vlt.s32 @!p0 v28, v26  }
0x2e9: {  	v28 =	vadd.s32 @!p0 $0x8, v27;
	vm1 =	vmand @!p0 vm1, vm0  }
0x2ea: {  	v27 =	vsel @!p0 vm1, v28, v27  }
0x2eb: {  	v28 =	vadd.s32 @!p0 v21, v27;
	_ =	sdelay $0x4  }
0x2ec: {  	v28 =	vld.idx.msk @!p0 [tilespmem:v28+s18+$0x0], vm0;
	_ =	sdelay $0x4  }
0x2ed: {  	vm1 =	vlt.s32 @!p0 v28, v26  }
0x2ee: {  	v28 =	vadd.s32 @!p0 $0x4, v27;
	vm1 =	vmand @!p0 vm1, vm0  }
0x2ef: {  	v27 =	vsel @!p0 vm1, v28, v27  }
0x2f0: {  	v28 =	vadd.s32 @!p0 v23, v27;
	_ =	sdelay $0x4  }
0x2f1: {  	v28 =	vld.idx.msk @!p0 [tilespmem:v28+s18+$0x0], vm0;
	_ =	sdelay $0x4  }
0x2f2: {  	vm1 =	vlt.s32 @!p0 v28, v26  }
0x2f3: {  	v28 =	vadd.s32 @!p0 $0x2, v27;
	vm1 =	vmand @!p0 vm1, vm0  }
0x2f4: {  	v27 =	vsel @!p0 vm1, v28, v27  }
0x2f5: {  	v28 =	vadd.s32 @!p0 v24, v27;
	_ =	sdelay $0x4  }
0x2f6: {  	v28 =	vld.idx.msk @!p0 [tilespmem:v28+s18+$0x0], vm0;
	_ =	sdelay $0x4  }
0x2f7: {  	vm1 =	vlt.s32 @!p0 v28, v26  }
0x2f8: {  	vm1 =	vmand @!p0 vm1, vm0  }
0x2f9: {  	v28 =	vsel @!p0 vm1, $0x1, v9  }
0x2fa: {  	v27 =	vadd.s32 @!p0 v28, v27  }
0x2fb: {  	v28 =	vadd.s32 @!p0 v24, v27;
	_ =	sdelay $0x4  }
0x2fc: {  	v28 =	vld.idx.msk @!p0 [tilespmem:v28+s18+$0x0], vm0;
	_ =	sdelay $0x4  }
0x2fd: {  	vm1 =	veq.s32 @!p0 v28, v26  }
0x2fe: {  	vm0 =	vmand @!p0 vm1, vm0  }
0x2ff: {  	v26 =	vadd.s32 @!p0 $0x1, v27;
	_ =	sdelay $0x3  }
0x300: {  	s26 =	sadd.s32 $0x10, s26;
	v27 =	vimm.s32 @!p0 $0x1  }
0x301: {  	[tilespmem:v26+s23+$0x0] =	vst.idx.msk @!p0 vm0, v27;
	p0 =	seq.s32 s26, $0x180  }
.Ltmp7:
0x302: {  	_ = 	snop;
	(pc) =	sbr.rel @!p0 .LBB2_6-.Ltmp7, $1  }
0x303: {  	_ =	sdelay $0x3  }
0x304: {  	v13 =	vshll.u32 v13, $0xC;
	s26 =	simm.s32 $0x0  }
0x305: {  	v14 =	vmul.u32 $0x180, v14;
	v15 =	vor.u32 $0x20, v0;
	v16 =	vadd.s32 s26, v1  }
0x306: {  	v17 =	vadd.s32 s26, v2;
	v18 =	vadd.s32 s26, v3;
	v19 =	vor.u32 s26, v0  }
0x307: {  	v20 =	vadd.s32 s26, v4;
	v23 =	vadd.s32 s26, v15;
	v21 =	vand.u32 $0x7F, v16  }
0x308: {  	v22 =	vand.u32 $0x7F, v17;
	v17 =	vshll.u32 v17, $0x3;
	v24 =	vand.u32 $0x7F, v18  }
0x309: {  	v16 =	vshll.u32 v16, $0x3;
	v18 =	vshll.u32 v18, $0x3;
	v25 =	vshll.u32 v20, $0x3  }
0x30a: {  	v26 =	vshll.u32 v23, $0x3;
	v23 =	vand.u32 $0x7F, v23;
	v27 =	vadd.s32 v14, v19  }
0x30b: {  	v26 =	vand.u32 $0x1C00, v26;
	v16 =	vand.u32 $0x1C00, v16;
	v17 =	vand.u32 $0x1C00, v17  }
0x30c: {  	v18 =	vand.u32 $0x1C00, v18;
	v26 =	vadd.s32 v13, v26;
	v17 =	vadd.s32 v13, v17  }
0x30d: {  	v16 =	vadd.s32 v13, v16;
	v18 =	vadd.s32 v13, v18;
	v23 =	vor.u32 v23, v26  }
0x30e: {  	v17 =	vor.u32 v22, v17;
	v16 =	vor.u32 v21, v16;
	v23 =	vor.u32 v11, v23  }
0x30f: {  	v17 =	vor.u32 v11, v17;
	v21 =	vor.u32 v11, v16;
	v16 =	vand.u32 $0x1C00, v25  }
0x310: {  	v20 =	vand.u32 $0x7F, v20;
	v18 =	vor.u32 v24, v18;
	v16 =	vadd.s32 v13, v16;
	v26 =	vld.idx.msk [tilespmem:v27+s19+$0x0], $0xffff  }
0x311: {  	s28 =	simm.s32 $0x10;
	v22 =	vor.u32 v11, v18;
	v18 =	vor.u32 v20, v16  }
0x312: {  	v28 =	vadd.s32 s28, v3;
	v32 =	vld.idx.msk [tilespmem:v19+s21+$0x0], $0xffff;
	v24 =	vor.u32 v11, v18  }
0x313: {  	v27 =	vadd.s32 s28, v1;
	v20 =	vmov s26;
	v16 =	vor.u32 $0x180, v0;
	v29 =	vld.idx.msk [tilespmem:v23+s15+$0x0], $0xffff  }
0x314: {  	v25 =	vadd.s32 s26, v16;
	v18 =	vshll.u32 v20, $0x3;
	v20 =	vadd.s32 s28, v2;
	v30 =	vld.idx.msk [tilespmem:v17+s15+$0x0], $0xffff  }
0x315: {  	v35 =	vshll.u32 v20, $0x3;
	v17 =	vand.u32 $0xC00, v18;
	v31 =	vld.idx.msk [tilespmem:v21+s15+$0x0], $0xffff;
	v21 =	vand.u32 $0x7F, v19  }
0x316: {  	v18 =	vadd.s32 s28, v4;
	v33 =	vld.idx.msk [tilespmem:v22+s15+$0x0], $0xffff;
	v22 =	vadd.s32 s28, v15;
	v23 =	vadd.s32 v12, v17  }
0x317: {  	vm2 =	vne.s32 v32, $0x0;
	v17 =	vor.u32 s28, v0;
	v19 =	vor.u32 v21, v23;
	v34 =	vld.idx.msk [tilespmem:v24+s15+$0x0], $0xffff  }
0x318: {  	v21 =	vand.u32 $0x7F, v27;
	v23 =	vand.u32 $0x7F, v20;
	v19 =	vor.u32 v11, v19;
	v37 =	vld.idx.msk [tilespmem:v26+s23+$0x0], $0xffff  }
0x319: {  	v20 =	vand.u32 $0x7F, v28;
	v27 =	vshll.u32 v27, $0x3;
	v36 =	vld.idx.msk [tilespmem:v25+s21+$0x0], $0xffff;
	v25 =	vshll.u32 v28, $0x3  }
0x31a: {  	v24 =	vshll.u32 v18, $0x3;
	v28 =	vshll.u32 v22, $0x3;
	v26 =	vand.u32 $0x7F, v22  }
0x31b: {  	v22 =	vadd.s32 v14, v17;
	v38 =	vand.u32 $0x1C00, v28;
	v28 =	vand.u32 $0x1C00, v27  }
0x31c: {  	v27 =	vand.u32 $0x1C00, v35;
	vm0 =	veq.s32 v31, $0x0;
	vm1 =	veq.s32 v30, $0x0  }
0x31d: {  	vm3 =	veq.s32 v33, $0x0;
	vm4 =	veq.s32 v34, $0x0;
	v31 =	vor.u32 v29, v37;
	v29 =	vld.idx.msk [tilespmem:v19+s26+$0x0], $0xffff  }
0x31e: {  	vm0 =	vmand vm0, vm2;
	vm2 =	vne.s32 v36, $0x0;
	vm3 =	vmor vm3, vm4  }
0x31f: {  	v27 =	vadd.s32 v13, v27;
	vm1 =	vmand vm1, vm2;
	vm0 =	vmor vm3, vm0  }
0x320: {  	s30 =	simm.s32 $0x20;
	s29 =	simm.s32 $0x10;
	v30 =	vadd.s32 v13, v38;
	vm0 =	vmor vm0, vm1;
	vm1 =	veq.s32 v31, $0x0  }
.LBB2_8:
0x321: {  	p0 =	sne.s32 s30, $0x170;
	v26 =	vor.u32 v26, v30;
	v28 =	vadd.s32 v13, v28;
	vm0 =	vmand vm0, vm1  }
0x322: {  	v23 =	vor.u32 v23, v27;
	v26 =	vor.u32 v11, v26;
	v27 =	vnsel vm0, $0x0, v29  }
0x323: {  	v25 =	vand.u32 $0x1C00, v25;
	v21 =	vor.u32 v21, v28;
	v23 =	vor.u32 v11, v23;
	[tilespmem:v19+s22+$0x0] =	vst.idx.msk $0xffff, v27  }
0x324: {  	v24 =	vand.u32 $0x1C00, v24;
	v19 =	vor.u32 v11, v21;
	v21 =	vadd.s32 v13, v25  }
0x325: {  	v18 =	vand.u32 $0x7F, v18;
	v20 =	vor.u32 v20, v21;
	v21 =	vadd.s32 v13, v24  }
0x326: {  	v20 =	vor.u32 v11, v20;
	v18 =	vor.u32 v18, v21;
	v22 =	vld.idx.msk [tilespmem:v22+s19+$0x0], $0xffff  }
0x327: {  	v21 =	vmov s29;
	v24 =	vor.u32 v11, v18;
	v30 =	vld.idx.msk [tilespmem:v26+s15+$0x0], $0xffff  }
0x328: {  	v25 =	vadd.s32 s29, v16;
	s29 =	smov.u32 s30;
	v18 =	vshll.u32 v21, $0x3;
	v29 =	vld.idx.msk [tilespmem:v23+s15+$0x0], $0xffff  }
0x329: {  	v27 =	vadd.s32 s30, v2;
	v26 =	vadd.s32 s30, v1;
	v18 =	vand.u32 $0xC00, v18;
	v31 =	vld.idx.msk [tilespmem:v19+s15+$0x0], $0xffff  }
0x32a: {  	v28 =	vadd.s32 s30, v3;
	v21 =	vadd.s32 v12, v18;
	v19 =	vand.u32 $0x7F, v17;
	v32 =	vld.idx.msk [tilespmem:v17+s21+$0x0], $0xffff  }
0x32b: {  	v18 =	vadd.s32 s30, v4;
	v17 =	vor.u32 s30, v0;
	v19 =	vor.u32 v19, v21;
	v33 =	vld.idx.msk [tilespmem:v20+s15+$0x0], $0xffff  }
0x32c: {  	v23 =	vand.u32 $0x7F, v27;
	v21 =	vand.u32 $0x7F, v26;
	v19 =	vor.u32 v11, v19;
	v34 =	vld.idx.msk [tilespmem:v24+s15+$0x0], $0xffff  }
0x32d: {  	v35 =	vadd.s32 s30, v15;
	v27 =	vshll.u32 v27, $0x3;
	v20 =	vand.u32 $0x7F, v28;
	v36 =	vld.idx.msk [tilespmem:v25+s21+$0x0], $0xffff  }
0x32e: {  	v37 =	vshll.u32 v26, $0x3;
	v24 =	vshll.u32 v18, $0x3;
	v25 =	vshll.u32 v28, $0x3;
	v38 =	vld.idx.msk [tilespmem:v22+s23+$0x0], $0xffff  }
0x32f: {  	v26 =	vand.u32 $0x7F, v35;
	v28 =	vshll.u32 v35, $0x3;
	v22 =	vadd.s32 v14, v17  }
0x330: {  	v27 =	vand.u32 $0x1C00, v27;
	v35 =	vand.u32 $0x1C00, v28;
	v28 =	vand.u32 $0x1C00, v37  }
.Ltmp8:
0x331: {  	v27 =	vadd.s32 v13, v27;
	vm1 =	veq.s32 v29, $0x0;
	vm0 =	veq.s32 v31, $0x0;
	v29 =	vld.idx.msk [tilespmem:v19+s26+$0x0], $0xffff;
	(pc) =	sbr.rel @p0 .LBB2_8-.Ltmp8, $4  }
0x332: {  	vm2 =	vne.s32 v32, $0x0;
	vm3 =	veq.s32 v33, $0x0;
	vm4 =	veq.s32 v34, $0x0  }
0x333: {  	vm0 =	vmand vm0, vm2;
	vm2 =	vne.s32 v36, $0x0;
	vm3 =	vmor vm3, vm4  }
0x334: {  	vm1 =	vmand vm1, vm2;
	vm0 =	vmor vm3, vm0;
	v31 =	vor.u32 v30, v38  }
0x335: {  	s30 =	sadd.s32 $0x10, s30;
	v30 =	vadd.s32 v13, v35;
	vm0 =	vmor vm0, vm1;
	vm1 =	veq.s32 v31, $0x0  }
0x336: {  	v14 =	vor.u32 v26, v30  }
0x337: {  	v15 =	vadd.s32 v13, v28;
	vm0 =	vmand vm0, vm1;
	v23 =	vor.u32 v23, v27  }
0x338: {  	v43 =	vand.u32 $0x1C00, v25;
	v24 =	vand.u32 $0x1C00, v24;
	v16 =	vadd.s32 s29, v16  }
0x339: {  	v14 =	vor.u32 v11, v14;
	v41 =	vnsel vm0, $0x0, v29;
	v15 =	vor.u32 v21, v15  }
0x33a: {  	v42 =	vor.u32 v11, v23;
	v23 =	vadd.s32 v13, v43;
	v45 =	vadd.s32 v13, v24  }
0x33b: {  	v18 =	vand.u32 $0x7F, v18;
	v15 =	vor.u32 v11, v15;
	[tilespmem:v19+s22+$0x0] =	vst.idx.msk $0xffff, v41;
	v44 =	vor.u32 v20, v23  }
0x33c: {  	v13 =	vor.u32 v18, v45;
	v19 =	vor.u32 v11, v44;
	v46 =	vld.idx.msk [tilespmem:v22+s19+$0x0], $0xffff  }
0x33d: {  	v47 =	vmov s29;
	v13 =	vor.u32 v11, v13;
	v58 =	vld.idx.msk [tilespmem:v17+s21+$0x0], $0xffff  }
0x33e: {  	v20 =	vshll.u32 v47, $0x3;
	v59 =	vld.idx.msk [tilespmem:v16+s21+$0x0], $0xffff  }
0x33f: {  	v20 =	vand.u32 $0xC00, v20;
	v14 =	vld.idx.msk [tilespmem:v14+s15+$0x0], $0xffff  }
0x340: {  	v56 =	vand.u32 $0x7F, v17;
	v12 =	vadd.s32 v12, v20;
	v15 =	vld.idx.msk [tilespmem:v15+s15+$0x0], $0xffff  }
0x341: {  	v12 =	vor.u32 v56, v12;
	v19 =	vld.idx.msk [tilespmem:v19+s15+$0x0], $0xffff  }
0x342: {  	v11 =	vor.u32 v11, v12;
	v13 =	vld.idx.msk [tilespmem:v13+s15+$0x0], $0xffff  }
0x343: {  	v21 =	vld.idx.msk [tilespmem:v42+s15+$0x0], $0xffff  }
0x344: {  	v60 =	vld.idx.msk [tilespmem:v46+s23+$0x0], $0xffff;
	_ =	sdelay $0x1  }
0x345: {  	vm2 =	vne.s32 v58, $0x0;
	vm14 =	vne.s32 v59, $0x0  }
0x346: {  	v61 =	vld.idx.msk [tilespmem:v11+s26+$0x0], $0xffff;
	vm12 =	veq.s32 v15, $0x0;
	vm3 =	veq.s32 v19, $0x0;
	vm4 =	veq.s32 v13, $0x0  }
0x347: {  	vm13 =	veq.s32 v21, $0x0;
	vm0 =	vmand vm12, vm2;
	vm3 =	vmor vm3, vm4  }
0x348: {  	vm1 =	vmand vm13, vm14;
	vm0 =	vmor vm3, vm0;
	v62 =	vor.u32 v14, v60  }
0x349: {  	vm0 =	vmor vm0, vm1;
	vm15 =	veq.s32 v62, $0x0  }
0x34a: {  	vm0 =	vmand vm0, vm15  }
0x34b: {  	v63 =	vnsel vm0, $0x0, v61  }
0x34c: {  	[tilespmem:v11+s22+$0x0] =	vst.idx.msk $0xffff, v63;
	v11 =	vor.u32 s26, v0  }
.LBB2_10:
0x34d: {  	p0 =	sne.s32 s28, $0x1F0  }
.Ltmp9:
0x34e: {  	_ = 	snop;
	(pc) =	sbr.rel @p0 .LBB2_10-.Ltmp9, $3  }
0x34f: {  	_ =	sdelay $0x1  }
0x350: {  	[tilespmem:v11+s23+$0x0] =	vst.idx.msk $0xffff, v9;
	s1 =	smov.u32 s28;
	s28 =	sadd.s32 $0x10, s28  }
0x351: {  	v11 =	vor.u32 s1, v0  }
0x352: {  	v56 =	vld [tilespmem:$0x1FEE0]  }
0x353: {  	v31 =	vld [tilespmem:$0x1FE40]  }
0x354: {  	v32 =	vld [tilespmem:$0x1FE30]  }
0x355: {  	v38 =	vld [tilespmem:$0x1FE20]  }
0x356: {  	v37 =	vld [tilespmem:$0x1FE10]  }
0x357: {  	v36 =	vld [tilespmem:$0x1FE00]  }
0x358: {  	v35 =	vld [tilespmem:$0x1FDF0]  }
0x359: {  	v34 =	vld [tilespmem:$0x1FDE0]  }
0x35a: {  	v33 =	vld [tilespmem:$0x1FDD0]  }
0x35b: {  	v58 =	vld [tilespmem:$0x1FDC0]  }
0x35c: {  	v21 =	vld [tilespmem:$0x1FDB0]  }
0x35d: {  	v22 =	vld [tilespmem:$0x1FD30]  }
0x35e: {  	v7 =	vld [tilespmem:$0x1FD40]  }
0x35f: {  	v6 =	vld [tilespmem:$0x1FD50]  }
0x360: {  	v5 =	vld [tilespmem:$0x1FD60]  }
0x361: {  	v63 =	vld [tilespmem:$0x1FD70]  }
0x362: {  	v62 =	vld [tilespmem:$0x1FD80]  }
0x363: {  	v61 =	vld [tilespmem:$0x1FD90]  }
0x364: {  	v60 =	vld [tilespmem:$0x1FDA0]  }
0x365: {  	v41 =	vld [tilespmem:$0x1FE50]  }
0x366: {  	v42 =	vld [tilespmem:$0x1FE60]  }
0x367: {  	v43 =	vld [tilespmem:$0x1FE70]  }
0x368: {  	v44 =	vld [tilespmem:$0x1FE80]  }
.Ltmp10:
0x369: {  	v45 =	vld [tilespmem:$0x1FE90];
	(pc) =	sbr.rel .LBB2_12-.Ltmp10, $4  }
0x36a: {  	v46 =	vld [tilespmem:$0x1FEA0]  }
0x36b: {  	v47 =	vld [tilespmem:$0x1FEB0]  }
0x36c: {  	v14 =	vmov v39;
	v15 =	vmov v40;
	v39 =	vld [tilespmem:$0x1FED0]  }
0x36d: {  	[tilespmem:v11+s23+$0x0] =	vst.idx.msk $0xffff, v9;
	v16 =	vmovc v48;
	v17 =	vmovc v49;
	v18 =	vmov v10;
	v19 =	vmov v51;
	v51 =	vmov v53;
	v40 =	vld [tilespmem:$0x1FEF0]  }
.LBB2_14:
0x36e: {  	_ =	sfence.sel $0x180000  }
0x36f: {  	[bflag:$0x0] =	sbarrier.arrive $0xFFFF  }
0x370: {  	_ =	strace $0x90000047  }
0x371: {  	[bflag:$0x2] =	sbarrier.arrive $0xFFFF  }
0x372: {  	p0 =	sne.s32 s2, $0x0;
	s0 =	rddreg [dreg:$0x2]  }
0x373: {  	s0 =	sadd.s32 @!p0 $0x100000, s0  }
0x374: {  	[sflag:s0] =	ssyncadd.tile.s32 @!p0 $0x1;
	_ =	shalt  }
.Lfunc_end2:
_tile_overlayer_lowered:
.L_overlay_start_2:
0x375: {  	(tag) =	ssettag $0x2  }
0x376: {  	s0 =	rddreg [dreg:$0x0];
	s2 =	stileid.u32  }
0x377: {  	s1 =	rddreg [dreg:$0x1];
	p0 =	sne.s32 s2, $0x0  }
0x378: {  	s3 =	rddreg [dreg:$0x2];
	[bflag:$0x3] =	sbarrier.arrive $0xFFFF;
	s2 =	simm.s32 @!p0 $0x1C01  }
0x379: {  	[timem:s3], [sflag:s2] =	dma.local @!p0 [hbm:s0], s1  }
0x37a: {  	s0 =	simm.s32 @!p0 $0x1  }
0x37b: {  	_ =	swait.ge @!p0 [sflag:s0], s1  }
0x37c: {  	s1 =	ssub.s32 @!p0 $0x0, s1;
	[sflag:s0] =	ssyncset.done @!p0 $0x0  }
0x37d: {  	[sflag:s0] =	ssyncadd.s32 @!p0 s1  }
0x37e: {  	[bflag:$0x3] =	sbarrier.arrive $0xFFFF  }
0x37f: {  	_ =	shalt  }

</sc_bundles>
